<compile_context>
chip_gen: v7x
topology: tpu7x:2x2x1
jax: 0.10.2.dev20260603
libtpu: 0.0.44.dev20260713+nightly
codegen_flags: <defaults>
</compile_context>

<pallas_src>
import functools

import jax
import jax.numpy as jnp
from jax import lax
from jax.experimental import pallas as pl
from jax.experimental.pallas import tpu as pltpu
from jax.experimental.pallas import tpu_sc as plsc

_N = 10000
_E = 160000
_H = 256
_G = 64
_T = 4

_NTILES = 16
_NCORES = 2
_K = 128
_NB = 80
_C = 128
_EPT = _K * _NB
_EPAD = _EPT * _NTILES
_NACC = 10240

_R = 1000
_NBLK = _N // _R


def _sc_aggregate(hs, srcs, dsts, zeros, out, src_v, dst_v, rows_v, acc,
                  gs0, gs1, ss0, ss1):
    c = lax.axis_index("c")
    s = lax.axis_index("s")
    zbuf = rows_v.at[pl.ds(0, _C)]
    pltpu.sync_copy(zeros, zbuf)
    for j in range(_NACC // _C // _NTILES):
        pltpu.sync_copy(zbuf, acc.at[pl.ds((s + _NTILES * j) * _C, _C)])
    plsc.subcore_barrier()
    table = hs.at[c]
    half = _NB // 2
    npair = half // 2
    buf0 = rows_v.at[pl.ds(0, _K)]
    buf1 = rows_v.at[pl.ds(_K, _K)]

    def gather(j, buf, sem):
        return pltpu.async_copy(table.at[src_v.at[j]], buf, sem)

    def gather_wait(j, buf, sem):
        pltpu.make_async_copy(table.at[src_v.at[j]], buf, sem).wait()

    def scat(j, buf, sem):
        return pltpu.async_copy(buf, acc.at[dst_v.at[j]], sem, add=True)

    def scat_wait(j, buf, sem):
        pltpu.make_async_copy(buf, acc.at[dst_v.at[j]], sem).wait()

    def pair_body(j2, carry):
        j = 2 * j2
        gather_wait(j, buf0, gs0)
        scat(j, buf0, ss0)

        @pl.when(j2 > 0)
        def _():
            scat_wait(j - 1, buf1, ss1)

        gather(j + 1, buf1, gs1)
        gather_wait(j + 1, buf1, gs1)
        scat(j + 1, buf1, ss1)
        scat_wait(j, buf0, ss0)

        @pl.when(j2 + 1 < npair)
        def _():
            gather(j + 2, buf0, gs0)

        return carry

    for h in range(2):
        pltpu.sync_copy(srcs.at[s].at[pl.ds(h * half, half)], src_v)
        pltpu.sync_copy(dsts.at[s].at[pl.ds(h * half, half)], dst_v)
        gather(0, buf0, gs0)
        lax.fori_loop(0, npair, pair_body, 0)
        scat_wait(half - 1, buf1, ss1)
    plsc.subcore_barrier()
    nfull = _N // _C
    for j in range(5):
        idx = s + _NTILES * j

        @pl.when(idx < nfull)
        def _():
            base = pl.multiple_of(idx * _C, _C)
            pltpu.sync_copy(acc.at[pl.ds(base, _C)], zbuf)
            pltpu.sync_copy(zbuf, out.at[c].at[pl.ds(base, _C)])

    tail = _N - nfull * _C

    @pl.when(s == _NTILES - 1)
    def _():
        pltpu.sync_copy(acc.at[pl.ds(nfull * _C, tail)],
                        zbuf.at[pl.ds(0, tail)])
        pltpu.sync_copy(zbuf.at[pl.ds(0, tail)],
                        out.at[c].at[pl.ds(nfull * _C, tail)])


def _make_sc_agg():
    mesh = plsc.VectorSubcoreMesh(core_axis_name="c", subcore_axis_name="s")
    return pl.kernel(
        _sc_aggregate,
        out_type=jax.ShapeDtypeStruct((_NCORES, _N, 128), jnp.float32),
        mesh=mesh,
        scratch_types=[
            pltpu.VMEM((_NB // 2, _K), jnp.int32),
            pltpu.VMEM((_NB // 2, _K), jnp.int32),
            pltpu.VMEM((2 * _K, 128), jnp.float32),
            pltpu.VMEM_SHARED((_NACC, 128), jnp.float32),
            pltpu.SemaphoreType.DMA,
            pltpu.SemaphoreType.DMA,
            pltpu.SemaphoreType.DMA,
            pltpu.SemaphoreType.DMA,
        ],
    )


def _bn_scale_shift(s1_ref, s2_ref, g_ref, be_ref):
    ninv = 1.0 / _N
    mean = s1_ref[...] * ninv
    var = s2_ref[...] * ninv - mean * mean
    scale = g_ref[...] * lax.rsqrt(var + 1e-5)
    shift = be_ref[...] - mean * scale
    return scale, shift


def _phase0(xs_ref, agg_ref, w1_ref, b1_ref, yv_ref, s1_ref, s2_ref):
    i = pl.program_id(1)
    xa = jnp.concatenate(
        [xs_ref[0] + agg_ref[0], xs_ref[1] + agg_ref[1]], axis=1)
    y = jnp.dot(xa, w1_ref[...], preferred_element_type=jnp.float32) + b1_ref[...]
    yv_ref[pl.ds(i * _R, _R), :] = y

    @pl.when(i == 0)
    def _():
        s1_ref[...] = jnp.zeros_like(s1_ref)
        s2_ref[...] = jnp.zeros_like(s2_ref)

    s1_ref[...] += jnp.sum(y, axis=0, keepdims=True)
    s2_ref[...] += jnp.sum(y * y, axis=0, keepdims=True)


def _mlp_body(xs_ref, agg_ref, w1_ref, b1_ref, g_ref, be_ref, w2_ref, b2_ref,
              hs_ref, yv_ref, s1_ref, s2_ref):
    p = pl.program_id(0)
    i = pl.program_id(1)

    @pl.when(p == 0)
    def _():
        _phase0(xs_ref, agg_ref, w1_ref, b1_ref, yv_ref, s1_ref, s2_ref)

    @pl.when(p == 1)
    def _():
        scale, shift = _bn_scale_shift(s1_ref, s2_ref, g_ref, be_ref)
        h = jnp.maximum(yv_ref[pl.ds(i * _R, _R), :] * scale + shift, 0.0)
        o = jnp.dot(h, w2_ref[...], preferred_element_type=jnp.float32) + b2_ref[...]
        o = jnp.maximum(o, 0.0)
        hs_ref[0] = o[:, :128]
        hs_ref[1] = o[:, 128:]


def _mlp(xs, agg, w1, b1r, gr, ber, w2, b2r):
    def in_map(p, i):
        return (0, i * (1 - p), 0)

    def out_map(p, i):
        return (0, i * p, 0)

    return pl.pallas_call(
        _mlp_body,
        grid=(2, _NBLK),
        in_specs=[
            pl.BlockSpec((_NCORES, _R, 128), in_map),
            pl.BlockSpec((_NCORES, _R, 128), in_map),
            pl.BlockSpec((_H, _H), lambda p, i: (0, 0)),
            pl.BlockSpec((1, _H), lambda p, i: (0, 0)),
            pl.BlockSpec((1, _H), lambda p, i: (0, 0)),
            pl.BlockSpec((1, _H), lambda p, i: (0, 0)),
            pl.BlockSpec((_H, _H), lambda p, i: (0, 0)),
            pl.BlockSpec((1, _H), lambda p, i: (0, 0)),
        ],
        out_specs=pl.BlockSpec((_NCORES, _R, 128), out_map),
        out_shape=jax.ShapeDtypeStruct((_NCORES, _N, 128), jnp.float32),
        scratch_shapes=[
            pltpu.VMEM((_N, _H), jnp.float32),
            pltpu.VMEM((1, _H), jnp.float32),
            pltpu.VMEM((1, _H), jnp.float32),
        ],
    )(xs, agg, w1, b1r, gr, ber, w2, b2r)


def _mlp3_body(xs_ref, agg_ref, w1_ref, b1_ref, g_ref, be_ref, w2_ref, b2_ref,
               batch_ref, rt_ref, whm_ref, bh_ref, out_ref,
               yv_ref, s1_ref, s2_ref, acc_ref):
    p = pl.program_id(0)
    i = pl.program_id(1)

    @pl.when(p == 0)
    def _():
        _phase0(xs_ref, agg_ref, w1_ref, b1_ref, yv_ref, s1_ref, s2_ref)

    @pl.when(p == 1)
    def _():
        scale, shift = _bn_scale_shift(s1_ref, s2_ref, g_ref, be_ref)
        h = jnp.maximum(yv_ref[pl.ds(i * _R, _R), :] * scale + shift, 0.0)
        o = jnp.dot(h, w2_ref[...], preferred_element_type=jnp.float32) + b2_ref[...]
        o = jnp.maximum(o, 0.0)

        @pl.when(i == 0)
        def _():
            acc_ref[...] = jnp.zeros_like(acc_ref)

        onehot = (batch_ref[...] ==
                  lax.broadcasted_iota(jnp.int32, (_R, _G), 1)
                  ).astype(jnp.float32)
        acc_ref[...] += lax.dot_general(
            onehot, o, (((0,), (0,)), ((), ())),
            preferred_element_type=jnp.float32)

        @pl.when(i == _NBLK - 1)
        def _():
            pooled = acc_ref[...]
            proj = jnp.dot(pooled, whm_ref[...],
                           preferred_element_type=jnp.float32)
            sel = (rt_ref[...] ==
                   lax.broadcasted_iota(jnp.int32, (_G, _T), 1)
                   ).astype(jnp.float32)
            res = jnp.sum((proj + bh_ref[...]) * sel, axis=1)
            out_ref[...] = res[None, :]


def _mlp3(xs, agg, w1, b1r, gr, ber, w2, b2r, batch2, rt2, whm, bhr):
    def in_map(p, i):
        return (0, i * (1 - p), 0)

    return pl.pallas_call(
        _mlp3_body,
        grid=(2, _NBLK),
        in_specs=[
            pl.BlockSpec((_NCORES, _R, 128), in_map),
            pl.BlockSpec((_NCORES, _R, 128), in_map),
            pl.BlockSpec((_H, _H), lambda p, i: (0, 0)),
            pl.BlockSpec((1, _H), lambda p, i: (0, 0)),
            pl.BlockSpec((1, _H), lambda p, i: (0, 0)),
            pl.BlockSpec((1, _H), lambda p, i: (0, 0)),
            pl.BlockSpec((_H, _H), lambda p, i: (0, 0)),
            pl.BlockSpec((1, _H), lambda p, i: (0, 0)),
            pl.BlockSpec((_R, 1), lambda p, i: (i * p, 0)),
            pl.BlockSpec((_G, 1), lambda p, i: (0, 0)),
            pl.BlockSpec((_H, _T), lambda p, i: (0, 0)),
            pl.BlockSpec((1, _T), lambda p, i: (0, 0)),
        ],
        out_specs=pl.BlockSpec((1, _G), lambda p, i: (0, 0)),
        out_shape=jax.ShapeDtypeStruct((1, _G), jnp.float32),
        scratch_shapes=[
            pltpu.VMEM((_N, _H), jnp.float32),
            pltpu.VMEM((1, _H), jnp.float32),
            pltpu.VMEM((1, _H), jnp.float32),
            pltpu.VMEM((_G, _H), jnp.float32),
        ],
    )(xs, agg, w1, b1r, gr, ber, w2, b2r, batch2, rt2, whm, bhr)


def kernel(x, edge_index, batch, r_target, W1_1, b1_1, g_1, be_1, W2_1, b2_1,
           W1_2, b1_2, g_2, be_2, W2_2, b2_2, W1_3, b1_3, g_3, be_3, W2_3,
           b2_3, Wh, bh):
    src = edge_index[0]
    dst = edge_index[1]
    pad = _EPAD - _E
    srcs = jnp.concatenate([src, jnp.zeros((pad,), jnp.int32)]).reshape(
        _NTILES, _NB, _K)
    dsts = jnp.concatenate([dst, jnp.full((pad,), _N, jnp.int32)]).reshape(
        _NTILES, _NB, _K)
    zeros = jnp.zeros((_C, 128), jnp.float32)

    hs = jnp.stack([x[:, :128], x[:, 128:]])
    sc_agg = _make_sc_agg()

    for (w1, b1, g, be, w2, b2) in [
        (W1_1, b1_1, g_1, be_1, W2_1, b2_1),
        (W1_2, b1_2, g_2, be_2, W2_2, b2_2),
    ]:
        agg = sc_agg(hs, srcs, dsts, zeros)
        hs = _mlp(hs, agg, w1, b1[None], g[None], be[None], w2, b2[None])

    agg = sc_agg(hs, srcs, dsts, zeros)
    whm = Wh[:, :, 0].T
    bhr = bh[:, 0][None]
    out = _mlp3(hs, agg, W1_3, b1_3[None], g_3[None], be_3[None], W2_3,
                b2_3[None], batch[:, None], r_target[:, None], whm, bhr)
    return out.reshape(_G)

# --- scband reference (transcript-rebuilt; emitter-appended) ---
"""Pipeline reference for scband-gin-16312285790934 (READ-ONLY COPY).

The authoritative reference and input builder live on the scoring server;
editing this copy changes nothing except your own understanding.
"""

import jax, jax.numpy as jnp
import numpy as np

N = 10000
E = 160000
D = 256
H = 256
G = 64
T = 4


def _lin(key, fin, fout):
    kw, kb = jax.random.split(key)
    s = 1.0 / np.sqrt(fin)
    W = jax.random.uniform(kw, (fin, fout), minval=-s, maxval=s, dtype=jnp.float32)
    b = jax.random.uniform(kb, (fout,), minval=-s, maxval=s, dtype=jnp.float32)
    return W, b


def setup_inputs(seed: int = 0) -> dict:
    key = jax.random.key(seed)
    ks = jax.random.split(key, 16)
    inp = {}
    inp["x"] = jax.random.normal(ks[0], (N, D), dtype=jnp.float32)
    inp["edge_index"] = jax.random.randint(ks[1], (2, E), 0, N, dtype=jnp.int32)
    inp["batch"] = jnp.sort(jax.random.randint(ks[2], (N,), 0, G, dtype=jnp.int32))
    inp["r_target"] = jax.random.randint(ks[3], (G,), 0, T, dtype=jnp.int32)
    fins = [D, H, H]
    for i in range(3):
        W1, b1 = _lin(ks[4 + 2 * i], fins[i], H)
        W2, b2 = _lin(ks[5 + 2 * i], H, H)
        inp["W1_%d" % (i + 1)] = W1
        inp["b1_%d" % (i + 1)] = b1
        inp["g_%d" % (i + 1)] = jnp.ones((H,), dtype=jnp.float32)
        inp["be_%d" % (i + 1)] = jnp.zeros((H,), dtype=jnp.float32)
        inp["W2_%d" % (i + 1)] = W2
        inp["b2_%d" % (i + 1)] = b2
    inp["Wh"] = jnp.stack([_lin(ks[10 + t], H, 1)[0] for t in range(T)])
    inp["bh"] = jnp.stack([_lin(ks[10 + t], H, 1)[1] for t in range(T)])
    return inp


def _bn(h, g, b):
    m = jnp.mean(h, axis=0)
    v = jnp.var(h, axis=0)
    return (h - m) / jnp.sqrt(v + 1e-5) * g + b


def _gin_conv(x, src, dst, W1, b1, g, be, W2, b2):
    # GINConv with eps=0: mlp((1+eps)*x + sum_{j->i} x_j)
    agg = jnp.zeros_like(x).at[dst].add(x[src])
    h = x + agg
    h = jax.nn.relu(_bn(h @ W1 + b1, g, be))
    h = jax.nn.relu(h @ W2 + b2)
    return h


def reference(x, edge_index, batch, r_target, W1_1, b1_1, g_1, be_1, W2_1, b2_1, W1_2, b1_2, g_2, be_2, W2_2, b2_2, W1_3, b1_3, g_3, be_3, W2_3, b2_3, Wh, bh):
    src, dst = edge_index[0], edge_index[1]
    h = jax.nn.relu(_gin_conv(x, src, dst, W1_1, b1_1, g_1, be_1, W2_1, b2_1))
    h = jax.nn.relu(_gin_conv(h, src, dst, W1_2, b1_2, g_2, be_2, W2_2, b2_2))
    h = _gin_conv(h, src, dst, W1_3, b1_3, g_3, be_3, W2_3, b2_3)
    pooled = jax.ops.segment_sum(h, batch, num_segments=G)
    # dropout p=0.15 treated as identity (eval / deterministic)
    Wsel = Wh[r_target]
    bsel = bh[r_target]
    out = jnp.einsum('gh,gho->go', pooled, Wsel) + bsel
    return out.squeeze(-1)

if __name__ == "__main__":
    import jax
    _d = setup_inputs()
    print(jax.jit(kernel)(*tuple(_d.values())))

</pallas_src>

<mosaic_0001>
#map = affine_map<(d0, d1) -> (0, 0, 0)>
#map1 = affine_map<(d0, d1) -> (0, 0)>
module attributes {stable_mosaic.version = 14 : i64} {
  func.func @_sc_aggregate(%arg0: i32, %arg1: i32, %arg2: memref<2x10000x128xf32, #tpu.memory_space<hbm>>, %arg3: memref<16x80x128xi32, #tpu.memory_space<hbm>>, %arg4: memref<16x80x128xi32, #tpu.memory_space<hbm>>, %arg5: memref<128x128xf32, #tpu.memory_space<hbm>>, %arg6: memref<2x10000x128xf32, #tpu.memory_space<hbm>>, %arg7: memref<40x128xi32, #tpu.memory_space<vmem>>, %arg8: memref<40x128xi32, #tpu.memory_space<vmem>>, %arg9: memref<256x128xf32, #tpu.memory_space<vmem>>, %arg10: memref<10240x128xf32, #tpu.memory_space<vmem_shared>>, %arg11: memref<!tpu.dma_semaphore, #tpu.memory_space<semaphore_mem>>, %arg12: memref<!tpu.dma_semaphore, #tpu.memory_space<semaphore_mem>>, %arg13: memref<!tpu.dma_semaphore, #tpu.memory_space<semaphore_mem>>, %arg14: memref<!tpu.dma_semaphore, #tpu.memory_space<semaphore_mem>>) attributes {dimension_semantics = [#tpu.dimension_semantics<core_parallel>, #tpu.dimension_semantics<subcore_parallel>], iteration_bounds = array<i64: 2, 16>, scalar_prefetch = 0 : i64, scratch_operands = 8 : i64, tpu.core_type = #tpu.core_type<sc_vector_subcore>, window_params = [{transform_indices = #map}, {transform_indices = #map}, {transform_indices = #map}, {transform_indices = #map1}, {transform_indices = #map}]} {
    "tpu.region"() ({
      %run_scoped3A = tpu.sem_alloc : memref<!tpu.dma_semaphore, #tpu.memory_space<semaphore_mem>>
      %dma_start3A_112 = arith.constant 0 : i32
      %dma_start3A_113 = arith.constant 0 : i32
      %dma_start3A_114 = tpu.memref_slice %arg9[%dma_start3A_112, %dma_start3A_113] : memref<256x128xf32, #tpu.memory_space<vmem>> -> memref<128x128xf32, #tpu.memory_space<vmem>>
      %dma_start3A_115 = arith.constant 0 : i32
      %dma_start3A_116 = arith.constant 0 : i32
      %dma_start3A_117 = tpu.memref_slice %arg9[%dma_start3A_115, %dma_start3A_116] : memref<256x128xf32, #tpu.memory_space<vmem>> -> memref<128x128xf32, #tpu.memory_space<vmem>>
      tpu.enqueue_dma source(%arg5 : memref<128x128xf32, #tpu.memory_space<hbm>>) target(%dma_start3A_117 : memref<128x128xf32, #tpu.memory_space<vmem>>) target_semaphore(%run_scoped3A : memref<!tpu.dma_semaphore, #tpu.memory_space<semaphore_mem>>)
      %dma_wait3A_118 = arith.constant 0 : i32
      %dma_wait3A_119 = arith.constant 0 : i32
      %dma_wait3A_120 = tpu.memref_slice %arg9[%dma_wait3A_118, %dma_wait3A_119] : memref<256x128xf32, #tpu.memory_space<vmem>> -> memref<128x128xf32, #tpu.memory_space<vmem>>
      %dma_wait3A_121 = arith.constant 0 : i32
      %dma_wait3A_122 = arith.constant 0 : i32
      %dma_wait3A_123 = tpu.memref_slice %arg9[%dma_wait3A_121, %dma_wait3A_122] : memref<256x128xf32, #tpu.memory_space<vmem>> -> memref<128x128xf32, #tpu.memory_space<vmem>>
      tpu.wait_dma2 semaphore(%run_scoped3A : memref<!tpu.dma_semaphore, #tpu.memory_space<semaphore_mem>>) src(%arg5 : memref<128x128xf32, #tpu.memory_space<hbm>>) dst(%dma_wait3A_123 : memref<128x128xf32, #tpu.memory_space<vmem>>)
      tpu.yield
    }) : () -> ()
    %add3A = arith.constant 0 : i32
    %add3A_0 = arith.addi %arg1, %add3A : i32
    %mul3A = arith.constant 128 : i32
    %mul3A_1 = arith.muli %add3A_0, %mul3A : i32
    "tpu.region"() ({
      %run_scoped3A = tpu.sem_alloc : memref<!tpu.dma_semaphore, #tpu.memory_space<semaphore_mem>>
      %dma_start3A_112 = arith.constant 0 : i32
      %dma_start3A_113 = arith.constant 0 : i32
      %dma_start3A_114 = tpu.memref_slice %arg9[%dma_start3A_112, %dma_start3A_113] : memref<256x128xf32, #tpu.memory_space<vmem>> -> memref<128x128xf32, #tpu.memory_space<vmem>>
      %dma_start3A_115 = arith.constant 0 : i32
      %dma_start3A_116 = tpu.memref_slice %arg10[%mul3A_1, %dma_start3A_115] : memref<10240x128xf32, #tpu.memory_space<vmem_shared>> -> memref<128x128xf32, #tpu.memory_space<vmem_shared>>
      %dma_start3A_117 = arith.constant 0 : i32
      %dma_start3A_118 = tpu.memref_slice %arg10[%mul3A_1, %dma_start3A_117] : memref<10240x128xf32, #tpu.memory_space<vmem_shared>> -> memref<128x128xf32, #tpu.memory_space<vmem_shared>>
      %dma_start3A_119 = arith.constant 0 : i32
      %dma_start3A_120 = arith.constant 0 : i32
      %dma_start3A_121 = tpu.memref_slice %arg9[%dma_start3A_119, %dma_start3A_120] : memref<256x128xf32, #tpu.memory_space<vmem>> -> memref<128x128xf32, #tpu.memory_space<vmem>>
      tpu.enqueue_dma source(%dma_start3A_121 : memref<128x128xf32, #tpu.memory_space<vmem>>) target(%dma_start3A_118 : memref<128x128xf32, #tpu.memory_space<vmem_shared>>) target_semaphore(%run_scoped3A : memref<!tpu.dma_semaphore, #tpu.memory_space<semaphore_mem>>)
      %dma_wait3A_122 = arith.constant 0 : i32
      %dma_wait3A_123 = arith.constant 0 : i32
      %dma_wait3A_124 = tpu.memref_slice %arg9[%dma_wait3A_122, %dma_wait3A_123] : memref<256x128xf32, #tpu.memory_space<vmem>> -> memref<128x128xf32, #tpu.memory_space<vmem>>
      %dma_wait3A_125 = arith.constant 0 : i32
      %dma_wait3A_126 = tpu.memref_slice %arg10[%mul3A_1, %dma_wait3A_125] : memref<10240x128xf32, #tpu.memory_space<vmem_shared>> -> memref<128x128xf32, #tpu.memory_space<vmem_shared>>
      %dma_wait3A_127 = arith.constant 0 : i32
      %dma_wait3A_128 = tpu.memref_slice %arg10[%mul3A_1, %dma_wait3A_127] : memref<10240x128xf32, #tpu.memory_space<vmem_shared>> -> memref<128x128xf32, #tpu.memory_space<vmem_shared>>
      %dma_wait3A_129 = arith.constant 0 : i32
      %dma_wait3A_130 = arith.constant 0 : i32
      %dma_wait3A_131 = tpu.memref_slice %arg9[%dma_wait3A_129, %dma_wait3A_130] : memref<256x128xf32, #tpu.memory_space<vmem>> -> memref<128x128xf32, #tpu.memory_space<vmem>>
      tpu.wait_dma2 semaphore(%run_scoped3A : memref<!tpu.dma_semaphore, #tpu.memory_space<semaphore_mem>>) src(%dma_wait3A_131 : memref<128x128xf32, #tpu.memory_space<vmem>>) dst(%dma_wait3A_128 : memref<128x128xf32, #tpu.memory_space<vmem_shared>>)
      tpu.yield
    }) : () -> ()
    %add3A_2 = arith.constant 16 : i32
    %add3A_3 = arith.addi %arg1, %add3A_2 : i32
    %mul3A_4 = arith.constant 128 : i32
    %mul3A_5 = arith.muli %add3A_3, %mul3A_4 : i32
    "tpu.region"() ({
      %run_scoped3A = tpu.sem_alloc : memref<!tpu.dma_semaphore, #tpu.memory_space<semaphore_mem>>
      %dma_start3A_112 = arith.constant 0 : i32
      %dma_start3A_113 = arith.constant 0 : i32
      %dma_start3A_114 = tpu.memref_slice %arg9[%dma_start3A_112, %dma_start3A_113] : memref<256x128xf32, #tpu.memory_space<vmem>> -> memref<128x128xf32, #tpu.memory_space<vmem>>
      %dma_start3A_115 = arith.constant 0 : i32
      %dma_start3A_116 = tpu.memref_slice %arg10[%mul3A_5, %dma_start3A_115] : memref<10240x128xf32, #tpu.memory_space<vmem_shared>> -> memref<128x128xf32, #tpu.memory_space<vmem_shared>>
      %dma_start3A_117 = arith.constant 0 : i32
      %dma_start3A_118 = tpu.memref_slice %arg10[%mul3A_5, %dma_start3A_117] : memref<10240x128xf32, #tpu.memory_space<vmem_shared>> -> memref<128x128xf32, #tpu.memory_space<vmem_shared>>
      %dma_start3A_119 = arith.constant 0 : i32
      %dma_start3A_120 = arith.constant 0 : i32
      %dma_start3A_121 = tpu.memref_slice %arg9[%dma_start3A_119, %dma_start3A_120] : memref<256x128xf32, #tpu.memory_space<vmem>> -> memref<128x128xf32, #tpu.memory_space<vmem>>
      tpu.enqueue_dma source(%dma_start3A_121 : memref<128x128xf32, #tpu.memory_space<vmem>>) target(%dma_start3A_118 : memref<128x128xf32, #tpu.memory_space<vmem_shared>>) target_semaphore(%run_scoped3A : memref<!tpu.dma_semaphore, #tpu.memory_space<semaphore_mem>>)
      %dma_wait3A_122 = arith.constant 0 : i32
      %dma_wait3A_123 = arith.constant 0 : i32
      %dma_wait3A_124 = tpu.memref_slice %arg9[%dma_wait3A_122, %dma_wait3A_123] : memref<256x128xf32, #tpu.memory_space<vmem>> -> memref<128x128xf32, #tpu.memory_space<vmem>>
      %dma_wait3A_125 = arith.constant 0 : i32
      %dma_wait3A_126 = tpu.memref_slice %arg10[%mul3A_5, %dma_wait3A_125] : memref<10240x128xf32, #tpu.memory_space<vmem_shared>> -> memref<128x128xf32, #tpu.memory_space<vmem_shared>>
      %dma_wait3A_127 = arith.constant 0 : i32
      %dma_wait3A_128 = tpu.memref_slice %arg10[%mul3A_5, %dma_wait3A_127] : memref<10240x128xf32, #tpu.memory_space<vmem_shared>> -> memref<128x128xf32, #tpu.memory_space<vmem_shared>>
      %dma_wait3A_129 = arith.constant 0 : i32
      %dma_wait3A_130 = arith.constant 0 : i32
      %dma_wait3A_131 = tpu.memref_slice %arg9[%dma_wait3A_129, %dma_wait3A_130] : memref<256x128xf32, #tpu.memory_space<vmem>> -> memref<128x128xf32, #tpu.memory_space<vmem>>
      tpu.wait_dma2 semaphore(%run_scoped3A : memref<!tpu.dma_semaphore, #tpu.memory_space<semaphore_mem>>) src(%dma_wait3A_131 : memref<128x128xf32, #tpu.memory_space<vmem>>) dst(%dma_wait3A_128 : memref<128x128xf32, #tpu.memory_space<vmem_shared>>)
      tpu.yield
    }) : () -> ()
    %add3A_6 = arith.constant 32 : i32
    %add3A_7 = arith.addi %arg1, %add3A_6 : i32
    %mul3A_8 = arith.constant 128 : i32
    %mul3A_9 = arith.muli %add3A_7, %mul3A_8 : i32
    "tpu.region"() ({
      %run_scoped3A = tpu.sem_alloc : memref<!tpu.dma_semaphore, #tpu.memory_space<semaphore_mem>>
      %dma_start3A_112 = arith.constant 0 : i32
      %dma_start3A_113 = arith.constant 0 : i32
      %dma_start3A_114 = tpu.memref_slice %arg9[%dma_start3A_112, %dma_start3A_113] : memref<256x128xf32, #tpu.memory_space<vmem>> -> memref<128x128xf32, #tpu.memory_space<vmem>>
      %dma_start3A_115 = arith.constant 0 : i32
      %dma_start3A_116 = tpu.memref_slice %arg10[%mul3A_9, %dma_start3A_115] : memref<10240x128xf32, #tpu.memory_space<vmem_shared>> -> memref<128x128xf32, #tpu.memory_space<vmem_shared>>
      %dma_start3A_117 = arith.constant 0 : i32
      %dma_start3A_118 = tpu.memref_slice %arg10[%mul3A_9, %dma_start3A_117] : memref<10240x128xf32, #tpu.memory_space<vmem_shared>> -> memref<128x128xf32, #tpu.memory_space<vmem_shared>>
      %dma_start3A_119 = arith.constant 0 : i32
      %dma_start3A_120 = arith.constant 0 : i32
      %dma_start3A_121 = tpu.memref_slice %arg9[%dma_start3A_119, %dma_start3A_120] : memref<256x128xf32, #tpu.memory_space<vmem>> -> memref<128x128xf32, #tpu.memory_space<vmem>>
      tpu.enqueue_dma source(%dma_start3A_121 : memref<128x128xf32, #tpu.memory_space<vmem>>) target(%dma_start3A_118 : memref<128x128xf32, #tpu.memory_space<vmem_shared>>) target_semaphore(%run_scoped3A : memref<!tpu.dma_semaphore, #tpu.memory_space<semaphore_mem>>)
      %dma_wait3A_122 = arith.constant 0 : i32
      %dma_wait3A_123 = arith.constant 0 : i32
      %dma_wait3A_124 = tpu.memref_slice %arg9[%dma_wait3A_122, %dma_wait3A_123] : memref<256x128xf32, #tpu.memory_space<vmem>> -> memref<128x128xf32, #tpu.memory_space<vmem>>
      %dma_wait3A_125 = arith.constant 0 : i32
      %dma_wait3A_126 = tpu.memref_slice %arg10[%mul3A_9, %dma_wait3A_125] : memref<10240x128xf32, #tpu.memory_space<vmem_shared>> -> memref<128x128xf32, #tpu.memory_space<vmem_shared>>
      %dma_wait3A_127 = arith.constant 0 : i32
      %dma_wait3A_128 = tpu.memref_slice %arg10[%mul3A_9, %dma_wait3A_127] : memref<10240x128xf32, #tpu.memory_space<vmem_shared>> -> memref<128x128xf32, #tpu.memory_space<vmem_shared>>
      %dma_wait3A_129 = arith.constant 0 : i32
      %dma_wait3A_130 = arith.constant 0 : i32
      %dma_wait3A_131 = tpu.memref_slice %arg9[%dma_wait3A_129, %dma_wait3A_130] : memref<256x128xf32, #tpu.memory_space<vmem>> -> memref<128x128xf32, #tpu.memory_space<vmem>>
      tpu.wait_dma2 semaphore(%run_scoped3A : memref<!tpu.dma_semaphore, #tpu.memory_space<semaphore_mem>>) src(%dma_wait3A_131 : memref<128x128xf32, #tpu.memory_space<vmem>>) dst(%dma_wait3A_128 : memref<128x128xf32, #tpu.memory_space<vmem_shared>>)
      tpu.yield
    }) : () -> ()
    %add3A_10 = arith.constant 48 : i32
    %add3A_11 = arith.addi %arg1, %add3A_10 : i32
    %mul3A_12 = arith.constant 128 : i32
    %mul3A_13 = arith.muli %add3A_11, %mul3A_12 : i32
    "tpu.region"() ({
      %run_scoped3A = tpu.sem_alloc : memref<!tpu.dma_semaphore, #tpu.memory_space<semaphore_mem>>
      %dma_start3A_112 = arith.constant 0 : i32
      %dma_start3A_113 = arith.constant 0 : i32
      %dma_start3A_114 = tpu.memref_slice %arg9[%dma_start3A_112, %dma_start3A_113] : memref<256x128xf32, #tpu.memory_space<vmem>> -> memref<128x128xf32, #tpu.memory_space<vmem>>
      %dma_start3A_115 = arith.constant 0 : i32
      %dma_start3A_116 = tpu.memref_slice %arg10[%mul3A_13, %dma_start3A_115] : memref<10240x128xf32, #tpu.memory_space<vmem_shared>> -> memref<128x128xf32, #tpu.memory_space<vmem_shared>>
      %dma_start3A_117 = arith.constant 0 : i32
      %dma_start3A_118 = tpu.memref_slice %arg10[%mul3A_13, %dma_start3A_117] : memref<10240x128xf32, #tpu.memory_space<vmem_shared>> -> memref<128x128xf32, #tpu.memory_space<vmem_shared>>
      %dma_start3A_119 = arith.constant 0 : i32
      %dma_start3A_120 = arith.constant 0 : i32
      %dma_start3A_121 = tpu.memref_slice %arg9[%dma_start3A_119, %dma_start3A_120] : memref<256x128xf32, #tpu.memory_space<vmem>> -> memref<128x128xf32, #tpu.memory_space<vmem>>
      tpu.enqueue_dma source(%dma_start3A_121 : memref<128x128xf32, #tpu.memory_space<vmem>>) target(%dma_start3A_118 : memref<128x128xf32, #tpu.memory_space<vmem_shared>>) target_semaphore(%run_scoped3A : memref<!tpu.dma_semaphore, #tpu.memory_space<semaphore_mem>>)
      %dma_wait3A_122 = arith.constant 0 : i32
      %dma_wait3A_123 = arith.constant 0 : i32
      %dma_wait3A_124 = tpu.memref_slice %arg9[%dma_wait3A_122, %dma_wait3A_123] : memref<256x128xf32, #tpu.memory_space<vmem>> -> memref<128x128xf32, #tpu.memory_space<vmem>>
      %dma_wait3A_125 = arith.constant 0 : i32
      %dma_wait3A_126 = tpu.memref_slice %arg10[%mul3A_13, %dma_wait3A_125] : memref<10240x128xf32, #tpu.memory_space<vmem_shared>> -> memref<128x128xf32, #tpu.memory_space<vmem_shared>>
      %dma_wait3A_127 = arith.constant 0 : i32
      %dma_wait3A_128 = tpu.memref_slice %arg10[%mul3A_13, %dma_wait3A_127] : memref<10240x128xf32, #tpu.memory_space<vmem_shared>> -> memref<128x128xf32, #tpu.memory_space<vmem_shared>>
      %dma_wait3A_129 = arith.constant 0 : i32
      %dma_wait3A_130 = arith.constant 0 : i32
      %dma_wait3A_131 = tpu.memref_slice %arg9[%dma_wait3A_129, %dma_wait3A_130] : memref<256x128xf32, #tpu.memory_space<vmem>> -> memref<128x128xf32, #tpu.memory_space<vmem>>
      tpu.wait_dma2 semaphore(%run_scoped3A : memref<!tpu.dma_semaphore, #tpu.memory_space<semaphore_mem>>) src(%dma_wait3A_131 : memref<128x128xf32, #tpu.memory_space<vmem>>) dst(%dma_wait3A_128 : memref<128x128xf32, #tpu.memory_space<vmem_shared>>)
      tpu.yield
    }) : () -> ()
    %add3A_14 = arith.constant 64 : i32
    %add3A_15 = arith.addi %arg1, %add3A_14 : i32
    %mul3A_16 = arith.constant 128 : i32
    %mul3A_17 = arith.muli %add3A_15, %mul3A_16 : i32
    "tpu.region"() ({
      %run_scoped3A = tpu.sem_alloc : memref<!tpu.dma_semaphore, #tpu.memory_space<semaphore_mem>>
      %dma_start3A_112 = arith.constant 0 : i32
      %dma_start3A_113 = arith.constant 0 : i32
      %dma_start3A_114 = tpu.memref_slice %arg9[%dma_start3A_112, %dma_start3A_113] : memref<256x128xf32, #tpu.memory_space<vmem>> -> memref<128x128xf32, #tpu.memory_space<vmem>>
      %dma_start3A_115 = arith.constant 0 : i32
      %dma_start3A_116 = tpu.memref_slice %arg10[%mul3A_17, %dma_start3A_115] : memref<10240x128xf32, #tpu.memory_space<vmem_shared>> -> memref<128x128xf32, #tpu.memory_space<vmem_shared>>
      %dma_start3A_117 = arith.constant 0 : i32
      %dma_start3A_118 = tpu.memref_slice %arg10[%mul3A_17, %dma_start3A_117] : memref<10240x128xf32, #tpu.memory_space<vmem_shared>> -> memref<128x128xf32, #tpu.memory_space<vmem_shared>>
      %dma_start3A_119 = arith.constant 0 : i32
      %dma_start3A_120 = arith.constant 0 : i32
      %dma_start3A_121 = tpu.memref_slice %arg9[%dma_start3A_119, %dma_start3A_120] : memref<256x128xf32, #tpu.memory_space<vmem>> -> memref<128x128xf32, #tpu.memory_space<vmem>>
      tpu.enqueue_dma source(%dma_start3A_121 : memref<128x128xf32, #tpu.memory_space<vmem>>) target(%dma_start3A_118 : memref<128x128xf32, #tpu.memory_space<vmem_shared>>) target_semaphore(%run_scoped3A : memref<!tpu.dma_semaphore, #tpu.memory_space<semaphore_mem>>)
      %dma_wait3A_122 = arith.constant 0 : i32
      %dma_wait3A_123 = arith.constant 0 : i32
      %dma_wait3A_124 = tpu.memref_slice %arg9[%dma_wait3A_122, %dma_wait3A_123] : memref<256x128xf32, #tpu.memory_space<vmem>> -> memref<128x128xf32, #tpu.memory_space<vmem>>
      %dma_wait3A_125 = arith.constant 0 : i32
      %dma_wait3A_126 = tpu.memref_slice %arg10[%mul3A_17, %dma_wait3A_125] : memref<10240x128xf32, #tpu.memory_space<vmem_shared>> -> memref<128x128xf32, #tpu.memory_space<vmem_shared>>
      %dma_wait3A_127 = arith.constant 0 : i32
      %dma_wait3A_128 = tpu.memref_slice %arg10[%mul3A_17, %dma_wait3A_127] : memref<10240x128xf32, #tpu.memory_space<vmem_shared>> -> memref<128x128xf32, #tpu.memory_space<vmem_shared>>
      %dma_wait3A_129 = arith.constant 0 : i32
      %dma_wait3A_130 = arith.constant 0 : i32
      %dma_wait3A_131 = tpu.memref_slice %arg9[%dma_wait3A_129, %dma_wait3A_130] : memref<256x128xf32, #tpu.memory_space<vmem>> -> memref<128x128xf32, #tpu.memory_space<vmem>>
      tpu.wait_dma2 semaphore(%run_scoped3A : memref<!tpu.dma_semaphore, #tpu.memory_space<semaphore_mem>>) src(%dma_wait3A_131 : memref<128x128xf32, #tpu.memory_space<vmem>>) dst(%dma_wait3A_128 : memref<128x128xf32, #tpu.memory_space<vmem_shared>>)
      tpu.yield
    }) : () -> ()
    %barrier3A = arith.constant 0 : index
    tpu.barrier barrier_id(%barrier3A)
    "tpu.region"() ({
      %run_scoped3A = tpu.sem_alloc : memref<!tpu.dma_semaphore, #tpu.memory_space<semaphore_mem>>
      %dma_start3A_112 = arith.constant 0 : i32
      %dma_start3A_113 = arith.constant 0 : i32
      %dma_start3A_114 = tpu.memref_slice %arg3[%arg1, %dma_start3A_112, %dma_start3A_113] : memref<16x80x128xi32, #tpu.memory_space<hbm>> -> memref<1x80x128xi32, #tpu.memory_space<hbm>>
      %dma_start3A_115 = tpu.memref_squeeze %dma_start3A_114 : memref<1x80x128xi32, #tpu.memory_space<hbm>> -> memref<80x128xi32, #tpu.memory_space<hbm>>
      %dma_start3A_116 = arith.constant 0 : i32
      %dma_start3A_117 = arith.constant 0 : i32
      %dma_start3A_118 = tpu.memref_slice %dma_start3A_115[%dma_start3A_116, %dma_start3A_117] : memref<80x128xi32, #tpu.memory_space<hbm>> -> memref<40x128xi32, #tpu.memory_space<hbm>>
      %dma_start3A_119 = arith.constant 0 : i32
      %dma_start3A_120 = arith.constant 0 : i32
      %dma_start3A_121 = tpu.memref_slice %arg3[%arg1, %dma_start3A_119, %dma_start3A_120] : memref<16x80x128xi32, #tpu.memory_space<hbm>> -> memref<1x80x128xi32, #tpu.memory_space<hbm>>
      %dma_start3A_122 = tpu.memref_squeeze %dma_start3A_121 : memref<1x80x128xi32, #tpu.memory_space<hbm>> -> memref<80x128xi32, #tpu.memory_space<hbm>>
      %dma_start3A_123 = arith.constant 0 : i32
      %dma_start3A_124 = arith.constant 0 : i32
      %dma_start3A_125 = tpu.memref_slice %dma_start3A_122[%dma_start3A_123, %dma_start3A_124] : memref<80x128xi32, #tpu.memory_space<hbm>> -> memref<40x128xi32, #tpu.memory_space<hbm>>
      tpu.enqueue_dma source(%dma_start3A_125 : memref<40x128xi32, #tpu.memory_space<hbm>>) target(%arg7 : memref<40x128xi32, #tpu.memory_space<vmem>>) target_semaphore(%run_scoped3A : memref<!tpu.dma_semaphore, #tpu.memory_space<semaphore_mem>>)
      %dma_wait3A_126 = arith.constant 0 : i32
      %dma_wait3A_127 = arith.constant 0 : i32
      %dma_wait3A_128 = tpu.memref_slice %arg3[%arg1, %dma_wait3A_126, %dma_wait3A_127] : memref<16x80x128xi32, #tpu.memory_space<hbm>> -> memref<1x80x128xi32, #tpu.memory_space<hbm>>
      %dma_wait3A_129 = tpu.memref_squeeze %dma_wait3A_128 : memref<1x80x128xi32, #tpu.memory_space<hbm>> -> memref<80x128xi32, #tpu.memory_space<hbm>>
      %dma_wait3A_130 = arith.constant 0 : i32
      %dma_wait3A_131 = arith.constant 0 : i32
      %dma_wait3A_132 = tpu.memref_slice %dma_wait3A_129[%dma_wait3A_130, %dma_wait3A_131] : memref<80x128xi32, #tpu.memory_space<hbm>> -> memref<40x128xi32, #tpu.memory_space<hbm>>
      %dma_wait3A_133 = arith.constant 0 : i32
      %dma_wait3A_134 = arith.constant 0 : i32
      %dma_wait3A_135 = tpu.memref_slice %arg3[%arg1, %dma_wait3A_133, %dma_wait3A_134] : memref<16x80x128xi32, #tpu.memory_space<hbm>> -> memref<1x80x128xi32, #tpu.memory_space<hbm>>
      %dma_wait3A_136 = tpu.memref_squeeze %dma_wait3A_135 : memref<1x80x128xi32, #tpu.memory_space<hbm>> -> memref<80x128xi32, #tpu.memory_space<hbm>>
      %dma_wait3A_137 = arith.constant 0 : i32
      %dma_wait3A_138 = arith.constant 0 : i32
      %dma_wait3A_139 = tpu.memref_slice %dma_wait3A_136[%dma_wait3A_137, %dma_wait3A_138] : memref<80x128xi32, #tpu.memory_space<hbm>> -> memref<40x128xi32, #tpu.memory_space<hbm>>
      tpu.wait_dma2 semaphore(%run_scoped3A : memref<!tpu.dma_semaphore, #tpu.memory_space<semaphore_mem>>) src(%dma_wait3A_139 : memref<40x128xi32, #tpu.memory_space<hbm>>) dst(%arg7 : memref<40x128xi32, #tpu.memory_space<vmem>>)
      tpu.yield
    }) : () -> ()
    "tpu.region"() ({
      %run_scoped3A = tpu.sem_alloc : memref<!tpu.dma_semaphore, #tpu.memory_space<semaphore_mem>>
      %dma_start3A_112 = arith.constant 0 : i32
      %dma_start3A_113 = arith.constant 0 : i32
      %dma_start3A_114 = tpu.memref_slice %arg4[%arg1, %dma_start3A_112, %dma_start3A_113] : memref<16x80x128xi32, #tpu.memory_space<hbm>> -> memref<1x80x128xi32, #tpu.memory_space<hbm>>
      %dma_start3A_115 = tpu.memref_squeeze %dma_start3A_114 : memref<1x80x128xi32, #tpu.memory_space<hbm>> -> memref<80x128xi32, #tpu.memory_space<hbm>>
      %dma_start3A_116 = arith.constant 0 : i32
      %dma_start3A_117 = arith.constant 0 : i32
      %dma_start3A_118 = tpu.memref_slice %dma_start3A_115[%dma_start3A_116, %dma_start3A_117] : memref<80x128xi32, #tpu.memory_space<hbm>> -> memref<40x128xi32, #tpu.memory_space<hbm>>
      %dma_start3A_119 = arith.constant 0 : i32
      %dma_start3A_120 = arith.constant 0 : i32
      %dma_start3A_121 = tpu.memref_slice %arg4[%arg1, %dma_start3A_119, %dma_start3A_120] : memref<16x80x128xi32, #tpu.memory_space<hbm>> -> memref<1x80x128xi32, #tpu.memory_space<hbm>>
      %dma_start3A_122 = tpu.memref_squeeze %dma_start3A_121 : memref<1x80x128xi32, #tpu.memory_space<hbm>> -> memref<80x128xi32, #tpu.memory_space<hbm>>
      %dma_start3A_123 = arith.constant 0 : i32
      %dma_start3A_124 = arith.constant 0 : i32
      %dma_start3A_125 = tpu.memref_slice %dma_start3A_122[%dma_start3A_123, %dma_start3A_124] : memref<80x128xi32, #tpu.memory_space<hbm>> -> memref<40x128xi32, #tpu.memory_space<hbm>>
      tpu.enqueue_dma source(%dma_start3A_125 : memref<40x128xi32, #tpu.memory_space<hbm>>) target(%arg8 : memref<40x128xi32, #tpu.memory_space<vmem>>) target_semaphore(%run_scoped3A : memref<!tpu.dma_semaphore, #tpu.memory_space<semaphore_mem>>)
      %dma_wait3A_126 = arith.constant 0 : i32
      %dma_wait3A_127 = arith.constant 0 : i32
      %dma_wait3A_128 = tpu.memref_slice %arg4[%arg1, %dma_wait3A_126, %dma_wait3A_127] : memref<16x80x128xi32, #tpu.memory_space<hbm>> -> memref<1x80x128xi32, #tpu.memory_space<hbm>>
      %dma_wait3A_129 = tpu.memref_squeeze %dma_wait3A_128 : memref<1x80x128xi32, #tpu.memory_space<hbm>> -> memref<80x128xi32, #tpu.memory_space<hbm>>
      %dma_wait3A_130 = arith.constant 0 : i32
      %dma_wait3A_131 = arith.constant 0 : i32
      %dma_wait3A_132 = tpu.memref_slice %dma_wait3A_129[%dma_wait3A_130, %dma_wait3A_131] : memref<80x128xi32, #tpu.memory_space<hbm>> -> memref<40x128xi32, #tpu.memory_space<hbm>>
      %dma_wait3A_133 = arith.constant 0 : i32
      %dma_wait3A_134 = arith.constant 0 : i32
      %dma_wait3A_135 = tpu.memref_slice %arg4[%arg1, %dma_wait3A_133, %dma_wait3A_134] : memref<16x80x128xi32, #tpu.memory_space<hbm>> -> memref<1x80x128xi32, #tpu.memory_space<hbm>>
      %dma_wait3A_136 = tpu.memref_squeeze %dma_wait3A_135 : memref<1x80x128xi32, #tpu.memory_space<hbm>> -> memref<80x128xi32, #tpu.memory_space<hbm>>
      %dma_wait3A_137 = arith.constant 0 : i32
      %dma_wait3A_138 = arith.constant 0 : i32
      %dma_wait3A_139 = tpu.memref_slice %dma_wait3A_136[%dma_wait3A_137, %dma_wait3A_138] : memref<80x128xi32, #tpu.memory_space<hbm>> -> memref<40x128xi32, #tpu.memory_space<hbm>>
      tpu.wait_dma2 semaphore(%run_scoped3A : memref<!tpu.dma_semaphore, #tpu.memory_space<semaphore_mem>>) src(%dma_wait3A_139 : memref<40x128xi32, #tpu.memory_space<hbm>>) dst(%arg8 : memref<40x128xi32, #tpu.memory_space<vmem>>)
      tpu.yield
    }) : () -> ()
    %dma_start3A = arith.constant 0 : i32
    %dma_start3A_18 = arith.constant 0 : i32
    %dma_start3A_19 = arith.constant 0 : i32
    %dma_start3A_20 = tpu.memref_slice %arg9[%dma_start3A_18, %dma_start3A_19] : memref<256x128xf32, #tpu.memory_space<vmem>> -> memref<128x128xf32, #tpu.memory_space<vmem>>
    %dma_start3A_21 = arith.constant 0 : i32
    %dma_start3A_22 = tpu.memref_slice %arg7[%dma_start3A, %dma_start3A_21] : memref<40x128xi32, #tpu.memory_space<vmem>> -> memref<1x128xi32, #tpu.memory_space<vmem>>
    %dma_start3A_23 = tpu.memref_squeeze %dma_start3A_22 : memref<1x128xi32, #tpu.memory_space<vmem>> -> memref<128xi32, #tpu.memory_space<vmem>>
    %dma_start3A_24 = arith.constant 0 : i32
    %dma_start3A_25 = arith.constant 0 : i32
    %dma_start3A_26 = tpu.memref_slice %arg2[%arg0, %dma_start3A_24, %dma_start3A_25] : memref<2x10000x128xf32, #tpu.memory_space<hbm>> -> memref<1x10000x128xf32, #tpu.memory_space<hbm>>
    %dma_start3A_27 = tpu.memref_squeeze %dma_start3A_26 : memref<1x10000x128xf32, #tpu.memory_space<hbm>> -> memref<10000x128xf32, #tpu.memory_space<hbm>>
    %dma_start3A_28 = arith.constant 0 : i32
    %dma_start3A_29 = arith.constant 0 : i32
    %dma_start3A_30 = tpu.memref_slice %dma_start3A_27[%dma_start3A_28, %dma_start3A_29] : memref<10000x128xf32, #tpu.memory_space<hbm>> -> memref<10000x128xf32, #tpu.memory_space<hbm>>
    tpu.enqueue_indirect_dma source(%dma_start3A_30 : memref<10000x128xf32, #tpu.memory_space<hbm>>) target(%dma_start3A_20 : memref<128x128xf32, #tpu.memory_space<vmem>>) offsets(%dma_start3A_23 : memref<128xi32, #tpu.memory_space<vmem>>) semaphore(%arg11 : memref<!tpu.dma_semaphore, #tpu.memory_space<semaphore_mem>>)
    %scan3A = arith.constant 0 : i32
    %scan3A_31 = arith.constant 0 : i32
    %scan3A_32 = arith.constant 20 : i32
    %scan3A_33 = arith.addi %scan3A_31, %scan3A_32 : i32
    %scan3A_34 = arith.constant 1 : i32
    scf.for %scan3A_112 = %scan3A_31 to %scan3A_33 step %scan3A_34  : i32 {
      %mul3A_113 = arith.constant 2 : i32
      %mul3A_114 = arith.muli %mul3A_113, %scan3A_112 : i32
      %dma_wait3A_115 = arith.constant 0 : i32
      %dma_wait3A_116 = arith.constant 0 : i32
      %dma_wait3A_117 = tpu.memref_slice %arg9[%dma_wait3A_115, %dma_wait3A_116] : memref<256x128xf32, #tpu.memory_space<vmem>> -> memref<128x128xf32, #tpu.memory_space<vmem>>
      %dma_wait3A_118 = arith.constant 0 : i32
      %dma_wait3A_119 = tpu.memref_slice %arg7[%mul3A_114, %dma_wait3A_118] : memref<40x128xi32, #tpu.memory_space<vmem>> -> memref<1x128xi32, #tpu.memory_space<vmem>>
      %dma_wait3A_120 = tpu.memref_squeeze %dma_wait3A_119 : memref<1x128xi32, #tpu.memory_space<vmem>> -> memref<128xi32, #tpu.memory_space<vmem>>
      %dma_wait3A_121 = arith.constant 0 : i32
      %dma_wait3A_122 = arith.constant 0 : i32
      %dma_wait3A_123 = tpu.memref_slice %arg2[%arg0, %dma_wait3A_121, %dma_wait3A_122] : memref<2x10000x128xf32, #tpu.memory_space<hbm>> -> memref<1x10000x128xf32, #tpu.memory_space<hbm>>
      %dma_wait3A_124 = tpu.memref_squeeze %dma_wait3A_123 : memref<1x10000x128xf32, #tpu.memory_space<hbm>> -> memref<10000x128xf32, #tpu.memory_space<hbm>>
      %dma_wait3A_125 = arith.constant 0 : i32
      %dma_wait3A_126 = arith.constant 0 : i32
      %dma_wait3A_127 = tpu.memref_slice %dma_wait3A_124[%dma_wait3A_125, %dma_wait3A_126] : memref<10000x128xf32, #tpu.memory_space<hbm>> -> memref<10000x128xf32, #tpu.memory_space<hbm>>
      tpu.wait_indirect_dma semaphore(%arg11 : memref<!tpu.dma_semaphore, #tpu.memory_space<semaphore_mem>>) src(%dma_wait3A_127 : memref<10000x128xf32, #tpu.memory_space<hbm>>) dst(%dma_wait3A_117 : memref<128x128xf32, #tpu.memory_space<vmem>>)
      %dma_start3A_128 = arith.constant 0 : i32
      %dma_start3A_129 = arith.constant 0 : i32
      %dma_start3A_130 = tpu.memref_slice %arg9[%dma_start3A_128, %dma_start3A_129] : memref<256x128xf32, #tpu.memory_space<vmem>> -> memref<128x128xf32, #tpu.memory_space<vmem>>
      %dma_start3A_131 = arith.constant 0 : i32
      %dma_start3A_132 = tpu.memref_slice %arg8[%mul3A_114, %dma_start3A_131] : memref<40x128xi32, #tpu.memory_space<vmem>> -> memref<1x128xi32, #tpu.memory_space<vmem>>
      %dma_start3A_133 = tpu.memref_squeeze %dma_start3A_132 : memref<1x128xi32, #tpu.memory_space<vmem>> -> memref<128xi32, #tpu.memory_space<vmem>>
      %dma_start3A_134 = arith.constant 0 : i32
      %dma_start3A_135 = arith.constant 0 : i32
      %dma_start3A_136 = tpu.memref_slice %arg10[%dma_start3A_134, %dma_start3A_135] : memref<10240x128xf32, #tpu.memory_space<vmem_shared>> -> memref<10240x128xf32, #tpu.memory_space<vmem_shared>>
      tpu.enqueue_indirect_dma source(%dma_start3A_130 : memref<128x128xf32, #tpu.memory_space<vmem>>) target(%dma_start3A_136 : memref<10240x128xf32, #tpu.memory_space<vmem_shared>>) offsets(%dma_start3A_133 : memref<128xi32, #tpu.memory_space<vmem>>) semaphore(%arg13 : memref<!tpu.dma_semaphore, #tpu.memory_space<semaphore_mem>>) {add = true}
      %gt3A = arith.constant 0 : i32
      %gt3A_137 = arith.cmpi sgt, %scan3A_112, %gt3A : i32
      %convert_element_type3A_138 = arith.extui %gt3A_137 : i1 to i32
      %cond3A_139 = arith.constant 0 : i32
      %cond3A_140 = arith.cmpi ne, %convert_element_type3A_138, %cond3A_139 : i32
      scf.if %cond3A_140 {
        %sub3A = arith.constant 1 : i32
        %sub3A_198 = arith.subi %mul3A_114, %sub3A : i32
        %dma_wait3A_199 = arith.constant 128 : i32
        %dma_wait3A_200 = arith.constant 0 : i32
        %dma_wait3A_201 = tpu.memref_slice %arg9[%dma_wait3A_199, %dma_wait3A_200] : memref<256x128xf32, #tpu.memory_space<vmem>> -> memref<128x128xf32, #tpu.memory_space<vmem>>
        %dma_wait3A_202 = arith.constant 0 : i32
        %dma_wait3A_203 = tpu.memref_slice %arg8[%sub3A_198, %dma_wait3A_202] : memref<40x128xi32, #tpu.memory_space<vmem>> -> memref<1x128xi32, #tpu.memory_space<vmem>>
        %dma_wait3A_204 = tpu.memref_squeeze %dma_wait3A_203 : memref<1x128xi32, #tpu.memory_space<vmem>> -> memref<128xi32, #tpu.memory_space<vmem>>
        %dma_wait3A_205 = arith.constant 0 : i32
        %dma_wait3A_206 = arith.constant 0 : i32
        %dma_wait3A_207 = tpu.memref_slice %arg10[%dma_wait3A_205, %dma_wait3A_206] : memref<10240x128xf32, #tpu.memory_space<vmem_shared>> -> memref<10240x128xf32, #tpu.memory_space<vmem_shared>>
        tpu.wait_indirect_dma semaphore(%arg14 : memref<!tpu.dma_semaphore, #tpu.memory_space<semaphore_mem>>) src(%dma_wait3A_201 : memref<128x128xf32, #tpu.memory_space<vmem>>) dst(%dma_wait3A_207 : memref<10240x128xf32, #tpu.memory_space<vmem_shared>>)
      } else {
      }
      %add3A_141 = arith.constant 1 : i32
      %add3A_142 = arith.addi %mul3A_114, %add3A_141 : i32
      %dma_start3A_143 = arith.constant 128 : i32
      %dma_start3A_144 = arith.constant 0 : i32
      %dma_start3A_145 = tpu.memref_slice %arg9[%dma_start3A_143, %dma_start3A_144] : memref<256x128xf32, #tpu.memory_space<vmem>> -> memref<128x128xf32, #tpu.memory_space<vmem>>
      %dma_start3A_146 = arith.constant 0 : i32
      %dma_start3A_147 = tpu.memref_slice %arg7[%add3A_142, %dma_start3A_146] : memref<40x128xi32, #tpu.memory_space<vmem>> -> memref<1x128xi32, #tpu.memory_space<vmem>>
      %dma_start3A_148 = tpu.memref_squeeze %dma_start3A_147 : memref<1x128xi32, #tpu.memory_space<vmem>> -> memref<128xi32, #tpu.memory_space<vmem>>
      %dma_start3A_149 = arith.constant 0 : i32
      %dma_start3A_150 = arith.constant 0 : i32
      %dma_start3A_151 = tpu.memref_slice %arg2[%arg0, %dma_start3A_149, %dma_start3A_150] : memref<2x10000x128xf32, #tpu.memory_space<hbm>> -> memref<1x10000x128xf32, #tpu.memory_space<hbm>>
      %dma_start3A_152 = tpu.memref_squeeze %dma_start3A_151 : memref<1x10000x128xf32, #tpu.memory_space<hbm>> -> memref<10000x128xf32, #tpu.memory_space<hbm>>
      %dma_start3A_153 = arith.constant 0 : i32
      %dma_start3A_154 = arith.constant 0 : i32
      %dma_start3A_155 = tpu.memref_slice %dma_start3A_152[%dma_start3A_153, %dma_start3A_154] : memref<10000x128xf32, #tpu.memory_space<hbm>> -> memref<10000x128xf32, #tpu.memory_space<hbm>>
      tpu.enqueue_indirect_dma source(%dma_start3A_155 : memref<10000x128xf32, #tpu.memory_space<hbm>>) target(%dma_start3A_145 : memref<128x128xf32, #tpu.memory_space<vmem>>) offsets(%dma_start3A_148 : memref<128xi32, #tpu.memory_space<vmem>>) semaphore(%arg12 : memref<!tpu.dma_semaphore, #tpu.memory_space<semaphore_mem>>)
      %add3A_156 = arith.constant 1 : i32
      %add3A_157 = arith.addi %mul3A_114, %add3A_156 : i32
      %dma_wait3A_158 = arith.constant 128 : i32
      %dma_wait3A_159 = arith.constant 0 : i32
      %dma_wait3A_160 = tpu.memref_slice %arg9[%dma_wait3A_158, %dma_wait3A_159] : memref<256x128xf32, #tpu.memory_space<vmem>> -> memref<128x128xf32, #tpu.memory_space<vmem>>
      %dma_wait3A_161 = arith.constant 0 : i32
      %dma_wait3A_162 = tpu.memref_slice %arg7[%add3A_157, %dma_wait3A_161] : memref<40x128xi32, #tpu.memory_space<vmem>> -> memref<1x128xi32, #tpu.memory_space<vmem>>
      %dma_wait3A_163 = tpu.memref_squeeze %dma_wait3A_162 : memref<1x128xi32, #tpu.memory_space<vmem>> -> memref<128xi32, #tpu.memory_space<vmem>>
      %dma_wait3A_164 = arith.constant 0 : i32
      %dma_wait3A_165 = arith.constant 0 : i32
      %dma_wait3A_166 = tpu.memref_slice %arg2[%arg0, %dma_wait3A_164, %dma_wait3A_165] : memref<2x10000x128xf32, #tpu.memory_space<hbm>> -> memref<1x10000x128xf32, #tpu.memory_space<hbm>>
      %dma_wait3A_167 = tpu.memref_squeeze %dma_wait3A_166 : memref<1x10000x128xf32, #tpu.memory_space<hbm>> -> memref<10000x128xf32, #tpu.memory_space<hbm>>
      %dma_wait3A_168 = arith.constant 0 : i32
      %dma_wait3A_169 = arith.constant 0 : i32
      %dma_wait3A_170 = tpu.memref_slice %dma_wait3A_167[%dma_wait3A_168, %dma_wait3A_169] : memref<10000x128xf32, #tpu.memory_space<hbm>> -> memref<10000x128xf32, #tpu.memory_space<hbm>>
      tpu.wait_indirect_dma semaphore(%arg12 : memref<!tpu.dma_semaphore, #tpu.memory_space<semaphore_mem>>) src(%dma_wait3A_170 : memref<10000x128xf32, #tpu.memory_space<hbm>>) dst(%dma_wait3A_160 : memref<128x128xf32, #tpu.memory_space<vmem>>)
      %add3A_171 = arith.constant 1 : i32
      %add3A_172 = arith.addi %mul3A_114, %add3A_171 : i32
      %dma_start3A_173 = arith.constant 128 : i32
      %dma_start3A_174 = arith.constant 0 : i32
      %dma_start3A_175 = tpu.memref_slice %arg9[%dma_start3A_173, %dma_start3A_174] : memref<256x128xf32, #tpu.memory_space<vmem>> -> memref<128x128xf32, #tpu.memory_space<vmem>>
      %dma_start3A_176 = arith.constant 0 : i32
      %dma_start3A_177 = tpu.memref_slice %arg8[%add3A_172, %dma_start3A_176] : memref<40x128xi32, #tpu.memory_space<vmem>> -> memref<1x128xi32, #tpu.memory_space<vmem>>
      %dma_start3A_178 = tpu.memref_squeeze %dma_start3A_177 : memref<1x128xi32, #tpu.memory_space<vmem>> -> memref<128xi32, #tpu.memory_space<vmem>>
      %dma_start3A_179 = arith.constant 0 : i32
      %dma_start3A_180 = arith.constant 0 : i32
      %dma_start3A_181 = tpu.memref_slice %arg10[%dma_start3A_179, %dma_start3A_180] : memref<10240x128xf32, #tpu.memory_space<vmem_shared>> -> memref<10240x128xf32, #tpu.memory_space<vmem_shared>>
      tpu.enqueue_indirect_dma source(%dma_start3A_175 : memref<128x128xf32, #tpu.memory_space<vmem>>) target(%dma_start3A_181 : memref<10240x128xf32, #tpu.memory_space<vmem_shared>>) offsets(%dma_start3A_178 : memref<128xi32, #tpu.memory_space<vmem>>) semaphore(%arg14 : memref<!tpu.dma_semaphore, #tpu.memory_space<semaphore_mem>>) {add = true}
      %dma_wait3A_182 = arith.constant 0 : i32
      %dma_wait3A_183 = arith.constant 0 : i32
      %dma_wait3A_184 = tpu.memref_slice %arg9[%dma_wait3A_182, %dma_wait3A_183] : memref<256x128xf32, #tpu.memory_space<vmem>> -> memref<128x128xf32, #tpu.memory_space<vmem>>
      %dma_wait3A_185 = arith.constant 0 : i32
      %dma_wait3A_186 = tpu.memref_slice %arg8[%mul3A_114, %dma_wait3A_185] : memref<40x128xi32, #tpu.memory_space<vmem>> -> memref<1x128xi32, #tpu.memory_space<vmem>>
      %dma_wait3A_187 = tpu.memref_squeeze %dma_wait3A_186 : memref<1x128xi32, #tpu.memory_space<vmem>> -> memref<128xi32, #tpu.memory_space<vmem>>
      %dma_wait3A_188 = arith.constant 0 : i32
      %dma_wait3A_189 = arith.constant 0 : i32
      %dma_wait3A_190 = tpu.memref_slice %arg10[%dma_wait3A_188, %dma_wait3A_189] : memref<10240x128xf32, #tpu.memory_space<vmem_shared>> -> memref<10240x128xf32, #tpu.memory_space<vmem_shared>>
      tpu.wait_indirect_dma semaphore(%arg13 : memref<!tpu.dma_semaphore, #tpu.memory_space<semaphore_mem>>) src(%dma_wait3A_184 : memref<128x128xf32, #tpu.memory_space<vmem>>) dst(%dma_wait3A_190 : memref<10240x128xf32, #tpu.memory_space<vmem_shared>>)
      %add3A_191 = arith.constant 1 : i32
      %add3A_192 = arith.addi %scan3A_112, %add3A_191 : i32
      %lt3A_193 = arith.constant 20 : i32
      %lt3A_194 = arith.cmpi slt, %add3A_192, %lt3A_193 : i32
      %convert_element_type3A_195 = arith.extui %lt3A_194 : i1 to i32
      %cond3A_196 = arith.constant 0 : i32
      %cond3A_197 = arith.cmpi ne, %convert_element_type3A_195, %cond3A_196 : i32
      scf.if %cond3A_197 {
        %add3A_198 = arith.constant 2 : i32
        %add3A_199 = arith.addi %mul3A_114, %add3A_198 : i32
        %dma_start3A_200 = arith.constant 0 : i32
        %dma_start3A_201 = arith.constant 0 : i32
        %dma_start3A_202 = tpu.memref_slice %arg9[%dma_start3A_200, %dma_start3A_201] : memref<256x128xf32, #tpu.memory_space<vmem>> -> memref<128x128xf32, #tpu.memory_space<vmem>>
        %dma_start3A_203 = arith.constant 0 : i32
        %dma_start3A_204 = tpu.memref_slice %arg7[%add3A_199, %dma_start3A_203] : memref<40x128xi32, #tpu.memory_space<vmem>> -> memref<1x128xi32, #tpu.memory_space<vmem>>
        %dma_start3A_205 = tpu.memref_squeeze %dma_start3A_204 : memref<1x128xi32, #tpu.memory_space<vmem>> -> memref<128xi32, #tpu.memory_space<vmem>>
        %dma_start3A_206 = arith.constant 0 : i32
        %dma_start3A_207 = arith.constant 0 : i32
        %dma_start3A_208 = tpu.memref_slice %arg2[%arg0, %dma_start3A_206, %dma_start3A_207] : memref<2x10000x128xf32, #tpu.memory_space<hbm>> -> memref<1x10000x128xf32, #tpu.memory_space<hbm>>
        %dma_start3A_209 = tpu.memref_squeeze %dma_start3A_208 : memref<1x10000x128xf32, #tpu.memory_space<hbm>> -> memref<10000x128xf32, #tpu.memory_space<hbm>>
        %dma_start3A_210 = arith.constant 0 : i32
        %dma_start3A_211 = arith.constant 0 : i32
        %dma_start3A_212 = tpu.memref_slice %dma_start3A_209[%dma_start3A_210, %dma_start3A_211] : memref<10000x128xf32, #tpu.memory_space<hbm>> -> memref<10000x128xf32, #tpu.memory_space<hbm>>
        tpu.enqueue_indirect_dma source(%dma_start3A_212 : memref<10000x128xf32, #tpu.memory_space<hbm>>) target(%dma_start3A_202 : memref<128x128xf32, #tpu.memory_space<vmem>>) offsets(%dma_start3A_205 : memref<128xi32, #tpu.memory_space<vmem>>) semaphore(%arg11 : memref<!tpu.dma_semaphore, #tpu.memory_space<semaphore_mem>>)
      } else {
      }
    }
    %scan3A_35 = arith.constant 20 : i32
    %dma_wait3A = arith.constant 39 : i32
    %dma_wait3A_36 = arith.constant 128 : i32
    %dma_wait3A_37 = arith.constant 0 : i32
    %dma_wait3A_38 = tpu.memref_slice %arg9[%dma_wait3A_36, %dma_wait3A_37] : memref<256x128xf32, #tpu.memory_space<vmem>> -> memref<128x128xf32, #tpu.memory_space<vmem>>
    %dma_wait3A_39 = arith.constant 0 : i32
    %dma_wait3A_40 = tpu.memref_slice %arg8[%dma_wait3A, %dma_wait3A_39] : memref<40x128xi32, #tpu.memory_space<vmem>> -> memref<1x128xi32, #tpu.memory_space<vmem>>
    %dma_wait3A_41 = tpu.memref_squeeze %dma_wait3A_40 : memref<1x128xi32, #tpu.memory_space<vmem>> -> memref<128xi32, #tpu.memory_space<vmem>>
    %dma_wait3A_42 = arith.constant 0 : i32
    %dma_wait3A_43 = arith.constant 0 : i32
    %dma_wait3A_44 = tpu.memref_slice %arg10[%dma_wait3A_42, %dma_wait3A_43] : memref<10240x128xf32, #tpu.memory_space<vmem_shared>> -> memref<10240x128xf32, #tpu.memory_space<vmem_shared>>
    tpu.wait_indirect_dma semaphore(%arg14 : memref<!tpu.dma_semaphore, #tpu.memory_space<semaphore_mem>>) src(%dma_wait3A_38 : memref<128x128xf32, #tpu.memory_space<vmem>>) dst(%dma_wait3A_44 : memref<10240x128xf32, #tpu.memory_space<vmem_shared>>)
    "tpu.region"() ({
      %run_scoped3A = tpu.sem_alloc : memref<!tpu.dma_semaphore, #tpu.memory_space<semaphore_mem>>
      %dma_start3A_112 = arith.constant 0 : i32
      %dma_start3A_113 = arith.constant 0 : i32
      %dma_start3A_114 = tpu.memref_slice %arg3[%arg1, %dma_start3A_112, %dma_start3A_113] : memref<16x80x128xi32, #tpu.memory_space<hbm>> -> memref<1x80x128xi32, #tpu.memory_space<hbm>>
      %dma_start3A_115 = tpu.memref_squeeze %dma_start3A_114 : memref<1x80x128xi32, #tpu.memory_space<hbm>> -> memref<80x128xi32, #tpu.memory_space<hbm>>
      %dma_start3A_116 = arith.constant 40 : i32
      %dma_start3A_117 = arith.constant 0 : i32
      %dma_start3A_118 = tpu.memref_slice %dma_start3A_115[%dma_start3A_116, %dma_start3A_117] : memref<80x128xi32, #tpu.memory_space<hbm>> -> memref<40x128xi32, #tpu.memory_space<hbm>>
      %dma_start3A_119 = arith.constant 0 : i32
      %dma_start3A_120 = arith.constant 0 : i32
      %dma_start3A_121 = tpu.memref_slice %arg3[%arg1, %dma_start3A_119, %dma_start3A_120] : memref<16x80x128xi32, #tpu.memory_space<hbm>> -> memref<1x80x128xi32, #tpu.memory_space<hbm>>
      %dma_start3A_122 = tpu.memref_squeeze %dma_start3A_121 : memref<1x80x128xi32, #tpu.memory_space<hbm>> -> memref<80x128xi32, #tpu.memory_space<hbm>>
      %dma_start3A_123 = arith.constant 40 : i32
      %dma_start3A_124 = arith.constant 0 : i32
      %dma_start3A_125 = tpu.memref_slice %dma_start3A_122[%dma_start3A_123, %dma_start3A_124] : memref<80x128xi32, #tpu.memory_space<hbm>> -> memref<40x128xi32, #tpu.memory_space<hbm>>
      tpu.enqueue_dma source(%dma_start3A_125 : memref<40x128xi32, #tpu.memory_space<hbm>>) target(%arg7 : memref<40x128xi32, #tpu.memory_space<vmem>>) target_semaphore(%run_scoped3A : memref<!tpu.dma_semaphore, #tpu.memory_space<semaphore_mem>>)
      %dma_wait3A_126 = arith.constant 0 : i32
      %dma_wait3A_127 = arith.constant 0 : i32
      %dma_wait3A_128 = tpu.memref_slice %arg3[%arg1, %dma_wait3A_126, %dma_wait3A_127] : memref<16x80x128xi32, #tpu.memory_space<hbm>> -> memref<1x80x128xi32, #tpu.memory_space<hbm>>
      %dma_wait3A_129 = tpu.memref_squeeze %dma_wait3A_128 : memref<1x80x128xi32, #tpu.memory_space<hbm>> -> memref<80x128xi32, #tpu.memory_space<hbm>>
      %dma_wait3A_130 = arith.constant 40 : i32
      %dma_wait3A_131 = arith.constant 0 : i32
      %dma_wait3A_132 = tpu.memref_slice %dma_wait3A_129[%dma_wait3A_130, %dma_wait3A_131] : memref<80x128xi32, #tpu.memory_space<hbm>> -> memref<40x128xi32, #tpu.memory_space<hbm>>
      %dma_wait3A_133 = arith.constant 0 : i32
      %dma_wait3A_134 = arith.constant 0 : i32
      %dma_wait3A_135 = tpu.memref_slice %arg3[%arg1, %dma_wait3A_133, %dma_wait3A_134] : memref<16x80x128xi32, #tpu.memory_space<hbm>> -> memref<1x80x128xi32, #tpu.memory_space<hbm>>
      %dma_wait3A_136 = tpu.memref_squeeze %dma_wait3A_135 : memref<1x80x128xi32, #tpu.memory_space<hbm>> -> memref<80x128xi32, #tpu.memory_space<hbm>>
      %dma_wait3A_137 = arith.constant 40 : i32
      %dma_wait3A_138 = arith.constant 0 : i32
      %dma_wait3A_139 = tpu.memref_slice %dma_wait3A_136[%dma_wait3A_137, %dma_wait3A_138] : memref<80x128xi32, #tpu.memory_space<hbm>> -> memref<40x128xi32, #tpu.memory_space<hbm>>
      tpu.wait_dma2 semaphore(%run_scoped3A : memref<!tpu.dma_semaphore, #tpu.memory_space<semaphore_mem>>) src(%dma_wait3A_139 : memref<40x128xi32, #tpu.memory_space<hbm>>) dst(%arg7 : memref<40x128xi32, #tpu.memory_space<vmem>>)
      tpu.yield
    }) : () -> ()
    "tpu.region"() ({
      %run_scoped3A = tpu.sem_alloc : memref<!tpu.dma_semaphore, #tpu.memory_space<semaphore_mem>>
      %dma_start3A_112 = arith.constant 0 : i32
      %dma_start3A_113 = arith.constant 0 : i32
      %dma_start3A_114 = tpu.memref_slice %arg4[%arg1, %dma_start3A_112, %dma_start3A_113] : memref<16x80x128xi32, #tpu.memory_space<hbm>> -> memref<1x80x128xi32, #tpu.memory_space<hbm>>
      %dma_start3A_115 = tpu.memref_squeeze %dma_start3A_114 : memref<1x80x128xi32, #tpu.memory_space<hbm>> -> memref<80x128xi32, #tpu.memory_space<hbm>>
      %dma_start3A_116 = arith.constant 40 : i32
      %dma_start3A_117 = arith.constant 0 : i32
      %dma_start3A_118 = tpu.memref_slice %dma_start3A_115[%dma_start3A_116, %dma_start3A_117] : memref<80x128xi32, #tpu.memory_space<hbm>> -> memref<40x128xi32, #tpu.memory_space<hbm>>
      %dma_start3A_119 = arith.constant 0 : i32
      %dma_start3A_120 = arith.constant 0 : i32
      %dma_start3A_121 = tpu.memref_slice %arg4[%arg1, %dma_start3A_119, %dma_start3A_120] : memref<16x80x128xi32, #tpu.memory_space<hbm>> -> memref<1x80x128xi32, #tpu.memory_space<hbm>>
      %dma_start3A_122 = tpu.memref_squeeze %dma_start3A_121 : memref<1x80x128xi32, #tpu.memory_space<hbm>> -> memref<80x128xi32, #tpu.memory_space<hbm>>
      %dma_start3A_123 = arith.constant 40 : i32
      %dma_start3A_124 = arith.constant 0 : i32
      %dma_start3A_125 = tpu.memref_slice %dma_start3A_122[%dma_start3A_123, %dma_start3A_124] : memref<80x128xi32, #tpu.memory_space<hbm>> -> memref<40x128xi32, #tpu.memory_space<hbm>>
      tpu.enqueue_dma source(%dma_start3A_125 : memref<40x128xi32, #tpu.memory_space<hbm>>) target(%arg8 : memref<40x128xi32, #tpu.memory_space<vmem>>) target_semaphore(%run_scoped3A : memref<!tpu.dma_semaphore, #tpu.memory_space<semaphore_mem>>)
      %dma_wait3A_126 = arith.constant 0 : i32
      %dma_wait3A_127 = arith.constant 0 : i32
      %dma_wait3A_128 = tpu.memref_slice %arg4[%arg1, %dma_wait3A_126, %dma_wait3A_127] : memref<16x80x128xi32, #tpu.memory_space<hbm>> -> memref<1x80x128xi32, #tpu.memory_space<hbm>>
      %dma_wait3A_129 = tpu.memref_squeeze %dma_wait3A_128 : memref<1x80x128xi32, #tpu.memory_space<hbm>> -> memref<80x128xi32, #tpu.memory_space<hbm>>
      %dma_wait3A_130 = arith.constant 40 : i32
      %dma_wait3A_131 = arith.constant 0 : i32
      %dma_wait3A_132 = tpu.memref_slice %dma_wait3A_129[%dma_wait3A_130, %dma_wait3A_131] : memref<80x128xi32, #tpu.memory_space<hbm>> -> memref<40x128xi32, #tpu.memory_space<hbm>>
      %dma_wait3A_133 = arith.constant 0 : i32
      %dma_wait3A_134 = arith.constant 0 : i32
      %dma_wait3A_135 = tpu.memref_slice %arg4[%arg1, %dma_wait3A_133, %dma_wait3A_134] : memref<16x80x128xi32, #tpu.memory_space<hbm>> -> memref<1x80x128xi32, #tpu.memory_space<hbm>>
      %dma_wait3A_136 = tpu.memref_squeeze %dma_wait3A_135 : memref<1x80x128xi32, #tpu.memory_space<hbm>> -> memref<80x128xi32, #tpu.memory_space<hbm>>
      %dma_wait3A_137 = arith.constant 40 : i32
      %dma_wait3A_138 = arith.constant 0 : i32
      %dma_wait3A_139 = tpu.memref_slice %dma_wait3A_136[%dma_wait3A_137, %dma_wait3A_138] : memref<80x128xi32, #tpu.memory_space<hbm>> -> memref<40x128xi32, #tpu.memory_space<hbm>>
      tpu.wait_dma2 semaphore(%run_scoped3A : memref<!tpu.dma_semaphore, #tpu.memory_space<semaphore_mem>>) src(%dma_wait3A_139 : memref<40x128xi32, #tpu.memory_space<hbm>>) dst(%arg8 : memref<40x128xi32, #tpu.memory_space<vmem>>)
      tpu.yield
    }) : () -> ()
    %dma_start3A_45 = arith.constant 0 : i32
    %dma_start3A_46 = arith.constant 0 : i32
    %dma_start3A_47 = arith.constant 0 : i32
    %dma_start3A_48 = tpu.memref_slice %arg9[%dma_start3A_46, %dma_start3A_47] : memref<256x128xf32, #tpu.memory_space<vmem>> -> memref<128x128xf32, #tpu.memory_space<vmem>>
    %dma_start3A_49 = arith.constant 0 : i32
    %dma_start3A_50 = tpu.memref_slice %arg7[%dma_start3A_45, %dma_start3A_49] : memref<40x128xi32, #tpu.memory_space<vmem>> -> memref<1x128xi32, #tpu.memory_space<vmem>>
    %dma_start3A_51 = tpu.memref_squeeze %dma_start3A_50 : memref<1x128xi32, #tpu.memory_space<vmem>> -> memref<128xi32, #tpu.memory_space<vmem>>
    %dma_start3A_52 = arith.constant 0 : i32
    %dma_start3A_53 = arith.constant 0 : i32
    %dma_start3A_54 = tpu.memref_slice %arg2[%arg0, %dma_start3A_52, %dma_start3A_53] : memref<2x10000x128xf32, #tpu.memory_space<hbm>> -> memref<1x10000x128xf32, #tpu.memory_space<hbm>>
    %dma_start3A_55 = tpu.memref_squeeze %dma_start3A_54 : memref<1x10000x128xf32, #tpu.memory_space<hbm>> -> memref<10000x128xf32, #tpu.memory_space<hbm>>
    %dma_start3A_56 = arith.constant 0 : i32
    %dma_start3A_57 = arith.constant 0 : i32
    %dma_start3A_58 = tpu.memref_slice %dma_start3A_55[%dma_start3A_56, %dma_start3A_57] : memref<10000x128xf32, #tpu.memory_space<hbm>> -> memref<10000x128xf32, #tpu.memory_space<hbm>>
    tpu.enqueue_indirect_dma source(%dma_start3A_58 : memref<10000x128xf32, #tpu.memory_space<hbm>>) target(%dma_start3A_48 : memref<128x128xf32, #tpu.memory_space<vmem>>) offsets(%dma_start3A_51 : memref<128xi32, #tpu.memory_space<vmem>>) semaphore(%arg11 : memref<!tpu.dma_semaphore, #tpu.memory_space<semaphore_mem>>)
    %scan3A_59 = arith.constant 0 : i32
    %scan3A_60 = arith.constant 0 : i32
    %scan3A_61 = arith.constant 20 : i32
    %scan3A_62 = arith.addi %scan3A_60, %scan3A_61 : i32
    %scan3A_63 = arith.constant 1 : i32
    scf.for %scan3A_112 = %scan3A_60 to %scan3A_62 step %scan3A_63  : i32 {
      %mul3A_113 = arith.constant 2 : i32
      %mul3A_114 = arith.muli %mul3A_113, %scan3A_112 : i32
      %dma_wait3A_115 = arith.constant 0 : i32
      %dma_wait3A_116 = arith.constant 0 : i32
      %dma_wait3A_117 = tpu.memref_slice %arg9[%dma_wait3A_115, %dma_wait3A_116] : memref<256x128xf32, #tpu.memory_space<vmem>> -> memref<128x128xf32, #tpu.memory_space<vmem>>
      %dma_wait3A_118 = arith.constant 0 : i32
      %dma_wait3A_119 = tpu.memref_slice %arg7[%mul3A_114, %dma_wait3A_118] : memref<40x128xi32, #tpu.memory_space<vmem>> -> memref<1x128xi32, #tpu.memory_space<vmem>>
      %dma_wait3A_120 = tpu.memref_squeeze %dma_wait3A_119 : memref<1x128xi32, #tpu.memory_space<vmem>> -> memref<128xi32, #tpu.memory_space<vmem>>
      %dma_wait3A_121 = arith.constant 0 : i32
      %dma_wait3A_122 = arith.constant 0 : i32
      %dma_wait3A_123 = tpu.memref_slice %arg2[%arg0, %dma_wait3A_121, %dma_wait3A_122] : memref<2x10000x128xf32, #tpu.memory_space<hbm>> -> memref<1x10000x128xf32, #tpu.memory_space<hbm>>
      %dma_wait3A_124 = tpu.memref_squeeze %dma_wait3A_123 : memref<1x10000x128xf32, #tpu.memory_space<hbm>> -> memref<10000x128xf32, #tpu.memory_space<hbm>>
      %dma_wait3A_125 = arith.constant 0 : i32
      %dma_wait3A_126 = arith.constant 0 : i32
      %dma_wait3A_127 = tpu.memref_slice %dma_wait3A_124[%dma_wait3A_125, %dma_wait3A_126] : memref<10000x128xf32, #tpu.memory_space<hbm>> -> memref<10000x128xf32, #tpu.memory_space<hbm>>
      tpu.wait_indirect_dma semaphore(%arg11 : memref<!tpu.dma_semaphore, #tpu.memory_space<semaphore_mem>>) src(%dma_wait3A_127 : memref<10000x128xf32, #tpu.memory_space<hbm>>) dst(%dma_wait3A_117 : memref<128x128xf32, #tpu.memory_space<vmem>>)
      %dma_start3A_128 = arith.constant 0 : i32
      %dma_start3A_129 = arith.constant 0 : i32
      %dma_start3A_130 = tpu.memref_slice %arg9[%dma_start3A_128, %dma_start3A_129] : memref<256x128xf32, #tpu.memory_space<vmem>> -> memref<128x128xf32, #tpu.memory_space<vmem>>
      %dma_start3A_131 = arith.constant 0 : i32
      %dma_start3A_132 = tpu.memref_slice %arg8[%mul3A_114, %dma_start3A_131] : memref<40x128xi32, #tpu.memory_space<vmem>> -> memref<1x128xi32, #tpu.memory_space<vmem>>
      %dma_start3A_133 = tpu.memref_squeeze %dma_start3A_132 : memref<1x128xi32, #tpu.memory_space<vmem>> -> memref<128xi32, #tpu.memory_space<vmem>>
      %dma_start3A_134 = arith.constant 0 : i32
      %dma_start3A_135 = arith.constant 0 : i32
      %dma_start3A_136 = tpu.memref_slice %arg10[%dma_start3A_134, %dma_start3A_135] : memref<10240x128xf32, #tpu.memory_space<vmem_shared>> -> memref<10240x128xf32, #tpu.memory_space<vmem_shared>>
      tpu.enqueue_indirect_dma source(%dma_start3A_130 : memref<128x128xf32, #tpu.memory_space<vmem>>) target(%dma_start3A_136 : memref<10240x128xf32, #tpu.memory_space<vmem_shared>>) offsets(%dma_start3A_133 : memref<128xi32, #tpu.memory_space<vmem>>) semaphore(%arg13 : memref<!tpu.dma_semaphore, #tpu.memory_space<semaphore_mem>>) {add = true}
      %gt3A = arith.constant 0 : i32
      %gt3A_137 = arith.cmpi sgt, %scan3A_112, %gt3A : i32
      %convert_element_type3A_138 = arith.extui %gt3A_137 : i1 to i32
      %cond3A_139 = arith.constant 0 : i32
      %cond3A_140 = arith.cmpi ne, %convert_element_type3A_138, %cond3A_139 : i32
      scf.if %cond3A_140 {
        %sub3A = arith.constant 1 : i32
        %sub3A_198 = arith.subi %mul3A_114, %sub3A : i32
        %dma_wait3A_199 = arith.constant 128 : i32
        %dma_wait3A_200 = arith.constant 0 : i32
        %dma_wait3A_201 = tpu.memref_slice %arg9[%dma_wait3A_199, %dma_wait3A_200] : memref<256x128xf32, #tpu.memory_space<vmem>> -> memref<128x128xf32, #tpu.memory_space<vmem>>
        %dma_wait3A_202 = arith.constant 0 : i32
        %dma_wait3A_203 = tpu.memref_slice %arg8[%sub3A_198, %dma_wait3A_202] : memref<40x128xi32, #tpu.memory_space<vmem>> -> memref<1x128xi32, #tpu.memory_space<vmem>>
        %dma_wait3A_204 = tpu.memref_squeeze %dma_wait3A_203 : memref<1x128xi32, #tpu.memory_space<vmem>> -> memref<128xi32, #tpu.memory_space<vmem>>
        %dma_wait3A_205 = arith.constant 0 : i32
        %dma_wait3A_206 = arith.constant 0 : i32
        %dma_wait3A_207 = tpu.memref_slice %arg10[%dma_wait3A_205, %dma_wait3A_206] : memref<10240x128xf32, #tpu.memory_space<vmem_shared>> -> memref<10240x128xf32, #tpu.memory_space<vmem_shared>>
        tpu.wait_indirect_dma semaphore(%arg14 : memref<!tpu.dma_semaphore, #tpu.memory_space<semaphore_mem>>) src(%dma_wait3A_201 : memref<128x128xf32, #tpu.memory_space<vmem>>) dst(%dma_wait3A_207 : memref<10240x128xf32, #tpu.memory_space<vmem_shared>>)
      } else {
      }
      %add3A_141 = arith.constant 1 : i32
      %add3A_142 = arith.addi %mul3A_114, %add3A_141 : i32
      %dma_start3A_143 = arith.constant 128 : i32
      %dma_start3A_144 = arith.constant 0 : i32
      %dma_start3A_145 = tpu.memref_slice %arg9[%dma_start3A_143, %dma_start3A_144] : memref<256x128xf32, #tpu.memory_space<vmem>> -> memref<128x128xf32, #tpu.memory_space<vmem>>
      %dma_start3A_146 = arith.constant 0 : i32
      %dma_start3A_147 = tpu.memref_slice %arg7[%add3A_142, %dma_start3A_146] : memref<40x128xi32, #tpu.memory_space<vmem>> -> memref<1x128xi32, #tpu.memory_space<vmem>>
      %dma_start3A_148 = tpu.memref_squeeze %dma_start3A_147 : memref<1x128xi32, #tpu.memory_space<vmem>> -> memref<128xi32, #tpu.memory_space<vmem>>
      %dma_start3A_149 = arith.constant 0 : i32
      %dma_start3A_150 = arith.constant 0 : i32
      %dma_start3A_151 = tpu.memref_slice %arg2[%arg0, %dma_start3A_149, %dma_start3A_150] : memref<2x10000x128xf32, #tpu.memory_space<hbm>> -> memref<1x10000x128xf32, #tpu.memory_space<hbm>>
      %dma_start3A_152 = tpu.memref_squeeze %dma_start3A_151 : memref<1x10000x128xf32, #tpu.memory_space<hbm>> -> memref<10000x128xf32, #tpu.memory_space<hbm>>
      %dma_start3A_153 = arith.constant 0 : i32
      %dma_start3A_154 = arith.constant 0 : i32
      %dma_start3A_155 = tpu.memref_slice %dma_start3A_152[%dma_start3A_153, %dma_start3A_154] : memref<10000x128xf32, #tpu.memory_space<hbm>> -> memref<10000x128xf32, #tpu.memory_space<hbm>>
      tpu.enqueue_indirect_dma source(%dma_start3A_155 : memref<10000x128xf32, #tpu.memory_space<hbm>>) target(%dma_start3A_145 : memref<128x128xf32, #tpu.memory_space<vmem>>) offsets(%dma_start3A_148 : memref<128xi32, #tpu.memory_space<vmem>>) semaphore(%arg12 : memref<!tpu.dma_semaphore, #tpu.memory_space<semaphore_mem>>)
      %add3A_156 = arith.constant 1 : i32
      %add3A_157 = arith.addi %mul3A_114, %add3A_156 : i32
      %dma_wait3A_158 = arith.constant 128 : i32
      %dma_wait3A_159 = arith.constant 0 : i32
      %dma_wait3A_160 = tpu.memref_slice %arg9[%dma_wait3A_158, %dma_wait3A_159] : memref<256x128xf32, #tpu.memory_space<vmem>> -> memref<128x128xf32, #tpu.memory_space<vmem>>
      %dma_wait3A_161 = arith.constant 0 : i32
      %dma_wait3A_162 = tpu.memref_slice %arg7[%add3A_157, %dma_wait3A_161] : memref<40x128xi32, #tpu.memory_space<vmem>> -> memref<1x128xi32, #tpu.memory_space<vmem>>
      %dma_wait3A_163 = tpu.memref_squeeze %dma_wait3A_162 : memref<1x128xi32, #tpu.memory_space<vmem>> -> memref<128xi32, #tpu.memory_space<vmem>>
      %dma_wait3A_164 = arith.constant 0 : i32
      %dma_wait3A_165 = arith.constant 0 : i32
      %dma_wait3A_166 = tpu.memref_slice %arg2[%arg0, %dma_wait3A_164, %dma_wait3A_165] : memref<2x10000x128xf32, #tpu.memory_space<hbm>> -> memref<1x10000x128xf32, #tpu.memory_space<hbm>>
      %dma_wait3A_167 = tpu.memref_squeeze %dma_wait3A_166 : memref<1x10000x128xf32, #tpu.memory_space<hbm>> -> memref<10000x128xf32, #tpu.memory_space<hbm>>
      %dma_wait3A_168 = arith.constant 0 : i32
      %dma_wait3A_169 = arith.constant 0 : i32
      %dma_wait3A_170 = tpu.memref_slice %dma_wait3A_167[%dma_wait3A_168, %dma_wait3A_169] : memref<10000x128xf32, #tpu.memory_space<hbm>> -> memref<10000x128xf32, #tpu.memory_space<hbm>>
      tpu.wait_indirect_dma semaphore(%arg12 : memref<!tpu.dma_semaphore, #tpu.memory_space<semaphore_mem>>) src(%dma_wait3A_170 : memref<10000x128xf32, #tpu.memory_space<hbm>>) dst(%dma_wait3A_160 : memref<128x128xf32, #tpu.memory_space<vmem>>)
      %add3A_171 = arith.constant 1 : i32
      %add3A_172 = arith.addi %mul3A_114, %add3A_171 : i32
      %dma_start3A_173 = arith.constant 128 : i32
      %dma_start3A_174 = arith.constant 0 : i32
      %dma_start3A_175 = tpu.memref_slice %arg9[%dma_start3A_173, %dma_start3A_174] : memref<256x128xf32, #tpu.memory_space<vmem>> -> memref<128x128xf32, #tpu.memory_space<vmem>>
      %dma_start3A_176 = arith.constant 0 : i32
      %dma_start3A_177 = tpu.memref_slice %arg8[%add3A_172, %dma_start3A_176] : memref<40x128xi32, #tpu.memory_space<vmem>> -> memref<1x128xi32, #tpu.memory_space<vmem>>
      %dma_start3A_178 = tpu.memref_squeeze %dma_start3A_177 : memref<1x128xi32, #tpu.memory_space<vmem>> -> memref<128xi32, #tpu.memory_space<vmem>>
      %dma_start3A_179 = arith.constant 0 : i32
      %dma_start3A_180 = arith.constant 0 : i32
      %dma_start3A_181 = tpu.memref_slice %arg10[%dma_start3A_179, %dma_start3A_180] : memref<10240x128xf32, #tpu.memory_space<vmem_shared>> -> memref<10240x128xf32, #tpu.memory_space<vmem_shared>>
      tpu.enqueue_indirect_dma source(%dma_start3A_175 : memref<128x128xf32, #tpu.memory_space<vmem>>) target(%dma_start3A_181 : memref<10240x128xf32, #tpu.memory_space<vmem_shared>>) offsets(%dma_start3A_178 : memref<128xi32, #tpu.memory_space<vmem>>) semaphore(%arg14 : memref<!tpu.dma_semaphore, #tpu.memory_space<semaphore_mem>>) {add = true}
      %dma_wait3A_182 = arith.constant 0 : i32
      %dma_wait3A_183 = arith.constant 0 : i32
      %dma_wait3A_184 = tpu.memref_slice %arg9[%dma_wait3A_182, %dma_wait3A_183] : memref<256x128xf32, #tpu.memory_space<vmem>> -> memref<128x128xf32, #tpu.memory_space<vmem>>
      %dma_wait3A_185 = arith.constant 0 : i32
      %dma_wait3A_186 = tpu.memref_slice %arg8[%mul3A_114, %dma_wait3A_185] : memref<40x128xi32, #tpu.memory_space<vmem>> -> memref<1x128xi32, #tpu.memory_space<vmem>>
      %dma_wait3A_187 = tpu.memref_squeeze %dma_wait3A_186 : memref<1x128xi32, #tpu.memory_space<vmem>> -> memref<128xi32, #tpu.memory_space<vmem>>
      %dma_wait3A_188 = arith.constant 0 : i32
      %dma_wait3A_189 = arith.constant 0 : i32
      %dma_wait3A_190 = tpu.memref_slice %arg10[%dma_wait3A_188, %dma_wait3A_189] : memref<10240x128xf32, #tpu.memory_space<vmem_shared>> -> memref<10240x128xf32, #tpu.memory_space<vmem_shared>>
      tpu.wait_indirect_dma semaphore(%arg13 : memref<!tpu.dma_semaphore, #tpu.memory_space<semaphore_mem>>) src(%dma_wait3A_184 : memref<128x128xf32, #tpu.memory_space<vmem>>) dst(%dma_wait3A_190 : memref<10240x128xf32, #tpu.memory_space<vmem_shared>>)
      %add3A_191 = arith.constant 1 : i32
      %add3A_192 = arith.addi %scan3A_112, %add3A_191 : i32
      %lt3A_193 = arith.constant 20 : i32
      %lt3A_194 = arith.cmpi slt, %add3A_192, %lt3A_193 : i32
      %convert_element_type3A_195 = arith.extui %lt3A_194 : i1 to i32
      %cond3A_196 = arith.constant 0 : i32
      %cond3A_197 = arith.cmpi ne, %convert_element_type3A_195, %cond3A_196 : i32
      scf.if %cond3A_197 {
        %add3A_198 = arith.constant 2 : i32
        %add3A_199 = arith.addi %mul3A_114, %add3A_198 : i32
        %dma_start3A_200 = arith.constant 0 : i32
        %dma_start3A_201 = arith.constant 0 : i32
        %dma_start3A_202 = tpu.memref_slice %arg9[%dma_start3A_200, %dma_start3A_201] : memref<256x128xf32, #tpu.memory_space<vmem>> -> memref<128x128xf32, #tpu.memory_space<vmem>>
        %dma_start3A_203 = arith.constant 0 : i32
        %dma_start3A_204 = tpu.memref_slice %arg7[%add3A_199, %dma_start3A_203] : memref<40x128xi32, #tpu.memory_space<vmem>> -> memref<1x128xi32, #tpu.memory_space<vmem>>
        %dma_start3A_205 = tpu.memref_squeeze %dma_start3A_204 : memref<1x128xi32, #tpu.memory_space<vmem>> -> memref<128xi32, #tpu.memory_space<vmem>>
        %dma_start3A_206 = arith.constant 0 : i32
        %dma_start3A_207 = arith.constant 0 : i32
        %dma_start3A_208 = tpu.memref_slice %arg2[%arg0, %dma_start3A_206, %dma_start3A_207] : memref<2x10000x128xf32, #tpu.memory_space<hbm>> -> memref<1x10000x128xf32, #tpu.memory_space<hbm>>
        %dma_start3A_209 = tpu.memref_squeeze %dma_start3A_208 : memref<1x10000x128xf32, #tpu.memory_space<hbm>> -> memref<10000x128xf32, #tpu.memory_space<hbm>>
        %dma_start3A_210 = arith.constant 0 : i32
        %dma_start3A_211 = arith.constant 0 : i32
        %dma_start3A_212 = tpu.memref_slice %dma_start3A_209[%dma_start3A_210, %dma_start3A_211] : memref<10000x128xf32, #tpu.memory_space<hbm>> -> memref<10000x128xf32, #tpu.memory_space<hbm>>
        tpu.enqueue_indirect_dma source(%dma_start3A_212 : memref<10000x128xf32, #tpu.memory_space<hbm>>) target(%dma_start3A_202 : memref<128x128xf32, #tpu.memory_space<vmem>>) offsets(%dma_start3A_205 : memref<128xi32, #tpu.memory_space<vmem>>) semaphore(%arg11 : memref<!tpu.dma_semaphore, #tpu.memory_space<semaphore_mem>>)
      } else {
      }
    }
    %scan3A_64 = arith.constant 20 : i32
    %dma_wait3A_65 = arith.constant 39 : i32
    %dma_wait3A_66 = arith.constant 128 : i32
    %dma_wait3A_67 = arith.constant 0 : i32
    %dma_wait3A_68 = tpu.memref_slice %arg9[%dma_wait3A_66, %dma_wait3A_67] : memref<256x128xf32, #tpu.memory_space<vmem>> -> memref<128x128xf32, #tpu.memory_space<vmem>>
    %dma_wait3A_69 = arith.constant 0 : i32
    %dma_wait3A_70 = tpu.memref_slice %arg8[%dma_wait3A_65, %dma_wait3A_69] : memref<40x128xi32, #tpu.memory_space<vmem>> -> memref<1x128xi32, #tpu.memory_space<vmem>>
    %dma_wait3A_71 = tpu.memref_squeeze %dma_wait3A_70 : memref<1x128xi32, #tpu.memory_space<vmem>> -> memref<128xi32, #tpu.memory_space<vmem>>
    %dma_wait3A_72 = arith.constant 0 : i32
    %dma_wait3A_73 = arith.constant 0 : i32
    %dma_wait3A_74 = tpu.memref_slice %arg10[%dma_wait3A_72, %dma_wait3A_73] : memref<10240x128xf32, #tpu.memory_space<vmem_shared>> -> memref<10240x128xf32, #tpu.memory_space<vmem_shared>>
    tpu.wait_indirect_dma semaphore(%arg14 : memref<!tpu.dma_semaphore, #tpu.memory_space<semaphore_mem>>) src(%dma_wait3A_68 : memref<128x128xf32, #tpu.memory_space<vmem>>) dst(%dma_wait3A_74 : memref<10240x128xf32, #tpu.memory_space<vmem_shared>>)
    %barrier3A_75 = arith.constant 0 : index
    tpu.barrier barrier_id(%barrier3A_75)
    %add3A_76 = arith.constant 0 : i32
    %add3A_77 = arith.addi %arg1, %add3A_76 : i32
    %lt3A = arith.constant 78 : i32
    %lt3A_78 = arith.cmpi slt, %add3A_77, %lt3A : i32
    %convert_element_type3A = arith.extui %lt3A_78 : i1 to i32
    %cond3A = arith.constant 0 : i32
    %cond3A_79 = arith.cmpi ne, %convert_element_type3A, %cond3A : i32
    scf.if %cond3A_79 {
      %mul3A_112 = arith.constant 128 : i32
      %mul3A_113 = arith.muli %add3A_77, %mul3A_112 : i32
      %multiple_of3A = tpu.assume_multiple %mul3A_113, 128 : i32
      "tpu.region"() ({
        %run_scoped3A = tpu.sem_alloc : memref<!tpu.dma_semaphore, #tpu.memory_space<semaphore_mem>>
        %dma_start3A_114 = arith.constant 0 : i32
        %dma_start3A_115 = arith.constant 0 : i32
        %dma_start3A_116 = tpu.memref_slice %arg9[%dma_start3A_114, %dma_start3A_115] : memref<256x128xf32, #tpu.memory_space<vmem>> -> memref<128x128xf32, #tpu.memory_space<vmem>>
        %dma_start3A_117 = arith.constant 0 : i32
        %dma_start3A_118 = tpu.memref_slice %arg10[%multiple_of3A, %dma_start3A_117] : memref<10240x128xf32, #tpu.memory_space<vmem_shared>> -> memref<128x128xf32, #tpu.memory_space<vmem_shared>>
        %dma_start3A_119 = arith.constant 0 : i32
        %dma_start3A_120 = arith.constant 0 : i32
        %dma_start3A_121 = tpu.memref_slice %arg9[%dma_start3A_119, %dma_start3A_120] : memref<256x128xf32, #tpu.memory_space<vmem>> -> memref<128x128xf32, #tpu.memory_space<vmem>>
        %dma_start3A_122 = arith.constant 0 : i32
        %dma_start3A_123 = tpu.memref_slice %arg10[%multiple_of3A, %dma_start3A_122] : memref<10240x128xf32, #tpu.memory_space<vmem_shared>> -> memref<128x128xf32, #tpu.memory_space<vmem_shared>>
        tpu.enqueue_dma source(%dma_start3A_123 : memref<128x128xf32, #tpu.memory_space<vmem_shared>>) target(%dma_start3A_121 : memref<128x128xf32, #tpu.memory_space<vmem>>) target_semaphore(%run_scoped3A : memref<!tpu.dma_semaphore, #tpu.memory_space<semaphore_mem>>)
        %dma_wait3A_124 = arith.constant 0 : i32
        %dma_wait3A_125 = arith.constant 0 : i32
        %dma_wait3A_126 = tpu.memref_slice %arg9[%dma_wait3A_124, %dma_wait3A_125] : memref<256x128xf32, #tpu.memory_space<vmem>> -> memref<128x128xf32, #tpu.memory_space<vmem>>
        %dma_wait3A_127 = arith.constant 0 : i32
        %dma_wait3A_128 = tpu.memref_slice %arg10[%multiple_of3A, %dma_wait3A_127] : memref<10240x128xf32, #tpu.memory_space<vmem_shared>> -> memref<128x128xf32, #tpu.memory_space<vmem_shared>>
        %dma_wait3A_129 = arith.constant 0 : i32
        %dma_wait3A_130 = arith.constant 0 : i32
        %dma_wait3A_131 = tpu.memref_slice %arg9[%dma_wait3A_129, %dma_wait3A_130] : memref<256x128xf32, #tpu.memory_space<vmem>> -> memref<128x128xf32, #tpu.memory_space<vmem>>
        %dma_wait3A_132 = arith.constant 0 : i32
        %dma_wait3A_133 = tpu.memref_slice %arg10[%multiple_of3A, %dma_wait3A_132] : memref<10240x128xf32, #tpu.memory_space<vmem_shared>> -> memref<128x128xf32, #tpu.memory_space<vmem_shared>>
        tpu.wait_dma2 semaphore(%run_scoped3A : memref<!tpu.dma_semaphore, #tpu.memory_space<semaphore_mem>>) src(%dma_wait3A_133 : memref<128x128xf32, #tpu.memory_space<vmem_shared>>) dst(%dma_wait3A_131 : memref<128x128xf32, #tpu.memory_space<vmem>>)
        tpu.yield
      }) : () -> ()
      "tpu.region"() ({
        %run_scoped3A = tpu.sem_alloc : memref<!tpu.dma_semaphore, #tpu.memory_space<semaphore_mem>>
        %dma_start3A_114 = arith.constant 0 : i32
        %dma_start3A_115 = arith.constant 0 : i32
        %dma_start3A_116 = tpu.memref_slice %arg9[%dma_start3A_114, %dma_start3A_115] : memref<256x128xf32, #tpu.memory_space<vmem>> -> memref<128x128xf32, #tpu.memory_space<vmem>>
        %dma_start3A_117 = arith.constant 0 : i32
        %dma_start3A_118 = arith.constant 0 : i32
        %dma_start3A_119 = tpu.memref_slice %arg6[%arg0, %dma_start3A_117, %dma_start3A_118] : memref<2x10000x128xf32, #tpu.memory_space<hbm>> -> memref<1x10000x128xf32, #tpu.memory_space<hbm>>
        %dma_start3A_120 = tpu.memref_squeeze %dma_start3A_119 : memref<1x10000x128xf32, #tpu.memory_space<hbm>> -> memref<10000x128xf32, #tpu.memory_space<hbm>>
        %dma_start3A_121 = arith.constant 0 : i32
        %dma_start3A_122 = tpu.memref_slice %dma_start3A_120[%multiple_of3A, %dma_start3A_121] : memref<10000x128xf32, #tpu.memory_space<hbm>> -> memref<128x128xf32, #tpu.memory_space<hbm>>
        %dma_start3A_123 = arith.constant 0 : i32
        %dma_start3A_124 = arith.constant 0 : i32
        %dma_start3A_125 = tpu.memref_slice %arg6[%arg0, %dma_start3A_123, %dma_start3A_124] : memref<2x10000x128xf32, #tpu.memory_space<hbm>> -> memref<1x10000x128xf32, #tpu.memory_space<hbm>>
        %dma_start3A_126 = tpu.memref_squeeze %dma_start3A_125 : memref<1x10000x128xf32, #tpu.memory_space<hbm>> -> memref<10000x128xf32, #tpu.memory_space<hbm>>
        %dma_start3A_127 = arith.constant 0 : i32
        %dma_start3A_128 = tpu.memref_slice %dma_start3A_126[%multiple_of3A, %dma_start3A_127] : memref<10000x128xf32, #tpu.memory_space<hbm>> -> memref<128x128xf32, #tpu.memory_space<hbm>>
        %dma_start3A_129 = arith.constant 0 : i32
        %dma_start3A_130 = arith.constant 0 : i32
        %dma_start3A_131 = tpu.memref_slice %arg9[%dma_start3A_129, %dma_start3A_130] : memref<256x128xf32, #tpu.memory_space<vmem>> -> memref<128x128xf32, #tpu.memory_space<vmem>>
        tpu.enqueue_dma source(%dma_start3A_131 : memref<128x128xf32, #tpu.memory_space<vmem>>) target(%dma_start3A_128 : memref<128x128xf32, #tpu.memory_space<hbm>>) target_semaphore(%run_scoped3A : memref<!tpu.dma_semaphore, #tpu.memory_space<semaphore_mem>>)
        %dma_wait3A_132 = arith.constant 0 : i32
        %dma_wait3A_133 = arith.constant 0 : i32
        %dma_wait3A_134 = tpu.memref_slice %arg9[%dma_wait3A_132, %dma_wait3A_133] : memref<256x128xf32, #tpu.memory_space<vmem>> -> memref<128x128xf32, #tpu.memory_space<vmem>>
        %dma_wait3A_135 = arith.constant 0 : i32
        %dma_wait3A_136 = arith.constant 0 : i32
        %dma_wait3A_137 = tpu.memref_slice %arg6[%arg0, %dma_wait3A_135, %dma_wait3A_136] : memref<2x10000x128xf32, #tpu.memory_space<hbm>> -> memref<1x10000x128xf32, #tpu.memory_space<hbm>>
        %dma_wait3A_138 = tpu.memref_squeeze %dma_wait3A_137 : memref<1x10000x128xf32, #tpu.memory_space<hbm>> -> memref<10000x128xf32, #tpu.memory_space<hbm>>
        %dma_wait3A_139 = arith.constant 0 : i32
        %dma_wait3A_140 = tpu.memref_slice %dma_wait3A_138[%multiple_of3A, %dma_wait3A_139] : memref<10000x128xf32, #tpu.memory_space<hbm>> -> memref<128x128xf32, #tpu.memory_space<hbm>>
        %dma_wait3A_141 = arith.constant 0 : i32
        %dma_wait3A_142 = arith.constant 0 : i32
        %dma_wait3A_143 = tpu.memref_slice %arg6[%arg0, %dma_wait3A_141, %dma_wait3A_142] : memref<2x10000x128xf32, #tpu.memory_space<hbm>> -> memref<1x10000x128xf32, #tpu.memory_space<hbm>>
        %dma_wait3A_144 = tpu.memref_squeeze %dma_wait3A_143 : memref<1x10000x128xf32, #tpu.memory_space<hbm>> -> memref<10000x128xf32, #tpu.memory_space<hbm>>
        %dma_wait3A_145 = arith.constant 0 : i32
        %dma_wait3A_146 = tpu.memref_slice %dma_wait3A_144[%multiple_of3A, %dma_wait3A_145] : memref<10000x128xf32, #tpu.memory_space<hbm>> -> memref<128x128xf32, #tpu.memory_space<hbm>>
        %dma_wait3A_147 = arith.constant 0 : i32
        %dma_wait3A_148 = arith.constant 0 : i32
        %dma_wait3A_149 = tpu.memref_slice %arg9[%dma_wait3A_147, %dma_wait3A_148] : memref<256x128xf32, #tpu.memory_space<vmem>> -> memref<128x128xf32, #tpu.memory_space<vmem>>
        tpu.wait_dma2 semaphore(%run_scoped3A : memref<!tpu.dma_semaphore, #tpu.memory_space<semaphore_mem>>) src(%dma_wait3A_149 : memref<128x128xf32, #tpu.memory_space<vmem>>) dst(%dma_wait3A_146 : memref<128x128xf32, #tpu.memory_space<hbm>>)
        tpu.yield
      }) : () -> ()
    } else {
    }
    %add3A_80 = arith.constant 16 : i32
    %add3A_81 = arith.addi %arg1, %add3A_80 : i32
    %lt3A_82 = arith.constant 78 : i32
    %lt3A_83 = arith.cmpi slt, %add3A_81, %lt3A_82 : i32
    %convert_element_type3A_84 = arith.extui %lt3A_83 : i1 to i32
    %cond3A_85 = arith.constant 0 : i32
    %cond3A_86 = arith.cmpi ne, %convert_element_type3A_84, %cond3A_85 : i32
    scf.if %cond3A_86 {
      %mul3A_112 = arith.constant 128 : i32
      %mul3A_113 = arith.muli %add3A_81, %mul3A_112 : i32
      %multiple_of3A = tpu.assume_multiple %mul3A_113, 128 : i32
      "tpu.region"() ({
        %run_scoped3A = tpu.sem_alloc : memref<!tpu.dma_semaphore, #tpu.memory_space<semaphore_mem>>
        %dma_start3A_114 = arith.constant 0 : i32
        %dma_start3A_115 = arith.constant 0 : i32
        %dma_start3A_116 = tpu.memref_slice %arg9[%dma_start3A_114, %dma_start3A_115] : memref<256x128xf32, #tpu.memory_space<vmem>> -> memref<128x128xf32, #tpu.memory_space<vmem>>
        %dma_start3A_117 = arith.constant 0 : i32
        %dma_start3A_118 = tpu.memref_slice %arg10[%multiple_of3A, %dma_start3A_117] : memref<10240x128xf32, #tpu.memory_space<vmem_shared>> -> memref<128x128xf32, #tpu.memory_space<vmem_shared>>
        %dma_start3A_119 = arith.constant 0 : i32
        %dma_start3A_120 = arith.constant 0 : i32
        %dma_start3A_121 = tpu.memref_slice %arg9[%dma_start3A_119, %dma_start3A_120] : memref<256x128xf32, #tpu.memory_space<vmem>> -> memref<128x128xf32, #tpu.memory_space<vmem>>
        %dma_start3A_122 = arith.constant 0 : i32
        %dma_start3A_123 = tpu.memref_slice %arg10[%multiple_of3A, %dma_start3A_122] : memref<10240x128xf32, #tpu.memory_space<vmem_shared>> -> memref<128x128xf32, #tpu.memory_space<vmem_shared>>
        tpu.enqueue_dma source(%dma_start3A_123 : memref<128x128xf32, #tpu.memory_space<vmem_shared>>) target(%dma_start3A_121 : memref<128x128xf32, #tpu.memory_space<vmem>>) target_semaphore(%run_scoped3A : memref<!tpu.dma_semaphore, #tpu.memory_space<semaphore_mem>>)
        %dma_wait3A_124 = arith.constant 0 : i32
        %dma_wait3A_125 = arith.constant 0 : i32
        %dma_wait3A_126 = tpu.memref_slice %arg9[%dma_wait3A_124, %dma_wait3A_125] : memref<256x128xf32, #tpu.memory_space<vmem>> -> memref<128x128xf32, #tpu.memory_space<vmem>>
        %dma_wait3A_127 = arith.constant 0 : i32
        %dma_wait3A_128 = tpu.memref_slice %arg10[%multiple_of3A, %dma_wait3A_127] : memref<10240x128xf32, #tpu.memory_space<vmem_shared>> -> memref<128x128xf32, #tpu.memory_space<vmem_shared>>
        %dma_wait3A_129 = arith.constant 0 : i32
        %dma_wait3A_130 = arith.constant 0 : i32
        %dma_wait3A_131 = tpu.memref_slice %arg9[%dma_wait3A_129, %dma_wait3A_130] : memref<256x128xf32, #tpu.memory_space<vmem>> -> memref<128x128xf32, #tpu.memory_space<vmem>>
        %dma_wait3A_132 = arith.constant 0 : i32
        %dma_wait3A_133 = tpu.memref_slice %arg10[%multiple_of3A, %dma_wait3A_132] : memref<10240x128xf32, #tpu.memory_space<vmem_shared>> -> memref<128x128xf32, #tpu.memory_space<vmem_shared>>
        tpu.wait_dma2 semaphore(%run_scoped3A : memref<!tpu.dma_semaphore, #tpu.memory_space<semaphore_mem>>) src(%dma_wait3A_133 : memref<128x128xf32, #tpu.memory_space<vmem_shared>>) dst(%dma_wait3A_131 : memref<128x128xf32, #tpu.memory_space<vmem>>)
        tpu.yield
      }) : () -> ()
      "tpu.region"() ({
        %run_scoped3A = tpu.sem_alloc : memref<!tpu.dma_semaphore, #tpu.memory_space<semaphore_mem>>
        %dma_start3A_114 = arith.constant 0 : i32
        %dma_start3A_115 = arith.constant 0 : i32
        %dma_start3A_116 = tpu.memref_slice %arg9[%dma_start3A_114, %dma_start3A_115] : memref<256x128xf32, #tpu.memory_space<vmem>> -> memref<128x128xf32, #tpu.memory_space<vmem>>
        %dma_start3A_117 = arith.constant 0 : i32
        %dma_start3A_118 = arith.constant 0 : i32
        %dma_start3A_119 = tpu.memref_slice %arg6[%arg0, %dma_start3A_117, %dma_start3A_118] : memref<2x10000x128xf32, #tpu.memory_space<hbm>> -> memref<1x10000x128xf32, #tpu.memory_space<hbm>>
        %dma_start3A_120 = tpu.memref_squeeze %dma_start3A_119 : memref<1x10000x128xf32, #tpu.memory_space<hbm>> -> memref<10000x128xf32, #tpu.memory_space<hbm>>
        %dma_start3A_121 = arith.constant 0 : i32
        %dma_start3A_122 = tpu.memref_slice %dma_start3A_120[%multiple_of3A, %dma_start3A_121] : memref<10000x128xf32, #tpu.memory_space<hbm>> -> memref<128x128xf32, #tpu.memory_space<hbm>>
        %dma_start3A_123 = arith.constant 0 : i32
        %dma_start3A_124 = arith.constant 0 : i32
        %dma_start3A_125 = tpu.memref_slice %arg6[%arg0, %dma_start3A_123, %dma_start3A_124] : memref<2x10000x128xf32, #tpu.memory_space<hbm>> -> memref<1x10000x128xf32, #tpu.memory_space<hbm>>
        %dma_start3A_126 = tpu.memref_squeeze %dma_start3A_125 : memref<1x10000x128xf32, #tpu.memory_space<hbm>> -> memref<10000x128xf32, #tpu.memory_space<hbm>>
        %dma_start3A_127 = arith.constant 0 : i32
        %dma_start3A_128 = tpu.memref_slice %dma_start3A_126[%multiple_of3A, %dma_start3A_127] : memref<10000x128xf32, #tpu.memory_space<hbm>> -> memref<128x128xf32, #tpu.memory_space<hbm>>
        %dma_start3A_129 = arith.constant 0 : i32
        %dma_start3A_130 = arith.constant 0 : i32
        %dma_start3A_131 = tpu.memref_slice %arg9[%dma_start3A_129, %dma_start3A_130] : memref<256x128xf32, #tpu.memory_space<vmem>> -> memref<128x128xf32, #tpu.memory_space<vmem>>
        tpu.enqueue_dma source(%dma_start3A_131 : memref<128x128xf32, #tpu.memory_space<vmem>>) target(%dma_start3A_128 : memref<128x128xf32, #tpu.memory_space<hbm>>) target_semaphore(%run_scoped3A : memref<!tpu.dma_semaphore, #tpu.memory_space<semaphore_mem>>)
        %dma_wait3A_132 = arith.constant 0 : i32
        %dma_wait3A_133 = arith.constant 0 : i32
        %dma_wait3A_134 = tpu.memref_slice %arg9[%dma_wait3A_132, %dma_wait3A_133] : memref<256x128xf32, #tpu.memory_space<vmem>> -> memref<128x128xf32, #tpu.memory_space<vmem>>
        %dma_wait3A_135 = arith.constant 0 : i32
        %dma_wait3A_136 = arith.constant 0 : i32
        %dma_wait3A_137 = tpu.memref_slice %arg6[%arg0, %dma_wait3A_135, %dma_wait3A_136] : memref<2x10000x128xf32, #tpu.memory_space<hbm>> -> memref<1x10000x128xf32, #tpu.memory_space<hbm>>
        %dma_wait3A_138 = tpu.memref_squeeze %dma_wait3A_137 : memref<1x10000x128xf32, #tpu.memory_space<hbm>> -> memref<10000x128xf32, #tpu.memory_space<hbm>>
        %dma_wait3A_139 = arith.constant 0 : i32
        %dma_wait3A_140 = tpu.memref_slice %dma_wait3A_138[%multiple_of3A, %dma_wait3A_139] : memref<10000x128xf32, #tpu.memory_space<hbm>> -> memref<128x128xf32, #tpu.memory_space<hbm>>
        %dma_wait3A_141 = arith.constant 0 : i32
        %dma_wait3A_142 = arith.constant 0 : i32
        %dma_wait3A_143 = tpu.memref_slice %arg6[%arg0, %dma_wait3A_141, %dma_wait3A_142] : memref<2x10000x128xf32, #tpu.memory_space<hbm>> -> memref<1x10000x128xf32, #tpu.memory_space<hbm>>
        %dma_wait3A_144 = tpu.memref_squeeze %dma_wait3A_143 : memref<1x10000x128xf32, #tpu.memory_space<hbm>> -> memref<10000x128xf32, #tpu.memory_space<hbm>>
        %dma_wait3A_145 = arith.constant 0 : i32
        %dma_wait3A_146 = tpu.memref_slice %dma_wait3A_144[%multiple_of3A, %dma_wait3A_145] : memref<10000x128xf32, #tpu.memory_space<hbm>> -> memref<128x128xf32, #tpu.memory_space<hbm>>
        %dma_wait3A_147 = arith.constant 0 : i32
        %dma_wait3A_148 = arith.constant 0 : i32
        %dma_wait3A_149 = tpu.memref_slice %arg9[%dma_wait3A_147, %dma_wait3A_148] : memref<256x128xf32, #tpu.memory_space<vmem>> -> memref<128x128xf32, #tpu.memory_space<vmem>>
        tpu.wait_dma2 semaphore(%run_scoped3A : memref<!tpu.dma_semaphore, #tpu.memory_space<semaphore_mem>>) src(%dma_wait3A_149 : memref<128x128xf32, #tpu.memory_space<vmem>>) dst(%dma_wait3A_146 : memref<128x128xf32, #tpu.memory_space<hbm>>)
        tpu.yield
      }) : () -> ()
    } else {
    }
    %add3A_87 = arith.constant 32 : i32
    %add3A_88 = arith.addi %arg1, %add3A_87 : i32
    %lt3A_89 = arith.constant 78 : i32
    %lt3A_90 = arith.cmpi slt, %add3A_88, %lt3A_89 : i32
    %convert_element_type3A_91 = arith.extui %lt3A_90 : i1 to i32
    %cond3A_92 = arith.constant 0 : i32
    %cond3A_93 = arith.cmpi ne, %convert_element_type3A_91, %cond3A_92 : i32
    scf.if %cond3A_93 {
      %mul3A_112 = arith.constant 128 : i32
      %mul3A_113 = arith.muli %add3A_88, %mul3A_112 : i32
      %multiple_of3A = tpu.assume_multiple %mul3A_113, 128 : i32
      "tpu.region"() ({
        %run_scoped3A = tpu.sem_alloc : memref<!tpu.dma_semaphore, #tpu.memory_space<semaphore_mem>>
        %dma_start3A_114 = arith.constant 0 : i32
        %dma_start3A_115 = arith.constant 0 : i32
        %dma_start3A_116 = tpu.memref_slice %arg9[%dma_start3A_114, %dma_start3A_115] : memref<256x128xf32, #tpu.memory_space<vmem>> -> memref<128x128xf32, #tpu.memory_space<vmem>>
        %dma_start3A_117 = arith.constant 0 : i32
        %dma_start3A_118 = tpu.memref_slice %arg10[%multiple_of3A, %dma_start3A_117] : memref<10240x128xf32, #tpu.memory_space<vmem_shared>> -> memref<128x128xf32, #tpu.memory_space<vmem_shared>>
        %dma_start3A_119 = arith.constant 0 : i32
        %dma_start3A_120 = arith.constant 0 : i32
        %dma_start3A_121 = tpu.memref_slice %arg9[%dma_start3A_119, %dma_start3A_120] : memref<256x128xf32, #tpu.memory_space<vmem>> -> memref<128x128xf32, #tpu.memory_space<vmem>>
        %dma_start3A_122 = arith.constant 0 : i32
        %dma_start3A_123 = tpu.memref_slice %arg10[%multiple_of3A, %dma_start3A_122] : memref<10240x128xf32, #tpu.memory_space<vmem_shared>> -> memref<128x128xf32, #tpu.memory_space<vmem_shared>>
        tpu.enqueue_dma source(%dma_start3A_123 : memref<128x128xf32, #tpu.memory_space<vmem_shared>>) target(%dma_start3A_121 : memref<128x128xf32, #tpu.memory_space<vmem>>) target_semaphore(%run_scoped3A : memref<!tpu.dma_semaphore, #tpu.memory_space<semaphore_mem>>)
        %dma_wait3A_124 = arith.constant 0 : i32
        %dma_wait3A_125 = arith.constant 0 : i32
        %dma_wait3A_126 = tpu.memref_slice %arg9[%dma_wait3A_124, %dma_wait3A_125] : memref<256x128xf32, #tpu.memory_space<vmem>> -> memref<128x128xf32, #tpu.memory_space<vmem>>
        %dma_wait3A_127 = arith.constant 0 : i32
        %dma_wait3A_128 = tpu.memref_slice %arg10[%multiple_of3A, %dma_wait3A_127] : memref<10240x128xf32, #tpu.memory_space<vmem_shared>> -> memref<128x128xf32, #tpu.memory_space<vmem_shared>>
        %dma_wait3A_129 = arith.constant 0 : i32
        %dma_wait3A_130 = arith.constant 0 : i32
        %dma_wait3A_131 = tpu.memref_slice %arg9[%dma_wait3A_129, %dma_wait3A_130] : memref<256x128xf32, #tpu.memory_space<vmem>> -> memref<128x128xf32, #tpu.memory_space<vmem>>
        %dma_wait3A_132 = arith.constant 0 : i32
        %dma_wait3A_133 = tpu.memref_slice %arg10[%multiple_of3A, %dma_wait3A_132] : memref<10240x128xf32, #tpu.memory_space<vmem_shared>> -> memref<128x128xf32, #tpu.memory_space<vmem_shared>>
        tpu.wait_dma2 semaphore(%run_scoped3A : memref<!tpu.dma_semaphore, #tpu.memory_space<semaphore_mem>>) src(%dma_wait3A_133 : memref<128x128xf32, #tpu.memory_space<vmem_shared>>) dst(%dma_wait3A_131 : memref<128x128xf32, #tpu.memory_space<vmem>>)
        tpu.yield
      }) : () -> ()
      "tpu.region"() ({
        %run_scoped3A = tpu.sem_alloc : memref<!tpu.dma_semaphore, #tpu.memory_space<semaphore_mem>>
        %dma_start3A_114 = arith.constant 0 : i32
        %dma_start3A_115 = arith.constant 0 : i32
        %dma_start3A_116 = tpu.memref_slice %arg9[%dma_start3A_114, %dma_start3A_115] : memref<256x128xf32, #tpu.memory_space<vmem>> -> memref<128x128xf32, #tpu.memory_space<vmem>>
        %dma_start3A_117 = arith.constant 0 : i32
        %dma_start3A_118 = arith.constant 0 : i32
        %dma_start3A_119 = tpu.memref_slice %arg6[%arg0, %dma_start3A_117, %dma_start3A_118] : memref<2x10000x128xf32, #tpu.memory_space<hbm>> -> memref<1x10000x128xf32, #tpu.memory_space<hbm>>
        %dma_start3A_120 = tpu.memref_squeeze %dma_start3A_119 : memref<1x10000x128xf32, #tpu.memory_space<hbm>> -> memref<10000x128xf32, #tpu.memory_space<hbm>>
        %dma_start3A_121 = arith.constant 0 : i32
        %dma_start3A_122 = tpu.memref_slice %dma_start3A_120[%multiple_of3A, %dma_start3A_121] : memref<10000x128xf32, #tpu.memory_space<hbm>> -> memref<128x128xf32, #tpu.memory_space<hbm>>
        %dma_start3A_123 = arith.constant 0 : i32
        %dma_start3A_124 = arith.constant 0 : i32
        %dma_start3A_125 = tpu.memref_slice %arg6[%arg0, %dma_start3A_123, %dma_start3A_124] : memref<2x10000x128xf32, #tpu.memory_space<hbm>> -> memref<1x10000x128xf32, #tpu.memory_space<hbm>>
        %dma_start3A_126 = tpu.memref_squeeze %dma_start3A_125 : memref<1x10000x128xf32, #tpu.memory_space<hbm>> -> memref<10000x128xf32, #tpu.memory_space<hbm>>
        %dma_start3A_127 = arith.constant 0 : i32
        %dma_start3A_128 = tpu.memref_slice %dma_start3A_126[%multiple_of3A, %dma_start3A_127] : memref<10000x128xf32, #tpu.memory_space<hbm>> -> memref<128x128xf32, #tpu.memory_space<hbm>>
        %dma_start3A_129 = arith.constant 0 : i32
        %dma_start3A_130 = arith.constant 0 : i32
        %dma_start3A_131 = tpu.memref_slice %arg9[%dma_start3A_129, %dma_start3A_130] : memref<256x128xf32, #tpu.memory_space<vmem>> -> memref<128x128xf32, #tpu.memory_space<vmem>>
        tpu.enqueue_dma source(%dma_start3A_131 : memref<128x128xf32, #tpu.memory_space<vmem>>) target(%dma_start3A_128 : memref<128x128xf32, #tpu.memory_space<hbm>>) target_semaphore(%run_scoped3A : memref<!tpu.dma_semaphore, #tpu.memory_space<semaphore_mem>>)
        %dma_wait3A_132 = arith.constant 0 : i32
        %dma_wait3A_133 = arith.constant 0 : i32
        %dma_wait3A_134 = tpu.memref_slice %arg9[%dma_wait3A_132, %dma_wait3A_133] : memref<256x128xf32, #tpu.memory_space<vmem>> -> memref<128x128xf32, #tpu.memory_space<vmem>>
        %dma_wait3A_135 = arith.constant 0 : i32
        %dma_wait3A_136 = arith.constant 0 : i32
        %dma_wait3A_137 = tpu.memref_slice %arg6[%arg0, %dma_wait3A_135, %dma_wait3A_136] : memref<2x10000x128xf32, #tpu.memory_space<hbm>> -> memref<1x10000x128xf32, #tpu.memory_space<hbm>>
        %dma_wait3A_138 = tpu.memref_squeeze %dma_wait3A_137 : memref<1x10000x128xf32, #tpu.memory_space<hbm>> -> memref<10000x128xf32, #tpu.memory_space<hbm>>
        %dma_wait3A_139 = arith.constant 0 : i32
        %dma_wait3A_140 = tpu.memref_slice %dma_wait3A_138[%multiple_of3A, %dma_wait3A_139] : memref<10000x128xf32, #tpu.memory_space<hbm>> -> memref<128x128xf32, #tpu.memory_space<hbm>>
        %dma_wait3A_141 = arith.constant 0 : i32
        %dma_wait3A_142 = arith.constant 0 : i32
        %dma_wait3A_143 = tpu.memref_slice %arg6[%arg0, %dma_wait3A_141, %dma_wait3A_142] : memref<2x10000x128xf32, #tpu.memory_space<hbm>> -> memref<1x10000x128xf32, #tpu.memory_space<hbm>>
        %dma_wait3A_144 = tpu.memref_squeeze %dma_wait3A_143 : memref<1x10000x128xf32, #tpu.memory_space<hbm>> -> memref<10000x128xf32, #tpu.memory_space<hbm>>
        %dma_wait3A_145 = arith.constant 0 : i32
        %dma_wait3A_146 = tpu.memref_slice %dma_wait3A_144[%multiple_of3A, %dma_wait3A_145] : memref<10000x128xf32, #tpu.memory_space<hbm>> -> memref<128x128xf32, #tpu.memory_space<hbm>>
        %dma_wait3A_147 = arith.constant 0 : i32
        %dma_wait3A_148 = arith.constant 0 : i32
        %dma_wait3A_149 = tpu.memref_slice %arg9[%dma_wait3A_147, %dma_wait3A_148] : memref<256x128xf32, #tpu.memory_space<vmem>> -> memref<128x128xf32, #tpu.memory_space<vmem>>
        tpu.wait_dma2 semaphore(%run_scoped3A : memref<!tpu.dma_semaphore, #tpu.memory_space<semaphore_mem>>) src(%dma_wait3A_149 : memref<128x128xf32, #tpu.memory_space<vmem>>) dst(%dma_wait3A_146 : memref<128x128xf32, #tpu.memory_space<hbm>>)
        tpu.yield
      }) : () -> ()
    } else {
    }
    %add3A_94 = arith.constant 48 : i32
    %add3A_95 = arith.addi %arg1, %add3A_94 : i32
    %lt3A_96 = arith.constant 78 : i32
    %lt3A_97 = arith.cmpi slt, %add3A_95, %lt3A_96 : i32
    %convert_element_type3A_98 = arith.extui %lt3A_97 : i1 to i32
    %cond3A_99 = arith.constant 0 : i32
    %cond3A_100 = arith.cmpi ne, %convert_element_type3A_98, %cond3A_99 : i32
    scf.if %cond3A_100 {
      %mul3A_112 = arith.constant 128 : i32
      %mul3A_113 = arith.muli %add3A_95, %mul3A_112 : i32
      %multiple_of3A = tpu.assume_multiple %mul3A_113, 128 : i32
      "tpu.region"() ({
        %run_scoped3A = tpu.sem_alloc : memref<!tpu.dma_semaphore, #tpu.memory_space<semaphore_mem>>
        %dma_start3A_114 = arith.constant 0 : i32
        %dma_start3A_115 = arith.constant 0 : i32
        %dma_start3A_116 = tpu.memref_slice %arg9[%dma_start3A_114, %dma_start3A_115] : memref<256x128xf32, #tpu.memory_space<vmem>> -> memref<128x128xf32, #tpu.memory_space<vmem>>
        %dma_start3A_117 = arith.constant 0 : i32
        %dma_start3A_118 = tpu.memref_slice %arg10[%multiple_of3A, %dma_start3A_117] : memref<10240x128xf32, #tpu.memory_space<vmem_shared>> -> memref<128x128xf32, #tpu.memory_space<vmem_shared>>
        %dma_start3A_119 = arith.constant 0 : i32
        %dma_start3A_120 = arith.constant 0 : i32
        %dma_start3A_121 = tpu.memref_slice %arg9[%dma_start3A_119, %dma_start3A_120] : memref<256x128xf32, #tpu.memory_space<vmem>> -> memref<128x128xf32, #tpu.memory_space<vmem>>
        %dma_start3A_122 = arith.constant 0 : i32
        %dma_start3A_123 = tpu.memref_slice %arg10[%multiple_of3A, %dma_start3A_122] : memref<10240x128xf32, #tpu.memory_space<vmem_shared>> -> memref<128x128xf32, #tpu.memory_space<vmem_shared>>
        tpu.enqueue_dma source(%dma_start3A_123 : memref<128x128xf32, #tpu.memory_space<vmem_shared>>) target(%dma_start3A_121 : memref<128x128xf32, #tpu.memory_space<vmem>>) target_semaphore(%run_scoped3A : memref<!tpu.dma_semaphore, #tpu.memory_space<semaphore_mem>>)
        %dma_wait3A_124 = arith.constant 0 : i32
        %dma_wait3A_125 = arith.constant 0 : i32
        %dma_wait3A_126 = tpu.memref_slice %arg9[%dma_wait3A_124, %dma_wait3A_125] : memref<256x128xf32, #tpu.memory_space<vmem>> -> memref<128x128xf32, #tpu.memory_space<vmem>>
        %dma_wait3A_127 = arith.constant 0 : i32
        %dma_wait3A_128 = tpu.memref_slice %arg10[%multiple_of3A, %dma_wait3A_127] : memref<10240x128xf32, #tpu.memory_space<vmem_shared>> -> memref<128x128xf32, #tpu.memory_space<vmem_shared>>
        %dma_wait3A_129 = arith.constant 0 : i32
        %dma_wait3A_130 = arith.constant 0 : i32
        %dma_wait3A_131 = tpu.memref_slice %arg9[%dma_wait3A_129, %dma_wait3A_130] : memref<256x128xf32, #tpu.memory_space<vmem>> -> memref<128x128xf32, #tpu.memory_space<vmem>>
        %dma_wait3A_132 = arith.constant 0 : i32
        %dma_wait3A_133 = tpu.memref_slice %arg10[%multiple_of3A, %dma_wait3A_132] : memref<10240x128xf32, #tpu.memory_space<vmem_shared>> -> memref<128x128xf32, #tpu.memory_space<vmem_shared>>
        tpu.wait_dma2 semaphore(%run_scoped3A : memref<!tpu.dma_semaphore, #tpu.memory_space<semaphore_mem>>) src(%dma_wait3A_133 : memref<128x128xf32, #tpu.memory_space<vmem_shared>>) dst(%dma_wait3A_131 : memref<128x128xf32, #tpu.memory_space<vmem>>)
        tpu.yield
      }) : () -> ()
      "tpu.region"() ({
        %run_scoped3A = tpu.sem_alloc : memref<!tpu.dma_semaphore, #tpu.memory_space<semaphore_mem>>
        %dma_start3A_114 = arith.constant 0 : i32
        %dma_start3A_115 = arith.constant 0 : i32
        %dma_start3A_116 = tpu.memref_slice %arg9[%dma_start3A_114, %dma_start3A_115] : memref<256x128xf32, #tpu.memory_space<vmem>> -> memref<128x128xf32, #tpu.memory_space<vmem>>
        %dma_start3A_117 = arith.constant 0 : i32
        %dma_start3A_118 = arith.constant 0 : i32
        %dma_start3A_119 = tpu.memref_slice %arg6[%arg0, %dma_start3A_117, %dma_start3A_118] : memref<2x10000x128xf32, #tpu.memory_space<hbm>> -> memref<1x10000x128xf32, #tpu.memory_space<hbm>>
        %dma_start3A_120 = tpu.memref_squeeze %dma_start3A_119 : memref<1x10000x128xf32, #tpu.memory_space<hbm>> -> memref<10000x128xf32, #tpu.memory_space<hbm>>
        %dma_start3A_121 = arith.constant 0 : i32
        %dma_start3A_122 = tpu.memref_slice %dma_start3A_120[%multiple_of3A, %dma_start3A_121] : memref<10000x128xf32, #tpu.memory_space<hbm>> -> memref<128x128xf32, #tpu.memory_space<hbm>>
        %dma_start3A_123 = arith.constant 0 : i32
        %dma_start3A_124 = arith.constant 0 : i32
        %dma_start3A_125 = tpu.memref_slice %arg6[%arg0, %dma_start3A_123, %dma_start3A_124] : memref<2x10000x128xf32, #tpu.memory_space<hbm>> -> memref<1x10000x128xf32, #tpu.memory_space<hbm>>
        %dma_start3A_126 = tpu.memref_squeeze %dma_start3A_125 : memref<1x10000x128xf32, #tpu.memory_space<hbm>> -> memref<10000x128xf32, #tpu.memory_space<hbm>>
        %dma_start3A_127 = arith.constant 0 : i32
        %dma_start3A_128 = tpu.memref_slice %dma_start3A_126[%multiple_of3A, %dma_start3A_127] : memref<10000x128xf32, #tpu.memory_space<hbm>> -> memref<128x128xf32, #tpu.memory_space<hbm>>
        %dma_start3A_129 = arith.constant 0 : i32
        %dma_start3A_130 = arith.constant 0 : i32
        %dma_start3A_131 = tpu.memref_slice %arg9[%dma_start3A_129, %dma_start3A_130] : memref<256x128xf32, #tpu.memory_space<vmem>> -> memref<128x128xf32, #tpu.memory_space<vmem>>
        tpu.enqueue_dma source(%dma_start3A_131 : memref<128x128xf32, #tpu.memory_space<vmem>>) target(%dma_start3A_128 : memref<128x128xf32, #tpu.memory_space<hbm>>) target_semaphore(%run_scoped3A : memref<!tpu.dma_semaphore, #tpu.memory_space<semaphore_mem>>)
        %dma_wait3A_132 = arith.constant 0 : i32
        %dma_wait3A_133 = arith.constant 0 : i32
        %dma_wait3A_134 = tpu.memref_slice %arg9[%dma_wait3A_132, %dma_wait3A_133] : memref<256x128xf32, #tpu.memory_space<vmem>> -> memref<128x128xf32, #tpu.memory_space<vmem>>
        %dma_wait3A_135 = arith.constant 0 : i32
        %dma_wait3A_136 = arith.constant 0 : i32
        %dma_wait3A_137 = tpu.memref_slice %arg6[%arg0, %dma_wait3A_135, %dma_wait3A_136] : memref<2x10000x128xf32, #tpu.memory_space<hbm>> -> memref<1x10000x128xf32, #tpu.memory_space<hbm>>
        %dma_wait3A_138 = tpu.memref_squeeze %dma_wait3A_137 : memref<1x10000x128xf32, #tpu.memory_space<hbm>> -> memref<10000x128xf32, #tpu.memory_space<hbm>>
        %dma_wait3A_139 = arith.constant 0 : i32
        %dma_wait3A_140 = tpu.memref_slice %dma_wait3A_138[%multiple_of3A, %dma_wait3A_139] : memref<10000x128xf32, #tpu.memory_space<hbm>> -> memref<128x128xf32, #tpu.memory_space<hbm>>
        %dma_wait3A_141 = arith.constant 0 : i32
        %dma_wait3A_142 = arith.constant 0 : i32
        %dma_wait3A_143 = tpu.memref_slice %arg6[%arg0, %dma_wait3A_141, %dma_wait3A_142] : memref<2x10000x128xf32, #tpu.memory_space<hbm>> -> memref<1x10000x128xf32, #tpu.memory_space<hbm>>
        %dma_wait3A_144 = tpu.memref_squeeze %dma_wait3A_143 : memref<1x10000x128xf32, #tpu.memory_space<hbm>> -> memref<10000x128xf32, #tpu.memory_space<hbm>>
        %dma_wait3A_145 = arith.constant 0 : i32
        %dma_wait3A_146 = tpu.memref_slice %dma_wait3A_144[%multiple_of3A, %dma_wait3A_145] : memref<10000x128xf32, #tpu.memory_space<hbm>> -> memref<128x128xf32, #tpu.memory_space<hbm>>
        %dma_wait3A_147 = arith.constant 0 : i32
        %dma_wait3A_148 = arith.constant 0 : i32
        %dma_wait3A_149 = tpu.memref_slice %arg9[%dma_wait3A_147, %dma_wait3A_148] : memref<256x128xf32, #tpu.memory_space<vmem>> -> memref<128x128xf32, #tpu.memory_space<vmem>>
        tpu.wait_dma2 semaphore(%run_scoped3A : memref<!tpu.dma_semaphore, #tpu.memory_space<semaphore_mem>>) src(%dma_wait3A_149 : memref<128x128xf32, #tpu.memory_space<vmem>>) dst(%dma_wait3A_146 : memref<128x128xf32, #tpu.memory_space<hbm>>)
        tpu.yield
      }) : () -> ()
    } else {
    }
    %add3A_101 = arith.constant 64 : i32
    %add3A_102 = arith.addi %arg1, %add3A_101 : i32
    %lt3A_103 = arith.constant 78 : i32
    %lt3A_104 = arith.cmpi slt, %add3A_102, %lt3A_103 : i32
    %convert_element_type3A_105 = arith.extui %lt3A_104 : i1 to i32
    %cond3A_106 = arith.constant 0 : i32
    %cond3A_107 = arith.cmpi ne, %convert_element_type3A_105, %cond3A_106 : i32
    scf.if %cond3A_107 {
      %mul3A_112 = arith.constant 128 : i32
      %mul3A_113 = arith.muli %add3A_102, %mul3A_112 : i32
      %multiple_of3A = tpu.assume_multiple %mul3A_113, 128 : i32
      "tpu.region"() ({
        %run_scoped3A = tpu.sem_alloc : memref<!tpu.dma_semaphore, #tpu.memory_space<semaphore_mem>>
        %dma_start3A_114 = arith.constant 0 : i32
        %dma_start3A_115 = arith.constant 0 : i32
        %dma_start3A_116 = tpu.memref_slice %arg9[%dma_start3A_114, %dma_start3A_115] : memref<256x128xf32, #tpu.memory_space<vmem>> -> memref<128x128xf32, #tpu.memory_space<vmem>>
        %dma_start3A_117 = arith.constant 0 : i32
        %dma_start3A_118 = tpu.memref_slice %arg10[%multiple_of3A, %dma_start3A_117] : memref<10240x128xf32, #tpu.memory_space<vmem_shared>> -> memref<128x128xf32, #tpu.memory_space<vmem_shared>>
        %dma_start3A_119 = arith.constant 0 : i32
        %dma_start3A_120 = arith.constant 0 : i32
        %dma_start3A_121 = tpu.memref_slice %arg9[%dma_start3A_119, %dma_start3A_120] : memref<256x128xf32, #tpu.memory_space<vmem>> -> memref<128x128xf32, #tpu.memory_space<vmem>>
        %dma_start3A_122 = arith.constant 0 : i32
        %dma_start3A_123 = tpu.memref_slice %arg10[%multiple_of3A, %dma_start3A_122] : memref<10240x128xf32, #tpu.memory_space<vmem_shared>> -> memref<128x128xf32, #tpu.memory_space<vmem_shared>>
        tpu.enqueue_dma source(%dma_start3A_123 : memref<128x128xf32, #tpu.memory_space<vmem_shared>>) target(%dma_start3A_121 : memref<128x128xf32, #tpu.memory_space<vmem>>) target_semaphore(%run_scoped3A : memref<!tpu.dma_semaphore, #tpu.memory_space<semaphore_mem>>)
        %dma_wait3A_124 = arith.constant 0 : i32
        %dma_wait3A_125 = arith.constant 0 : i32
        %dma_wait3A_126 = tpu.memref_slice %arg9[%dma_wait3A_124, %dma_wait3A_125] : memref<256x128xf32, #tpu.memory_space<vmem>> -> memref<128x128xf32, #tpu.memory_space<vmem>>
        %dma_wait3A_127 = arith.constant 0 : i32
        %dma_wait3A_128 = tpu.memref_slice %arg10[%multiple_of3A, %dma_wait3A_127] : memref<10240x128xf32, #tpu.memory_space<vmem_shared>> -> memref<128x128xf32, #tpu.memory_space<vmem_shared>>
        %dma_wait3A_129 = arith.constant 0 : i32
        %dma_wait3A_130 = arith.constant 0 : i32
        %dma_wait3A_131 = tpu.memref_slice %arg9[%dma_wait3A_129, %dma_wait3A_130] : memref<256x128xf32, #tpu.memory_space<vmem>> -> memref<128x128xf32, #tpu.memory_space<vmem>>
        %dma_wait3A_132 = arith.constant 0 : i32
        %dma_wait3A_133 = tpu.memref_slice %arg10[%multiple_of3A, %dma_wait3A_132] : memref<10240x128xf32, #tpu.memory_space<vmem_shared>> -> memref<128x128xf32, #tpu.memory_space<vmem_shared>>
        tpu.wait_dma2 semaphore(%run_scoped3A : memref<!tpu.dma_semaphore, #tpu.memory_space<semaphore_mem>>) src(%dma_wait3A_133 : memref<128x128xf32, #tpu.memory_space<vmem_shared>>) dst(%dma_wait3A_131 : memref<128x128xf32, #tpu.memory_space<vmem>>)
        tpu.yield
      }) : () -> ()
      "tpu.region"() ({
        %run_scoped3A = tpu.sem_alloc : memref<!tpu.dma_semaphore, #tpu.memory_space<semaphore_mem>>
        %dma_start3A_114 = arith.constant 0 : i32
        %dma_start3A_115 = arith.constant 0 : i32
        %dma_start3A_116 = tpu.memref_slice %arg9[%dma_start3A_114, %dma_start3A_115] : memref<256x128xf32, #tpu.memory_space<vmem>> -> memref<128x128xf32, #tpu.memory_space<vmem>>
        %dma_start3A_117 = arith.constant 0 : i32
        %dma_start3A_118 = arith.constant 0 : i32
        %dma_start3A_119 = tpu.memref_slice %arg6[%arg0, %dma_start3A_117, %dma_start3A_118] : memref<2x10000x128xf32, #tpu.memory_space<hbm>> -> memref<1x10000x128xf32, #tpu.memory_space<hbm>>
        %dma_start3A_120 = tpu.memref_squeeze %dma_start3A_119 : memref<1x10000x128xf32, #tpu.memory_space<hbm>> -> memref<10000x128xf32, #tpu.memory_space<hbm>>
        %dma_start3A_121 = arith.constant 0 : i32
        %dma_start3A_122 = tpu.memref_slice %dma_start3A_120[%multiple_of3A, %dma_start3A_121] : memref<10000x128xf32, #tpu.memory_space<hbm>> -> memref<128x128xf32, #tpu.memory_space<hbm>>
        %dma_start3A_123 = arith.constant 0 : i32
        %dma_start3A_124 = arith.constant 0 : i32
        %dma_start3A_125 = tpu.memref_slice %arg6[%arg0, %dma_start3A_123, %dma_start3A_124] : memref<2x10000x128xf32, #tpu.memory_space<hbm>> -> memref<1x10000x128xf32, #tpu.memory_space<hbm>>
        %dma_start3A_126 = tpu.memref_squeeze %dma_start3A_125 : memref<1x10000x128xf32, #tpu.memory_space<hbm>> -> memref<10000x128xf32, #tpu.memory_space<hbm>>
        %dma_start3A_127 = arith.constant 0 : i32
        %dma_start3A_128 = tpu.memref_slice %dma_start3A_126[%multiple_of3A, %dma_start3A_127] : memref<10000x128xf32, #tpu.memory_space<hbm>> -> memref<128x128xf32, #tpu.memory_space<hbm>>
        %dma_start3A_129 = arith.constant 0 : i32
        %dma_start3A_130 = arith.constant 0 : i32
        %dma_start3A_131 = tpu.memref_slice %arg9[%dma_start3A_129, %dma_start3A_130] : memref<256x128xf32, #tpu.memory_space<vmem>> -> memref<128x128xf32, #tpu.memory_space<vmem>>
        tpu.enqueue_dma source(%dma_start3A_131 : memref<128x128xf32, #tpu.memory_space<vmem>>) target(%dma_start3A_128 : memref<128x128xf32, #tpu.memory_space<hbm>>) target_semaphore(%run_scoped3A : memref<!tpu.dma_semaphore, #tpu.memory_space<semaphore_mem>>)
        %dma_wait3A_132 = arith.constant 0 : i32
        %dma_wait3A_133 = arith.constant 0 : i32
        %dma_wait3A_134 = tpu.memref_slice %arg9[%dma_wait3A_132, %dma_wait3A_133] : memref<256x128xf32, #tpu.memory_space<vmem>> -> memref<128x128xf32, #tpu.memory_space<vmem>>
        %dma_wait3A_135 = arith.constant 0 : i32
        %dma_wait3A_136 = arith.constant 0 : i32
        %dma_wait3A_137 = tpu.memref_slice %arg6[%arg0, %dma_wait3A_135, %dma_wait3A_136] : memref<2x10000x128xf32, #tpu.memory_space<hbm>> -> memref<1x10000x128xf32, #tpu.memory_space<hbm>>
        %dma_wait3A_138 = tpu.memref_squeeze %dma_wait3A_137 : memref<1x10000x128xf32, #tpu.memory_space<hbm>> -> memref<10000x128xf32, #tpu.memory_space<hbm>>
        %dma_wait3A_139 = arith.constant 0 : i32
        %dma_wait3A_140 = tpu.memref_slice %dma_wait3A_138[%multiple_of3A, %dma_wait3A_139] : memref<10000x128xf32, #tpu.memory_space<hbm>> -> memref<128x128xf32, #tpu.memory_space<hbm>>
        %dma_wait3A_141 = arith.constant 0 : i32
        %dma_wait3A_142 = arith.constant 0 : i32
        %dma_wait3A_143 = tpu.memref_slice %arg6[%arg0, %dma_wait3A_141, %dma_wait3A_142] : memref<2x10000x128xf32, #tpu.memory_space<hbm>> -> memref<1x10000x128xf32, #tpu.memory_space<hbm>>
        %dma_wait3A_144 = tpu.memref_squeeze %dma_wait3A_143 : memref<1x10000x128xf32, #tpu.memory_space<hbm>> -> memref<10000x128xf32, #tpu.memory_space<hbm>>
        %dma_wait3A_145 = arith.constant 0 : i32
        %dma_wait3A_146 = tpu.memref_slice %dma_wait3A_144[%multiple_of3A, %dma_wait3A_145] : memref<10000x128xf32, #tpu.memory_space<hbm>> -> memref<128x128xf32, #tpu.memory_space<hbm>>
        %dma_wait3A_147 = arith.constant 0 : i32
        %dma_wait3A_148 = arith.constant 0 : i32
        %dma_wait3A_149 = tpu.memref_slice %arg9[%dma_wait3A_147, %dma_wait3A_148] : memref<256x128xf32, #tpu.memory_space<vmem>> -> memref<128x128xf32, #tpu.memory_space<vmem>>
        tpu.wait_dma2 semaphore(%run_scoped3A : memref<!tpu.dma_semaphore, #tpu.memory_space<semaphore_mem>>) src(%dma_wait3A_149 : memref<128x128xf32, #tpu.memory_space<vmem>>) dst(%dma_wait3A_146 : memref<128x128xf32, #tpu.memory_space<hbm>>)
        tpu.yield
      }) : () -> ()
    } else {
    }
    %eq3A = arith.constant 15 : i32
    %eq3A_108 = arith.cmpi eq, %arg1, %eq3A : i32
    %convert_element_type3A_109 = arith.extui %eq3A_108 : i1 to i32
    %cond3A_110 = arith.constant 0 : i32
    %cond3A_111 = arith.cmpi ne, %convert_element_type3A_109, %cond3A_110 : i32
    scf.if %cond3A_111 {
      "tpu.region"() ({
        %run_scoped3A = tpu.sem_alloc : memref<!tpu.dma_semaphore, #tpu.memory_space<semaphore_mem>>
        %dma_start3A_112 = arith.constant 0 : i32
        %dma_start3A_113 = arith.constant 0 : i32
        %dma_start3A_114 = tpu.memref_slice %arg9[%dma_start3A_112, %dma_start3A_113] : memref<256x128xf32, #tpu.memory_space<vmem>> -> memref<128x128xf32, #tpu.memory_space<vmem>>
        %dma_start3A_115 = arith.constant 0 : i32
        %dma_start3A_116 = arith.constant 0 : i32
        %dma_start3A_117 = tpu.memref_slice %dma_start3A_114[%dma_start3A_115, %dma_start3A_116] : memref<128x128xf32, #tpu.memory_space<vmem>> -> memref<16x128xf32, #tpu.memory_space<vmem>>
        %dma_start3A_118 = arith.constant 9984 : i32
        %dma_start3A_119 = arith.constant 0 : i32
        %dma_start3A_120 = tpu.memref_slice %arg10[%dma_start3A_118, %dma_start3A_119] : memref<10240x128xf32, #tpu.memory_space<vmem_shared>> -> memref<16x128xf32, #tpu.memory_space<vmem_shared>>
        %dma_start3A_121 = arith.constant 0 : i32
        %dma_start3A_122 = arith.constant 0 : i32
        %dma_start3A_123 = tpu.memref_slice %arg9[%dma_start3A_121, %dma_start3A_122] : memref<256x128xf32, #tpu.memory_space<vmem>> -> memref<128x128xf32, #tpu.memory_space<vmem>>
        %dma_start3A_124 = arith.constant 0 : i32
        %dma_start3A_125 = arith.constant 0 : i32
        %dma_start3A_126 = tpu.memref_slice %dma_start3A_123[%dma_start3A_124, %dma_start3A_125] : memref<128x128xf32, #tpu.memory_space<vmem>> -> memref<16x128xf32, #tpu.memory_space<vmem>>
        %dma_start3A_127 = arith.constant 9984 : i32
        %dma_start3A_128 = arith.constant 0 : i32
        %dma_start3A_129 = tpu.memref_slice %arg10[%dma_start3A_127, %dma_start3A_128] : memref<10240x128xf32, #tpu.memory_space<vmem_shared>> -> memref<16x128xf32, #tpu.memory_space<vmem_shared>>
        tpu.enqueue_dma source(%dma_start3A_129 : memref<16x128xf32, #tpu.memory_space<vmem_shared>>) target(%dma_start3A_126 : memref<16x128xf32, #tpu.memory_space<vmem>>) target_semaphore(%run_scoped3A : memref<!tpu.dma_semaphore, #tpu.memory_space<semaphore_mem>>)
        %dma_wait3A_130 = arith.constant 0 : i32
        %dma_wait3A_131 = arith.constant 0 : i32
        %dma_wait3A_132 = tpu.memref_slice %arg9[%dma_wait3A_130, %dma_wait3A_131] : memref<256x128xf32, #tpu.memory_space<vmem>> -> memref<128x128xf32, #tpu.memory_space<vmem>>
        %dma_wait3A_133 = arith.constant 0 : i32
        %dma_wait3A_134 = arith.constant 0 : i32
        %dma_wait3A_135 = tpu.memref_slice %dma_wait3A_132[%dma_wait3A_133, %dma_wait3A_134] : memref<128x128xf32, #tpu.memory_space<vmem>> -> memref<16x128xf32, #tpu.memory_space<vmem>>
        %dma_wait3A_136 = arith.constant 9984 : i32
        %dma_wait3A_137 = arith.constant 0 : i32
        %dma_wait3A_138 = tpu.memref_slice %arg10[%dma_wait3A_136, %dma_wait3A_137] : memref<10240x128xf32, #tpu.memory_space<vmem_shared>> -> memref<16x128xf32, #tpu.memory_space<vmem_shared>>
        %dma_wait3A_139 = arith.constant 0 : i32
        %dma_wait3A_140 = arith.constant 0 : i32
        %dma_wait3A_141 = tpu.memref_slice %arg9[%dma_wait3A_139, %dma_wait3A_140] : memref<256x128xf32, #tpu.memory_space<vmem>> -> memref<128x128xf32, #tpu.memory_space<vmem>>
        %dma_wait3A_142 = arith.constant 0 : i32
        %dma_wait3A_143 = arith.constant 0 : i32
        %dma_wait3A_144 = tpu.memref_slice %dma_wait3A_141[%dma_wait3A_142, %dma_wait3A_143] : memref<128x128xf32, #tpu.memory_space<vmem>> -> memref<16x128xf32, #tpu.memory_space<vmem>>
        %dma_wait3A_145 = arith.constant 9984 : i32
        %dma_wait3A_146 = arith.constant 0 : i32
        %dma_wait3A_147 = tpu.memref_slice %arg10[%dma_wait3A_145, %dma_wait3A_146] : memref<10240x128xf32, #tpu.memory_space<vmem_shared>> -> memref<16x128xf32, #tpu.memory_space<vmem_shared>>
        tpu.wait_dma2 semaphore(%run_scoped3A : memref<!tpu.dma_semaphore, #tpu.memory_space<semaphore_mem>>) src(%dma_wait3A_147 : memref<16x128xf32, #tpu.memory_space<vmem_shared>>) dst(%dma_wait3A_144 : memref<16x128xf32, #tpu.memory_space<vmem>>)
        tpu.yield
      }) : () -> ()
      "tpu.region"() ({
        %run_scoped3A = tpu.sem_alloc : memref<!tpu.dma_semaphore, #tpu.memory_space<semaphore_mem>>
        %dma_start3A_112 = arith.constant 0 : i32
        %dma_start3A_113 = arith.constant 0 : i32
        %dma_start3A_114 = tpu.memref_slice %arg9[%dma_start3A_112, %dma_start3A_113] : memref<256x128xf32, #tpu.memory_space<vmem>> -> memref<128x128xf32, #tpu.memory_space<vmem>>
        %dma_start3A_115 = arith.constant 0 : i32
        %dma_start3A_116 = arith.constant 0 : i32
        %dma_start3A_117 = tpu.memref_slice %dma_start3A_114[%dma_start3A_115, %dma_start3A_116] : memref<128x128xf32, #tpu.memory_space<vmem>> -> memref<16x128xf32, #tpu.memory_space<vmem>>
        %dma_start3A_118 = arith.constant 0 : i32
        %dma_start3A_119 = arith.constant 0 : i32
        %dma_start3A_120 = tpu.memref_slice %arg6[%arg0, %dma_start3A_118, %dma_start3A_119] : memref<2x10000x128xf32, #tpu.memory_space<hbm>> -> memref<1x10000x128xf32, #tpu.memory_space<hbm>>
        %dma_start3A_121 = tpu.memref_squeeze %dma_start3A_120 : memref<1x10000x128xf32, #tpu.memory_space<hbm>> -> memref<10000x128xf32, #tpu.memory_space<hbm>>
        %dma_start3A_122 = arith.constant 9984 : i32
        %dma_start3A_123 = arith.constant 0 : i32
        %dma_start3A_124 = tpu.memref_slice %dma_start3A_121[%dma_start3A_122, %dma_start3A_123] : memref<10000x128xf32, #tpu.memory_space<hbm>> -> memref<16x128xf32, #tpu.memory_space<hbm>>
        %dma_start3A_125 = arith.constant 0 : i32
        %dma_start3A_126 = arith.constant 0 : i32
        %dma_start3A_127 = tpu.memref_slice %arg6[%arg0, %dma_start3A_125, %dma_start3A_126] : memref<2x10000x128xf32, #tpu.memory_space<hbm>> -> memref<1x10000x128xf32, #tpu.memory_space<hbm>>
        %dma_start3A_128 = tpu.memref_squeeze %dma_start3A_127 : memref<1x10000x128xf32, #tpu.memory_space<hbm>> -> memref<10000x128xf32, #tpu.memory_space<hbm>>
        %dma_start3A_129 = arith.constant 9984 : i32
        %dma_start3A_130 = arith.constant 0 : i32
        %dma_start3A_131 = tpu.memref_slice %dma_start3A_128[%dma_start3A_129, %dma_start3A_130] : memref<10000x128xf32, #tpu.memory_space<hbm>> -> memref<16x128xf32, #tpu.memory_space<hbm>>
        %dma_start3A_132 = arith.constant 0 : i32
        %dma_start3A_133 = arith.constant 0 : i32
        %dma_start3A_134 = tpu.memref_slice %arg9[%dma_start3A_132, %dma_start3A_133] : memref<256x128xf32, #tpu.memory_space<vmem>> -> memref<128x128xf32, #tpu.memory_space<vmem>>
        %dma_start3A_135 = arith.constant 0 : i32
        %dma_start3A_136 = arith.constant 0 : i32
        %dma_start3A_137 = tpu.memref_slice %dma_start3A_134[%dma_start3A_135, %dma_start3A_136] : memref<128x128xf32, #tpu.memory_space<vmem>> -> memref<16x128xf32, #tpu.memory_space<vmem>>
        tpu.enqueue_dma source(%dma_start3A_137 : memref<16x128xf32, #tpu.memory_space<vmem>>) target(%dma_start3A_131 : memref<16x128xf32, #tpu.memory_space<hbm>>) target_semaphore(%run_scoped3A : memref<!tpu.dma_semaphore, #tpu.memory_space<semaphore_mem>>)
        %dma_wait3A_138 = arith.constant 0 : i32
        %dma_wait3A_139 = arith.constant 0 : i32
        %dma_wait3A_140 = tpu.memref_slice %arg9[%dma_wait3A_138, %dma_wait3A_139] : memref<256x128xf32, #tpu.memory_space<vmem>> -> memref<128x128xf32, #tpu.memory_space<vmem>>
        %dma_wait3A_141 = arith.constant 0 : i32
        %dma_wait3A_142 = arith.constant 0 : i32
        %dma_wait3A_143 = tpu.memref_slice %dma_wait3A_140[%dma_wait3A_141, %dma_wait3A_142] : memref<128x128xf32, #tpu.memory_space<vmem>> -> memref<16x128xf32, #tpu.memory_space<vmem>>
        %dma_wait3A_144 = arith.constant 0 : i32
        %dma_wait3A_145 = arith.constant 0 : i32
        %dma_wait3A_146 = tpu.memref_slice %arg6[%arg0, %dma_wait3A_144, %dma_wait3A_145] : memref<2x10000x128xf32, #tpu.memory_space<hbm>> -> memref<1x10000x128xf32, #tpu.memory_space<hbm>>
        %dma_wait3A_147 = tpu.memref_squeeze %dma_wait3A_146 : memref<1x10000x128xf32, #tpu.memory_space<hbm>> -> memref<10000x128xf32, #tpu.memory_space<hbm>>
        %dma_wait3A_148 = arith.constant 9984 : i32
        %dma_wait3A_149 = arith.constant 0 : i32
        %dma_wait3A_150 = tpu.memref_slice %dma_wait3A_147[%dma_wait3A_148, %dma_wait3A_149] : memref<10000x128xf32, #tpu.memory_space<hbm>> -> memref<16x128xf32, #tpu.memory_space<hbm>>
        %dma_wait3A_151 = arith.constant 0 : i32
        %dma_wait3A_152 = arith.constant 0 : i32
        %dma_wait3A_153 = tpu.memref_slice %arg6[%arg0, %dma_wait3A_151, %dma_wait3A_152] : memref<2x10000x128xf32, #tpu.memory_space<hbm>> -> memref<1x10000x128xf32, #tpu.memory_space<hbm>>
        %dma_wait3A_154 = tpu.memref_squeeze %dma_wait3A_153 : memref<1x10000x128xf32, #tpu.memory_space<hbm>> -> memref<10000x128xf32, #tpu.memory_space<hbm>>
        %dma_wait3A_155 = arith.constant 9984 : i32
        %dma_wait3A_156 = arith.constant 0 : i32
        %dma_wait3A_157 = tpu.memref_slice %dma_wait3A_154[%dma_wait3A_155, %dma_wait3A_156] : memref<10000x128xf32, #tpu.memory_space<hbm>> -> memref<16x128xf32, #tpu.memory_space<hbm>>
        %dma_wait3A_158 = arith.constant 0 : i32
        %dma_wait3A_159 = arith.constant 0 : i32
        %dma_wait3A_160 = tpu.memref_slice %arg9[%dma_wait3A_158, %dma_wait3A_159] : memref<256x128xf32, #tpu.memory_space<vmem>> -> memref<128x128xf32, #tpu.memory_space<vmem>>
        %dma_wait3A_161 = arith.constant 0 : i32
        %dma_wait3A_162 = arith.constant 0 : i32
        %dma_wait3A_163 = tpu.memref_slice %dma_wait3A_160[%dma_wait3A_161, %dma_wait3A_162] : memref<128x128xf32, #tpu.memory_space<vmem>> -> memref<16x128xf32, #tpu.memory_space<vmem>>
        tpu.wait_dma2 semaphore(%run_scoped3A : memref<!tpu.dma_semaphore, #tpu.memory_space<semaphore_mem>>) src(%dma_wait3A_163 : memref<16x128xf32, #tpu.memory_space<vmem>>) dst(%dma_wait3A_157 : memref<16x128xf32, #tpu.memory_space<hbm>>)
        tpu.yield
      }) : () -> ()
    } else {
    }
    return
  }
}

#map = affine_map<(d0, d1) -> (0, 0, 0)>
#map1 = affine_map<(d0, d1) -> (0, 0)>
module attributes {stable_mosaic.version = 14 : i64} {
  func.func @_sc_aggregate(%arg0: i32, %arg1: i32, %arg2: memref<2x10000x128xf32, #tpu.memory_space<hbm>>, %arg3: memref<16x80x128xi32, #tpu.memory_space<hbm>>, %arg4: memref<16x80x128xi32, #tpu.memory_space<hbm>>, %arg5: memref<128x128xf32, #tpu.memory_space<hbm>>, %arg6: memref<2x10000x128xf32, #tpu.memory_space<hbm>>, %arg7: memref<40x128xi32, #tpu.memory_space<vmem>>, %arg8: memref<40x128xi32, #tpu.memory_space<vmem>>, %arg9: memref<256x128xf32, #tpu.memory_space<vmem>>, %arg10: memref<10240x128xf32, #tpu.memory_space<vmem_shared>>, %arg11: memref<!tpu.dma_semaphore, #tpu.memory_space<semaphore_mem>>, %arg12: memref<!tpu.dma_semaphore, #tpu.memory_space<semaphore_mem>>, %arg13: memref<!tpu.dma_semaphore, #tpu.memory_space<semaphore_mem>>, %arg14: memref<!tpu.dma_semaphore, #tpu.memory_space<semaphore_mem>>) attributes {dimension_semantics = [#tpu.dimension_semantics<core_parallel>, #tpu.dimension_semantics<subcore_parallel>], iteration_bounds = array<i64: 2, 16>, scalar_prefetch = 0 : i64, scratch_operands = 8 : i64, tpu.core_type = #tpu.core_type<sc_vector_subcore>, window_params = [{transform_indices = #map}, {transform_indices = #map}, {transform_indices = #map}, {transform_indices = #map1}, {transform_indices = #map}]} {
    "tpu.region"() ({
      %run_scoped3A = tpu.sem_alloc : memref<!tpu.dma_semaphore, #tpu.memory_space<semaphore_mem>>
      %dma_start3A_112 = arith.constant 0 : i32
      %dma_start3A_113 = arith.constant 0 : i32
      %dma_start3A_114 = tpu.memref_slice %arg9[%dma_start3A_112, %dma_start3A_113] : memref<256x128xf32, #tpu.memory_space<vmem>> -> memref<128x128xf32, #tpu.memory_space<vmem>>
      %dma_start3A_115 = arith.constant 0 : i32
      %dma_start3A_116 = arith.constant 0 : i32
      %dma_start3A_117 = tpu.memref_slice %arg9[%dma_start3A_115, %dma_start3A_116] : memref<256x128xf32, #tpu.memory_space<vmem>> -> memref<128x128xf32, #tpu.memory_space<vmem>>
      tpu.enqueue_dma source(%arg5 : memref<128x128xf32, #tpu.memory_space<hbm>>) target(%dma_start3A_117 : memref<128x128xf32, #tpu.memory_space<vmem>>) target_semaphore(%run_scoped3A : memref<!tpu.dma_semaphore, #tpu.memory_space<semaphore_mem>>)
      %dma_wait3A_118 = arith.constant 0 : i32
      %dma_wait3A_119 = arith.constant 0 : i32
      %dma_wait3A_120 = tpu.memref_slice %arg9[%dma_wait3A_118, %dma_wait3A_119] : memref<256x128xf32, #tpu.memory_space<vmem>> -> memref<128x128xf32, #tpu.memory_space<vmem>>
      %dma_wait3A_121 = arith.constant 0 : i32
      %dma_wait3A_122 = arith.constant 0 : i32
      %dma_wait3A_123 = tpu.memref_slice %arg9[%dma_wait3A_121, %dma_wait3A_122] : memref<256x128xf32, #tpu.memory_space<vmem>> -> memref<128x128xf32, #tpu.memory_space<vmem>>
      tpu.wait_dma2 semaphore(%run_scoped3A : memref<!tpu.dma_semaphore, #tpu.memory_space<semaphore_mem>>) src(%arg5 : memref<128x128xf32, #tpu.memory_space<hbm>>) dst(%dma_wait3A_123 : memref<128x128xf32, #tpu.memory_space<vmem>>)
      tpu.yield
    }) : () -> ()
    %add3A = arith.constant 0 : i32
    %add3A_0 = arith.addi %arg1, %add3A : i32
    %mul3A = arith.constant 128 : i32
    %mul3A_1 = arith.muli %add3A_0, %mul3A : i32
    "tpu.region"() ({
      %run_scoped3A = tpu.sem_alloc : memref<!tpu.dma_semaphore, #tpu.memory_space<semaphore_mem>>
      %dma_start3A_112 = arith.constant 0 : i32
      %dma_start3A_113 = arith.constant 0 : i32
      %dma_start3A_114 = tpu.memref_slice %arg9[%dma_start3A_112, %dma_start3A_113] : memref<256x128xf32, #tpu.memory_space<vmem>> -> memref<128x128xf32, #tpu.memory_space<vmem>>
      %dma_start3A_115 = arith.constant 0 : i32
      %dma_start3A_116 = tpu.memref_slice %arg10[%mul3A_1, %dma_start3A_115] : memref<10240x128xf32, #tpu.memory_space<vmem_shared>> -> memref<128x128xf32, #tpu.memory_space<vmem_shared>>
      %dma_start3A_117 = arith.constant 0 : i32
      %dma_start3A_118 = tpu.memref_slice %arg10[%mul3A_1, %dma_start3A_117] : memref<10240x128xf32, #tpu.memory_space<vmem_shared>> -> memref<128x128xf32, #tpu.memory_space<vmem_shared>>
      %dma_start3A_119 = arith.constant 0 : i32
      %dma_start3A_120 = arith.constant 0 : i32
      %dma_start3A_121 = tpu.memref_slice %arg9[%dma_start3A_119, %dma_start3A_120] : memref<256x128xf32, #tpu.memory_space<vmem>> -> memref<128x128xf32, #tpu.memory_space<vmem>>
      tpu.enqueue_dma source(%dma_start3A_121 : memref<128x128xf32, #tpu.memory_space<vmem>>) target(%dma_start3A_118 : memref<128x128xf32, #tpu.memory_space<vmem_shared>>) target_semaphore(%run_scoped3A : memref<!tpu.dma_semaphore, #tpu.memory_space<semaphore_mem>>)
      %dma_wait3A_122 = arith.constant 0 : i32
      %dma_wait3A_123 = arith.constant 0 : i32
      %dma_wait3A_124 = tpu.memref_slice %arg9[%dma_wait3A_122, %dma_wait3A_123] : memref<256x128xf32, #tpu.memory_space<vmem>> -> memref<128x128xf32, #tpu.memory_space<vmem>>
      %dma_wait3A_125 = arith.constant 0 : i32
      %dma_wait3A_126 = tpu.memref_slice %arg10[%mul3A_1, %dma_wait3A_125] : memref<10240x128xf32, #tpu.memory_space<vmem_shared>> -> memref<128x128xf32, #tpu.memory_space<vmem_shared>>
      %dma_wait3A_127 = arith.constant 0 : i32
      %dma_wait3A_128 = tpu.memref_slice %arg10[%mul3A_1, %dma_wait3A_127] : memref<10240x128xf32, #tpu.memory_space<vmem_shared>> -> memref<128x128xf32, #tpu.memory_space<vmem_shared>>
      %dma_wait3A_129 = arith.constant 0 : i32
      %dma_wait3A_130 = arith.constant 0 : i32
      %dma_wait3A_131 = tpu.memref_slice %arg9[%dma_wait3A_129, %dma_wait3A_130] : memref<256x128xf32, #tpu.memory_space<vmem>> -> memref<128x128xf32, #tpu.memory_space<vmem>>
      tpu.wait_dma2 semaphore(%run_scoped3A : memref<!tpu.dma_semaphore, #tpu.memory_space<semaphore_mem>>) src(%dma_wait3A_131 : memref<128x128xf32, #tpu.memory_space<vmem>>) dst(%dma_wait3A_128 : memref<128x128xf32, #tpu.memory_space<vmem_shared>>)
      tpu.yield
    }) : () -> ()
    %add3A_2 = arith.constant 16 : i32
    %add3A_3 = arith.addi %arg1, %add3A_2 : i32
    %mul3A_4 = arith.constant 128 : i32
    %mul3A_5 = arith.muli %add3A_3, %mul3A_4 : i32
    "tpu.region"() ({
      %run_scoped3A = tpu.sem_alloc : memref<!tpu.dma_semaphore, #tpu.memory_space<semaphore_mem>>
      %dma_start3A_112 = arith.constant 0 : i32
      %dma_start3A_113 = arith.constant 0 : i32
      %dma_start3A_114 = tpu.memref_slice %arg9[%dma_start3A_112, %dma_start3A_113] : memref<256x128xf32, #tpu.memory_space<vmem>> -> memref<128x128xf32, #tpu.memory_space<vmem>>
      %dma_start3A_115 = arith.constant 0 : i32
      %dma_start3A_116 = tpu.memref_slice %arg10[%mul3A_5, %dma_start3A_115] : memref<10240x128xf32, #tpu.memory_space<vmem_shared>> -> memref<128x128xf32, #tpu.memory_space<vmem_shared>>
      %dma_start3A_117 = arith.constant 0 : i32
      %dma_start3A_118 = tpu.memref_slice %arg10[%mul3A_5, %dma_start3A_117] : memref<10240x128xf32, #tpu.memory_space<vmem_shared>> -> memref<128x128xf32, #tpu.memory_space<vmem_shared>>
      %dma_start3A_119 = arith.constant 0 : i32
      %dma_start3A_120 = arith.constant 0 : i32
      %dma_start3A_121 = tpu.memref_slice %arg9[%dma_start3A_119, %dma_start3A_120] : memref<256x128xf32, #tpu.memory_space<vmem>> -> memref<128x128xf32, #tpu.memory_space<vmem>>
      tpu.enqueue_dma source(%dma_start3A_121 : memref<128x128xf32, #tpu.memory_space<vmem>>) target(%dma_start3A_118 : memref<128x128xf32, #tpu.memory_space<vmem_shared>>) target_semaphore(%run_scoped3A : memref<!tpu.dma_semaphore, #tpu.memory_space<semaphore_mem>>)
      %dma_wait3A_122 = arith.constant 0 : i32
      %dma_wait3A_123 = arith.constant 0 : i32
      %dma_wait3A_124 = tpu.memref_slice %arg9[%dma_wait3A_122, %dma_wait3A_123] : memref<256x128xf32, #tpu.memory_space<vmem>> -> memref<128x128xf32, #tpu.memory_space<vmem>>
      %dma_wait3A_125 = arith.constant 0 : i32
      %dma_wait3A_126 = tpu.memref_slice %arg10[%mul3A_5, %dma_wait3A_125] : memref<10240x128xf32, #tpu.memory_space<vmem_shared>> -> memref<128x128xf32, #tpu.memory_space<vmem_shared>>
      %dma_wait3A_127 = arith.constant 0 : i32
      %dma_wait3A_128 = tpu.memref_slice %arg10[%mul3A_5, %dma_wait3A_127] : memref<10240x128xf32, #tpu.memory_space<vmem_shared>> -> memref<128x128xf32, #tpu.memory_space<vmem_shared>>
      %dma_wait3A_129 = arith.constant 0 : i32
      %dma_wait3A_130 = arith.constant 0 : i32
      %dma_wait3A_131 = tpu.memref_slice %arg9[%dma_wait3A_129, %dma_wait3A_130] : memref<256x128xf32, #tpu.memory_space<vmem>> -> memref<128x128xf32, #tpu.memory_space<vmem>>
      tpu.wait_dma2 semaphore(%run_scoped3A : memref<!tpu.dma_semaphore, #tpu.memory_space<semaphore_mem>>) src(%dma_wait3A_131 : memref<128x128xf32, #tpu.memory_space<vmem>>) dst(%dma_wait3A_128 : memref<128x128xf32, #tpu.memory_space<vmem_shared>>)
      tpu.yield
    }) : () -> ()
    %add3A_6 = arith.constant 32 : i32
    %add3A_7 = arith.addi %arg1, %add3A_6 : i32
    %mul3A_8 = arith.constant 128 : i32
    %mul3A_9 = arith.muli %add3A_7, %mul3A_8 : i32
    "tpu.region"() ({
      %run_scoped3A = tpu.sem_alloc : memref<!tpu.dma_semaphore, #tpu.memory_space<semaphore_mem>>
      %dma_start3A_112 = arith.constant 0 : i32
      %dma_start3A_113 = arith.constant 0 : i32
      %dma_start3A_114 = tpu.memref_slice %arg9[%dma_start3A_112, %dma_start3A_113] : memref<256x128xf32, #tpu.memory_space<vmem>> -> memref<128x128xf32, #tpu.memory_space<vmem>>
      %dma_start3A_115 = arith.constant 0 : i32
      %dma_start3A_116 = tpu.memref_slice %arg10[%mul3A_9, %dma_start3A_115] : memref<10240x128xf32, #tpu.memory_space<vmem_shared>> -> memref<128x128xf32, #tpu.memory_space<vmem_shared>>
      %dma_start3A_117 = arith.constant 0 : i32
      %dma_start3A_118 = tpu.memref_slice %arg10[%mul3A_9, %dma_start3A_117] : memref<10240x128xf32, #tpu.memory_space<vmem_shared>> -> memref<128x128xf32, #tpu.memory_space<vmem_shared>>
      %dma_start3A_119 = arith.constant 0 : i32
      %dma_start3A_120 = arith.constant 0 : i32
      %dma_start3A_121 = tpu.memref_slice %arg9[%dma_start3A_119, %dma_start3A_120] : memref<256x128xf32, #tpu.memory_space<vmem>> -> memref<128x128xf32, #tpu.memory_space<vmem>>
      tpu.enqueue_dma source(%dma_start3A_121 : memref<128x128xf32, #tpu.memory_space<vmem>>) target(%dma_start3A_118 : memref<128x128xf32, #tpu.memory_space<vmem_shared>>) target_semaphore(%run_scoped3A : memref<!tpu.dma_semaphore, #tpu.memory_space<semaphore_mem>>)
      %dma_wait3A_122 = arith.constant 0 : i32
      %dma_wait3A_123 = arith.constant 0 : i32
      %dma_wait3A_124 = tpu.memref_slice %arg9[%dma_wait3A_122, %dma_wait3A_123] : memref<256x128xf32, #tpu.memory_space<vmem>> -> memref<128x128xf32, #tpu.memory_space<vmem>>
      %dma_wait3A_125 = arith.constant 0 : i32
      %dma_wait3A_126 = tpu.memref_slice %arg10[%mul3A_9, %dma_wait3A_125] : memref<10240x128xf32, #tpu.memory_space<vmem_shared>> -> memref<128x128xf32, #tpu.memory_space<vmem_shared>>
      %dma_wait3A_127 = arith.constant 0 : i32
      %dma_wait3A_128 = tpu.memref_slice %arg10[%mul3A_9, %dma_wait3A_127] : memref<10240x128xf32, #tpu.memory_space<vmem_shared>> -> memref<128x128xf32, #tpu.memory_space<vmem_shared>>
      %dma_wait3A_129 = arith.constant 0 : i32
      %dma_wait3A_130 = arith.constant 0 : i32
      %dma_wait3A_131 = tpu.memref_slice %arg9[%dma_wait3A_129, %dma_wait3A_130] : memref<256x128xf32, #tpu.memory_space<vmem>> -> memref<128x128xf32, #tpu.memory_space<vmem>>
      tpu.wait_dma2 semaphore(%run_scoped3A : memref<!tpu.dma_semaphore, #tpu.memory_space<semaphore_mem>>) src(%dma_wait3A_131 : memref<128x128xf32, #tpu.memory_space<vmem>>) dst(%dma_wait3A_128 : memref<128x128xf32, #tpu.memory_space<vmem_shared>>)
      tpu.yield
    }) : () -> ()
    %add3A_10 = arith.constant 48 : i32
    %add3A_11 = arith.addi %arg1, %add3A_10 : i32
    %mul3A_12 = arith.constant 128 : i32
    %mul3A_13 = arith.muli %add3A_11, %mul3A_12 : i32
    "tpu.region"() ({
      %run_scoped3A = tpu.sem_alloc : memref<!tpu.dma_semaphore, #tpu.memory_space<semaphore_mem>>
      %dma_start3A_112 = arith.constant 0 : i32
      %dma_start3A_113 = arith.constant 0 : i32
      %dma_start3A_114 = tpu.memref_slice %arg9[%dma_start3A_112, %dma_start3A_113] : memref<256x128xf32, #tpu.memory_space<vmem>> -> memref<128x128xf32, #tpu.memory_space<vmem>>
      %dma_start3A_115 = arith.constant 0 : i32
      %dma_start3A_116 = tpu.memref_slice %arg10[%mul3A_13, %dma_start3A_115] : memref<10240x128xf32, #tpu.memory_space<vmem_shared>> -> memref<128x128xf32, #tpu.memory_space<vmem_shared>>
      %dma_start3A_117 = arith.constant 0 : i32
      %dma_start3A_118 = tpu.memref_slice %arg10[%mul3A_13, %dma_start3A_117] : memref<10240x128xf32, #tpu.memory_space<vmem_shared>> -> memref<128x128xf32, #tpu.memory_space<vmem_shared>>
      %dma_start3A_119 = arith.constant 0 : i32
      %dma_start3A_120 = arith.constant 0 : i32
      %dma_start3A_121 = tpu.memref_slice %arg9[%dma_start3A_119, %dma_start3A_120] : memref<256x128xf32, #tpu.memory_space<vmem>> -> memref<128x128xf32, #tpu.memory_space<vmem>>
      tpu.enqueue_dma source(%dma_start3A_121 : memref<128x128xf32, #tpu.memory_space<vmem>>) target(%dma_start3A_118 : memref<128x128xf32, #tpu.memory_space<vmem_shared>>) target_semaphore(%run_scoped3A : memref<!tpu.dma_semaphore, #tpu.memory_space<semaphore_mem>>)
      %dma_wait3A_122 = arith.constant 0 : i32
      %dma_wait3A_123 = arith.constant 0 : i32
      %dma_wait3A_124 = tpu.memref_slice %arg9[%dma_wait3A_122, %dma_wait3A_123] : memref<256x128xf32, #tpu.memory_space<vmem>> -> memref<128x128xf32, #tpu.memory_space<vmem>>
      %dma_wait3A_125 = arith.constant 0 : i32
      %dma_wait3A_126 = tpu.memref_slice %arg10[%mul3A_13, %dma_wait3A_125] : memref<10240x128xf32, #tpu.memory_space<vmem_shared>> -> memref<128x128xf32, #tpu.memory_space<vmem_shared>>
      %dma_wait3A_127 = arith.constant 0 : i32
      %dma_wait3A_128 = tpu.memref_slice %arg10[%mul3A_13, %dma_wait3A_127] : memref<10240x128xf32, #tpu.memory_space<vmem_shared>> -> memref<128x128xf32, #tpu.memory_space<vmem_shared>>
      %dma_wait3A_129 = arith.constant 0 : i32
      %dma_wait3A_130 = arith.constant 0 : i32
      %dma_wait3A_131 = tpu.memref_slice %arg9[%dma_wait3A_129, %dma_wait3A_130] : memref<256x128xf32, #tpu.memory_space<vmem>> -> memref<128x128xf32, #tpu.memory_space<vmem>>
      tpu.wait_dma2 semaphore(%run_scoped3A : memref<!tpu.dma_semaphore, #tpu.memory_space<semaphore_mem>>) src(%dma_wait3A_131 : memref<128x128xf32, #tpu.memory_space<vmem>>) dst(%dma_wait3A_128 : memref<128x128xf32, #tpu.memory_space<vmem_shared>>)
      tpu.yield
    }) : () -> ()
    %add3A_14 = arith.constant 64 : i32
    %add3A_15 = arith.addi %arg1, %add3A_14 : i32
    %mul3A_16 = arith.constant 128 : i32
    %mul3A_17 = arith.muli %add3A_15, %mul3A_16 : i32
    "tpu.region"() ({
      %run_scoped3A = tpu.sem_alloc : memref<!tpu.dma_semaphore, #tpu.memory_space<semaphore_mem>>
      %dma_start3A_112 = arith.constant 0 : i32
      %dma_start3A_113 = arith.constant 0 : i32
      %dma_start3A_114 = tpu.memref_slice %arg9[%dma_start3A_112, %dma_start3A_113] : memref<256x128xf32, #tpu.memory_space<vmem>> -> memref<128x128xf32, #tpu.memory_space<vmem>>
      %dma_start3A_115 = arith.constant 0 : i32
      %dma_start3A_116 = tpu.memref_slice %arg10[%mul3A_17, %dma_start3A_115] : memref<10240x128xf32, #tpu.memory_space<vmem_shared>> -> memref<128x128xf32, #tpu.memory_space<vmem_shared>>
      %dma_start3A_117 = arith.constant 0 : i32
      %dma_start3A_118 = tpu.memref_slice %arg10[%mul3A_17, %dma_start3A_117] : memref<10240x128xf32, #tpu.memory_space<vmem_shared>> -> memref<128x128xf32, #tpu.memory_space<vmem_shared>>
      %dma_start3A_119 = arith.constant 0 : i32
      %dma_start3A_120 = arith.constant 0 : i32
      %dma_start3A_121 = tpu.memref_slice %arg9[%dma_start3A_119, %dma_start3A_120] : memref<256x128xf32, #tpu.memory_space<vmem>> -> memref<128x128xf32, #tpu.memory_space<vmem>>
      tpu.enqueue_dma source(%dma_start3A_121 : memref<128x128xf32, #tpu.memory_space<vmem>>) target(%dma_start3A_118 : memref<128x128xf32, #tpu.memory_space<vmem_shared>>) target_semaphore(%run_scoped3A : memref<!tpu.dma_semaphore, #tpu.memory_space<semaphore_mem>>)
      %dma_wait3A_122 = arith.constant 0 : i32
      %dma_wait3A_123 = arith.constant 0 : i32
      %dma_wait3A_124 = tpu.memref_slice %arg9[%dma_wait3A_122, %dma_wait3A_123] : memref<256x128xf32, #tpu.memory_space<vmem>> -> memref<128x128xf32, #tpu.memory_space<vmem>>
      %dma_wait3A_125 = arith.constant 0 : i32
      %dma_wait3A_126 = tpu.memref_slice %arg10[%mul3A_17, %dma_wait3A_125] : memref<10240x128xf32, #tpu.memory_space<vmem_shared>> -> memref<128x128xf32, #tpu.memory_space<vmem_shared>>
      %dma_wait3A_127 = arith.constant 0 : i32
      %dma_wait3A_128 = tpu.memref_slice %arg10[%mul3A_17, %dma_wait3A_127] : memref<10240x128xf32, #tpu.memory_space<vmem_shared>> -> memref<128x128xf32, #tpu.memory_space<vmem_shared>>
      %dma_wait3A_129 = arith.constant 0 : i32
      %dma_wait3A_130 = arith.constant 0 : i32
      %dma_wait3A_131 = tpu.memref_slice %arg9[%dma_wait3A_129, %dma_wait3A_130] : memref<256x128xf32, #tpu.memory_space<vmem>> -> memref<128x128xf32, #tpu.memory_space<vmem>>
      tpu.wait_dma2 semaphore(%run_scoped3A : memref<!tpu.dma_semaphore, #tpu.memory_space<semaphore_mem>>) src(%dma_wait3A_131 : memref<128x128xf32, #tpu.memory_space<vmem>>) dst(%dma_wait3A_128 : memref<128x128xf32, #tpu.memory_space<vmem_shared>>)
      tpu.yield
    }) : () -> ()
    %barrier3A = arith.constant 0 : index
    tpu.barrier barrier_id(%barrier3A)
    "tpu.region"() ({
      %run_scoped3A = tpu.sem_alloc : memref<!tpu.dma_semaphore, #tpu.memory_space<semaphore_mem>>
      %dma_start3A_112 = arith.constant 0 : i32
      %dma_start3A_113 = arith.constant 0 : i32
      %dma_start3A_114 = tpu.memref_slice %arg3[%arg1, %dma_start3A_112, %dma_start3A_113] : memref<16x80x128xi32, #tpu.memory_space<hbm>> -> memref<1x80x128xi32, #tpu.memory_space<hbm>>
      %dma_start3A_115 = tpu.memref_squeeze %dma_start3A_114 : memref<1x80x128xi32, #tpu.memory_space<hbm>> -> memref<80x128xi32, #tpu.memory_space<hbm>>
      %dma_start3A_116 = arith.constant 0 : i32
      %dma_start3A_117 = arith.constant 0 : i32
      %dma_start3A_118 = tpu.memref_slice %dma_start3A_115[%dma_start3A_116, %dma_start3A_117] : memref<80x128xi32, #tpu.memory_space<hbm>> -> memref<40x128xi32, #tpu.memory_space<hbm>>
      %dma_start3A_119 = arith.constant 0 : i32
      %dma_start3A_120 = arith.constant 0 : i32
      %dma_start3A_121 = tpu.memref_slice %arg3[%arg1, %dma_start3A_119, %dma_start3A_120] : memref<16x80x128xi32, #tpu.memory_space<hbm>> -> memref<1x80x128xi32, #tpu.memory_space<hbm>>
      %dma_start3A_122 = tpu.memref_squeeze %dma_start3A_121 : memref<1x80x128xi32, #tpu.memory_space<hbm>> -> memref<80x128xi32, #tpu.memory_space<hbm>>
      %dma_start3A_123 = arith.constant 0 : i32
      %dma_start3A_124 = arith.constant 0 : i32
      %dma_start3A_125 = tpu.memref_slice %dma_start3A_122[%dma_start3A_123, %dma_start3A_124] : memref<80x128xi32, #tpu.memory_space<hbm>> -> memref<40x128xi32, #tpu.memory_space<hbm>>
      tpu.enqueue_dma source(%dma_start3A_125 : memref<40x128xi32, #tpu.memory_space<hbm>>) target(%arg7 : memref<40x128xi32, #tpu.memory_space<vmem>>) target_semaphore(%run_scoped3A : memref<!tpu.dma_semaphore, #tpu.memory_space<semaphore_mem>>)
      %dma_wait3A_126 = arith.constant 0 : i32
      %dma_wait3A_127 = arith.constant 0 : i32
      %dma_wait3A_128 = tpu.memref_slice %arg3[%arg1, %dma_wait3A_126, %dma_wait3A_127] : memref<16x80x128xi32, #tpu.memory_space<hbm>> -> memref<1x80x128xi32, #tpu.memory_space<hbm>>
      %dma_wait3A_129 = tpu.memref_squeeze %dma_wait3A_128 : memref<1x80x128xi32, #tpu.memory_space<hbm>> -> memref<80x128xi32, #tpu.memory_space<hbm>>
      %dma_wait3A_130 = arith.constant 0 : i32
      %dma_wait3A_131 = arith.constant 0 : i32
      %dma_wait3A_132 = tpu.memref_slice %dma_wait3A_129[%dma_wait3A_130, %dma_wait3A_131] : memref<80x128xi32, #tpu.memory_space<hbm>> -> memref<40x128xi32, #tpu.memory_space<hbm>>
      %dma_wait3A_133 = arith.constant 0 : i32
      %dma_wait3A_134 = arith.constant 0 : i32
      %dma_wait3A_135 = tpu.memref_slice %arg3[%arg1, %dma_wait3A_133, %dma_wait3A_134] : memref<16x80x128xi32, #tpu.memory_space<hbm>> -> memref<1x80x128xi32, #tpu.memory_space<hbm>>
      %dma_wait3A_136 = tpu.memref_squeeze %dma_wait3A_135 : memref<1x80x128xi32, #tpu.memory_space<hbm>> -> memref<80x128xi32, #tpu.memory_space<hbm>>
      %dma_wait3A_137 = arith.constant 0 : i32
      %dma_wait3A_138 = arith.constant 0 : i32
      %dma_wait3A_139 = tpu.memref_slice %dma_wait3A_136[%dma_wait3A_137, %dma_wait3A_138] : memref<80x128xi32, #tpu.memory_space<hbm>> -> memref<40x128xi32, #tpu.memory_space<hbm>>
      tpu.wait_dma2 semaphore(%run_scoped3A : memref<!tpu.dma_semaphore, #tpu.memory_space<semaphore_mem>>) src(%dma_wait3A_139 : memref<40x128xi32, #tpu.memory_space<hbm>>) dst(%arg7 : memref<40x128xi32, #tpu.memory_space<vmem>>)
      tpu.yield
    }) : () -> ()
    "tpu.region"() ({
      %run_scoped3A = tpu.sem_alloc : memref<!tpu.dma_semaphore, #tpu.memory_space<semaphore_mem>>
      %dma_start3A_112 = arith.constant 0 : i32
      %dma_start3A_113 = arith.constant 0 : i32
      %dma_start3A_114 = tpu.memref_slice %arg4[%arg1, %dma_start3A_112, %dma_start3A_113] : memref<16x80x128xi32, #tpu.memory_space<hbm>> -> memref<1x80x128xi32, #tpu.memory_space<hbm>>
      %dma_start3A_115 = tpu.memref_squeeze %dma_start3A_114 : memref<1x80x128xi32, #tpu.memory_space<hbm>> -> memref<80x128xi32, #tpu.memory_space<hbm>>
      %dma_start3A_116 = arith.constant 0 : i32
      %dma_start3A_117 = arith.constant 0 : i32
      %dma_start3A_118 = tpu.memref_slice %dma_start3A_115[%dma_start3A_116, %dma_start3A_117] : memref<80x128xi32, #tpu.memory_space<hbm>> -> memref<40x128xi32, #tpu.memory_space<hbm>>
      %dma_start3A_119 = arith.constant 0 : i32
      %dma_start3A_120 = arith.constant 0 : i32
      %dma_start3A_121 = tpu.memref_slice %arg4[%arg1, %dma_start3A_119, %dma_start3A_120] : memref<16x80x128xi32, #tpu.memory_space<hbm>> -> memref<1x80x128xi32, #tpu.memory_space<hbm>>
      %dma_start3A_122 = tpu.memref_squeeze %dma_start3A_121 : memref<1x80x128xi32, #tpu.memory_space<hbm>> -> memref<80x128xi32, #tpu.memory_space<hbm>>
      %dma_start3A_123 = arith.constant 0 : i32
      %dma_start3A_124 = arith.constant 0 : i32
      %dma_start3A_125 = tpu.memref_slice %dma_start3A_122[%dma_start3A_123, %dma_start3A_124] : memref<80x128xi32, #tpu.memory_space<hbm>> -> memref<40x128xi32, #tpu.memory_space<hbm>>
      tpu.enqueue_dma source(%dma_start3A_125 : memref<40x128xi32, #tpu.memory_space<hbm>>) target(%arg8 : memref<40x128xi32, #tpu.memory_space<vmem>>) target_semaphore(%run_scoped3A : memref<!tpu.dma_semaphore, #tpu.memory_space<semaphore_mem>>)
      %dma_wait3A_126 = arith.constant 0 : i32
      %dma_wait3A_127 = arith.constant 0 : i32
      %dma_wait3A_128 = tpu.memref_slice %arg4[%arg1, %dma_wait3A_126, %dma_wait3A_127] : memref<16x80x128xi32, #tpu.memory_space<hbm>> -> memref<1x80x128xi32, #tpu.memory_space<hbm>>
      %dma_wait3A_129 = tpu.memref_squeeze %dma_wait3A_128 : memref<1x80x128xi32, #tpu.memory_space<hbm>> -> memref<80x128xi32, #tpu.memory_space<hbm>>
      %dma_wait3A_130 = arith.constant 0 : i32
      %dma_wait3A_131 = arith.constant 0 : i32
      %dma_wait3A_132 = tpu.memref_slice %dma_wait3A_129[%dma_wait3A_130, %dma_wait3A_131] : memref<80x128xi32, #tpu.memory_space<hbm>> -> memref<40x128xi32, #tpu.memory_space<hbm>>
      %dma_wait3A_133 = arith.constant 0 : i32
      %dma_wait3A_134 = arith.constant 0 : i32
      %dma_wait3A_135 = tpu.memref_slice %arg4[%arg1, %dma_wait3A_133, %dma_wait3A_134] : memref<16x80x128xi32, #tpu.memory_space<hbm>> -> memref<1x80x128xi32, #tpu.memory_space<hbm>>
      %dma_wait3A_136 = tpu.memref_squeeze %dma_wait3A_135 : memref<1x80x128xi32, #tpu.memory_space<hbm>> -> memref<80x128xi32, #tpu.memory_space<hbm>>
      %dma_wait3A_137 = arith.constant 0 : i32
      %dma_wait3A_138 = arith.constant 0 : i32
      %dma_wait3A_139 = tpu.memref_slice %dma_wait3A_136[%dma_wait3A_137, %dma_wait3A_138] : memref<80x128xi32, #tpu.memory_space<hbm>> -> memref<40x128xi32, #tpu.memory_space<hbm>>
      tpu.wait_dma2 semaphore(%run_scoped3A : memref<!tpu.dma_semaphore, #tpu.memory_space<semaphore_mem>>) src(%dma_wait3A_139 : memref<40x128xi32, #tpu.memory_space<hbm>>) dst(%arg8 : memref<40x128xi32, #tpu.memory_space<vmem>>)
      tpu.yield
    }) : () -> ()
    %dma_start3A = arith.constant 0 : i32
    %dma_start3A_18 = arith.constant 0 : i32
    %dma_start3A_19 = arith.constant 0 : i32
    %dma_start3A_20 = tpu.memref_slice %arg9[%dma_start3A_18, %dma_start3A_19] : memref<256x128xf32, #tpu.memory_space<vmem>> -> memref<128x128xf32, #tpu.memory_space<vmem>>
    %dma_start3A_21 = arith.constant 0 : i32
    %dma_start3A_22 = tpu.memref_slice %arg7[%dma_start3A, %dma_start3A_21] : memref<40x128xi32, #tpu.memory_space<vmem>> -> memref<1x128xi32, #tpu.memory_space<vmem>>
    %dma_start3A_23 = tpu.memref_squeeze %dma_start3A_22 : memref<1x128xi32, #tpu.memory_space<vmem>> -> memref<128xi32, #tpu.memory_space<vmem>>
    %dma_start3A_24 = arith.constant 0 : i32
    %dma_start3A_25 = arith.constant 0 : i32
    %dma_start3A_26 = tpu.memref_slice %arg2[%arg0, %dma_start3A_24, %dma_start3A_25] : memref<2x10000x128xf32, #tpu.memory_space<hbm>> -> memref<1x10000x128xf32, #tpu.memory_space<hbm>>
    %dma_start3A_27 = tpu.memref_squeeze %dma_start3A_26 : memref<1x10000x128xf32, #tpu.memory_space<hbm>> -> memref<10000x128xf32, #tpu.memory_space<hbm>>
    %dma_start3A_28 = arith.constant 0 : i32
    %dma_start3A_29 = arith.constant 0 : i32
    %dma_start3A_30 = tpu.memref_slice %dma_start3A_27[%dma_start3A_28, %dma_start3A_29] : memref<10000x128xf32, #tpu.memory_space<hbm>> -> memref<10000x128xf32, #tpu.memory_space<hbm>>
    tpu.enqueue_indirect_dma source(%dma_start3A_30 : memref<10000x128xf32, #tpu.memory_space<hbm>>) target(%dma_start3A_20 : memref<128x128xf32, #tpu.memory_space<vmem>>) offsets(%dma_start3A_23 : memref<128xi32, #tpu.memory_space<vmem>>) semaphore(%arg11 : memref<!tpu.dma_semaphore, #tpu.memory_space<semaphore_mem>>)
    %scan3A = arith.constant 0 : i32
    %scan3A_31 = arith.constant 0 : i32
    %scan3A_32 = arith.constant 20 : i32
    %scan3A_33 = arith.addi %scan3A_31, %scan3A_32 : i32
    %scan3A_34 = arith.constant 1 : i32
    scf.for %scan3A_112 = %scan3A_31 to %scan3A_33 step %scan3A_34  : i32 {
      %mul3A_113 = arith.constant 2 : i32
      %mul3A_114 = arith.muli %mul3A_113, %scan3A_112 : i32
      %dma_wait3A_115 = arith.constant 0 : i32
      %dma_wait3A_116 = arith.constant 0 : i32
      %dma_wait3A_117 = tpu.memref_slice %arg9[%dma_wait3A_115, %dma_wait3A_116] : memref<256x128xf32, #tpu.memory_space<vmem>> -> memref<128x128xf32, #tpu.memory_space<vmem>>
      %dma_wait3A_118 = arith.constant 0 : i32
      %dma_wait3A_119 = tpu.memref_slice %arg7[%mul3A_114, %dma_wait3A_118] : memref<40x128xi32, #tpu.memory_space<vmem>> -> memref<1x128xi32, #tpu.memory_space<vmem>>
      %dma_wait3A_120 = tpu.memref_squeeze %dma_wait3A_119 : memref<1x128xi32, #tpu.memory_space<vmem>> -> memref<128xi32, #tpu.memory_space<vmem>>
      %dma_wait3A_121 = arith.constant 0 : i32
      %dma_wait3A_122 = arith.constant 0 : i32
      %dma_wait3A_123 = tpu.memref_slice %arg2[%arg0, %dma_wait3A_121, %dma_wait3A_122] : memref<2x10000x128xf32, #tpu.memory_space<hbm>> -> memref<1x10000x128xf32, #tpu.memory_space<hbm>>
      %dma_wait3A_124 = tpu.memref_squeeze %dma_wait3A_123 : memref<1x10000x128xf32, #tpu.memory_space<hbm>> -> memref<10000x128xf32, #tpu.memory_space<hbm>>
      %dma_wait3A_125 = arith.constant 0 : i32
      %dma_wait3A_126 = arith.constant 0 : i32
      %dma_wait3A_127 = tpu.memref_slice %dma_wait3A_124[%dma_wait3A_125, %dma_wait3A_126] : memref<10000x128xf32, #tpu.memory_space<hbm>> -> memref<10000x128xf32, #tpu.memory_space<hbm>>
      tpu.wait_indirect_dma semaphore(%arg11 : memref<!tpu.dma_semaphore, #tpu.memory_space<semaphore_mem>>) src(%dma_wait3A_127 : memref<10000x128xf32, #tpu.memory_space<hbm>>) dst(%dma_wait3A_117 : memref<128x128xf32, #tpu.memory_space<vmem>>)
      %dma_start3A_128 = arith.constant 0 : i32
      %dma_start3A_129 = arith.constant 0 : i32
      %dma_start3A_130 = tpu.memref_slice %arg9[%dma_start3A_128, %dma_start3A_129] : memref<256x128xf32, #tpu.memory_space<vmem>> -> memref<128x128xf32, #tpu.memory_space<vmem>>
      %dma_start3A_131 = arith.constant 0 : i32
      %dma_start3A_132 = tpu.memref_slice %arg8[%mul3A_114, %dma_start3A_131] : memref<40x128xi32, #tpu.memory_space<vmem>> -> memref<1x128xi32, #tpu.memory_space<vmem>>
      %dma_start3A_133 = tpu.memref_squeeze %dma_start3A_132 : memref<1x128xi32, #tpu.memory_space<vmem>> -> memref<128xi32, #tpu.memory_space<vmem>>
      %dma_start3A_134 = arith.constant 0 : i32
      %dma_start3A_135 = arith.constant 0 : i32
      %dma_start3A_136 = tpu.memref_slice %arg10[%dma_start3A_134, %dma_start3A_135] : memref<10240x128xf32, #tpu.memory_space<vmem_shared>> -> memref<10240x128xf32, #tpu.memory_space<vmem_shared>>
      tpu.enqueue_indirect_dma source(%dma_start3A_130 : memref<128x128xf32, #tpu.memory_space<vmem>>) target(%dma_start3A_136 : memref<10240x128xf32, #tpu.memory_space<vmem_shared>>) offsets(%dma_start3A_133 : memref<128xi32, #tpu.memory_space<vmem>>) semaphore(%arg13 : memref<!tpu.dma_semaphore, #tpu.memory_space<semaphore_mem>>) {add = true}
      %gt3A = arith.constant 0 : i32
      %gt3A_137 = arith.cmpi sgt, %scan3A_112, %gt3A : i32
      %convert_element_type3A_138 = arith.extui %gt3A_137 : i1 to i32
      %cond3A_139 = arith.constant 0 : i32
      %cond3A_140 = arith.cmpi ne, %convert_element_type3A_138, %cond3A_139 : i32
      scf.if %cond3A_140 {
        %sub3A = arith.constant 1 : i32
        %sub3A_198 = arith.subi %mul3A_114, %sub3A : i32
        %dma_wait3A_199 = arith.constant 128 : i32
        %dma_wait3A_200 = arith.constant 0 : i32
        %dma_wait3A_201 = tpu.memref_slice %arg9[%dma_wait3A_199, %dma_wait3A_200] : memref<256x128xf32, #tpu.memory_space<vmem>> -> memref<128x128xf32, #tpu.memory_space<vmem>>
        %dma_wait3A_202 = arith.constant 0 : i32
        %dma_wait3A_203 = tpu.memref_slice %arg8[%sub3A_198, %dma_wait3A_202] : memref<40x128xi32, #tpu.memory_space<vmem>> -> memref<1x128xi32, #tpu.memory_space<vmem>>
        %dma_wait3A_204 = tpu.memref_squeeze %dma_wait3A_203 : memref<1x128xi32, #tpu.memory_space<vmem>> -> memref<128xi32, #tpu.memory_space<vmem>>
        %dma_wait3A_205 = arith.constant 0 : i32
        %dma_wait3A_206 = arith.constant 0 : i32
        %dma_wait3A_207 = tpu.memref_slice %arg10[%dma_wait3A_205, %dma_wait3A_206] : memref<10240x128xf32, #tpu.memory_space<vmem_shared>> -> memref<10240x128xf32, #tpu.memory_space<vmem_shared>>
        tpu.wait_indirect_dma semaphore(%arg14 : memref<!tpu.dma_semaphore, #tpu.memory_space<semaphore_mem>>) src(%dma_wait3A_201 : memref<128x128xf32, #tpu.memory_space<vmem>>) dst(%dma_wait3A_207 : memref<10240x128xf32, #tpu.memory_space<vmem_shared>>)
      } else {
      }
      %add3A_141 = arith.constant 1 : i32
      %add3A_142 = arith.addi %mul3A_114, %add3A_141 : i32
      %dma_start3A_143 = arith.constant 128 : i32
      %dma_start3A_144 = arith.constant 0 : i32
      %dma_start3A_145 = tpu.memref_slice %arg9[%dma_start3A_143, %dma_start3A_144] : memref<256x128xf32, #tpu.memory_space<vmem>> -> memref<128x128xf32, #tpu.memory_space<vmem>>
      %dma_start3A_146 = arith.constant 0 : i32
      %dma_start3A_147 = tpu.memref_slice %arg7[%add3A_142, %dma_start3A_146] : memref<40x128xi32, #tpu.memory_space<vmem>> -> memref<1x128xi32, #tpu.memory_space<vmem>>
      %dma_start3A_148 = tpu.memref_squeeze %dma_start3A_147 : memref<1x128xi32, #tpu.memory_space<vmem>> -> memref<128xi32, #tpu.memory_space<vmem>>
      %dma_start3A_149 = arith.constant 0 : i32
      %dma_start3A_150 = arith.constant 0 : i32
      %dma_start3A_151 = tpu.memref_slice %arg2[%arg0, %dma_start3A_149, %dma_start3A_150] : memref<2x10000x128xf32, #tpu.memory_space<hbm>> -> memref<1x10000x128xf32, #tpu.memory_space<hbm>>
      %dma_start3A_152 = tpu.memref_squeeze %dma_start3A_151 : memref<1x10000x128xf32, #tpu.memory_space<hbm>> -> memref<10000x128xf32, #tpu.memory_space<hbm>>
      %dma_start3A_153 = arith.constant 0 : i32
      %dma_start3A_154 = arith.constant 0 : i32
      %dma_start3A_155 = tpu.memref_slice %dma_start3A_152[%dma_start3A_153, %dma_start3A_154] : memref<10000x128xf32, #tpu.memory_space<hbm>> -> memref<10000x128xf32, #tpu.memory_space<hbm>>
      tpu.enqueue_indirect_dma source(%dma_start3A_155 : memref<10000x128xf32, #tpu.memory_space<hbm>>) target(%dma_start3A_145 : memref<128x128xf32, #tpu.memory_space<vmem>>) offsets(%dma_start3A_148 : memref<128xi32, #tpu.memory_space<vmem>>) semaphore(%arg12 : memref<!tpu.dma_semaphore, #tpu.memory_space<semaphore_mem>>)
      %add3A_156 = arith.constant 1 : i32
      %add3A_157 = arith.addi %mul3A_114, %add3A_156 : i32
      %dma_wait3A_158 = arith.constant 128 : i32
      %dma_wait3A_159 = arith.constant 0 : i32
      %dma_wait3A_160 = tpu.memref_slice %arg9[%dma_wait3A_158, %dma_wait3A_159] : memref<256x128xf32, #tpu.memory_space<vmem>> -> memref<128x128xf32, #tpu.memory_space<vmem>>
      %dma_wait3A_161 = arith.constant 0 : i32
      %dma_wait3A_162 = tpu.memref_slice %arg7[%add3A_157, %dma_wait3A_161] : memref<40x128xi32, #tpu.memory_space<vmem>> -> memref<1x128xi32, #tpu.memory_space<vmem>>
      %dma_wait3A_163 = tpu.memref_squeeze %dma_wait3A_162 : memref<1x128xi32, #tpu.memory_space<vmem>> -> memref<128xi32, #tpu.memory_space<vmem>>
      %dma_wait3A_164 = arith.constant 0 : i32
      %dma_wait3A_165 = arith.constant 0 : i32
      %dma_wait3A_166 = tpu.memref_slice %arg2[%arg0, %dma_wait3A_164, %dma_wait3A_165] : memref<2x10000x128xf32, #tpu.memory_space<hbm>> -> memref<1x10000x128xf32, #tpu.memory_space<hbm>>
      %dma_wait3A_167 = tpu.memref_squeeze %dma_wait3A_166 : memref<1x10000x128xf32, #tpu.memory_space<hbm>> -> memref<10000x128xf32, #tpu.memory_space<hbm>>
      %dma_wait3A_168 = arith.constant 0 : i32
      %dma_wait3A_169 = arith.constant 0 : i32
      %dma_wait3A_170 = tpu.memref_slice %dma_wait3A_167[%dma_wait3A_168, %dma_wait3A_169] : memref<10000x128xf32, #tpu.memory_space<hbm>> -> memref<10000x128xf32, #tpu.memory_space<hbm>>
      tpu.wait_indirect_dma semaphore(%arg12 : memref<!tpu.dma_semaphore, #tpu.memory_space<semaphore_mem>>) src(%dma_wait3A_170 : memref<10000x128xf32, #tpu.memory_space<hbm>>) dst(%dma_wait3A_160 : memref<128x128xf32, #tpu.memory_space<vmem>>)
      %add3A_171 = arith.constant 1 : i32
      %add3A_172 = arith.addi %mul3A_114, %add3A_171 : i32
      %dma_start3A_173 = arith.constant 128 : i32
      %dma_start3A_174 = arith.constant 0 : i32
      %dma_start3A_175 = tpu.memref_slice %arg9[%dma_start3A_173, %dma_start3A_174] : memref<256x128xf32, #tpu.memory_space<vmem>> -> memref<128x128xf32, #tpu.memory_space<vmem>>
      %dma_start3A_176 = arith.constant 0 : i32
      %dma_start3A_177 = tpu.memref_slice %arg8[%add3A_172, %dma_start3A_176] : memref<40x128xi32, #tpu.memory_space<vmem>> -> memref<1x128xi32, #tpu.memory_space<vmem>>
      %dma_start3A_178 = tpu.memref_squeeze %dma_start3A_177 : memref<1x128xi32, #tpu.memory_space<vmem>> -> memref<128xi32, #tpu.memory_space<vmem>>
      %dma_start3A_179 = arith.constant 0 : i32
      %dma_start3A_180 = arith.constant 0 : i32
      %dma_start3A_181 = tpu.memref_slice %arg10[%dma_start3A_179, %dma_start3A_180] : memref<10240x128xf32, #tpu.memory_space<vmem_shared>> -> memref<10240x128xf32, #tpu.memory_space<vmem_shared>>
      tpu.enqueue_indirect_dma source(%dma_start3A_175 : memref<128x128xf32, #tpu.memory_space<vmem>>) target(%dma_start3A_181 : memref<10240x128xf32, #tpu.memory_space<vmem_shared>>) offsets(%dma_start3A_178 : memref<128xi32, #tpu.memory_space<vmem>>) semaphore(%arg14 : memref<!tpu.dma_semaphore, #tpu.memory_space<semaphore_mem>>) {add = true}
      %dma_wait3A_182 = arith.constant 0 : i32
      %dma_wait3A_183 = arith.constant 0 : i32
      %dma_wait3A_184 = tpu.memref_slice %arg9[%dma_wait3A_182, %dma_wait3A_183] : memref<256x128xf32, #tpu.memory_space<vmem>> -> memref<128x128xf32, #tpu.memory_space<vmem>>
      %dma_wait3A_185 = arith.constant 0 : i32
      %dma_wait3A_186 = tpu.memref_slice %arg8[%mul3A_114, %dma_wait3A_185] : memref<40x128xi32, #tpu.memory_space<vmem>> -> memref<1x128xi32, #tpu.memory_space<vmem>>
      %dma_wait3A_187 = tpu.memref_squeeze %dma_wait3A_186 : memref<1x128xi32, #tpu.memory_space<vmem>> -> memref<128xi32, #tpu.memory_space<vmem>>
      %dma_wait3A_188 = arith.constant 0 : i32
      %dma_wait3A_189 = arith.constant 0 : i32
      %dma_wait3A_190 = tpu.memref_slice %arg10[%dma_wait3A_188, %dma_wait3A_189] : memref<10240x128xf32, #tpu.memory_space<vmem_shared>> -> memref<10240x128xf32, #tpu.memory_space<vmem_shared>>
      tpu.wait_indirect_dma semaphore(%arg13 : memref<!tpu.dma_semaphore, #tpu.memory_space<semaphore_mem>>) src(%dma_wait3A_184 : memref<128x128xf32, #tpu.memory_space<vmem>>) dst(%dma_wait3A_190 : memref<10240x128xf32, #tpu.memory_space<vmem_shared>>)
      %add3A_191 = arith.constant 1 : i32
      %add3A_192 = arith.addi %scan3A_112, %add3A_191 : i32
      %lt3A_193 = arith.constant 20 : i32
      %lt3A_194 = arith.cmpi slt, %add3A_192, %lt3A_193 : i32
      %convert_element_type3A_195 = arith.extui %lt3A_194 : i1 to i32
      %cond3A_196 = arith.constant 0 : i32
      %cond3A_197 = arith.cmpi ne, %convert_element_type3A_195, %cond3A_196 : i32
      scf.if %cond3A_197 {
        %add3A_198 = arith.constant 2 : i32
        %add3A_199 = arith.addi %mul3A_114, %add3A_198 : i32
        %dma_start3A_200 = arith.constant 0 : i32
        %dma_start3A_201 = arith.constant 0 : i32
        %dma_start3A_202 = tpu.memref_slice %arg9[%dma_start3A_200, %dma_start3A_201] : memref<256x128xf32, #tpu.memory_space<vmem>> -> memref<128x128xf32, #tpu.memory_space<vmem>>
        %dma_start3A_203 = arith.constant 0 : i32
        %dma_start3A_204 = tpu.memref_slice %arg7[%add3A_199, %dma_start3A_203] : memref<40x128xi32, #tpu.memory_space<vmem>> -> memref<1x128xi32, #tpu.memory_space<vmem>>
        %dma_start3A_205 = tpu.memref_squeeze %dma_start3A_204 : memref<1x128xi32, #tpu.memory_space<vmem>> -> memref<128xi32, #tpu.memory_space<vmem>>
        %dma_start3A_206 = arith.constant 0 : i32
        %dma_start3A_207 = arith.constant 0 : i32
        %dma_start3A_208 = tpu.memref_slice %arg2[%arg0, %dma_start3A_206, %dma_start3A_207] : memref<2x10000x128xf32, #tpu.memory_space<hbm>> -> memref<1x10000x128xf32, #tpu.memory_space<hbm>>
        %dma_start3A_209 = tpu.memref_squeeze %dma_start3A_208 : memref<1x10000x128xf32, #tpu.memory_space<hbm>> -> memref<10000x128xf32, #tpu.memory_space<hbm>>
        %dma_start3A_210 = arith.constant 0 : i32
        %dma_start3A_211 = arith.constant 0 : i32
        %dma_start3A_212 = tpu.memref_slice %dma_start3A_209[%dma_start3A_210, %dma_start3A_211] : memref<10000x128xf32, #tpu.memory_space<hbm>> -> memref<10000x128xf32, #tpu.memory_space<hbm>>
        tpu.enqueue_indirect_dma source(%dma_start3A_212 : memref<10000x128xf32, #tpu.memory_space<hbm>>) target(%dma_start3A_202 : memref<128x128xf32, #tpu.memory_space<vmem>>) offsets(%dma_start3A_205 : memref<128xi32, #tpu.memory_space<vmem>>) semaphore(%arg11 : memref<!tpu.dma_semaphore, #tpu.memory_space<semaphore_mem>>)
      } else {
      }
    }
    %scan3A_35 = arith.constant 20 : i32
    %dma_wait3A = arith.constant 39 : i32
    %dma_wait3A_36 = arith.constant 128 : i32
    %dma_wait3A_37 = arith.constant 0 : i32
    %dma_wait3A_38 = tpu.memref_slice %arg9[%dma_wait3A_36, %dma_wait3A_37] : memref<256x128xf32, #tpu.memory_space<vmem>> -> memref<128x128xf32, #tpu.memory_space<vmem>>
    %dma_wait3A_39 = arith.constant 0 : i32
    %dma_wait3A_40 = tpu.memref_slice %arg8[%dma_wait3A, %dma_wait3A_39] : memref<40x128xi32, #tpu.memory_space<vmem>> -> memref<1x128xi32, #tpu.memory_space<vmem>>
    %dma_wait3A_41 = tpu.memref_squeeze %dma_wait3A_40 : memref<1x128xi32, #tpu.memory_space<vmem>> -> memref<128xi32, #tpu.memory_space<vmem>>
    %dma_wait3A_42 = arith.constant 0 : i32
    %dma_wait3A_43 = arith.constant 0 : i32
    %dma_wait3A_44 = tpu.memref_slice %arg10[%dma_wait3A_42, %dma_wait3A_43] : memref<10240x128xf32, #tpu.memory_space<vmem_shared>> -> memref<10240x128xf32, #tpu.memory_space<vmem_shared>>
    tpu.wait_indirect_dma semaphore(%arg14 : memref<!tpu.dma_semaphore, #tpu.memory_space<semaphore_mem>>) src(%dma_wait3A_38 : memref<128x128xf32, #tpu.memory_space<vmem>>) dst(%dma_wait3A_44 : memref<10240x128xf32, #tpu.memory_space<vmem_shared>>)
    "tpu.region"() ({
      %run_scoped3A = tpu.sem_alloc : memref<!tpu.dma_semaphore, #tpu.memory_space<semaphore_mem>>
      %dma_start3A_112 = arith.constant 0 : i32
      %dma_start3A_113 = arith.constant 0 : i32
      %dma_start3A_114 = tpu.memref_slice %arg3[%arg1, %dma_start3A_112, %dma_start3A_113] : memref<16x80x128xi32, #tpu.memory_space<hbm>> -> memref<1x80x128xi32, #tpu.memory_space<hbm>>
      %dma_start3A_115 = tpu.memref_squeeze %dma_start3A_114 : memref<1x80x128xi32, #tpu.memory_space<hbm>> -> memref<80x128xi32, #tpu.memory_space<hbm>>
      %dma_start3A_116 = arith.constant 40 : i32
      %dma_start3A_117 = arith.constant 0 : i32
      %dma_start3A_118 = tpu.memref_slice %dma_start3A_115[%dma_start3A_116, %dma_start3A_117] : memref<80x128xi32, #tpu.memory_space<hbm>> -> memref<40x128xi32, #tpu.memory_space<hbm>>
      %dma_start3A_119 = arith.constant 0 : i32
      %dma_start3A_120 = arith.constant 0 : i32
      %dma_start3A_121 = tpu.memref_slice %arg3[%arg1, %dma_start3A_119, %dma_start3A_120] : memref<16x80x128xi32, #tpu.memory_space<hbm>> -> memref<1x80x128xi32, #tpu.memory_space<hbm>>
      %dma_start3A_122 = tpu.memref_squeeze %dma_start3A_121 : memref<1x80x128xi32, #tpu.memory_space<hbm>> -> memref<80x128xi32, #tpu.memory_space<hbm>>
      %dma_start3A_123 = arith.constant 40 : i32
      %dma_start3A_124 = arith.constant 0 : i32
      %dma_start3A_125 = tpu.memref_slice %dma_start3A_122[%dma_start3A_123, %dma_start3A_124] : memref<80x128xi32, #tpu.memory_space<hbm>> -> memref<40x128xi32, #tpu.memory_space<hbm>>
      tpu.enqueue_dma source(%dma_start3A_125 : memref<40x128xi32, #tpu.memory_space<hbm>>) target(%arg7 : memref<40x128xi32, #tpu.memory_space<vmem>>) target_semaphore(%run_scoped3A : memref<!tpu.dma_semaphore, #tpu.memory_space<semaphore_mem>>)
      %dma_wait3A_126 = arith.constant 0 : i32
      %dma_wait3A_127 = arith.constant 0 : i32
      %dma_wait3A_128 = tpu.memref_slice %arg3[%arg1, %dma_wait3A_126, %dma_wait3A_127] : memref<16x80x128xi32, #tpu.memory_space<hbm>> -> memref<1x80x128xi32, #tpu.memory_space<hbm>>
      %dma_wait3A_129 = tpu.memref_squeeze %dma_wait3A_128 : memref<1x80x128xi32, #tpu.memory_space<hbm>> -> memref<80x128xi32, #tpu.memory_space<hbm>>
      %dma_wait3A_130 = arith.constant 40 : i32
      %dma_wait3A_131 = arith.constant 0 : i32
      %dma_wait3A_132 = tpu.memref_slice %dma_wait3A_129[%dma_wait3A_130, %dma_wait3A_131] : memref<80x128xi32, #tpu.memory_space<hbm>> -> memref<40x128xi32, #tpu.memory_space<hbm>>
      %dma_wait3A_133 = arith.constant 0 : i32
      %dma_wait3A_134 = arith.constant 0 : i32
      %dma_wait3A_135 = tpu.memref_slice %arg3[%arg1, %dma_wait3A_133, %dma_wait3A_134] : memref<16x80x128xi32, #tpu.memory_space<hbm>> -> memref<1x80x128xi32, #tpu.memory_space<hbm>>
      %dma_wait3A_136 = tpu.memref_squeeze %dma_wait3A_135 : memref<1x80x128xi32, #tpu.memory_space<hbm>> -> memref<80x128xi32, #tpu.memory_space<hbm>>
      %dma_wait3A_137 = arith.constant 40 : i32
      %dma_wait3A_138 = arith.constant 0 : i32
      %dma_wait3A_139 = tpu.memref_slice %dma_wait3A_136[%dma_wait3A_137, %dma_wait3A_138] : memref<80x128xi32, #tpu.memory_space<hbm>> -> memref<40x128xi32, #tpu.memory_space<hbm>>
      tpu.wait_dma2 semaphore(%run_scoped3A : memref<!tpu.dma_semaphore, #tpu.memory_space<semaphore_mem>>) src(%dma_wait3A_139 : memref<40x128xi32, #tpu.memory_space<hbm>>) dst(%arg7 : memref<40x128xi32, #tpu.memory_space<vmem>>)
      tpu.yield
    }) : () -> ()
    "tpu.region"() ({
      %run_scoped3A = tpu.sem_alloc : memref<!tpu.dma_semaphore, #tpu.memory_space<semaphore_mem>>
      %dma_start3A_112 = arith.constant 0 : i32
      %dma_start3A_113 = arith.constant 0 : i32
      %dma_start3A_114 = tpu.memref_slice %arg4[%arg1, %dma_start3A_112, %dma_start3A_113] : memref<16x80x128xi32, #tpu.memory_space<hbm>> -> memref<1x80x128xi32, #tpu.memory_space<hbm>>
      %dma_start3A_115 = tpu.memref_squeeze %dma_start3A_114 : memref<1x80x128xi32, #tpu.memory_space<hbm>> -> memref<80x128xi32, #tpu.memory_space<hbm>>
      %dma_start3A_116 = arith.constant 40 : i32
      %dma_start3A_117 = arith.constant 0 : i32
      %dma_start3A_118 = tpu.memref_slice %dma_start3A_115[%dma_start3A_116, %dma_start3A_117] : memref<80x128xi32, #tpu.memory_space<hbm>> -> memref<40x128xi32, #tpu.memory_space<hbm>>
      %dma_start3A_119 = arith.constant 0 : i32
      %dma_start3A_120 = arith.constant 0 : i32
      %dma_start3A_121 = tpu.memref_slice %arg4[%arg1, %dma_start3A_119, %dma_start3A_120] : memref<16x80x128xi32, #tpu.memory_space<hbm>> -> memref<1x80x128xi32, #tpu.memory_space<hbm>>
      %dma_start3A_122 = tpu.memref_squeeze %dma_start3A_121 : memref<1x80x128xi32, #tpu.memory_space<hbm>> -> memref<80x128xi32, #tpu.memory_space<hbm>>
      %dma_start3A_123 = arith.constant 40 : i32
      %dma_start3A_124 = arith.constant 0 : i32
      %dma_start3A_125 = tpu.memref_slice %dma_start3A_122[%dma_start3A_123, %dma_start3A_124] : memref<80x128xi32, #tpu.memory_space<hbm>> -> memref<40x128xi32, #tpu.memory_space<hbm>>
      tpu.enqueue_dma source(%dma_start3A_125 : memref<40x128xi32, #tpu.memory_space<hbm>>) target(%arg8 : memref<40x128xi32, #tpu.memory_space<vmem>>) target_semaphore(%run_scoped3A : memref<!tpu.dma_semaphore, #tpu.memory_space<semaphore_mem>>)
      %dma_wait3A_126 = arith.constant 0 : i32
      %dma_wait3A_127 = arith.constant 0 : i32
      %dma_wait3A_128 = tpu.memref_slice %arg4[%arg1, %dma_wait3A_126, %dma_wait3A_127] : memref<16x80x128xi32, #tpu.memory_space<hbm>> -> memref<1x80x128xi32, #tpu.memory_space<hbm>>
      %dma_wait3A_129 = tpu.memref_squeeze %dma_wait3A_128 : memref<1x80x128xi32, #tpu.memory_space<hbm>> -> memref<80x128xi32, #tpu.memory_space<hbm>>
      %dma_wait3A_130 = arith.constant 40 : i32
      %dma_wait3A_131 = arith.constant 0 : i32
      %dma_wait3A_132 = tpu.memref_slice %dma_wait3A_129[%dma_wait3A_130, %dma_wait3A_131] : memref<80x128xi32, #tpu.memory_space<hbm>> -> memref<40x128xi32, #tpu.memory_space<hbm>>
      %dma_wait3A_133 = arith.constant 0 : i32
      %dma_wait3A_134 = arith.constant 0 : i32
      %dma_wait3A_135 = tpu.memref_slice %arg4[%arg1, %dma_wait3A_133, %dma_wait3A_134] : memref<16x80x128xi32, #tpu.memory_space<hbm>> -> memref<1x80x128xi32, #tpu.memory_space<hbm>>
      %dma_wait3A_136 = tpu.memref_squeeze %dma_wait3A_135 : memref<1x80x128xi32, #tpu.memory_space<hbm>> -> memref<80x128xi32, #tpu.memory_space<hbm>>
      %dma_wait3A_137 = arith.constant 40 : i32
      %dma_wait3A_138 = arith.constant 0 : i32
      %dma_wait3A_139 = tpu.memref_slice %dma_wait3A_136[%dma_wait3A_137, %dma_wait3A_138] : memref<80x128xi32, #tpu.memory_space<hbm>> -> memref<40x128xi32, #tpu.memory_space<hbm>>
      tpu.wait_dma2 semaphore(%run_scoped3A : memref<!tpu.dma_semaphore, #tpu.memory_space<semaphore_mem>>) src(%dma_wait3A_139 : memref<40x128xi32, #tpu.memory_space<hbm>>) dst(%arg8 : memref<40x128xi32, #tpu.memory_space<vmem>>)
      tpu.yield
    }) : () -> ()
    %dma_start3A_45 = arith.constant 0 : i32
    %dma_start3A_46 = arith.constant 0 : i32
    %dma_start3A_47 = arith.constant 0 : i32
    %dma_start3A_48 = tpu.memref_slice %arg9[%dma_start3A_46, %dma_start3A_47] : memref<256x128xf32, #tpu.memory_space<vmem>> -> memref<128x128xf32, #tpu.memory_space<vmem>>
    %dma_start3A_49 = arith.constant 0 : i32
    %dma_start3A_50 = tpu.memref_slice %arg7[%dma_start3A_45, %dma_start3A_49] : memref<40x128xi32, #tpu.memory_space<vmem>> -> memref<1x128xi32, #tpu.memory_space<vmem>>
    %dma_start3A_51 = tpu.memref_squeeze %dma_start3A_50 : memref<1x128xi32, #tpu.memory_space<vmem>> -> memref<128xi32, #tpu.memory_space<vmem>>
    %dma_start3A_52 = arith.constant 0 : i32
    %dma_start3A_53 = arith.constant 0 : i32
    %dma_start3A_54 = tpu.memref_slice %arg2[%arg0, %dma_start3A_52, %dma_start3A_53] : memref<2x10000x128xf32, #tpu.memory_space<hbm>> -> memref<1x10000x128xf32, #tpu.memory_space<hbm>>
    %dma_start3A_55 = tpu.memref_squeeze %dma_start3A_54 : memref<1x10000x128xf32, #tpu.memory_space<hbm>> -> memref<10000x128xf32, #tpu.memory_space<hbm>>
    %dma_start3A_56 = arith.constant 0 : i32
    %dma_start3A_57 = arith.constant 0 : i32
    %dma_start3A_58 = tpu.memref_slice %dma_start3A_55[%dma_start3A_56, %dma_start3A_57] : memref<10000x128xf32, #tpu.memory_space<hbm>> -> memref<10000x128xf32, #tpu.memory_space<hbm>>
    tpu.enqueue_indirect_dma source(%dma_start3A_58 : memref<10000x128xf32, #tpu.memory_space<hbm>>) target(%dma_start3A_48 : memref<128x128xf32, #tpu.memory_space<vmem>>) offsets(%dma_start3A_51 : memref<128xi32, #tpu.memory_space<vmem>>) semaphore(%arg11 : memref<!tpu.dma_semaphore, #tpu.memory_space<semaphore_mem>>)
    %scan3A_59 = arith.constant 0 : i32
    %scan3A_60 = arith.constant 0 : i32
    %scan3A_61 = arith.constant 20 : i32
    %scan3A_62 = arith.addi %scan3A_60, %scan3A_61 : i32
    %scan3A_63 = arith.constant 1 : i32
    scf.for %scan3A_112 = %scan3A_60 to %scan3A_62 step %scan3A_63  : i32 {
      %mul3A_113 = arith.constant 2 : i32
      %mul3A_114 = arith.muli %mul3A_113, %scan3A_112 : i32
      %dma_wait3A_115 = arith.constant 0 : i32
      %dma_wait3A_116 = arith.constant 0 : i32
      %dma_wait3A_117 = tpu.memref_slice %arg9[%dma_wait3A_115, %dma_wait3A_116] : memref<256x128xf32, #tpu.memory_space<vmem>> -> memref<128x128xf32, #tpu.memory_space<vmem>>
      %dma_wait3A_118 = arith.constant 0 : i32
      %dma_wait3A_119 = tpu.memref_slice %arg7[%mul3A_114, %dma_wait3A_118] : memref<40x128xi32, #tpu.memory_space<vmem>> -> memref<1x128xi32, #tpu.memory_space<vmem>>
      %dma_wait3A_120 = tpu.memref_squeeze %dma_wait3A_119 : memref<1x128xi32, #tpu.memory_space<vmem>> -> memref<128xi32, #tpu.memory_space<vmem>>
      %dma_wait3A_121 = arith.constant 0 : i32
      %dma_wait3A_122 = arith.constant 0 : i32
      %dma_wait3A_123 = tpu.memref_slice %arg2[%arg0, %dma_wait3A_121, %dma_wait3A_122] : memref<2x10000x128xf32, #tpu.memory_space<hbm>> -> memref<1x10000x128xf32, #tpu.memory_space<hbm>>
      %dma_wait3A_124 = tpu.memref_squeeze %dma_wait3A_123 : memref<1x10000x128xf32, #tpu.memory_space<hbm>> -> memref<10000x128xf32, #tpu.memory_space<hbm>>
      %dma_wait3A_125 = arith.constant 0 : i32
      %dma_wait3A_126 = arith.constant 0 : i32
      %dma_wait3A_127 = tpu.memref_slice %dma_wait3A_124[%dma_wait3A_125, %dma_wait3A_126] : memref<10000x128xf32, #tpu.memory_space<hbm>> -> memref<10000x128xf32, #tpu.memory_space<hbm>>
      tpu.wait_indirect_dma semaphore(%arg11 : memref<!tpu.dma_semaphore, #tpu.memory_space<semaphore_mem>>) src(%dma_wait3A_127 : memref<10000x128xf32, #tpu.memory_space<hbm>>) dst(%dma_wait3A_117 : memref<128x128xf32, #tpu.memory_space<vmem>>)
      %dma_start3A_128 = arith.constant 0 : i32
      %dma_start3A_129 = arith.constant 0 : i32
      %dma_start3A_130 = tpu.memref_slice %arg9[%dma_start3A_128, %dma_start3A_129] : memref<256x128xf32, #tpu.memory_space<vmem>> -> memref<128x128xf32, #tpu.memory_space<vmem>>
      %dma_start3A_131 = arith.constant 0 : i32
      %dma_start3A_132 = tpu.memref_slice %arg8[%mul3A_114, %dma_start3A_131] : memref<40x128xi32, #tpu.memory_space<vmem>> -> memref<1x128xi32, #tpu.memory_space<vmem>>
      %dma_start3A_133 = tpu.memref_squeeze %dma_start3A_132 : memref<1x128xi32, #tpu.memory_space<vmem>> -> memref<128xi32, #tpu.memory_space<vmem>>
      %dma_start3A_134 = arith.constant 0 : i32
      %dma_start3A_135 = arith.constant 0 : i32
      %dma_start3A_136 = tpu.memref_slice %arg10[%dma_start3A_134, %dma_start3A_135] : memref<10240x128xf32, #tpu.memory_space<vmem_shared>> -> memref<10240x128xf32, #tpu.memory_space<vmem_shared>>
      tpu.enqueue_indirect_dma source(%dma_start3A_130 : memref<128x128xf32, #tpu.memory_space<vmem>>) target(%dma_start3A_136 : memref<10240x128xf32, #tpu.memory_space<vmem_shared>>) offsets(%dma_start3A_133 : memref<128xi32, #tpu.memory_space<vmem>>) semaphore(%arg13 : memref<!tpu.dma_semaphore, #tpu.memory_space<semaphore_mem>>) {add = true}
      %gt3A = arith.constant 0 : i32
      %gt3A_137 = arith.cmpi sgt, %scan3A_112, %gt3A : i32
      %convert_element_type3A_138 = arith.extui %gt3A_137 : i1 to i32
      %cond3A_139 = arith.constant 0 : i32
      %cond3A_140 = arith.cmpi ne, %convert_element_type3A_138, %cond3A_139 : i32
      scf.if %cond3A_140 {
        %sub3A = arith.constant 1 : i32
        %sub3A_198 = arith.subi %mul3A_114, %sub3A : i32
        %dma_wait3A_199 = arith.constant 128 : i32
        %dma_wait3A_200 = arith.constant 0 : i32
        %dma_wait3A_201 = tpu.memref_slice %arg9[%dma_wait3A_199, %dma_wait3A_200] : memref<256x128xf32, #tpu.memory_space<vmem>> -> memref<128x128xf32, #tpu.memory_space<vmem>>
        %dma_wait3A_202 = arith.constant 0 : i32
        %dma_wait3A_203 = tpu.memref_slice %arg8[%sub3A_198, %dma_wait3A_202] : memref<40x128xi32, #tpu.memory_space<vmem>> -> memref<1x128xi32, #tpu.memory_space<vmem>>
        %dma_wait3A_204 = tpu.memref_squeeze %dma_wait3A_203 : memref<1x128xi32, #tpu.memory_space<vmem>> -> memref<128xi32, #tpu.memory_space<vmem>>
        %dma_wait3A_205 = arith.constant 0 : i32
        %dma_wait3A_206 = arith.constant 0 : i32
        %dma_wait3A_207 = tpu.memref_slice %arg10[%dma_wait3A_205, %dma_wait3A_206] : memref<10240x128xf32, #tpu.memory_space<vmem_shared>> -> memref<10240x128xf32, #tpu.memory_space<vmem_shared>>
        tpu.wait_indirect_dma semaphore(%arg14 : memref<!tpu.dma_semaphore, #tpu.memory_space<semaphore_mem>>) src(%dma_wait3A_201 : memref<128x128xf32, #tpu.memory_space<vmem>>) dst(%dma_wait3A_207 : memref<10240x128xf32, #tpu.memory_space<vmem_shared>>)
      } else {
      }
      %add3A_141 = arith.constant 1 : i32
      %add3A_142 = arith.addi %mul3A_114, %add3A_141 : i32
      %dma_start3A_143 = arith.constant 128 : i32
      %dma_start3A_144 = arith.constant 0 : i32
      %dma_start3A_145 = tpu.memref_slice %arg9[%dma_start3A_143, %dma_start3A_144] : memref<256x128xf32, #tpu.memory_space<vmem>> -> memref<128x128xf32, #tpu.memory_space<vmem>>
      %dma_start3A_146 = arith.constant 0 : i32
      %dma_start3A_147 = tpu.memref_slice %arg7[%add3A_142, %dma_start3A_146] : memref<40x128xi32, #tpu.memory_space<vmem>> -> memref<1x128xi32, #tpu.memory_space<vmem>>
      %dma_start3A_148 = tpu.memref_squeeze %dma_start3A_147 : memref<1x128xi32, #tpu.memory_space<vmem>> -> memref<128xi32, #tpu.memory_space<vmem>>
      %dma_start3A_149 = arith.constant 0 : i32
      %dma_start3A_150 = arith.constant 0 : i32
      %dma_start3A_151 = tpu.memref_slice %arg2[%arg0, %dma_start3A_149, %dma_start3A_150] : memref<2x10000x128xf32, #tpu.memory_space<hbm>> -> memref<1x10000x128xf32, #tpu.memory_space<hbm>>
      %dma_start3A_152 = tpu.memref_squeeze %dma_start3A_151 : memref<1x10000x128xf32, #tpu.memory_space<hbm>> -> memref<10000x128xf32, #tpu.memory_space<hbm>>
      %dma_start3A_153 = arith.constant 0 : i32
      %dma_start3A_154 = arith.constant 0 : i32
      %dma_start3A_155 = tpu.memref_slice %dma_start3A_152[%dma_start3A_153, %dma_start3A_154] : memref<10000x128xf32, #tpu.memory_space<hbm>> -> memref<10000x128xf32, #tpu.memory_space<hbm>>
      tpu.enqueue_indirect_dma source(%dma_start3A_155 : memref<10000x128xf32, #tpu.memory_space<hbm>>) target(%dma_start3A_145 : memref<128x128xf32, #tpu.memory_space<vmem>>) offsets(%dma_start3A_148 : memref<128xi32, #tpu.memory_space<vmem>>) semaphore(%arg12 : memref<!tpu.dma_semaphore, #tpu.memory_space<semaphore_mem>>)
      %add3A_156 = arith.constant 1 : i32
      %add3A_157 = arith.addi %mul3A_114, %add3A_156 : i32
      %dma_wait3A_158 = arith.constant 128 : i32
      %dma_wait3A_159 = arith.constant 0 : i32
      %dma_wait3A_160 = tpu.memref_slice %arg9[%dma_wait3A_158, %dma_wait3A_159] : memref<256x128xf32, #tpu.memory_space<vmem>> -> memref<128x128xf32, #tpu.memory_space<vmem>>
      %dma_wait3A_161 = arith.constant 0 : i32
      %dma_wait3A_162 = tpu.memref_slice %arg7[%add3A_157, %dma_wait3A_161] : memref<40x128xi32, #tpu.memory_space<vmem>> -> memref<1x128xi32, #tpu.memory_space<vmem>>
      %dma_wait3A_163 = tpu.memref_squeeze %dma_wait3A_162 : memref<1x128xi32, #tpu.memory_space<vmem>> -> memref<128xi32, #tpu.memory_space<vmem>>
      %dma_wait3A_164 = arith.constant 0 : i32
      %dma_wait3A_165 = arith.constant 0 : i32
      %dma_wait3A_166 = tpu.memref_slice %arg2[%arg0, %dma_wait3A_164, %dma_wait3A_165] : memref<2x10000x128xf32, #tpu.memory_space<hbm>> -> memref<1x10000x128xf32, #tpu.memory_space<hbm>>
      %dma_wait3A_167 = tpu.memref_squeeze %dma_wait3A_166 : memref<1x10000x128xf32, #tpu.memory_space<hbm>> -> memref<10000x128xf32, #tpu.memory_space<hbm>>
      %dma_wait3A_168 = arith.constant 0 : i32
      %dma_wait3A_169 = arith.constant 0 : i32
      %dma_wait3A_170 = tpu.memref_slice %dma_wait3A_167[%dma_wait3A_168, %dma_wait3A_169] : memref<10000x128xf32, #tpu.memory_space<hbm>> -> memref<10000x128xf32, #tpu.memory_space<hbm>>
      tpu.wait_indirect_dma semaphore(%arg12 : memref<!tpu.dma_semaphore, #tpu.memory_space<semaphore_mem>>) src(%dma_wait3A_170 : memref<10000x128xf32, #tpu.memory_space<hbm>>) dst(%dma_wait3A_160 : memref<128x128xf32, #tpu.memory_space<vmem>>)
      %add3A_171 = arith.constant 1 : i32
      %add3A_172 = arith.addi %mul3A_114, %add3A_171 : i32
      %dma_start3A_173 = arith.constant 128 : i32
      %dma_start3A_174 = arith.constant 0 : i32
      %dma_start3A_175 = tpu.memref_slice %arg9[%dma_start3A_173, %dma_start3A_174] : memref<256x128xf32, #tpu.memory_space<vmem>> -> memref<128x128xf32, #tpu.memory_space<vmem>>
      %dma_start3A_176 = arith.constant 0 : i32
      %dma_start3A_177 = tpu.memref_slice %arg8[%add3A_172, %dma_start3A_176] : memref<40x128xi32, #tpu.memory_space<vmem>> -> memref<1x128xi32, #tpu.memory_space<vmem>>
      %dma_start3A_178 = tpu.memref_squeeze %dma_start3A_177 : memref<1x128xi32, #tpu.memory_space<vmem>> -> memref<128xi32, #tpu.memory_space<vmem>>
      %dma_start3A_179 = arith.constant 0 : i32
      %dma_start3A_180 = arith.constant 0 : i32
      %dma_start3A_181 = tpu.memref_slice %arg10[%dma_start3A_179, %dma_start3A_180] : memref<10240x128xf32, #tpu.memory_space<vmem_shared>> -> memref<10240x128xf32, #tpu.memory_space<vmem_shared>>
      tpu.enqueue_indirect_dma source(%dma_start3A_175 : memref<128x128xf32, #tpu.memory_space<vmem>>) target(%dma_start3A_181 : memref<10240x128xf32, #tpu.memory_space<vmem_shared>>) offsets(%dma_start3A_178 : memref<128xi32, #tpu.memory_space<vmem>>) semaphore(%arg14 : memref<!tpu.dma_semaphore, #tpu.memory_space<semaphore_mem>>) {add = true}
      %dma_wait3A_182 = arith.constant 0 : i32
      %dma_wait3A_183 = arith.constant 0 : i32
      %dma_wait3A_184 = tpu.memref_slice %arg9[%dma_wait3A_182, %dma_wait3A_183] : memref<256x128xf32, #tpu.memory_space<vmem>> -> memref<128x128xf32, #tpu.memory_space<vmem>>
      %dma_wait3A_185 = arith.constant 0 : i32
      %dma_wait3A_186 = tpu.memref_slice %arg8[%mul3A_114, %dma_wait3A_185] : memref<40x128xi32, #tpu.memory_space<vmem>> -> memref<1x128xi32, #tpu.memory_space<vmem>>
      %dma_wait3A_187 = tpu.memref_squeeze %dma_wait3A_186 : memref<1x128xi32, #tpu.memory_space<vmem>> -> memref<128xi32, #tpu.memory_space<vmem>>
      %dma_wait3A_188 = arith.constant 0 : i32
      %dma_wait3A_189 = arith.constant 0 : i32
      %dma_wait3A_190 = tpu.memref_slice %arg10[%dma_wait3A_188, %dma_wait3A_189] : memref<10240x128xf32, #tpu.memory_space<vmem_shared>> -> memref<10240x128xf32, #tpu.memory_space<vmem_shared>>
      tpu.wait_indirect_dma semaphore(%arg13 : memref<!tpu.dma_semaphore, #tpu.memory_space<semaphore_mem>>) src(%dma_wait3A_184 : memref<128x128xf32, #tpu.memory_space<vmem>>) dst(%dma_wait3A_190 : memref<10240x128xf32, #tpu.memory_space<vmem_shared>>)
      %add3A_191 = arith.constant 1 : i32
      %add3A_192 = arith.addi %scan3A_112, %add3A_191 : i32
      %lt3A_193 = arith.constant 20 : i32
      %lt3A_194 = arith.cmpi slt, %add3A_192, %lt3A_193 : i32
      %convert_element_type3A_195 = arith.extui %lt3A_194 : i1 to i32
      %cond3A_196 = arith.constant 0 : i32
      %cond3A_197 = arith.cmpi ne, %convert_element_type3A_195, %cond3A_196 : i32
      scf.if %cond3A_197 {
        %add3A_198 = arith.constant 2 : i32
        %add3A_199 = arith.addi %mul3A_114, %add3A_198 : i32
        %dma_start3A_200 = arith.constant 0 : i32
        %dma_start3A_201 = arith.constant 0 : i32
        %dma_start3A_202 = tpu.memref_slice %arg9[%dma_start3A_200, %dma_start3A_201] : memref<256x128xf32, #tpu.memory_space<vmem>> -> memref<128x128xf32, #tpu.memory_space<vmem>>
        %dma_start3A_203 = arith.constant 0 : i32
        %dma_start3A_204 = tpu.memref_slice %arg7[%add3A_199, %dma_start3A_203] : memref<40x128xi32, #tpu.memory_space<vmem>> -> memref<1x128xi32, #tpu.memory_space<vmem>>
        %dma_start3A_205 = tpu.memref_squeeze %dma_start3A_204 : memref<1x128xi32, #tpu.memory_space<vmem>> -> memref<128xi32, #tpu.memory_space<vmem>>
        %dma_start3A_206 = arith.constant 0 : i32
        %dma_start3A_207 = arith.constant 0 : i32
        %dma_start3A_208 = tpu.memref_slice %arg2[%arg0, %dma_start3A_206, %dma_start3A_207] : memref<2x10000x128xf32, #tpu.memory_space<hbm>> -> memref<1x10000x128xf32, #tpu.memory_space<hbm>>
        %dma_start3A_209 = tpu.memref_squeeze %dma_start3A_208 : memref<1x10000x128xf32, #tpu.memory_space<hbm>> -> memref<10000x128xf32, #tpu.memory_space<hbm>>
        %dma_start3A_210 = arith.constant 0 : i32
        %dma_start3A_211 = arith.constant 0 : i32
        %dma_start3A_212 = tpu.memref_slice %dma_start3A_209[%dma_start3A_210, %dma_start3A_211] : memref<10000x128xf32, #tpu.memory_space<hbm>> -> memref<10000x128xf32, #tpu.memory_space<hbm>>
        tpu.enqueue_indirect_dma source(%dma_start3A_212 : memref<10000x128xf32, #tpu.memory_space<hbm>>) target(%dma_start3A_202 : memref<128x128xf32, #tpu.memory_space<vmem>>) offsets(%dma_start3A_205 : memref<128xi32, #tpu.memory_space<vmem>>) semaphore(%arg11 : memref<!tpu.dma_semaphore, #tpu.memory_space<semaphore_mem>>)
      } else {
      }
    }
    %scan3A_64 = arith.constant 20 : i32
    %dma_wait3A_65 = arith.constant 39 : i32
    %dma_wait3A_66 = arith.constant 128 : i32
    %dma_wait3A_67 = arith.constant 0 : i32
    %dma_wait3A_68 = tpu.memref_slice %arg9[%dma_wait3A_66, %dma_wait3A_67] : memref<256x128xf32, #tpu.memory_space<vmem>> -> memref<128x128xf32, #tpu.memory_space<vmem>>
    %dma_wait3A_69 = arith.constant 0 : i32
    %dma_wait3A_70 = tpu.memref_slice %arg8[%dma_wait3A_65, %dma_wait3A_69] : memref<40x128xi32, #tpu.memory_space<vmem>> -> memref<1x128xi32, #tpu.memory_space<vmem>>
    %dma_wait3A_71 = tpu.memref_squeeze %dma_wait3A_70 : memref<1x128xi32, #tpu.memory_space<vmem>> -> memref<128xi32, #tpu.memory_space<vmem>>
    %dma_wait3A_72 = arith.constant 0 : i32
    %dma_wait3A_73 = arith.constant 0 : i32
    %dma_wait3A_74 = tpu.memref_slice %arg10[%dma_wait3A_72, %dma_wait3A_73] : memref<10240x128xf32, #tpu.memory_space<vmem_shared>> -> memref<10240x128xf32, #tpu.memory_space<vmem_shared>>
    tpu.wait_indirect_dma semaphore(%arg14 : memref<!tpu.dma_semaphore, #tpu.memory_space<semaphore_mem>>) src(%dma_wait3A_68 : memref<128x128xf32, #tpu.memory_space<vmem>>) dst(%dma_wait3A_74 : memref<10240x128xf32, #tpu.memory_space<vmem_shared>>)
    %barrier3A_75 = arith.constant 0 : index
    tpu.barrier barrier_id(%barrier3A_75)
    %add3A_76 = arith.constant 0 : i32
    %add3A_77 = arith.addi %arg1, %add3A_76 : i32
    %lt3A = arith.constant 78 : i32
    %lt3A_78 = arith.cmpi slt, %add3A_77, %lt3A : i32
    %convert_element_type3A = arith.extui %lt3A_78 : i1 to i32
    %cond3A = arith.constant 0 : i32
    %cond3A_79 = arith.cmpi ne, %convert_element_type3A, %cond3A : i32
    scf.if %cond3A_79 {
      %mul3A_112 = arith.constant 128 : i32
      %mul3A_113 = arith.muli %add3A_77, %mul3A_112 : i32
      %multiple_of3A = tpu.assume_multiple %mul3A_113, 128 : i32
      "tpu.region"() ({
        %run_scoped3A = tpu.sem_alloc : memref<!tpu.dma_semaphore, #tpu.memory_space<semaphore_mem>>
        %dma_start3A_114 = arith.constant 0 : i32
        %dma_start3A_115 = arith.constant 0 : i32
        %dma_start3A_116 = tpu.memref_slice %arg9[%dma_start3A_114, %dma_start3A_115] : memref<256x128xf32, #tpu.memory_space<vmem>> -> memref<128x128xf32, #tpu.memory_space<vmem>>
        %dma_start3A_117 = arith.constant 0 : i32
        %dma_start3A_118 = tpu.memref_slice %arg10[%multiple_of3A, %dma_start3A_117] : memref<10240x128xf32, #tpu.memory_space<vmem_shared>> -> memref<128x128xf32, #tpu.memory_space<vmem_shared>>
        %dma_start3A_119 = arith.constant 0 : i32
        %dma_start3A_120 = arith.constant 0 : i32
        %dma_start3A_121 = tpu.memref_slice %arg9[%dma_start3A_119, %dma_start3A_120] : memref<256x128xf32, #tpu.memory_space<vmem>> -> memref<128x128xf32, #tpu.memory_space<vmem>>
        %dma_start3A_122 = arith.constant 0 : i32
        %dma_start3A_123 = tpu.memref_slice %arg10[%multiple_of3A, %dma_start3A_122] : memref<10240x128xf32, #tpu.memory_space<vmem_shared>> -> memref<128x128xf32, #tpu.memory_space<vmem_shared>>
        tpu.enqueue_dma source(%dma_start3A_123 : memref<128x128xf32, #tpu.memory_space<vmem_shared>>) target(%dma_start3A_121 : memref<128x128xf32, #tpu.memory_space<vmem>>) target_semaphore(%run_scoped3A : memref<!tpu.dma_semaphore, #tpu.memory_space<semaphore_mem>>)
        %dma_wait3A_124 = arith.constant 0 : i32
        %dma_wait3A_125 = arith.constant 0 : i32
        %dma_wait3A_126 = tpu.memref_slice %arg9[%dma_wait3A_124, %dma_wait3A_125] : memref<256x128xf32, #tpu.memory_space<vmem>> -> memref<128x128xf32, #tpu.memory_space<vmem>>
        %dma_wait3A_127 = arith.constant 0 : i32
        %dma_wait3A_128 = tpu.memref_slice %arg10[%multiple_of3A, %dma_wait3A_127] : memref<10240x128xf32, #tpu.memory_space<vmem_shared>> -> memref<128x128xf32, #tpu.memory_space<vmem_shared>>
        %dma_wait3A_129 = arith.constant 0 : i32
        %dma_wait3A_130 = arith.constant 0 : i32
        %dma_wait3A_131 = tpu.memref_slice %arg9[%dma_wait3A_129, %dma_wait3A_130] : memref<256x128xf32, #tpu.memory_space<vmem>> -> memref<128x128xf32, #tpu.memory_space<vmem>>
        %dma_wait3A_132 = arith.constant 0 : i32
        %dma_wait3A_133 = tpu.memref_slice %arg10[%multiple_of3A, %dma_wait3A_132] : memref<10240x128xf32, #tpu.memory_space<vmem_shared>> -> memref<128x128xf32, #tpu.memory_space<vmem_shared>>
        tpu.wait_dma2 semaphore(%run_scoped3A : memref<!tpu.dma_semaphore, #tpu.memory_space<semaphore_mem>>) src(%dma_wait3A_133 : memref<128x128xf32, #tpu.memory_space<vmem_shared>>) dst(%dma_wait3A_131 : memref<128x128xf32, #tpu.memory_space<vmem>>)
        tpu.yield
      }) : () -> ()
      "tpu.region"() ({
        %run_scoped3A = tpu.sem_alloc : memref<!tpu.dma_semaphore, #tpu.memory_space<semaphore_mem>>
        %dma_start3A_114 = arith.constant 0 : i32
        %dma_start3A_115 = arith.constant 0 : i32
        %dma_start3A_116 = tpu.memref_slice %arg9[%dma_start3A_114, %dma_start3A_115] : memref<256x128xf32, #tpu.memory_space<vmem>> -> memref<128x128xf32, #tpu.memory_space<vmem>>
        %dma_start3A_117 = arith.constant 0 : i32
        %dma_start3A_118 = arith.constant 0 : i32
        %dma_start3A_119 = tpu.memref_slice %arg6[%arg0, %dma_start3A_117, %dma_start3A_118] : memref<2x10000x128xf32, #tpu.memory_space<hbm>> -> memref<1x10000x128xf32, #tpu.memory_space<hbm>>
        %dma_start3A_120 = tpu.memref_squeeze %dma_start3A_119 : memref<1x10000x128xf32, #tpu.memory_space<hbm>> -> memref<10000x128xf32, #tpu.memory_space<hbm>>
        %dma_start3A_121 = arith.constant 0 : i32
        %dma_start3A_122 = tpu.memref_slice %dma_start3A_120[%multiple_of3A, %dma_start3A_121] : memref<10000x128xf32, #tpu.memory_space<hbm>> -> memref<128x128xf32, #tpu.memory_space<hbm>>
        %dma_start3A_123 = arith.constant 0 : i32
        %dma_start3A_124 = arith.constant 0 : i32
        %dma_start3A_125 = tpu.memref_slice %arg6[%arg0, %dma_start3A_123, %dma_start3A_124] : memref<2x10000x128xf32, #tpu.memory_space<hbm>> -> memref<1x10000x128xf32, #tpu.memory_space<hbm>>
        %dma_start3A_126 = tpu.memref_squeeze %dma_start3A_125 : memref<1x10000x128xf32, #tpu.memory_space<hbm>> -> memref<10000x128xf32, #tpu.memory_space<hbm>>
        %dma_start3A_127 = arith.constant 0 : i32
        %dma_start3A_128 = tpu.memref_slice %dma_start3A_126[%multiple_of3A, %dma_start3A_127] : memref<10000x128xf32, #tpu.memory_space<hbm>> -> memref<128x128xf32, #tpu.memory_space<hbm>>
        %dma_start3A_129 = arith.constant 0 : i32
        %dma_start3A_130 = arith.constant 0 : i32
        %dma_start3A_131 = tpu.memref_slice %arg9[%dma_start3A_129, %dma_start3A_130] : memref<256x128xf32, #tpu.memory_space<vmem>> -> memref<128x128xf32, #tpu.memory_space<vmem>>
        tpu.enqueue_dma source(%dma_start3A_131 : memref<128x128xf32, #tpu.memory_space<vmem>>) target(%dma_start3A_128 : memref<128x128xf32, #tpu.memory_space<hbm>>) target_semaphore(%run_scoped3A : memref<!tpu.dma_semaphore, #tpu.memory_space<semaphore_mem>>)
        %dma_wait3A_132 = arith.constant 0 : i32
        %dma_wait3A_133 = arith.constant 0 : i32
        %dma_wait3A_134 = tpu.memref_slice %arg9[%dma_wait3A_132, %dma_wait3A_133] : memref<256x128xf32, #tpu.memory_space<vmem>> -> memref<128x128xf32, #tpu.memory_space<vmem>>
        %dma_wait3A_135 = arith.constant 0 : i32
        %dma_wait3A_136 = arith.constant 0 : i32
        %dma_wait3A_137 = tpu.memref_slice %arg6[%arg0, %dma_wait3A_135, %dma_wait3A_136] : memref<2x10000x128xf32, #tpu.memory_space<hbm>> -> memref<1x10000x128xf32, #tpu.memory_space<hbm>>
        %dma_wait3A_138 = tpu.memref_squeeze %dma_wait3A_137 : memref<1x10000x128xf32, #tpu.memory_space<hbm>> -> memref<10000x128xf32, #tpu.memory_space<hbm>>
        %dma_wait3A_139 = arith.constant 0 : i32
        %dma_wait3A_140 = tpu.memref_slice %dma_wait3A_138[%multiple_of3A, %dma_wait3A_139] : memref<10000x128xf32, #tpu.memory_space<hbm>> -> memref<128x128xf32, #tpu.memory_space<hbm>>
        %dma_wait3A_141 = arith.constant 0 : i32
        %dma_wait3A_142 = arith.constant 0 : i32
        %dma_wait3A_143 = tpu.memref_slice %arg6[%arg0, %dma_wait3A_141, %dma_wait3A_142] : memref<2x10000x128xf32, #tpu.memory_space<hbm>> -> memref<1x10000x128xf32, #tpu.memory_space<hbm>>
        %dma_wait3A_144 = tpu.memref_squeeze %dma_wait3A_143 : memref<1x10000x128xf32, #tpu.memory_space<hbm>> -> memref<10000x128xf32, #tpu.memory_space<hbm>>
        %dma_wait3A_145 = arith.constant 0 : i32
        %dma_wait3A_146 = tpu.memref_slice %dma_wait3A_144[%multiple_of3A, %dma_wait3A_145] : memref<10000x128xf32, #tpu.memory_space<hbm>> -> memref<128x128xf32, #tpu.memory_space<hbm>>
        %dma_wait3A_147 = arith.constant 0 : i32
        %dma_wait3A_148 = arith.constant 0 : i32
        %dma_wait3A_149 = tpu.memref_slice %arg9[%dma_wait3A_147, %dma_wait3A_148] : memref<256x128xf32, #tpu.memory_space<vmem>> -> memref<128x128xf32, #tpu.memory_space<vmem>>
        tpu.wait_dma2 semaphore(%run_scoped3A : memref<!tpu.dma_semaphore, #tpu.memory_space<semaphore_mem>>) src(%dma_wait3A_149 : memref<128x128xf32, #tpu.memory_space<vmem>>) dst(%dma_wait3A_146 : memref<128x128xf32, #tpu.memory_space<hbm>>)
        tpu.yield
      }) : () -> ()
    } else {
    }
    %add3A_80 = arith.constant 16 : i32
    %add3A_81 = arith.addi %arg1, %add3A_80 : i32
    %lt3A_82 = arith.constant 78 : i32
    %lt3A_83 = arith.cmpi slt, %add3A_81, %lt3A_82 : i32
    %convert_element_type3A_84 = arith.extui %lt3A_83 : i1 to i32
    %cond3A_85 = arith.constant 0 : i32
    %cond3A_86 = arith.cmpi ne, %convert_element_type3A_84, %cond3A_85 : i32
    scf.if %cond3A_86 {
      %mul3A_112 = arith.constant 128 : i32
      %mul3A_113 = arith.muli %add3A_81, %mul3A_112 : i32
      %multiple_of3A = tpu.assume_multiple %mul3A_113, 128 : i32
      "tpu.region"() ({
        %run_scoped3A = tpu.sem_alloc : memref<!tpu.dma_semaphore, #tpu.memory_space<semaphore_mem>>
        %dma_start3A_114 = arith.constant 0 : i32
        %dma_start3A_115 = arith.constant 0 : i32
        %dma_start3A_116 = tpu.memref_slice %arg9[%dma_start3A_114, %dma_start3A_115] : memref<256x128xf32, #tpu.memory_space<vmem>> -> memref<128x128xf32, #tpu.memory_space<vmem>>
        %dma_start3A_117 = arith.constant 0 : i32
        %dma_start3A_118 = tpu.memref_slice %arg10[%multiple_of3A, %dma_start3A_117] : memref<10240x128xf32, #tpu.memory_space<vmem_shared>> -> memref<128x128xf32, #tpu.memory_space<vmem_shared>>
        %dma_start3A_119 = arith.constant 0 : i32
        %dma_start3A_120 = arith.constant 0 : i32
        %dma_start3A_121 = tpu.memref_slice %arg9[%dma_start3A_119, %dma_start3A_120] : memref<256x128xf32, #tpu.memory_space<vmem>> -> memref<128x128xf32, #tpu.memory_space<vmem>>
        %dma_start3A_122 = arith.constant 0 : i32
        %dma_start3A_123 = tpu.memref_slice %arg10[%multiple_of3A, %dma_start3A_122] : memref<10240x128xf32, #tpu.memory_space<vmem_shared>> -> memref<128x128xf32, #tpu.memory_space<vmem_shared>>
        tpu.enqueue_dma source(%dma_start3A_123 : memref<128x128xf32, #tpu.memory_space<vmem_shared>>) target(%dma_start3A_121 : memref<128x128xf32, #tpu.memory_space<vmem>>) target_semaphore(%run_scoped3A : memref<!tpu.dma_semaphore, #tpu.memory_space<semaphore_mem>>)
        %dma_wait3A_124 = arith.constant 0 : i32
        %dma_wait3A_125 = arith.constant 0 : i32
        %dma_wait3A_126 = tpu.memref_slice %arg9[%dma_wait3A_124, %dma_wait3A_125] : memref<256x128xf32, #tpu.memory_space<vmem>> -> memref<128x128xf32, #tpu.memory_space<vmem>>
        %dma_wait3A_127 = arith.constant 0 : i32
        %dma_wait3A_128 = tpu.memref_slice %arg10[%multiple_of3A, %dma_wait3A_127] : memref<10240x128xf32, #tpu.memory_space<vmem_shared>> -> memref<128x128xf32, #tpu.memory_space<vmem_shared>>
        %dma_wait3A_129 = arith.constant 0 : i32
        %dma_wait3A_130 = arith.constant 0 : i32
        %dma_wait3A_131 = tpu.memref_slice %arg9[%dma_wait3A_129, %dma_wait3A_130] : memref<256x128xf32, #tpu.memory_space<vmem>> -> memref<128x128xf32, #tpu.memory_space<vmem>>
        %dma_wait3A_132 = arith.constant 0 : i32
        %dma_wait3A_133 = tpu.memref_slice %arg10[%multiple_of3A, %dma_wait3A_132] : memref<10240x128xf32, #tpu.memory_space<vmem_shared>> -> memref<128x128xf32, #tpu.memory_space<vmem_shared>>
        tpu.wait_dma2 semaphore(%run_scoped3A : memref<!tpu.dma_semaphore, #tpu.memory_space<semaphore_mem>>) src(%dma_wait3A_133 : memref<128x128xf32, #tpu.memory_space<vmem_shared>>) dst(%dma_wait3A_131 : memref<128x128xf32, #tpu.memory_space<vmem>>)
        tpu.yield
      }) : () -> ()
      "tpu.region"() ({
        %run_scoped3A = tpu.sem_alloc : memref<!tpu.dma_semaphore, #tpu.memory_space<semaphore_mem>>
        %dma_start3A_114 = arith.constant 0 : i32
        %dma_start3A_115 = arith.constant 0 : i32
        %dma_start3A_116 = tpu.memref_slice %arg9[%dma_start3A_114, %dma_start3A_115] : memref<256x128xf32, #tpu.memory_space<vmem>> -> memref<128x128xf32, #tpu.memory_space<vmem>>
        %dma_start3A_117 = arith.constant 0 : i32
        %dma_start3A_118 = arith.constant 0 : i32
        %dma_start3A_119 = tpu.memref_slice %arg6[%arg0, %dma_start3A_117, %dma_start3A_118] : memref<2x10000x128xf32, #tpu.memory_space<hbm>> -> memref<1x10000x128xf32, #tpu.memory_space<hbm>>
        %dma_start3A_120 = tpu.memref_squeeze %dma_start3A_119 : memref<1x10000x128xf32, #tpu.memory_space<hbm>> -> memref<10000x128xf32, #tpu.memory_space<hbm>>
        %dma_start3A_121 = arith.constant 0 : i32
        %dma_start3A_122 = tpu.memref_slice %dma_start3A_120[%multiple_of3A, %dma_start3A_121] : memref<10000x128xf32, #tpu.memory_space<hbm>> -> memref<128x128xf32, #tpu.memory_space<hbm>>
        %dma_start3A_123 = arith.constant 0 : i32
        %dma_start3A_124 = arith.constant 0 : i32
        %dma_start3A_125 = tpu.memref_slice %arg6[%arg0, %dma_start3A_123, %dma_start3A_124] : memref<2x10000x128xf32, #tpu.memory_space<hbm>> -> memref<1x10000x128xf32, #tpu.memory_space<hbm>>
        %dma_start3A_126 = tpu.memref_squeeze %dma_start3A_125 : memref<1x10000x128xf32, #tpu.memory_space<hbm>> -> memref<10000x128xf32, #tpu.memory_space<hbm>>
        %dma_start3A_127 = arith.constant 0 : i32
        %dma_start3A_128 = tpu.memref_slice %dma_start3A_126[%multiple_of3A, %dma_start3A_127] : memref<10000x128xf32, #tpu.memory_space<hbm>> -> memref<128x128xf32, #tpu.memory_space<hbm>>
        %dma_start3A_129 = arith.constant 0 : i32
        %dma_start3A_130 = arith.constant 0 : i32
        %dma_start3A_131 = tpu.memref_slice %arg9[%dma_start3A_129, %dma_start3A_130] : memref<256x128xf32, #tpu.memory_space<vmem>> -> memref<128x128xf32, #tpu.memory_space<vmem>>
        tpu.enqueue_dma source(%dma_start3A_131 : memref<128x128xf32, #tpu.memory_space<vmem>>) target(%dma_start3A_128 : memref<128x128xf32, #tpu.memory_space<hbm>>) target_semaphore(%run_scoped3A : memref<!tpu.dma_semaphore, #tpu.memory_space<semaphore_mem>>)
        %dma_wait3A_132 = arith.constant 0 : i32
        %dma_wait3A_133 = arith.constant 0 : i32
        %dma_wait3A_134 = tpu.memref_slice %arg9[%dma_wait3A_132, %dma_wait3A_133] : memref<256x128xf32, #tpu.memory_space<vmem>> -> memref<128x128xf32, #tpu.memory_space<vmem>>
        %dma_wait3A_135 = arith.constant 0 : i32
        %dma_wait3A_136 = arith.constant 0 : i32
        %dma_wait3A_137 = tpu.memref_slice %arg6[%arg0, %dma_wait3A_135, %dma_wait3A_136] : memref<2x10000x128xf32, #tpu.memory_space<hbm>> -> memref<1x10000x128xf32, #tpu.memory_space<hbm>>
        %dma_wait3A_138 = tpu.memref_squeeze %dma_wait3A_137 : memref<1x10000x128xf32, #tpu.memory_space<hbm>> -> memref<10000x128xf32, #tpu.memory_space<hbm>>
        %dma_wait3A_139 = arith.constant 0 : i32
        %dma_wait3A_140 = tpu.memref_slice %dma_wait3A_138[%multiple_of3A, %dma_wait3A_139] : memref<10000x128xf32, #tpu.memory_space<hbm>> -> memref<128x128xf32, #tpu.memory_space<hbm>>
        %dma_wait3A_141 = arith.constant 0 : i32
        %dma_wait3A_142 = arith.constant 0 : i32
        %dma_wait3A_143 = tpu.memref_slice %arg6[%arg0, %dma_wait3A_141, %dma_wait3A_142] : memref<2x10000x128xf32, #tpu.memory_space<hbm>> -> memref<1x10000x128xf32, #tpu.memory_space<hbm>>
        %dma_wait3A_144 = tpu.memref_squeeze %dma_wait3A_143 : memref<1x10000x128xf32, #tpu.memory_space<hbm>> -> memref<10000x128xf32, #tpu.memory_space<hbm>>
        %dma_wait3A_145 = arith.constant 0 : i32
        %dma_wait3A_146 = tpu.memref_slice %dma_wait3A_144[%multiple_of3A, %dma_wait3A_145] : memref<10000x128xf32, #tpu.memory_space<hbm>> -> memref<128x128xf32, #tpu.memory_space<hbm>>
        %dma_wait3A_147 = arith.constant 0 : i32
        %dma_wait3A_148 = arith.constant 0 : i32
        %dma_wait3A_149 = tpu.memref_slice %arg9[%dma_wait3A_147, %dma_wait3A_148] : memref<256x128xf32, #tpu.memory_space<vmem>> -> memref<128x128xf32, #tpu.memory_space<vmem>>
        tpu.wait_dma2 semaphore(%run_scoped3A : memref<!tpu.dma_semaphore, #tpu.memory_space<semaphore_mem>>) src(%dma_wait3A_149 : memref<128x128xf32, #tpu.memory_space<vmem>>) dst(%dma_wait3A_146 : memref<128x128xf32, #tpu.memory_space<hbm>>)
        tpu.yield
      }) : () -> ()
    } else {
    }
    %add3A_87 = arith.constant 32 : i32
    %add3A_88 = arith.addi %arg1, %add3A_87 : i32
    %lt3A_89 = arith.constant 78 : i32
    %lt3A_90 = arith.cmpi slt, %add3A_88, %lt3A_89 : i32
    %convert_element_type3A_91 = arith.extui %lt3A_90 : i1 to i32
    %cond3A_92 = arith.constant 0 : i32
    %cond3A_93 = arith.cmpi ne, %convert_element_type3A_91, %cond3A_92 : i32
    scf.if %cond3A_93 {
      %mul3A_112 = arith.constant 128 : i32
      %mul3A_113 = arith.muli %add3A_88, %mul3A_112 : i32
      %multiple_of3A = tpu.assume_multiple %mul3A_113, 128 : i32
      "tpu.region"() ({
        %run_scoped3A = tpu.sem_alloc : memref<!tpu.dma_semaphore, #tpu.memory_space<semaphore_mem>>
        %dma_start3A_114 = arith.constant 0 : i32
        %dma_start3A_115 = arith.constant 0 : i32
        %dma_start3A_116 = tpu.memref_slice %arg9[%dma_start3A_114, %dma_start3A_115] : memref<256x128xf32, #tpu.memory_space<vmem>> -> memref<128x128xf32, #tpu.memory_space<vmem>>
        %dma_start3A_117 = arith.constant 0 : i32
        %dma_start3A_118 = tpu.memref_slice %arg10[%multiple_of3A, %dma_start3A_117] : memref<10240x128xf32, #tpu.memory_space<vmem_shared>> -> memref<128x128xf32, #tpu.memory_space<vmem_shared>>
        %dma_start3A_119 = arith.constant 0 : i32
        %dma_start3A_120 = arith.constant 0 : i32
        %dma_start3A_121 = tpu.memref_slice %arg9[%dma_start3A_119, %dma_start3A_120] : memref<256x128xf32, #tpu.memory_space<vmem>> -> memref<128x128xf32, #tpu.memory_space<vmem>>
        %dma_start3A_122 = arith.constant 0 : i32
        %dma_start3A_123 = tpu.memref_slice %arg10[%multiple_of3A, %dma_start3A_122] : memref<10240x128xf32, #tpu.memory_space<vmem_shared>> -> memref<128x128xf32, #tpu.memory_space<vmem_shared>>
        tpu.enqueue_dma source(%dma_start3A_123 : memref<128x128xf32, #tpu.memory_space<vmem_shared>>) target(%dma_start3A_121 : memref<128x128xf32, #tpu.memory_space<vmem>>) target_semaphore(%run_scoped3A : memref<!tpu.dma_semaphore, #tpu.memory_space<semaphore_mem>>)
        %dma_wait3A_124 = arith.constant 0 : i32
        %dma_wait3A_125 = arith.constant 0 : i32
        %dma_wait3A_126 = tpu.memref_slice %arg9[%dma_wait3A_124, %dma_wait3A_125] : memref<256x128xf32, #tpu.memory_space<vmem>> -> memref<128x128xf32, #tpu.memory_space<vmem>>
        %dma_wait3A_127 = arith.constant 0 : i32
        %dma_wait3A_128 = tpu.memref_slice %arg10[%multiple_of3A, %dma_wait3A_127] : memref<10240x128xf32, #tpu.memory_space<vmem_shared>> -> memref<128x128xf32, #tpu.memory_space<vmem_shared>>
        %dma_wait3A_129 = arith.constant 0 : i32
        %dma_wait3A_130 = arith.constant 0 : i32
        %dma_wait3A_131 = tpu.memref_slice %arg9[%dma_wait3A_129, %dma_wait3A_130] : memref<256x128xf32, #tpu.memory_space<vmem>> -> memref<128x128xf32, #tpu.memory_space<vmem>>
        %dma_wait3A_132 = arith.constant 0 : i32
        %dma_wait3A_133 = tpu.memref_slice %arg10[%multiple_of3A, %dma_wait3A_132] : memref<10240x128xf32, #tpu.memory_space<vmem_shared>> -> memref<128x128xf32, #tpu.memory_space<vmem_shared>>
        tpu.wait_dma2 semaphore(%run_scoped3A : memref<!tpu.dma_semaphore, #tpu.memory_space<semaphore_mem>>) src(%dma_wait3A_133 : memref<128x128xf32, #tpu.memory_space<vmem_shared>>) dst(%dma_wait3A_131 : memref<128x128xf32, #tpu.memory_space<vmem>>)
        tpu.yield
      }) : () -> ()
      "tpu.region"() ({
        %run_scoped3A = tpu.sem_alloc : memref<!tpu.dma_semaphore, #tpu.memory_space<semaphore_mem>>
        %dma_start3A_114 = arith.constant 0 : i32
        %dma_start3A_115 = arith.constant 0 : i32
        %dma_start3A_116 = tpu.memref_slice %arg9[%dma_start3A_114, %dma_start3A_115] : memref<256x128xf32, #tpu.memory_space<vmem>> -> memref<128x128xf32, #tpu.memory_space<vmem>>
        %dma_start3A_117 = arith.constant 0 : i32
        %dma_start3A_118 = arith.constant 0 : i32
        %dma_start3A_119 = tpu.memref_slice %arg6[%arg0, %dma_start3A_117, %dma_start3A_118] : memref<2x10000x128xf32, #tpu.memory_space<hbm>> -> memref<1x10000x128xf32, #tpu.memory_space<hbm>>
        %dma_start3A_120 = tpu.memref_squeeze %dma_start3A_119 : memref<1x10000x128xf32, #tpu.memory_space<hbm>> -> memref<10000x128xf32, #tpu.memory_space<hbm>>
        %dma_start3A_121 = arith.constant 0 : i32
        %dma_start3A_122 = tpu.memref_slice %dma_start3A_120[%multiple_of3A, %dma_start3A_121] : memref<10000x128xf32, #tpu.memory_space<hbm>> -> memref<128x128xf32, #tpu.memory_space<hbm>>
        %dma_start3A_123 = arith.constant 0 : i32
        %dma_start3A_124 = arith.constant 0 : i32
        %dma_start3A_125 = tpu.memref_slice %arg6[%arg0, %dma_start3A_123, %dma_start3A_124] : memref<2x10000x128xf32, #tpu.memory_space<hbm>> -> memref<1x10000x128xf32, #tpu.memory_space<hbm>>
        %dma_start3A_126 = tpu.memref_squeeze %dma_start3A_125 : memref<1x10000x128xf32, #tpu.memory_space<hbm>> -> memref<10000x128xf32, #tpu.memory_space<hbm>>
        %dma_start3A_127 = arith.constant 0 : i32
        %dma_start3A_128 = tpu.memref_slice %dma_start3A_126[%multiple_of3A, %dma_start3A_127] : memref<10000x128xf32, #tpu.memory_space<hbm>> -> memref<128x128xf32, #tpu.memory_space<hbm>>
        %dma_start3A_129 = arith.constant 0 : i32
        %dma_start3A_130 = arith.constant 0 : i32
        %dma_start3A_131 = tpu.memref_slice %arg9[%dma_start3A_129, %dma_start3A_130] : memref<256x128xf32, #tpu.memory_space<vmem>> -> memref<128x128xf32, #tpu.memory_space<vmem>>
        tpu.enqueue_dma source(%dma_start3A_131 : memref<128x128xf32, #tpu.memory_space<vmem>>) target(%dma_start3A_128 : memref<128x128xf32, #tpu.memory_space<hbm>>) target_semaphore(%run_scoped3A : memref<!tpu.dma_semaphore, #tpu.memory_space<semaphore_mem>>)
        %dma_wait3A_132 = arith.constant 0 : i32
        %dma_wait3A_133 = arith.constant 0 : i32
        %dma_wait3A_134 = tpu.memref_slice %arg9[%dma_wait3A_132, %dma_wait3A_133] : memref<256x128xf32, #tpu.memory_space<vmem>> -> memref<128x128xf32, #tpu.memory_space<vmem>>
        %dma_wait3A_135 = arith.constant 0 : i32
        %dma_wait3A_136 = arith.constant 0 : i32
        %dma_wait3A_137 = tpu.memref_slice %arg6[%arg0, %dma_wait3A_135, %dma_wait3A_136] : memref<2x10000x128xf32, #tpu.memory_space<hbm>> -> memref<1x10000x128xf32, #tpu.memory_space<hbm>>
        %dma_wait3A_138 = tpu.memref_squeeze %dma_wait3A_137 : memref<1x10000x128xf32, #tpu.memory_space<hbm>> -> memref<10000x128xf32, #tpu.memory_space<hbm>>
        %dma_wait3A_139 = arith.constant 0 : i32
        %dma_wait3A_140 = tpu.memref_slice %dma_wait3A_138[%multiple_of3A, %dma_wait3A_139] : memref<10000x128xf32, #tpu.memory_space<hbm>> -> memref<128x128xf32, #tpu.memory_space<hbm>>
        %dma_wait3A_141 = arith.constant 0 : i32
        %dma_wait3A_142 = arith.constant 0 : i32
        %dma_wait3A_143 = tpu.memref_slice %arg6[%arg0, %dma_wait3A_141, %dma_wait3A_142] : memref<2x10000x128xf32, #tpu.memory_space<hbm>> -> memref<1x10000x128xf32, #tpu.memory_space<hbm>>
        %dma_wait3A_144 = tpu.memref_squeeze %dma_wait3A_143 : memref<1x10000x128xf32, #tpu.memory_space<hbm>> -> memref<10000x128xf32, #tpu.memory_space<hbm>>
        %dma_wait3A_145 = arith.constant 0 : i32
        %dma_wait3A_146 = tpu.memref_slice %dma_wait3A_144[%multiple_of3A, %dma_wait3A_145] : memref<10000x128xf32, #tpu.memory_space<hbm>> -> memref<128x128xf32, #tpu.memory_space<hbm>>
        %dma_wait3A_147 = arith.constant 0 : i32
        %dma_wait3A_148 = arith.constant 0 : i32
        %dma_wait3A_149 = tpu.memref_slice %arg9[%dma_wait3A_147, %dma_wait3A_148] : memref<256x128xf32, #tpu.memory_space<vmem>> -> memref<128x128xf32, #tpu.memory_space<vmem>>
        tpu.wait_dma2 semaphore(%run_scoped3A : memref<!tpu.dma_semaphore, #tpu.memory_space<semaphore_mem>>) src(%dma_wait3A_149 : memref<128x128xf32, #tpu.memory_space<vmem>>) dst(%dma_wait3A_146 : memref<128x128xf32, #tpu.memory_space<hbm>>)
        tpu.yield
      }) : () -> ()
    } else {
    }
    %add3A_94 = arith.constant 48 : i32
    %add3A_95 = arith.addi %arg1, %add3A_94 : i32
    %lt3A_96 = arith.constant 78 : i32
    %lt3A_97 = arith.cmpi slt, %add3A_95, %lt3A_96 : i32
    %convert_element_type3A_98 = arith.extui %lt3A_97 : i1 to i32
    %cond3A_99 = arith.constant 0 : i32
    %cond3A_100 = arith.cmpi ne, %convert_element_type3A_98, %cond3A_99 : i32
    scf.if %cond3A_100 {
      %mul3A_112 = arith.constant 128 : i32
      %mul3A_113 = arith.muli %add3A_95, %mul3A_112 : i32
      %multiple_of3A = tpu.assume_multiple %mul3A_113, 128 : i32
      "tpu.region"() ({
        %run_scoped3A = tpu.sem_alloc : memref<!tpu.dma_semaphore, #tpu.memory_space<semaphore_mem>>
        %dma_start3A_114 = arith.constant 0 : i32
        %dma_start3A_115 = arith.constant 0 : i32
        %dma_start3A_116 = tpu.memref_slice %arg9[%dma_start3A_114, %dma_start3A_115] : memref<256x128xf32, #tpu.memory_space<vmem>> -> memref<128x128xf32, #tpu.memory_space<vmem>>
        %dma_start3A_117 = arith.constant 0 : i32
        %dma_start3A_118 = tpu.memref_slice %arg10[%multiple_of3A, %dma_start3A_117] : memref<10240x128xf32, #tpu.memory_space<vmem_shared>> -> memref<128x128xf32, #tpu.memory_space<vmem_shared>>
        %dma_start3A_119 = arith.constant 0 : i32
        %dma_start3A_120 = arith.constant 0 : i32
        %dma_start3A_121 = tpu.memref_slice %arg9[%dma_start3A_119, %dma_start3A_120] : memref<256x128xf32, #tpu.memory_space<vmem>> -> memref<128x128xf32, #tpu.memory_space<vmem>>
        %dma_start3A_122 = arith.constant 0 : i32
        %dma_start3A_123 = tpu.memref_slice %arg10[%multiple_of3A, %dma_start3A_122] : memref<10240x128xf32, #tpu.memory_space<vmem_shared>> -> memref<128x128xf32, #tpu.memory_space<vmem_shared>>
        tpu.enqueue_dma source(%dma_start3A_123 : memref<128x128xf32, #tpu.memory_space<vmem_shared>>) target(%dma_start3A_121 : memref<128x128xf32, #tpu.memory_space<vmem>>) target_semaphore(%run_scoped3A : memref<!tpu.dma_semaphore, #tpu.memory_space<semaphore_mem>>)
        %dma_wait3A_124 = arith.constant 0 : i32
        %dma_wait3A_125 = arith.constant 0 : i32
        %dma_wait3A_126 = tpu.memref_slice %arg9[%dma_wait3A_124, %dma_wait3A_125] : memref<256x128xf32, #tpu.memory_space<vmem>> -> memref<128x128xf32, #tpu.memory_space<vmem>>
        %dma_wait3A_127 = arith.constant 0 : i32
        %dma_wait3A_128 = tpu.memref_slice %arg10[%multiple_of3A, %dma_wait3A_127] : memref<10240x128xf32, #tpu.memory_space<vmem_shared>> -> memref<128x128xf32, #tpu.memory_space<vmem_shared>>
        %dma_wait3A_129 = arith.constant 0 : i32
        %dma_wait3A_130 = arith.constant 0 : i32
        %dma_wait3A_131 = tpu.memref_slice %arg9[%dma_wait3A_129, %dma_wait3A_130] : memref<256x128xf32, #tpu.memory_space<vmem>> -> memref<128x128xf32, #tpu.memory_space<vmem>>
        %dma_wait3A_132 = arith.constant 0 : i32
        %dma_wait3A_133 = tpu.memref_slice %arg10[%multiple_of3A, %dma_wait3A_132] : memref<10240x128xf32, #tpu.memory_space<vmem_shared>> -> memref<128x128xf32, #tpu.memory_space<vmem_shared>>
        tpu.wait_dma2 semaphore(%run_scoped3A : memref<!tpu.dma_semaphore, #tpu.memory_space<semaphore_mem>>) src(%dma_wait3A_133 : memref<128x128xf32, #tpu.memory_space<vmem_shared>>) dst(%dma_wait3A_131 : memref<128x128xf32, #tpu.memory_space<vmem>>)
        tpu.yield
      }) : () -> ()
      "tpu.region"() ({
        %run_scoped3A = tpu.sem_alloc : memref<!tpu.dma_semaphore, #tpu.memory_space<semaphore_mem>>
        %dma_start3A_114 = arith.constant 0 : i32
        %dma_start3A_115 = arith.constant 0 : i32
        %dma_start3A_116 = tpu.memref_slice %arg9[%dma_start3A_114, %dma_start3A_115] : memref<256x128xf32, #tpu.memory_space<vmem>> -> memref<128x128xf32, #tpu.memory_space<vmem>>
        %dma_start3A_117 = arith.constant 0 : i32
        %dma_start3A_118 = arith.constant 0 : i32
        %dma_start3A_119 = tpu.memref_slice %arg6[%arg0, %dma_start3A_117, %dma_start3A_118] : memref<2x10000x128xf32, #tpu.memory_space<hbm>> -> memref<1x10000x128xf32, #tpu.memory_space<hbm>>
        %dma_start3A_120 = tpu.memref_squeeze %dma_start3A_119 : memref<1x10000x128xf32, #tpu.memory_space<hbm>> -> memref<10000x128xf32, #tpu.memory_space<hbm>>
        %dma_start3A_121 = arith.constant 0 : i32
        %dma_start3A_122 = tpu.memref_slice %dma_start3A_120[%multiple_of3A, %dma_start3A_121] : memref<10000x128xf32, #tpu.memory_space<hbm>> -> memref<128x128xf32, #tpu.memory_space<hbm>>
        %dma_start3A_123 = arith.constant 0 : i32
        %dma_start3A_124 = arith.constant 0 : i32
        %dma_start3A_125 = tpu.memref_slice %arg6[%arg0, %dma_start3A_123, %dma_start3A_124] : memref<2x10000x128xf32, #tpu.memory_space<hbm>> -> memref<1x10000x128xf32, #tpu.memory_space<hbm>>
        %dma_start3A_126 = tpu.memref_squeeze %dma_start3A_125 : memref<1x10000x128xf32, #tpu.memory_space<hbm>> -> memref<10000x128xf32, #tpu.memory_space<hbm>>
        %dma_start3A_127 = arith.constant 0 : i32
        %dma_start3A_128 = tpu.memref_slice %dma_start3A_126[%multiple_of3A, %dma_start3A_127] : memref<10000x128xf32, #tpu.memory_space<hbm>> -> memref<128x128xf32, #tpu.memory_space<hbm>>
        %dma_start3A_129 = arith.constant 0 : i32
        %dma_start3A_130 = arith.constant 0 : i32
        %dma_start3A_131 = tpu.memref_slice %arg9[%dma_start3A_129, %dma_start3A_130] : memref<256x128xf32, #tpu.memory_space<vmem>> -> memref<128x128xf32, #tpu.memory_space<vmem>>
        tpu.enqueue_dma source(%dma_start3A_131 : memref<128x128xf32, #tpu.memory_space<vmem>>) target(%dma_start3A_128 : memref<128x128xf32, #tpu.memory_space<hbm>>) target_semaphore(%run_scoped3A : memref<!tpu.dma_semaphore, #tpu.memory_space<semaphore_mem>>)
        %dma_wait3A_132 = arith.constant 0 : i32
        %dma_wait3A_133 = arith.constant 0 : i32
        %dma_wait3A_134 = tpu.memref_slice %arg9[%dma_wait3A_132, %dma_wait3A_133] : memref<256x128xf32, #tpu.memory_space<vmem>> -> memref<128x128xf32, #tpu.memory_space<vmem>>
        %dma_wait3A_135 = arith.constant 0 : i32
        %dma_wait3A_136 = arith.constant 0 : i32
        %dma_wait3A_137 = tpu.memref_slice %arg6[%arg0, %dma_wait3A_135, %dma_wait3A_136] : memref<2x10000x128xf32, #tpu.memory_space<hbm>> -> memref<1x10000x128xf32, #tpu.memory_space<hbm>>
        %dma_wait3A_138 = tpu.memref_squeeze %dma_wait3A_137 : memref<1x10000x128xf32, #tpu.memory_space<hbm>> -> memref<10000x128xf32, #tpu.memory_space<hbm>>
        %dma_wait3A_139 = arith.constant 0 : i32
        %dma_wait3A_140 = tpu.memref_slice %dma_wait3A_138[%multiple_of3A, %dma_wait3A_139] : memref<10000x128xf32, #tpu.memory_space<hbm>> -> memref<128x128xf32, #tpu.memory_space<hbm>>
        %dma_wait3A_141 = arith.constant 0 : i32
        %dma_wait3A_142 = arith.constant 0 : i32
        %dma_wait3A_143 = tpu.memref_slice %arg6[%arg0, %dma_wait3A_141, %dma_wait3A_142] : memref<2x10000x128xf32, #tpu.memory_space<hbm>> -> memref<1x10000x128xf32, #tpu.memory_space<hbm>>
        %dma_wait3A_144 = tpu.memref_squeeze %dma_wait3A_143 : memref<1x10000x128xf32, #tpu.memory_space<hbm>> -> memref<10000x128xf32, #tpu.memory_space<hbm>>
        %dma_wait3A_145 = arith.constant 0 : i32
        %dma_wait3A_146 = tpu.memref_slice %dma_wait3A_144[%multiple_of3A, %dma_wait3A_145] : memref<10000x128xf32, #tpu.memory_space<hbm>> -> memref<128x128xf32, #tpu.memory_space<hbm>>
        %dma_wait3A_147 = arith.constant 0 : i32
        %dma_wait3A_148 = arith.constant 0 : i32
        %dma_wait3A_149 = tpu.memref_slice %arg9[%dma_wait3A_147, %dma_wait3A_148] : memref<256x128xf32, #tpu.memory_space<vmem>> -> memref<128x128xf32, #tpu.memory_space<vmem>>
        tpu.wait_dma2 semaphore(%run_scoped3A : memref<!tpu.dma_semaphore, #tpu.memory_space<semaphore_mem>>) src(%dma_wait3A_149 : memref<128x128xf32, #tpu.memory_space<vmem>>) dst(%dma_wait3A_146 : memref<128x128xf32, #tpu.memory_space<hbm>>)
        tpu.yield
      }) : () -> ()
    } else {
    }
    %add3A_101 = arith.constant 64 : i32
    %add3A_102 = arith.addi %arg1, %add3A_101 : i32
    %lt3A_103 = arith.constant 78 : i32
    %lt3A_104 = arith.cmpi slt, %add3A_102, %lt3A_103 : i32
    %convert_element_type3A_105 = arith.extui %lt3A_104 : i1 to i32
    %cond3A_106 = arith.constant 0 : i32
    %cond3A_107 = arith.cmpi ne, %convert_element_type3A_105, %cond3A_106 : i32
    scf.if %cond3A_107 {
      %mul3A_112 = arith.constant 128 : i32
      %mul3A_113 = arith.muli %add3A_102, %mul3A_112 : i32
      %multiple_of3A = tpu.assume_multiple %mul3A_113, 128 : i32
      "tpu.region"() ({
        %run_scoped3A = tpu.sem_alloc : memref<!tpu.dma_semaphore, #tpu.memory_space<semaphore_mem>>
        %dma_start3A_114 = arith.constant 0 : i32
        %dma_start3A_115 = arith.constant 0 : i32
        %dma_start3A_116 = tpu.memref_slice %arg9[%dma_start3A_114, %dma_start3A_115] : memref<256x128xf32, #tpu.memory_space<vmem>> -> memref<128x128xf32, #tpu.memory_space<vmem>>
        %dma_start3A_117 = arith.constant 0 : i32
        %dma_start3A_118 = tpu.memref_slice %arg10[%multiple_of3A, %dma_start3A_117] : memref<10240x128xf32, #tpu.memory_space<vmem_shared>> -> memref<128x128xf32, #tpu.memory_space<vmem_shared>>
        %dma_start3A_119 = arith.constant 0 : i32
        %dma_start3A_120 = arith.constant 0 : i32
        %dma_start3A_121 = tpu.memref_slice %arg9[%dma_start3A_119, %dma_start3A_120] : memref<256x128xf32, #tpu.memory_space<vmem>> -> memref<128x128xf32, #tpu.memory_space<vmem>>
        %dma_start3A_122 = arith.constant 0 : i32
        %dma_start3A_123 = tpu.memref_slice %arg10[%multiple_of3A, %dma_start3A_122] : memref<10240x128xf32, #tpu.memory_space<vmem_shared>> -> memref<128x128xf32, #tpu.memory_space<vmem_shared>>
        tpu.enqueue_dma source(%dma_start3A_123 : memref<128x128xf32, #tpu.memory_space<vmem_shared>>) target(%dma_start3A_121 : memref<128x128xf32, #tpu.memory_space<vmem>>) target_semaphore(%run_scoped3A : memref<!tpu.dma_semaphore, #tpu.memory_space<semaphore_mem>>)
        %dma_wait3A_124 = arith.constant 0 : i32
        %dma_wait3A_125 = arith.constant 0 : i32
        %dma_wait3A_126 = tpu.memref_slice %arg9[%dma_wait3A_124, %dma_wait3A_125] : memref<256x128xf32, #tpu.memory_space<vmem>> -> memref<128x128xf32, #tpu.memory_space<vmem>>
        %dma_wait3A_127 = arith.constant 0 : i32
        %dma_wait3A_128 = tpu.memref_slice %arg10[%multiple_of3A, %dma_wait3A_127] : memref<10240x128xf32, #tpu.memory_space<vmem_shared>> -> memref<128x128xf32, #tpu.memory_space<vmem_shared>>
        %dma_wait3A_129 = arith.constant 0 : i32
        %dma_wait3A_130 = arith.constant 0 : i32
        %dma_wait3A_131 = tpu.memref_slice %arg9[%dma_wait3A_129, %dma_wait3A_130] : memref<256x128xf32, #tpu.memory_space<vmem>> -> memref<128x128xf32, #tpu.memory_space<vmem>>
        %dma_wait3A_132 = arith.constant 0 : i32
        %dma_wait3A_133 = tpu.memref_slice %arg10[%multiple_of3A, %dma_wait3A_132] : memref<10240x128xf32, #tpu.memory_space<vmem_shared>> -> memref<128x128xf32, #tpu.memory_space<vmem_shared>>
        tpu.wait_dma2 semaphore(%run_scoped3A : memref<!tpu.dma_semaphore, #tpu.memory_space<semaphore_mem>>) src(%dma_wait3A_133 : memref<128x128xf32, #tpu.memory_space<vmem_shared>>) dst(%dma_wait3A_131 : memref<128x128xf32, #tpu.memory_space<vmem>>)
        tpu.yield
      }) : () -> ()
      "tpu.region"() ({
        %run_scoped3A = tpu.sem_alloc : memref<!tpu.dma_semaphore, #tpu.memory_space<semaphore_mem>>
        %dma_start3A_114 = arith.constant 0 : i32
        %dma_start3A_115 = arith.constant 0 : i32
        %dma_start3A_116 = tpu.memref_slice %arg9[%dma_start3A_114, %dma_start3A_115] : memref<256x128xf32, #tpu.memory_space<vmem>> -> memref<128x128xf32, #tpu.memory_space<vmem>>
        %dma_start3A_117 = arith.constant 0 : i32
        %dma_start3A_118 = arith.constant 0 : i32
        %dma_start3A_119 = tpu.memref_slice %arg6[%arg0, %dma_start3A_117, %dma_start3A_118] : memref<2x10000x128xf32, #tpu.memory_space<hbm>> -> memref<1x10000x128xf32, #tpu.memory_space<hbm>>
        %dma_start3A_120 = tpu.memref_squeeze %dma_start3A_119 : memref<1x10000x128xf32, #tpu.memory_space<hbm>> -> memref<10000x128xf32, #tpu.memory_space<hbm>>
        %dma_start3A_121 = arith.constant 0 : i32
        %dma_start3A_122 = tpu.memref_slice %dma_start3A_120[%multiple_of3A, %dma_start3A_121] : memref<10000x128xf32, #tpu.memory_space<hbm>> -> memref<128x128xf32, #tpu.memory_space<hbm>>
        %dma_start3A_123 = arith.constant 0 : i32
        %dma_start3A_124 = arith.constant 0 : i32
        %dma_start3A_125 = tpu.memref_slice %arg6[%arg0, %dma_start3A_123, %dma_start3A_124] : memref<2x10000x128xf32, #tpu.memory_space<hbm>> -> memref<1x10000x128xf32, #tpu.memory_space<hbm>>
        %dma_start3A_126 = tpu.memref_squeeze %dma_start3A_125 : memref<1x10000x128xf32, #tpu.memory_space<hbm>> -> memref<10000x128xf32, #tpu.memory_space<hbm>>
        %dma_start3A_127 = arith.constant 0 : i32
        %dma_start3A_128 = tpu.memref_slice %dma_start3A_126[%multiple_of3A, %dma_start3A_127] : memref<10000x128xf32, #tpu.memory_space<hbm>> -> memref<128x128xf32, #tpu.memory_space<hbm>>
        %dma_start3A_129 = arith.constant 0 : i32
        %dma_start3A_130 = arith.constant 0 : i32
        %dma_start3A_131 = tpu.memref_slice %arg9[%dma_start3A_129, %dma_start3A_130] : memref<256x128xf32, #tpu.memory_space<vmem>> -> memref<128x128xf32, #tpu.memory_space<vmem>>
        tpu.enqueue_dma source(%dma_start3A_131 : memref<128x128xf32, #tpu.memory_space<vmem>>) target(%dma_start3A_128 : memref<128x128xf32, #tpu.memory_space<hbm>>) target_semaphore(%run_scoped3A : memref<!tpu.dma_semaphore, #tpu.memory_space<semaphore_mem>>)
        %dma_wait3A_132 = arith.constant 0 : i32
        %dma_wait3A_133 = arith.constant 0 : i32
        %dma_wait3A_134 = tpu.memref_slice %arg9[%dma_wait3A_132, %dma_wait3A_133] : memref<256x128xf32, #tpu.memory_space<vmem>> -> memref<128x128xf32, #tpu.memory_space<vmem>>
        %dma_wait3A_135 = arith.constant 0 : i32
        %dma_wait3A_136 = arith.constant 0 : i32
        %dma_wait3A_137 = tpu.memref_slice %arg6[%arg0, %dma_wait3A_135, %dma_wait3A_136] : memref<2x10000x128xf32, #tpu.memory_space<hbm>> -> memref<1x10000x128xf32, #tpu.memory_space<hbm>>
        %dma_wait3A_138 = tpu.memref_squeeze %dma_wait3A_137 : memref<1x10000x128xf32, #tpu.memory_space<hbm>> -> memref<10000x128xf32, #tpu.memory_space<hbm>>
        %dma_wait3A_139 = arith.constant 0 : i32
        %dma_wait3A_140 = tpu.memref_slice %dma_wait3A_138[%multiple_of3A, %dma_wait3A_139] : memref<10000x128xf32, #tpu.memory_space<hbm>> -> memref<128x128xf32, #tpu.memory_space<hbm>>
        %dma_wait3A_141 = arith.constant 0 : i32
        %dma_wait3A_142 = arith.constant 0 : i32
        %dma_wait3A_143 = tpu.memref_slice %arg6[%arg0, %dma_wait3A_141, %dma_wait3A_142] : memref<2x10000x128xf32, #tpu.memory_space<hbm>> -> memref<1x10000x128xf32, #tpu.memory_space<hbm>>
        %dma_wait3A_144 = tpu.memref_squeeze %dma_wait3A_143 : memref<1x10000x128xf32, #tpu.memory_space<hbm>> -> memref<10000x128xf32, #tpu.memory_space<hbm>>
        %dma_wait3A_145 = arith.constant 0 : i32
        %dma_wait3A_146 = tpu.memref_slice %dma_wait3A_144[%multiple_of3A, %dma_wait3A_145] : memref<10000x128xf32, #tpu.memory_space<hbm>> -> memref<128x128xf32, #tpu.memory_space<hbm>>
        %dma_wait3A_147 = arith.constant 0 : i32
        %dma_wait3A_148 = arith.constant 0 : i32
        %dma_wait3A_149 = tpu.memref_slice %arg9[%dma_wait3A_147, %dma_wait3A_148] : memref<256x128xf32, #tpu.memory_space<vmem>> -> memref<128x128xf32, #tpu.memory_space<vmem>>
        tpu.wait_dma2 semaphore(%run_scoped3A : memref<!tpu.dma_semaphore, #tpu.memory_space<semaphore_mem>>) src(%dma_wait3A_149 : memref<128x128xf32, #tpu.memory_space<vmem>>) dst(%dma_wait3A_146 : memref<128x128xf32, #tpu.memory_space<hbm>>)
        tpu.yield
      }) : () -> ()
    } else {
    }
    %eq3A = arith.constant 15 : i32
    %eq3A_108 = arith.cmpi eq, %arg1, %eq3A : i32
    %convert_element_type3A_109 = arith.extui %eq3A_108 : i1 to i32
    %cond3A_110 = arith.constant 0 : i32
    %cond3A_111 = arith.cmpi ne, %convert_element_type3A_109, %cond3A_110 : i32
    scf.if %cond3A_111 {
      "tpu.region"() ({
        %run_scoped3A = tpu.sem_alloc : memref<!tpu.dma_semaphore, #tpu.memory_space<semaphore_mem>>
        %dma_start3A_112 = arith.constant 0 : i32
        %dma_start3A_113 = arith.constant 0 : i32
        %dma_start3A_114 = tpu.memref_slice %arg9[%dma_start3A_112, %dma_start3A_113] : memref<256x128xf32, #tpu.memory_space<vmem>> -> memref<128x128xf32, #tpu.memory_space<vmem>>
        %dma_start3A_115 = arith.constant 0 : i32
        %dma_start3A_116 = arith.constant 0 : i32
        %dma_start3A_117 = tpu.memref_slice %dma_start3A_114[%dma_start3A_115, %dma_start3A_116] : memref<128x128xf32, #tpu.memory_space<vmem>> -> memref<16x128xf32, #tpu.memory_space<vmem>>
        %dma_start3A_118 = arith.constant 9984 : i32
        %dma_start3A_119 = arith.constant 0 : i32
        %dma_start3A_120 = tpu.memref_slice %arg10[%dma_start3A_118, %dma_start3A_119] : memref<10240x128xf32, #tpu.memory_space<vmem_shared>> -> memref<16x128xf32, #tpu.memory_space<vmem_shared>>
        %dma_start3A_121 = arith.constant 0 : i32
        %dma_start3A_122 = arith.constant 0 : i32
        %dma_start3A_123 = tpu.memref_slice %arg9[%dma_start3A_121, %dma_start3A_122] : memref<256x128xf32, #tpu.memory_space<vmem>> -> memref<128x128xf32, #tpu.memory_space<vmem>>
        %dma_start3A_124 = arith.constant 0 : i32
        %dma_start3A_125 = arith.constant 0 : i32
        %dma_start3A_126 = tpu.memref_slice %dma_start3A_123[%dma_start3A_124, %dma_start3A_125] : memref<128x128xf32, #tpu.memory_space<vmem>> -> memref<16x128xf32, #tpu.memory_space<vmem>>
        %dma_start3A_127 = arith.constant 9984 : i32
        %dma_start3A_128 = arith.constant 0 : i32
        %dma_start3A_129 = tpu.memref_slice %arg10[%dma_start3A_127, %dma_start3A_128] : memref<10240x128xf32, #tpu.memory_space<vmem_shared>> -> memref<16x128xf32, #tpu.memory_space<vmem_shared>>
        tpu.enqueue_dma source(%dma_start3A_129 : memref<16x128xf32, #tpu.memory_space<vmem_shared>>) target(%dma_start3A_126 : memref<16x128xf32, #tpu.memory_space<vmem>>) target_semaphore(%run_scoped3A : memref<!tpu.dma_semaphore, #tpu.memory_space<semaphore_mem>>)
        %dma_wait3A_130 = arith.constant 0 : i32
        %dma_wait3A_131 = arith.constant 0 : i32
        %dma_wait3A_132 = tpu.memref_slice %arg9[%dma_wait3A_130, %dma_wait3A_131] : memref<256x128xf32, #tpu.memory_space<vmem>> -> memref<128x128xf32, #tpu.memory_space<vmem>>
        %dma_wait3A_133 = arith.constant 0 : i32
        %dma_wait3A_134 = arith.constant 0 : i32
        %dma_wait3A_135 = tpu.memref_slice %dma_wait3A_132[%dma_wait3A_133, %dma_wait3A_134] : memref<128x128xf32, #tpu.memory_space<vmem>> -> memref<16x128xf32, #tpu.memory_space<vmem>>
        %dma_wait3A_136 = arith.constant 9984 : i32
        %dma_wait3A_137 = arith.constant 0 : i32
        %dma_wait3A_138 = tpu.memref_slice %arg10[%dma_wait3A_136, %dma_wait3A_137] : memref<10240x128xf32, #tpu.memory_space<vmem_shared>> -> memref<16x128xf32, #tpu.memory_space<vmem_shared>>
        %dma_wait3A_139 = arith.constant 0 : i32
        %dma_wait3A_140 = arith.constant 0 : i32
        %dma_wait3A_141 = tpu.memref_slice %arg9[%dma_wait3A_139, %dma_wait3A_140] : memref<256x128xf32, #tpu.memory_space<vmem>> -> memref<128x128xf32, #tpu.memory_space<vmem>>
        %dma_wait3A_142 = arith.constant 0 : i32
        %dma_wait3A_143 = arith.constant 0 : i32
        %dma_wait3A_144 = tpu.memref_slice %dma_wait3A_141[%dma_wait3A_142, %dma_wait3A_143] : memref<128x128xf32, #tpu.memory_space<vmem>> -> memref<16x128xf32, #tpu.memory_space<vmem>>
        %dma_wait3A_145 = arith.constant 9984 : i32
        %dma_wait3A_146 = arith.constant 0 : i32
        %dma_wait3A_147 = tpu.memref_slice %arg10[%dma_wait3A_145, %dma_wait3A_146] : memref<10240x128xf32, #tpu.memory_space<vmem_shared>> -> memref<16x128xf32, #tpu.memory_space<vmem_shared>>
        tpu.wait_dma2 semaphore(%run_scoped3A : memref<!tpu.dma_semaphore, #tpu.memory_space<semaphore_mem>>) src(%dma_wait3A_147 : memref<16x128xf32, #tpu.memory_space<vmem_shared>>) dst(%dma_wait3A_144 : memref<16x128xf32, #tpu.memory_space<vmem>>)
        tpu.yield
      }) : () -> ()
      "tpu.region"() ({
        %run_scoped3A = tpu.sem_alloc : memref<!tpu.dma_semaphore, #tpu.memory_space<semaphore_mem>>
        %dma_start3A_112 = arith.constant 0 : i32
        %dma_start3A_113 = arith.constant 0 : i32
        %dma_start3A_114 = tpu.memref_slice %arg9[%dma_start3A_112, %dma_start3A_113] : memref<256x128xf32, #tpu.memory_space<vmem>> -> memref<128x128xf32, #tpu.memory_space<vmem>>
        %dma_start3A_115 = arith.constant 0 : i32
        %dma_start3A_116 = arith.constant 0 : i32
        %dma_start3A_117 = tpu.memref_slice %dma_start3A_114[%dma_start3A_115, %dma_start3A_116] : memref<128x128xf32, #tpu.memory_space<vmem>> -> memref<16x128xf32, #tpu.memory_space<vmem>>
        %dma_start3A_118 = arith.constant 0 : i32
        %dma_start3A_119 = arith.constant 0 : i32
        %dma_start3A_120 = tpu.memref_slice %arg6[%arg0, %dma_start3A_118, %dma_start3A_119] : memref<2x10000x128xf32, #tpu.memory_space<hbm>> -> memref<1x10000x128xf32, #tpu.memory_space<hbm>>
        %dma_start3A_121 = tpu.memref_squeeze %dma_start3A_120 : memref<1x10000x128xf32, #tpu.memory_space<hbm>> -> memref<10000x128xf32, #tpu.memory_space<hbm>>
        %dma_start3A_122 = arith.constant 9984 : i32
        %dma_start3A_123 = arith.constant 0 : i32
        %dma_start3A_124 = tpu.memref_slice %dma_start3A_121[%dma_start3A_122, %dma_start3A_123] : memref<10000x128xf32, #tpu.memory_space<hbm>> -> memref<16x128xf32, #tpu.memory_space<hbm>>
        %dma_start3A_125 = arith.constant 0 : i32
        %dma_start3A_126 = arith.constant 0 : i32
        %dma_start3A_127 = tpu.memref_slice %arg6[%arg0, %dma_start3A_125, %dma_start3A_126] : memref<2x10000x128xf32, #tpu.memory_space<hbm>> -> memref<1x10000x128xf32, #tpu.memory_space<hbm>>
        %dma_start3A_128 = tpu.memref_squeeze %dma_start3A_127 : memref<1x10000x128xf32, #tpu.memory_space<hbm>> -> memref<10000x128xf32, #tpu.memory_space<hbm>>
        %dma_start3A_129 = arith.constant 9984 : i32
        %dma_start3A_130 = arith.constant 0 : i32
        %dma_start3A_131 = tpu.memref_slice %dma_start3A_128[%dma_start3A_129, %dma_start3A_130] : memref<10000x128xf32, #tpu.memory_space<hbm>> -> memref<16x128xf32, #tpu.memory_space<hbm>>
        %dma_start3A_132 = arith.constant 0 : i32
        %dma_start3A_133 = arith.constant 0 : i32
        %dma_start3A_134 = tpu.memref_slice %arg9[%dma_start3A_132, %dma_start3A_133] : memref<256x128xf32, #tpu.memory_space<vmem>> -> memref<128x128xf32, #tpu.memory_space<vmem>>
        %dma_start3A_135 = arith.constant 0 : i32
        %dma_start3A_136 = arith.constant 0 : i32
        %dma_start3A_137 = tpu.memref_slice %dma_start3A_134[%dma_start3A_135, %dma_start3A_136] : memref<128x128xf32, #tpu.memory_space<vmem>> -> memref<16x128xf32, #tpu.memory_space<vmem>>
        tpu.enqueue_dma source(%dma_start3A_137 : memref<16x128xf32, #tpu.memory_space<vmem>>) target(%dma_start3A_131 : memref<16x128xf32, #tpu.memory_space<hbm>>) target_semaphore(%run_scoped3A : memref<!tpu.dma_semaphore, #tpu.memory_space<semaphore_mem>>)
        %dma_wait3A_138 = arith.constant 0 : i32
        %dma_wait3A_139 = arith.constant 0 : i32
        %dma_wait3A_140 = tpu.memref_slice %arg9[%dma_wait3A_138, %dma_wait3A_139] : memref<256x128xf32, #tpu.memory_space<vmem>> -> memref<128x128xf32, #tpu.memory_space<vmem>>
        %dma_wait3A_141 = arith.constant 0 : i32
        %dma_wait3A_142 = arith.constant 0 : i32
        %dma_wait3A_143 = tpu.memref_slice %dma_wait3A_140[%dma_wait3A_141, %dma_wait3A_142] : memref<128x128xf32, #tpu.memory_space<vmem>> -> memref<16x128xf32, #tpu.memory_space<vmem>>
        %dma_wait3A_144 = arith.constant 0 : i32
        %dma_wait3A_145 = arith.constant 0 : i32
        %dma_wait3A_146 = tpu.memref_slice %arg6[%arg0, %dma_wait3A_144, %dma_wait3A_145] : memref<2x10000x128xf32, #tpu.memory_space<hbm>> -> memref<1x10000x128xf32, #tpu.memory_space<hbm>>
        %dma_wait3A_147 = tpu.memref_squeeze %dma_wait3A_146 : memref<1x10000x128xf32, #tpu.memory_space<hbm>> -> memref<10000x128xf32, #tpu.memory_space<hbm>>
        %dma_wait3A_148 = arith.constant 9984 : i32
        %dma_wait3A_149 = arith.constant 0 : i32
        %dma_wait3A_150 = tpu.memref_slice %dma_wait3A_147[%dma_wait3A_148, %dma_wait3A_149] : memref<10000x128xf32, #tpu.memory_space<hbm>> -> memref<16x128xf32, #tpu.memory_space<hbm>>
        %dma_wait3A_151 = arith.constant 0 : i32
        %dma_wait3A_152 = arith.constant 0 : i32
        %dma_wait3A_153 = tpu.memref_slice %arg6[%arg0, %dma_wait3A_151, %dma_wait3A_152] : memref<2x10000x128xf32, #tpu.memory_space<hbm>> -> memref<1x10000x128xf32, #tpu.memory_space<hbm>>
        %dma_wait3A_154 = tpu.memref_squeeze %dma_wait3A_153 : memref<1x10000x128xf32, #tpu.memory_space<hbm>> -> memref<10000x128xf32, #tpu.memory_space<hbm>>
        %dma_wait3A_155 = arith.constant 9984 : i32
        %dma_wait3A_156 = arith.constant 0 : i32
        %dma_wait3A_157 = tpu.memref_slice %dma_wait3A_154[%dma_wait3A_155, %dma_wait3A_156] : memref<10000x128xf32, #tpu.memory_space<hbm>> -> memref<16x128xf32, #tpu.memory_space<hbm>>
        %dma_wait3A_158 = arith.constant 0 : i32
        %dma_wait3A_159 = arith.constant 0 : i32
        %dma_wait3A_160 = tpu.memref_slice %arg9[%dma_wait3A_158, %dma_wait3A_159] : memref<256x128xf32, #tpu.memory_space<vmem>> -> memref<128x128xf32, #tpu.memory_space<vmem>>
        %dma_wait3A_161 = arith.constant 0 : i32
        %dma_wait3A_162 = arith.constant 0 : i32
        %dma_wait3A_163 = tpu.memref_slice %dma_wait3A_160[%dma_wait3A_161, %dma_wait3A_162] : memref<128x128xf32, #tpu.memory_space<vmem>> -> memref<16x128xf32, #tpu.memory_space<vmem>>
        tpu.wait_dma2 semaphore(%run_scoped3A : memref<!tpu.dma_semaphore, #tpu.memory_space<semaphore_mem>>) src(%dma_wait3A_163 : memref<16x128xf32, #tpu.memory_space<vmem>>) dst(%dma_wait3A_157 : memref<16x128xf32, #tpu.memory_space<hbm>>)
        tpu.yield
      }) : () -> ()
    } else {
    }
    return
  }
}

#map = affine_map<(d0, d1) -> (0, 0, 0)>
#map1 = affine_map<(d0, d1) -> (0, 0)>
module attributes {stable_mosaic.version = 14 : i64} {
  func.func @_sc_aggregate(%arg0: i32, %arg1: i32, %arg2: memref<2x10000x128xf32, #tpu.memory_space<hbm>>, %arg3: memref<16x80x128xi32, #tpu.memory_space<hbm>>, %arg4: memref<16x80x128xi32, #tpu.memory_space<hbm>>, %arg5: memref<128x128xf32, #tpu.memory_space<hbm>>, %arg6: memref<2x10000x128xf32, #tpu.memory_space<hbm>>, %arg7: memref<40x128xi32, #tpu.memory_space<vmem>>, %arg8: memref<40x128xi32, #tpu.memory_space<vmem>>, %arg9: memref<256x128xf32, #tpu.memory_space<vmem>>, %arg10: memref<10240x128xf32, #tpu.memory_space<vmem_shared>>, %arg11: memref<!tpu.dma_semaphore, #tpu.memory_space<semaphore_mem>>, %arg12: memref<!tpu.dma_semaphore, #tpu.memory_space<semaphore_mem>>, %arg13: memref<!tpu.dma_semaphore, #tpu.memory_space<semaphore_mem>>, %arg14: memref<!tpu.dma_semaphore, #tpu.memory_space<semaphore_mem>>) attributes {dimension_semantics = [#tpu.dimension_semantics<core_parallel>, #tpu.dimension_semantics<subcore_parallel>], iteration_bounds = array<i64: 2, 16>, scalar_prefetch = 0 : i64, scratch_operands = 8 : i64, tpu.core_type = #tpu.core_type<sc_vector_subcore>, window_params = [{transform_indices = #map}, {transform_indices = #map}, {transform_indices = #map}, {transform_indices = #map1}, {transform_indices = #map}]} {
    "tpu.region"() ({
      %run_scoped3A = tpu.sem_alloc : memref<!tpu.dma_semaphore, #tpu.memory_space<semaphore_mem>>
      %dma_start3A_112 = arith.constant 0 : i32
      %dma_start3A_113 = arith.constant 0 : i32
      %dma_start3A_114 = tpu.memref_slice %arg9[%dma_start3A_112, %dma_start3A_113] : memref<256x128xf32, #tpu.memory_space<vmem>> -> memref<128x128xf32, #tpu.memory_space<vmem>>
      %dma_start3A_115 = arith.constant 0 : i32
      %dma_start3A_116 = arith.constant 0 : i32
      %dma_start3A_117 = tpu.memref_slice %arg9[%dma_start3A_115, %dma_start3A_116] : memref<256x128xf32, #tpu.memory_space<vmem>> -> memref<128x128xf32, #tpu.memory_space<vmem>>
      tpu.enqueue_dma source(%arg5 : memref<128x128xf32, #tpu.memory_space<hbm>>) target(%dma_start3A_117 : memref<128x128xf32, #tpu.memory_space<vmem>>) target_semaphore(%run_scoped3A : memref<!tpu.dma_semaphore, #tpu.memory_space<semaphore_mem>>)
      %dma_wait3A_118 = arith.constant 0 : i32
      %dma_wait3A_119 = arith.constant 0 : i32
      %dma_wait3A_120 = tpu.memref_slice %arg9[%dma_wait3A_118, %dma_wait3A_119] : memref<256x128xf32, #tpu.memory_space<vmem>> -> memref<128x128xf32, #tpu.memory_space<vmem>>
      %dma_wait3A_121 = arith.constant 0 : i32
      %dma_wait3A_122 = arith.constant 0 : i32
      %dma_wait3A_123 = tpu.memref_slice %arg9[%dma_wait3A_121, %dma_wait3A_122] : memref<256x128xf32, #tpu.memory_space<vmem>> -> memref<128x128xf32, #tpu.memory_space<vmem>>
      tpu.wait_dma2 semaphore(%run_scoped3A : memref<!tpu.dma_semaphore, #tpu.memory_space<semaphore_mem>>) src(%arg5 : memref<128x128xf32, #tpu.memory_space<hbm>>) dst(%dma_wait3A_123 : memref<128x128xf32, #tpu.memory_space<vmem>>)
      tpu.yield
    }) : () -> ()
    %add3A = arith.constant 0 : i32
    %add3A_0 = arith.addi %arg1, %add3A : i32
    %mul3A = arith.constant 128 : i32
    %mul3A_1 = arith.muli %add3A_0, %mul3A : i32
    "tpu.region"() ({
      %run_scoped3A = tpu.sem_alloc : memref<!tpu.dma_semaphore, #tpu.memory_space<semaphore_mem>>
      %dma_start3A_112 = arith.constant 0 : i32
      %dma_start3A_113 = arith.constant 0 : i32
      %dma_start3A_114 = tpu.memref_slice %arg9[%dma_start3A_112, %dma_start3A_113] : memref<256x128xf32, #tpu.memory_space<vmem>> -> memref<128x128xf32, #tpu.memory_space<vmem>>
      %dma_start3A_115 = arith.constant 0 : i32
      %dma_start3A_116 = tpu.memref_slice %arg10[%mul3A_1, %dma_start3A_115] : memref<10240x128xf32, #tpu.memory_space<vmem_shared>> -> memref<128x128xf32, #tpu.memory_space<vmem_shared>>
      %dma_start3A_117 = arith.constant 0 : i32
      %dma_start3A_118 = tpu.memref_slice %arg10[%mul3A_1, %dma_start3A_117] : memref<10240x128xf32, #tpu.memory_space<vmem_shared>> -> memref<128x128xf32, #tpu.memory_space<vmem_shared>>
      %dma_start3A_119 = arith.constant 0 : i32
      %dma_start3A_120 = arith.constant 0 : i32
      %dma_start3A_121 = tpu.memref_slice %arg9[%dma_start3A_119, %dma_start3A_120] : memref<256x128xf32, #tpu.memory_space<vmem>> -> memref<128x128xf32, #tpu.memory_space<vmem>>
      tpu.enqueue_dma source(%dma_start3A_121 : memref<128x128xf32, #tpu.memory_space<vmem>>) target(%dma_start3A_118 : memref<128x128xf32, #tpu.memory_space<vmem_shared>>) target_semaphore(%run_scoped3A : memref<!tpu.dma_semaphore, #tpu.memory_space<semaphore_mem>>)
      %dma_wait3A_122 = arith.constant 0 : i32
      %dma_wait3A_123 = arith.constant 0 : i32
      %dma_wait3A_124 = tpu.memref_slice %arg9[%dma_wait3A_122, %dma_wait3A_123] : memref<256x128xf32, #tpu.memory_space<vmem>> -> memref<128x128xf32, #tpu.memory_space<vmem>>
      %dma_wait3A_125 = arith.constant 0 : i32
      %dma_wait3A_126 = tpu.memref_slice %arg10[%mul3A_1, %dma_wait3A_125] : memref<10240x128xf32, #tpu.memory_space<vmem_shared>> -> memref<128x128xf32, #tpu.memory_space<vmem_shared>>
      %dma_wait3A_127 = arith.constant 0 : i32
      %dma_wait3A_128 = tpu.memref_slice %arg10[%mul3A_1, %dma_wait3A_127] : memref<10240x128xf32, #tpu.memory_space<vmem_shared>> -> memref<128x128xf32, #tpu.memory_space<vmem_shared>>
      %dma_wait3A_129 = arith.constant 0 : i32
      %dma_wait3A_130 = arith.constant 0 : i32
      %dma_wait3A_131 = tpu.memref_slice %arg9[%dma_wait3A_129, %dma_wait3A_130] : memref<256x128xf32, #tpu.memory_space<vmem>> -> memref<128x128xf32, #tpu.memory_space<vmem>>
      tpu.wait_dma2 semaphore(%run_scoped3A : memref<!tpu.dma_semaphore, #tpu.memory_space<semaphore_mem>>) src(%dma_wait3A_131 : memref<128x128xf32, #tpu.memory_space<vmem>>) dst(%dma_wait3A_128 : memref<128x128xf32, #tpu.memory_space<vmem_shared>>)
      tpu.yield
    }) : () -> ()
    %add3A_2 = arith.constant 16 : i32
    %add3A_3 = arith.addi %arg1, %add3A_2 : i32
    %mul3A_4 = arith.constant 128 : i32
    %mul3A_5 = arith.muli %add3A_3, %mul3A_4 : i32
    "tpu.region"() ({
      %run_scoped3A = tpu.sem_alloc : memref<!tpu.dma_semaphore, #tpu.memory_space<semaphore_mem>>
      %dma_start3A_112 = arith.constant 0 : i32
      %dma_start3A_113 = arith.constant 0 : i32
      %dma_start3A_114 = tpu.memref_slice %arg9[%dma_start3A_112, %dma_start3A_113] : memref<256x128xf32, #tpu.memory_space<vmem>> -> memref<128x128xf32, #tpu.memory_space<vmem>>
      %dma_start3A_115 = arith.constant 0 : i32
      %dma_start3A_116 = tpu.memref_slice %arg10[%mul3A_5, %dma_start3A_115] : memref<10240x128xf32, #tpu.memory_space<vmem_shared>> -> memref<128x128xf32, #tpu.memory_space<vmem_shared>>
      %dma_start3A_117 = arith.constant 0 : i32
      %dma_start3A_118 = tpu.memref_slice %arg10[%mul3A_5, %dma_start3A_117] : memref<10240x128xf32, #tpu.memory_space<vmem_shared>> -> memref<128x128xf32, #tpu.memory_space<vmem_shared>>
      %dma_start3A_119 = arith.constant 0 : i32
      %dma_start3A_120 = arith.constant 0 : i32
      %dma_start3A_121 = tpu.memref_slice %arg9[%dma_start3A_119, %dma_start3A_120] : memref<256x128xf32, #tpu.memory_space<vmem>> -> memref<128x128xf32, #tpu.memory_space<vmem>>
      tpu.enqueue_dma source(%dma_start3A_121 : memref<128x128xf32, #tpu.memory_space<vmem>>) target(%dma_start3A_118 : memref<128x128xf32, #tpu.memory_space<vmem_shared>>) target_semaphore(%run_scoped3A : memref<!tpu.dma_semaphore, #tpu.memory_space<semaphore_mem>>)
      %dma_wait3A_122 = arith.constant 0 : i32
      %dma_wait3A_123 = arith.constant 0 : i32
      %dma_wait3A_124 = tpu.memref_slice %arg9[%dma_wait3A_122, %dma_wait3A_123] : memref<256x128xf32, #tpu.memory_space<vmem>> -> memref<128x128xf32, #tpu.memory_space<vmem>>
      %dma_wait3A_125 = arith.constant 0 : i32
      %dma_wait3A_126 = tpu.memref_slice %arg10[%mul3A_5, %dma_wait3A_125] : memref<10240x128xf32, #tpu.memory_space<vmem_shared>> -> memref<128x128xf32, #tpu.memory_space<vmem_shared>>
      %dma_wait3A_127 = arith.constant 0 : i32
      %dma_wait3A_128 = tpu.memref_slice %arg10[%mul3A_5, %dma_wait3A_127] : memref<10240x128xf32, #tpu.memory_space<vmem_shared>> -> memref<128x128xf32, #tpu.memory_space<vmem_shared>>
      %dma_wait3A_129 = arith.constant 0 : i32
      %dma_wait3A_130 = arith.constant 0 : i32
      %dma_wait3A_131 = tpu.memref_slice %arg9[%dma_wait3A_129, %dma_wait3A_130] : memref<256x128xf32, #tpu.memory_space<vmem>> -> memref<128x128xf32, #tpu.memory_space<vmem>>
      tpu.wait_dma2 semaphore(%run_scoped3A : memref<!tpu.dma_semaphore, #tpu.memory_space<semaphore_mem>>) src(%dma_wait3A_131 : memref<128x128xf32, #tpu.memory_space<vmem>>) dst(%dma_wait3A_128 : memref<128x128xf32, #tpu.memory_space<vmem_shared>>)
      tpu.yield
    }) : () -> ()
    %add3A_6 = arith.constant 32 : i32
    %add3A_7 = arith.addi %arg1, %add3A_6 : i32
    %mul3A_8 = arith.constant 128 : i32
    %mul3A_9 = arith.muli %add3A_7, %mul3A_8 : i32
    "tpu.region"() ({
      %run_scoped3A = tpu.sem_alloc : memref<!tpu.dma_semaphore, #tpu.memory_space<semaphore_mem>>
      %dma_start3A_112 = arith.constant 0 : i32
      %dma_start3A_113 = arith.constant 0 : i32
      %dma_start3A_114 = tpu.memref_slice %arg9[%dma_start3A_112, %dma_start3A_113] : memref<256x128xf32, #tpu.memory_space<vmem>> -> memref<128x128xf32, #tpu.memory_space<vmem>>
      %dma_start3A_115 = arith.constant 0 : i32
      %dma_start3A_116 = tpu.memref_slice %arg10[%mul3A_9, %dma_start3A_115] : memref<10240x128xf32, #tpu.memory_space<vmem_shared>> -> memref<128x128xf32, #tpu.memory_space<vmem_shared>>
      %dma_start3A_117 = arith.constant 0 : i32
      %dma_start3A_118 = tpu.memref_slice %arg10[%mul3A_9, %dma_start3A_117] : memref<10240x128xf32, #tpu.memory_space<vmem_shared>> -> memref<128x128xf32, #tpu.memory_space<vmem_shared>>
      %dma_start3A_119 = arith.constant 0 : i32
      %dma_start3A_120 = arith.constant 0 : i32
      %dma_start3A_121 = tpu.memref_slice %arg9[%dma_start3A_119, %dma_start3A_120] : memref<256x128xf32, #tpu.memory_space<vmem>> -> memref<128x128xf32, #tpu.memory_space<vmem>>
      tpu.enqueue_dma source(%dma_start3A_121 : memref<128x128xf32, #tpu.memory_space<vmem>>) target(%dma_start3A_118 : memref<128x128xf32, #tpu.memory_space<vmem_shared>>) target_semaphore(%run_scoped3A : memref<!tpu.dma_semaphore, #tpu.memory_space<semaphore_mem>>)
      %dma_wait3A_122 = arith.constant 0 : i32
      %dma_wait3A_123 = arith.constant 0 : i32
      %dma_wait3A_124 = tpu.memref_slice %arg9[%dma_wait3A_122, %dma_wait3A_123] : memref<256x128xf32, #tpu.memory_space<vmem>> -> memref<128x128xf32, #tpu.memory_space<vmem>>
      %dma_wait3A_125 = arith.constant 0 : i32
      %dma_wait3A_126 = tpu.memref_slice %arg10[%mul3A_9, %dma_wait3A_125] : memref<10240x128xf32, #tpu.memory_space<vmem_shared>> -> memref<128x128xf32, #tpu.memory_space<vmem_shared>>
      %dma_wait3A_127 = arith.constant 0 : i32
      %dma_wait3A_128 = tpu.memref_slice %arg10[%mul3A_9, %dma_wait3A_127] : memref<10240x128xf32, #tpu.memory_space<vmem_shared>> -> memref<128x128xf32, #tpu.memory_space<vmem_shared>>
      %dma_wait3A_129 = arith.constant 0 : i32
      %dma_wait3A_130 = arith.constant 0 : i32
      %dma_wait3A_131 = tpu.memref_slice %arg9[%dma_wait3A_129, %dma_wait3A_130] : memref<256x128xf32, #tpu.memory_space<vmem>> -> memref<128x128xf32, #tpu.memory_space<vmem>>
      tpu.wait_dma2 semaphore(%run_scoped3A : memref<!tpu.dma_semaphore, #tpu.memory_space<semaphore_mem>>) src(%dma_wait3A_131 : memref<128x128xf32, #tpu.memory_space<vmem>>) dst(%dma_wait3A_128 : memref<128x128xf32, #tpu.memory_space<vmem_shared>>)
      tpu.yield
    }) : () -> ()
    %add3A_10 = arith.constant 48 : i32
    %add3A_11 = arith.addi %arg1, %add3A_10 : i32
    %mul3A_12 = arith.constant 128 : i32
    %mul3A_13 = arith.muli %add3A_11, %mul3A_12 : i32
    "tpu.region"() ({
      %run_scoped3A = tpu.sem_alloc : memref<!tpu.dma_semaphore, #tpu.memory_space<semaphore_mem>>
      %dma_start3A_112 = arith.constant 0 : i32
      %dma_start3A_113 = arith.constant 0 : i32
      %dma_start3A_114 = tpu.memref_slice %arg9[%dma_start3A_112, %dma_start3A_113] : memref<256x128xf32, #tpu.memory_space<vmem>> -> memref<128x128xf32, #tpu.memory_space<vmem>>
      %dma_start3A_115 = arith.constant 0 : i32
      %dma_start3A_116 = tpu.memref_slice %arg10[%mul3A_13, %dma_start3A_115] : memref<10240x128xf32, #tpu.memory_space<vmem_shared>> -> memref<128x128xf32, #tpu.memory_space<vmem_shared>>
      %dma_start3A_117 = arith.constant 0 : i32
      %dma_start3A_118 = tpu.memref_slice %arg10[%mul3A_13, %dma_start3A_117] : memref<10240x128xf32, #tpu.memory_space<vmem_shared>> -> memref<128x128xf32, #tpu.memory_space<vmem_shared>>
      %dma_start3A_119 = arith.constant 0 : i32
      %dma_start3A_120 = arith.constant 0 : i32
      %dma_start3A_121 = tpu.memref_slice %arg9[%dma_start3A_119, %dma_start3A_120] : memref<256x128xf32, #tpu.memory_space<vmem>> -> memref<128x128xf32, #tpu.memory_space<vmem>>
      tpu.enqueue_dma source(%dma_start3A_121 : memref<128x128xf32, #tpu.memory_space<vmem>>) target(%dma_start3A_118 : memref<128x128xf32, #tpu.memory_space<vmem_shared>>) target_semaphore(%run_scoped3A : memref<!tpu.dma_semaphore, #tpu.memory_space<semaphore_mem>>)
      %dma_wait3A_122 = arith.constant 0 : i32
      %dma_wait3A_123 = arith.constant 0 : i32
      %dma_wait3A_124 = tpu.memref_slice %arg9[%dma_wait3A_122, %dma_wait3A_123] : memref<256x128xf32, #tpu.memory_space<vmem>> -> memref<128x128xf32, #tpu.memory_space<vmem>>
      %dma_wait3A_125 = arith.constant 0 : i32
      %dma_wait3A_126 = tpu.memref_slice %arg10[%mul3A_13, %dma_wait3A_125] : memref<10240x128xf32, #tpu.memory_space<vmem_shared>> -> memref<128x128xf32, #tpu.memory_space<vmem_shared>>
      %dma_wait3A_127 = arith.constant 0 : i32
      %dma_wait3A_128 = tpu.memref_slice %arg10[%mul3A_13, %dma_wait3A_127] : memref<10240x128xf32, #tpu.memory_space<vmem_shared>> -> memref<128x128xf32, #tpu.memory_space<vmem_shared>>
      %dma_wait3A_129 = arith.constant 0 : i32
      %dma_wait3A_130 = arith.constant 0 : i32
      %dma_wait3A_131 = tpu.memref_slice %arg9[%dma_wait3A_129, %dma_wait3A_130] : memref<256x128xf32, #tpu.memory_space<vmem>> -> memref<128x128xf32, #tpu.memory_space<vmem>>
      tpu.wait_dma2 semaphore(%run_scoped3A : memref<!tpu.dma_semaphore, #tpu.memory_space<semaphore_mem>>) src(%dma_wait3A_131 : memref<128x128xf32, #tpu.memory_space<vmem>>) dst(%dma_wait3A_128 : memref<128x128xf32, #tpu.memory_space<vmem_shared>>)
      tpu.yield
    }) : () -> ()
    %add3A_14 = arith.constant 64 : i32
    %add3A_15 = arith.addi %arg1, %add3A_14 : i32
    %mul3A_16 = arith.constant 128 : i32
    %mul3A_17 = arith.muli %add3A_15, %mul3A_16 : i32
    "tpu.region"() ({
      %run_scoped3A = tpu.sem_alloc : memref<!tpu.dma_semaphore, #tpu.memory_space<semaphore_mem>>
      %dma_start3A_112 = arith.constant 0 : i32
      %dma_start3A_113 = arith.constant 0 : i32
      %dma_start3A_114 = tpu.memref_slice %arg9[%dma_start3A_112, %dma_start3A_113] : memref<256x128xf32, #tpu.memory_space<vmem>> -> memref<128x128xf32, #tpu.memory_space<vmem>>
      %dma_start3A_115 = arith.constant 0 : i32
      %dma_start3A_116 = tpu.memref_slice %arg10[%mul3A_17, %dma_start3A_115] : memref<10240x128xf32, #tpu.memory_space<vmem_shared>> -> memref<128x128xf32, #tpu.memory_space<vmem_shared>>
      %dma_start3A_117 = arith.constant 0 : i32
      %dma_start3A_118 = tpu.memref_slice %arg10[%mul3A_17, %dma_start3A_117] : memref<10240x128xf32, #tpu.memory_space<vmem_shared>> -> memref<128x128xf32, #tpu.memory_space<vmem_shared>>
      %dma_start3A_119 = arith.constant 0 : i32
      %dma_start3A_120 = arith.constant 0 : i32
      %dma_start3A_121 = tpu.memref_slice %arg9[%dma_start3A_119, %dma_start3A_120] : memref<256x128xf32, #tpu.memory_space<vmem>> -> memref<128x128xf32, #tpu.memory_space<vmem>>
      tpu.enqueue_dma source(%dma_start3A_121 : memref<128x128xf32, #tpu.memory_space<vmem>>) target(%dma_start3A_118 : memref<128x128xf32, #tpu.memory_space<vmem_shared>>) target_semaphore(%run_scoped3A : memref<!tpu.dma_semaphore, #tpu.memory_space<semaphore_mem>>)
      %dma_wait3A_122 = arith.constant 0 : i32
      %dma_wait3A_123 = arith.constant 0 : i32
      %dma_wait3A_124 = tpu.memref_slice %arg9[%dma_wait3A_122, %dma_wait3A_123] : memref<256x128xf32, #tpu.memory_space<vmem>> -> memref<128x128xf32, #tpu.memory_space<vmem>>
      %dma_wait3A_125 = arith.constant 0 : i32
      %dma_wait3A_126 = tpu.memref_slice %arg10[%mul3A_17, %dma_wait3A_125] : memref<10240x128xf32, #tpu.memory_space<vmem_shared>> -> memref<128x128xf32, #tpu.memory_space<vmem_shared>>
      %dma_wait3A_127 = arith.constant 0 : i32
      %dma_wait3A_128 = tpu.memref_slice %arg10[%mul3A_17, %dma_wait3A_127] : memref<10240x128xf32, #tpu.memory_space<vmem_shared>> -> memref<128x128xf32, #tpu.memory_space<vmem_shared>>
      %dma_wait3A_129 = arith.constant 0 : i32
      %dma_wait3A_130 = arith.constant 0 : i32
      %dma_wait3A_131 = tpu.memref_slice %arg9[%dma_wait3A_129, %dma_wait3A_130] : memref<256x128xf32, #tpu.memory_space<vmem>> -> memref<128x128xf32, #tpu.memory_space<vmem>>
      tpu.wait_dma2 semaphore(%run_scoped3A : memref<!tpu.dma_semaphore, #tpu.memory_space<semaphore_mem>>) src(%dma_wait3A_131 : memref<128x128xf32, #tpu.memory_space<vmem>>) dst(%dma_wait3A_128 : memref<128x128xf32, #tpu.memory_space<vmem_shared>>)
      tpu.yield
    }) : () -> ()
    %barrier3A = arith.constant 0 : index
    tpu.barrier barrier_id(%barrier3A)
    "tpu.region"() ({
      %run_scoped3A = tpu.sem_alloc : memref<!tpu.dma_semaphore, #tpu.memory_space<semaphore_mem>>
      %dma_start3A_112 = arith.constant 0 : i32
      %dma_start3A_113 = arith.constant 0 : i32
      %dma_start3A_114 = tpu.memref_slice %arg3[%arg1, %dma_start3A_112, %dma_start3A_113] : memref<16x80x128xi32, #tpu.memory_space<hbm>> -> memref<1x80x128xi32, #tpu.memory_space<hbm>>
      %dma_start3A_115 = tpu.memref_squeeze %dma_start3A_114 : memref<1x80x128xi32, #tpu.memory_space<hbm>> -> memref<80x128xi32, #tpu.memory_space<hbm>>
      %dma_start3A_116 = arith.constant 0 : i32
      %dma_start3A_117 = arith.constant 0 : i32
      %dma_start3A_118 = tpu.memref_slice %dma_start3A_115[%dma_start3A_116, %dma_start3A_117] : memref<80x128xi32, #tpu.memory_space<hbm>> -> memref<40x128xi32, #tpu.memory_space<hbm>>
      %dma_start3A_119 = arith.constant 0 : i32
      %dma_start3A_120 = arith.constant 0 : i32
      %dma_start3A_121 = tpu.memref_slice %arg3[%arg1, %dma_start3A_119, %dma_start3A_120] : memref<16x80x128xi32, #tpu.memory_space<hbm>> -> memref<1x80x128xi32, #tpu.memory_space<hbm>>
      %dma_start3A_122 = tpu.memref_squeeze %dma_start3A_121 : memref<1x80x128xi32, #tpu.memory_space<hbm>> -> memref<80x128xi32, #tpu.memory_space<hbm>>
      %dma_start3A_123 = arith.constant 0 : i32
      %dma_start3A_124 = arith.constant 0 : i32
      %dma_start3A_125 = tpu.memref_slice %dma_start3A_122[%dma_start3A_123, %dma_start3A_124] : memref<80x128xi32, #tpu.memory_space<hbm>> -> memref<40x128xi32, #tpu.memory_space<hbm>>
      tpu.enqueue_dma source(%dma_start3A_125 : memref<40x128xi32, #tpu.memory_space<hbm>>) target(%arg7 : memref<40x128xi32, #tpu.memory_space<vmem>>) target_semaphore(%run_scoped3A : memref<!tpu.dma_semaphore, #tpu.memory_space<semaphore_mem>>)
      %dma_wait3A_126 = arith.constant 0 : i32
      %dma_wait3A_127 = arith.constant 0 : i32
      %dma_wait3A_128 = tpu.memref_slice %arg3[%arg1, %dma_wait3A_126, %dma_wait3A_127] : memref<16x80x128xi32, #tpu.memory_space<hbm>> -> memref<1x80x128xi32, #tpu.memory_space<hbm>>
      %dma_wait3A_129 = tpu.memref_squeeze %dma_wait3A_128 : memref<1x80x128xi32, #tpu.memory_space<hbm>> -> memref<80x128xi32, #tpu.memory_space<hbm>>
      %dma_wait3A_130 = arith.constant 0 : i32
      %dma_wait3A_131 = arith.constant 0 : i32
      %dma_wait3A_132 = tpu.memref_slice %dma_wait3A_129[%dma_wait3A_130, %dma_wait3A_131] : memref<80x128xi32, #tpu.memory_space<hbm>> -> memref<40x128xi32, #tpu.memory_space<hbm>>
      %dma_wait3A_133 = arith.constant 0 : i32
      %dma_wait3A_134 = arith.constant 0 : i32
      %dma_wait3A_135 = tpu.memref_slice %arg3[%arg1, %dma_wait3A_133, %dma_wait3A_134] : memref<16x80x128xi32, #tpu.memory_space<hbm>> -> memref<1x80x128xi32, #tpu.memory_space<hbm>>
      %dma_wait3A_136 = tpu.memref_squeeze %dma_wait3A_135 : memref<1x80x128xi32, #tpu.memory_space<hbm>> -> memref<80x128xi32, #tpu.memory_space<hbm>>
      %dma_wait3A_137 = arith.constant 0 : i32
      %dma_wait3A_138 = arith.constant 0 : i32
      %dma_wait3A_139 = tpu.memref_slice %dma_wait3A_136[%dma_wait3A_137, %dma_wait3A_138] : memref<80x128xi32, #tpu.memory_space<hbm>> -> memref<40x128xi32, #tpu.memory_space<hbm>>
      tpu.wait_dma2 semaphore(%run_scoped3A : memref<!tpu.dma_semaphore, #tpu.memory_space<semaphore_mem>>) src(%dma_wait3A_139 : memref<40x128xi32, #tpu.memory_space<hbm>>) dst(%arg7 : memref<40x128xi32, #tpu.memory_space<vmem>>)
      tpu.yield
    }) : () -> ()
    "tpu.region"() ({
      %run_scoped3A = tpu.sem_alloc : memref<!tpu.dma_semaphore, #tpu.memory_space<semaphore_mem>>
      %dma_start3A_112 = arith.constant 0 : i32
      %dma_start3A_113 = arith.constant 0 : i32
      %dma_start3A_114 = tpu.memref_slice %arg4[%arg1, %dma_start3A_112, %dma_start3A_113] : memref<16x80x128xi32, #tpu.memory_space<hbm>> -> memref<1x80x128xi32, #tpu.memory_space<hbm>>
      %dma_start3A_115 = tpu.memref_squeeze %dma_start3A_114 : memref<1x80x128xi32, #tpu.memory_space<hbm>> -> memref<80x128xi32, #tpu.memory_space<hbm>>
      %dma_start3A_116 = arith.constant 0 : i32
      %dma_start3A_117 = arith.constant 0 : i32
      %dma_start3A_118 = tpu.memref_slice %dma_start3A_115[%dma_start3A_116, %dma_start3A_117] : memref<80x128xi32, #tpu.memory_space<hbm>> -> memref<40x128xi32, #tpu.memory_space<hbm>>
      %dma_start3A_119 = arith.constant 0 : i32
      %dma_start3A_120 = arith.constant 0 : i32
      %dma_start3A_121 = tpu.memref_slice %arg4[%arg1, %dma_start3A_119, %dma_start3A_120] : memref<16x80x128xi32, #tpu.memory_space<hbm>> -> memref<1x80x128xi32, #tpu.memory_space<hbm>>
      %dma_start3A_122 = tpu.memref_squeeze %dma_start3A_121 : memref<1x80x128xi32, #tpu.memory_space<hbm>> -> memref<80x128xi32, #tpu.memory_space<hbm>>
      %dma_start3A_123 = arith.constant 0 : i32
      %dma_start3A_124 = arith.constant 0 : i32
      %dma_start3A_125 = tpu.memref_slice %dma_start3A_122[%dma_start3A_123, %dma_start3A_124] : memref<80x128xi32, #tpu.memory_space<hbm>> -> memref<40x128xi32, #tpu.memory_space<hbm>>
      tpu.enqueue_dma source(%dma_start3A_125 : memref<40x128xi32, #tpu.memory_space<hbm>>) target(%arg8 : memref<40x128xi32, #tpu.memory_space<vmem>>) target_semaphore(%run_scoped3A : memref<!tpu.dma_semaphore, #tpu.memory_space<semaphore_mem>>)
      %dma_wait3A_126 = arith.constant 0 : i32
      %dma_wait3A_127 = arith.constant 0 : i32
      %dma_wait3A_128 = tpu.memref_slice %arg4[%arg1, %dma_wait3A_126, %dma_wait3A_127] : memref<16x80x128xi32, #tpu.memory_space<hbm>> -> memref<1x80x128xi32, #tpu.memory_space<hbm>>
      %dma_wait3A_129 = tpu.memref_squeeze %dma_wait3A_128 : memref<1x80x128xi32, #tpu.memory_space<hbm>> -> memref<80x128xi32, #tpu.memory_space<hbm>>
      %dma_wait3A_130 = arith.constant 0 : i32
      %dma_wait3A_131 = arith.constant 0 : i32
      %dma_wait3A_132 = tpu.memref_slice %dma_wait3A_129[%dma_wait3A_130, %dma_wait3A_131] : memref<80x128xi32, #tpu.memory_space<hbm>> -> memref<40x128xi32, #tpu.memory_space<hbm>>
      %dma_wait3A_133 = arith.constant 0 : i32
      %dma_wait3A_134 = arith.constant 0 : i32
      %dma_wait3A_135 = tpu.memref_slice %arg4[%arg1, %dma_wait3A_133, %dma_wait3A_134] : memref<16x80x128xi32, #tpu.memory_space<hbm>> -> memref<1x80x128xi32, #tpu.memory_space<hbm>>
      %dma_wait3A_136 = tpu.memref_squeeze %dma_wait3A_135 : memref<1x80x128xi32, #tpu.memory_space<hbm>> -> memref<80x128xi32, #tpu.memory_space<hbm>>
      %dma_wait3A_137 = arith.constant 0 : i32
      %dma_wait3A_138 = arith.constant 0 : i32
      %dma_wait3A_139 = tpu.memref_slice %dma_wait3A_136[%dma_wait3A_137, %dma_wait3A_138] : memref<80x128xi32, #tpu.memory_space<hbm>> -> memref<40x128xi32, #tpu.memory_space<hbm>>
      tpu.wait_dma2 semaphore(%run_scoped3A : memref<!tpu.dma_semaphore, #tpu.memory_space<semaphore_mem>>) src(%dma_wait3A_139 : memref<40x128xi32, #tpu.memory_space<hbm>>) dst(%arg8 : memref<40x128xi32, #tpu.memory_space<vmem>>)
      tpu.yield
    }) : () -> ()
    %dma_start3A = arith.constant 0 : i32
    %dma_start3A_18 = arith.constant 0 : i32
    %dma_start3A_19 = arith.constant 0 : i32
    %dma_start3A_20 = tpu.memref_slice %arg9[%dma_start3A_18, %dma_start3A_19] : memref<256x128xf32, #tpu.memory_space<vmem>> -> memref<128x128xf32, #tpu.memory_space<vmem>>
    %dma_start3A_21 = arith.constant 0 : i32
    %dma_start3A_22 = tpu.memref_slice %arg7[%dma_start3A, %dma_start3A_21] : memref<40x128xi32, #tpu.memory_space<vmem>> -> memref<1x128xi32, #tpu.memory_space<vmem>>
    %dma_start3A_23 = tpu.memref_squeeze %dma_start3A_22 : memref<1x128xi32, #tpu.memory_space<vmem>> -> memref<128xi32, #tpu.memory_space<vmem>>
    %dma_start3A_24 = arith.constant 0 : i32
    %dma_start3A_25 = arith.constant 0 : i32
    %dma_start3A_26 = tpu.memref_slice %arg2[%arg0, %dma_start3A_24, %dma_start3A_25] : memref<2x10000x128xf32, #tpu.memory_space<hbm>> -> memref<1x10000x128xf32, #tpu.memory_space<hbm>>
    %dma_start3A_27 = tpu.memref_squeeze %dma_start3A_26 : memref<1x10000x128xf32, #tpu.memory_space<hbm>> -> memref<10000x128xf32, #tpu.memory_space<hbm>>
    %dma_start3A_28 = arith.constant 0 : i32
    %dma_start3A_29 = arith.constant 0 : i32
    %dma_start3A_30 = tpu.memref_slice %dma_start3A_27[%dma_start3A_28, %dma_start3A_29] : memref<10000x128xf32, #tpu.memory_space<hbm>> -> memref<10000x128xf32, #tpu.memory_space<hbm>>
    tpu.enqueue_indirect_dma source(%dma_start3A_30 : memref<10000x128xf32, #tpu.memory_space<hbm>>) target(%dma_start3A_20 : memref<128x128xf32, #tpu.memory_space<vmem>>) offsets(%dma_start3A_23 : memref<128xi32, #tpu.memory_space<vmem>>) semaphore(%arg11 : memref<!tpu.dma_semaphore, #tpu.memory_space<semaphore_mem>>)
    %scan3A = arith.constant 0 : i32
    %scan3A_31 = arith.constant 0 : i32
    %scan3A_32 = arith.constant 20 : i32
    %scan3A_33 = arith.addi %scan3A_31, %scan3A_32 : i32
    %scan3A_34 = arith.constant 1 : i32
    scf.for %scan3A_112 = %scan3A_31 to %scan3A_33 step %scan3A_34  : i32 {
      %mul3A_113 = arith.constant 2 : i32
      %mul3A_114 = arith.muli %mul3A_113, %scan3A_112 : i32
      %dma_wait3A_115 = arith.constant 0 : i32
      %dma_wait3A_116 = arith.constant 0 : i32
      %dma_wait3A_117 = tpu.memref_slice %arg9[%dma_wait3A_115, %dma_wait3A_116] : memref<256x128xf32, #tpu.memory_space<vmem>> -> memref<128x128xf32, #tpu.memory_space<vmem>>
      %dma_wait3A_118 = arith.constant 0 : i32
      %dma_wait3A_119 = tpu.memref_slice %arg7[%mul3A_114, %dma_wait3A_118] : memref<40x128xi32, #tpu.memory_space<vmem>> -> memref<1x128xi32, #tpu.memory_space<vmem>>
      %dma_wait3A_120 = tpu.memref_squeeze %dma_wait3A_119 : memref<1x128xi32, #tpu.memory_space<vmem>> -> memref<128xi32, #tpu.memory_space<vmem>>
      %dma_wait3A_121 = arith.constant 0 : i32
      %dma_wait3A_122 = arith.constant 0 : i32
      %dma_wait3A_123 = tpu.memref_slice %arg2[%arg0, %dma_wait3A_121, %dma_wait3A_122] : memref<2x10000x128xf32, #tpu.memory_space<hbm>> -> memref<1x10000x128xf32, #tpu.memory_space<hbm>>
      %dma_wait3A_124 = tpu.memref_squeeze %dma_wait3A_123 : memref<1x10000x128xf32, #tpu.memory_space<hbm>> -> memref<10000x128xf32, #tpu.memory_space<hbm>>
      %dma_wait3A_125 = arith.constant 0 : i32
      %dma_wait3A_126 = arith.constant 0 : i32
      %dma_wait3A_127 = tpu.memref_slice %dma_wait3A_124[%dma_wait3A_125, %dma_wait3A_126] : memref<10000x128xf32, #tpu.memory_space<hbm>> -> memref<10000x128xf32, #tpu.memory_space<hbm>>
      tpu.wait_indirect_dma semaphore(%arg11 : memref<!tpu.dma_semaphore, #tpu.memory_space<semaphore_mem>>) src(%dma_wait3A_127 : memref<10000x128xf32, #tpu.memory_space<hbm>>) dst(%dma_wait3A_117 : memref<128x128xf32, #tpu.memory_space<vmem>>)
      %dma_start3A_128 = arith.constant 0 : i32
      %dma_start3A_129 = arith.constant 0 : i32
      %dma_start3A_130 = tpu.memref_slice %arg9[%dma_start3A_128, %dma_start3A_129] : memref<256x128xf32, #tpu.memory_space<vmem>> -> memref<128x128xf32, #tpu.memory_space<vmem>>
      %dma_start3A_131 = arith.constant 0 : i32
      %dma_start3A_132 = tpu.memref_slice %arg8[%mul3A_114, %dma_start3A_131] : memref<40x128xi32, #tpu.memory_space<vmem>> -> memref<1x128xi32, #tpu.memory_space<vmem>>
      %dma_start3A_133 = tpu.memref_squeeze %dma_start3A_132 : memref<1x128xi32, #tpu.memory_space<vmem>> -> memref<128xi32, #tpu.memory_space<vmem>>
      %dma_start3A_134 = arith.constant 0 : i32
      %dma_start3A_135 = arith.constant 0 : i32
      %dma_start3A_136 = tpu.memref_slice %arg10[%dma_start3A_134, %dma_start3A_135] : memref<10240x128xf32, #tpu.memory_space<vmem_shared>> -> memref<10240x128xf32, #tpu.memory_space<vmem_shared>>
      tpu.enqueue_indirect_dma source(%dma_start3A_130 : memref<128x128xf32, #tpu.memory_space<vmem>>) target(%dma_start3A_136 : memref<10240x128xf32, #tpu.memory_space<vmem_shared>>) offsets(%dma_start3A_133 : memref<128xi32, #tpu.memory_space<vmem>>) semaphore(%arg13 : memref<!tpu.dma_semaphore, #tpu.memory_space<semaphore_mem>>) {add = true}
      %gt3A = arith.constant 0 : i32
      %gt3A_137 = arith.cmpi sgt, %scan3A_112, %gt3A : i32
      %convert_element_type3A_138 = arith.extui %gt3A_137 : i1 to i32
      %cond3A_139 = arith.constant 0 : i32
      %cond3A_140 = arith.cmpi ne, %convert_element_type3A_138, %cond3A_139 : i32
      scf.if %cond3A_140 {
        %sub3A = arith.constant 1 : i32
        %sub3A_198 = arith.subi %mul3A_114, %sub3A : i32
        %dma_wait3A_199 = arith.constant 128 : i32
        %dma_wait3A_200 = arith.constant 0 : i32
        %dma_wait3A_201 = tpu.memref_slice %arg9[%dma_wait3A_199, %dma_wait3A_200] : memref<256x128xf32, #tpu.memory_space<vmem>> -> memref<128x128xf32, #tpu.memory_space<vmem>>
        %dma_wait3A_202 = arith.constant 0 : i32
        %dma_wait3A_203 = tpu.memref_slice %arg8[%sub3A_198, %dma_wait3A_202] : memref<40x128xi32, #tpu.memory_space<vmem>> -> memref<1x128xi32, #tpu.memory_space<vmem>>
        %dma_wait3A_204 = tpu.memref_squeeze %dma_wait3A_203 : memref<1x128xi32, #tpu.memory_space<vmem>> -> memref<128xi32, #tpu.memory_space<vmem>>
        %dma_wait3A_205 = arith.constant 0 : i32
        %dma_wait3A_206 = arith.constant 0 : i32
        %dma_wait3A_207 = tpu.memref_slice %arg10[%dma_wait3A_205, %dma_wait3A_206] : memref<10240x128xf32, #tpu.memory_space<vmem_shared>> -> memref<10240x128xf32, #tpu.memory_space<vmem_shared>>
        tpu.wait_indirect_dma semaphore(%arg14 : memref<!tpu.dma_semaphore, #tpu.memory_space<semaphore_mem>>) src(%dma_wait3A_201 : memref<128x128xf32, #tpu.memory_space<vmem>>) dst(%dma_wait3A_207 : memref<10240x128xf32, #tpu.memory_space<vmem_shared>>)
      } else {
      }
      %add3A_141 = arith.constant 1 : i32
      %add3A_142 = arith.addi %mul3A_114, %add3A_141 : i32
      %dma_start3A_143 = arith.constant 128 : i32
      %dma_start3A_144 = arith.constant 0 : i32
      %dma_start3A_145 = tpu.memref_slice %arg9[%dma_start3A_143, %dma_start3A_144] : memref<256x128xf32, #tpu.memory_space<vmem>> -> memref<128x128xf32, #tpu.memory_space<vmem>>
      %dma_start3A_146 = arith.constant 0 : i32
      %dma_start3A_147 = tpu.memref_slice %arg7[%add3A_142, %dma_start3A_146] : memref<40x128xi32, #tpu.memory_space<vmem>> -> memref<1x128xi32, #tpu.memory_space<vmem>>
      %dma_start3A_148 = tpu.memref_squeeze %dma_start3A_147 : memref<1x128xi32, #tpu.memory_space<vmem>> -> memref<128xi32, #tpu.memory_space<vmem>>
      %dma_start3A_149 = arith.constant 0 : i32
      %dma_start3A_150 = arith.constant 0 : i32
      %dma_start3A_151 = tpu.memref_slice %arg2[%arg0, %dma_start3A_149, %dma_start3A_150] : memref<2x10000x128xf32, #tpu.memory_space<hbm>> -> memref<1x10000x128xf32, #tpu.memory_space<hbm>>
      %dma_start3A_152 = tpu.memref_squeeze %dma_start3A_151 : memref<1x10000x128xf32, #tpu.memory_space<hbm>> -> memref<10000x128xf32, #tpu.memory_space<hbm>>
      %dma_start3A_153 = arith.constant 0 : i32
      %dma_start3A_154 = arith.constant 0 : i32
      %dma_start3A_155 = tpu.memref_slice %dma_start3A_152[%dma_start3A_153, %dma_start3A_154] : memref<10000x128xf32, #tpu.memory_space<hbm>> -> memref<10000x128xf32, #tpu.memory_space<hbm>>
      tpu.enqueue_indirect_dma source(%dma_start3A_155 : memref<10000x128xf32, #tpu.memory_space<hbm>>) target(%dma_start3A_145 : memref<128x128xf32, #tpu.memory_space<vmem>>) offsets(%dma_start3A_148 : memref<128xi32, #tpu.memory_space<vmem>>) semaphore(%arg12 : memref<!tpu.dma_semaphore, #tpu.memory_space<semaphore_mem>>)
      %add3A_156 = arith.constant 1 : i32
      %add3A_157 = arith.addi %mul3A_114, %add3A_156 : i32
      %dma_wait3A_158 = arith.constant 128 : i32
      %dma_wait3A_159 = arith.constant 0 : i32
      %dma_wait3A_160 = tpu.memref_slice %arg9[%dma_wait3A_158, %dma_wait3A_159] : memref<256x128xf32, #tpu.memory_space<vmem>> -> memref<128x128xf32, #tpu.memory_space<vmem>>
      %dma_wait3A_161 = arith.constant 0 : i32
      %dma_wait3A_162 = tpu.memref_slice %arg7[%add3A_157, %dma_wait3A_161] : memref<40x128xi32, #tpu.memory_space<vmem>> -> memref<1x128xi32, #tpu.memory_space<vmem>>
      %dma_wait3A_163 = tpu.memref_squeeze %dma_wait3A_162 : memref<1x128xi32, #tpu.memory_space<vmem>> -> memref<128xi32, #tpu.memory_space<vmem>>
      %dma_wait3A_164 = arith.constant 0 : i32
      %dma_wait3A_165 = arith.constant 0 : i32
      %dma_wait3A_166 = tpu.memref_slice %arg2[%arg0, %dma_wait3A_164, %dma_wait3A_165] : memref<2x10000x128xf32, #tpu.memory_space<hbm>> -> memref<1x10000x128xf32, #tpu.memory_space<hbm>>
      %dma_wait3A_167 = tpu.memref_squeeze %dma_wait3A_166 : memref<1x10000x128xf32, #tpu.memory_space<hbm>> -> memref<10000x128xf32, #tpu.memory_space<hbm>>
      %dma_wait3A_168 = arith.constant 0 : i32
      %dma_wait3A_169 = arith.constant 0 : i32
      %dma_wait3A_170 = tpu.memref_slice %dma_wait3A_167[%dma_wait3A_168, %dma_wait3A_169] : memref<10000x128xf32, #tpu.memory_space<hbm>> -> memref<10000x128xf32, #tpu.memory_space<hbm>>
      tpu.wait_indirect_dma semaphore(%arg12 : memref<!tpu.dma_semaphore, #tpu.memory_space<semaphore_mem>>) src(%dma_wait3A_170 : memref<10000x128xf32, #tpu.memory_space<hbm>>) dst(%dma_wait3A_160 : memref<128x128xf32, #tpu.memory_space<vmem>>)
      %add3A_171 = arith.constant 1 : i32
      %add3A_172 = arith.addi %mul3A_114, %add3A_171 : i32
      %dma_start3A_173 = arith.constant 128 : i32
      %dma_start3A_174 = arith.constant 0 : i32
      %dma_start3A_175 = tpu.memref_slice %arg9[%dma_start3A_173, %dma_start3A_174] : memref<256x128xf32, #tpu.memory_space<vmem>> -> memref<128x128xf32, #tpu.memory_space<vmem>>
      %dma_start3A_176 = arith.constant 0 : i32
      %dma_start3A_177 = tpu.memref_slice %arg8[%add3A_172, %dma_start3A_176] : memref<40x128xi32, #tpu.memory_space<vmem>> -> memref<1x128xi32, #tpu.memory_space<vmem>>
      %dma_start3A_178 = tpu.memref_squeeze %dma_start3A_177 : memref<1x128xi32, #tpu.memory_space<vmem>> -> memref<128xi32, #tpu.memory_space<vmem>>
      %dma_start3A_179 = arith.constant 0 : i32
      %dma_start3A_180 = arith.constant 0 : i32
      %dma_start3A_181 = tpu.memref_slice %arg10[%dma_start3A_179, %dma_start3A_180] : memref<10240x128xf32, #tpu.memory_space<vmem_shared>> -> memref<10240x128xf32, #tpu.memory_space<vmem_shared>>
      tpu.enqueue_indirect_dma source(%dma_start3A_175 : memref<128x128xf32, #tpu.memory_space<vmem>>) target(%dma_start3A_181 : memref<10240x128xf32, #tpu.memory_space<vmem_shared>>) offsets(%dma_start3A_178 : memref<128xi32, #tpu.memory_space<vmem>>) semaphore(%arg14 : memref<!tpu.dma_semaphore, #tpu.memory_space<semaphore_mem>>) {add = true}
      %dma_wait3A_182 = arith.constant 0 : i32
      %dma_wait3A_183 = arith.constant 0 : i32
      %dma_wait3A_184 = tpu.memref_slice %arg9[%dma_wait3A_182, %dma_wait3A_183] : memref<256x128xf32, #tpu.memory_space<vmem>> -> memref<128x128xf32, #tpu.memory_space<vmem>>
      %dma_wait3A_185 = arith.constant 0 : i32
      %dma_wait3A_186 = tpu.memref_slice %arg8[%mul3A_114, %dma_wait3A_185] : memref<40x128xi32, #tpu.memory_space<vmem>> -> memref<1x128xi32, #tpu.memory_space<vmem>>
      %dma_wait3A_187 = tpu.memref_squeeze %dma_wait3A_186 : memref<1x128xi32, #tpu.memory_space<vmem>> -> memref<128xi32, #tpu.memory_space<vmem>>
      %dma_wait3A_188 = arith.constant 0 : i32
      %dma_wait3A_189 = arith.constant 0 : i32
      %dma_wait3A_190 = tpu.memref_slice %arg10[%dma_wait3A_188, %dma_wait3A_189] : memref<10240x128xf32, #tpu.memory_space<vmem_shared>> -> memref<10240x128xf32, #tpu.memory_space<vmem_shared>>
      tpu.wait_indirect_dma semaphore(%arg13 : memref<!tpu.dma_semaphore, #tpu.memory_space<semaphore_mem>>) src(%dma_wait3A_184 : memref<128x128xf32, #tpu.memory_space<vmem>>) dst(%dma_wait3A_190 : memref<10240x128xf32, #tpu.memory_space<vmem_shared>>)
      %add3A_191 = arith.constant 1 : i32
      %add3A_192 = arith.addi %scan3A_112, %add3A_191 : i32
      %lt3A_193 = arith.constant 20 : i32
      %lt3A_194 = arith.cmpi slt, %add3A_192, %lt3A_193 : i32
      %convert_element_type3A_195 = arith.extui %lt3A_194 : i1 to i32
      %cond3A_196 = arith.constant 0 : i32
      %cond3A_197 = arith.cmpi ne, %convert_element_type3A_195, %cond3A_196 : i32
      scf.if %cond3A_197 {
        %add3A_198 = arith.constant 2 : i32
        %add3A_199 = arith.addi %mul3A_114, %add3A_198 : i32
        %dma_start3A_200 = arith.constant 0 : i32
        %dma_start3A_201 = arith.constant 0 : i32
        %dma_start3A_202 = tpu.memref_slice %arg9[%dma_start3A_200, %dma_start3A_201] : memref<256x128xf32, #tpu.memory_space<vmem>> -> memref<128x128xf32, #tpu.memory_space<vmem>>
        %dma_start3A_203 = arith.constant 0 : i32
        %dma_start3A_204 = tpu.memref_slice %arg7[%add3A_199, %dma_start3A_203] : memref<40x128xi32, #tpu.memory_space<vmem>> -> memref<1x128xi32, #tpu.memory_space<vmem>>
        %dma_start3A_205 = tpu.memref_squeeze %dma_start3A_204 : memref<1x128xi32, #tpu.memory_space<vmem>> -> memref<128xi32, #tpu.memory_space<vmem>>
        %dma_start3A_206 = arith.constant 0 : i32
        %dma_start3A_207 = arith.constant 0 : i32
        %dma_start3A_208 = tpu.memref_slice %arg2[%arg0, %dma_start3A_206, %dma_start3A_207] : memref<2x10000x128xf32, #tpu.memory_space<hbm>> -> memref<1x10000x128xf32, #tpu.memory_space<hbm>>
        %dma_start3A_209 = tpu.memref_squeeze %dma_start3A_208 : memref<1x10000x128xf32, #tpu.memory_space<hbm>> -> memref<10000x128xf32, #tpu.memory_space<hbm>>
        %dma_start3A_210 = arith.constant 0 : i32
        %dma_start3A_211 = arith.constant 0 : i32
        %dma_start3A_212 = tpu.memref_slice %dma_start3A_209[%dma_start3A_210, %dma_start3A_211] : memref<10000x128xf32, #tpu.memory_space<hbm>> -> memref<10000x128xf32, #tpu.memory_space<hbm>>
        tpu.enqueue_indirect_dma source(%dma_start3A_212 : memref<10000x128xf32, #tpu.memory_space<hbm>>) target(%dma_start3A_202 : memref<128x128xf32, #tpu.memory_space<vmem>>) offsets(%dma_start3A_205 : memref<128xi32, #tpu.memory_space<vmem>>) semaphore(%arg11 : memref<!tpu.dma_semaphore, #tpu.memory_space<semaphore_mem>>)
      } else {
      }
    }
    %scan3A_35 = arith.constant 20 : i32
    %dma_wait3A = arith.constant 39 : i32
    %dma_wait3A_36 = arith.constant 128 : i32
    %dma_wait3A_37 = arith.constant 0 : i32
    %dma_wait3A_38 = tpu.memref_slice %arg9[%dma_wait3A_36, %dma_wait3A_37] : memref<256x128xf32, #tpu.memory_space<vmem>> -> memref<128x128xf32, #tpu.memory_space<vmem>>
    %dma_wait3A_39 = arith.constant 0 : i32
    %dma_wait3A_40 = tpu.memref_slice %arg8[%dma_wait3A, %dma_wait3A_39] : memref<40x128xi32, #tpu.memory_space<vmem>> -> memref<1x128xi32, #tpu.memory_space<vmem>>
    %dma_wait3A_41 = tpu.memref_squeeze %dma_wait3A_40 : memref<1x128xi32, #tpu.memory_space<vmem>> -> memref<128xi32, #tpu.memory_space<vmem>>
    %dma_wait3A_42 = arith.constant 0 : i32
    %dma_wait3A_43 = arith.constant 0 : i32
    %dma_wait3A_44 = tpu.memref_slice %arg10[%dma_wait3A_42, %dma_wait3A_43] : memref<10240x128xf32, #tpu.memory_space<vmem_shared>> -> memref<10240x128xf32, #tpu.memory_space<vmem_shared>>
    tpu.wait_indirect_dma semaphore(%arg14 : memref<!tpu.dma_semaphore, #tpu.memory_space<semaphore_mem>>) src(%dma_wait3A_38 : memref<128x128xf32, #tpu.memory_space<vmem>>) dst(%dma_wait3A_44 : memref<10240x128xf32, #tpu.memory_space<vmem_shared>>)
    "tpu.region"() ({
      %run_scoped3A = tpu.sem_alloc : memref<!tpu.dma_semaphore, #tpu.memory_space<semaphore_mem>>
      %dma_start3A_112 = arith.constant 0 : i32
      %dma_start3A_113 = arith.constant 0 : i32
      %dma_start3A_114 = tpu.memref_slice %arg3[%arg1, %dma_start3A_112, %dma_start3A_113] : memref<16x80x128xi32, #tpu.memory_space<hbm>> -> memref<1x80x128xi32, #tpu.memory_space<hbm>>
      %dma_start3A_115 = tpu.memref_squeeze %dma_start3A_114 : memref<1x80x128xi32, #tpu.memory_space<hbm>> -> memref<80x128xi32, #tpu.memory_space<hbm>>
      %dma_start3A_116 = arith.constant 40 : i32
      %dma_start3A_117 = arith.constant 0 : i32
      %dma_start3A_118 = tpu.memref_slice %dma_start3A_115[%dma_start3A_116, %dma_start3A_117] : memref<80x128xi32, #tpu.memory_space<hbm>> -> memref<40x128xi32, #tpu.memory_space<hbm>>
      %dma_start3A_119 = arith.constant 0 : i32
      %dma_start3A_120 = arith.constant 0 : i32
      %dma_start3A_121 = tpu.memref_slice %arg3[%arg1, %dma_start3A_119, %dma_start3A_120] : memref<16x80x128xi32, #tpu.memory_space<hbm>> -> memref<1x80x128xi32, #tpu.memory_space<hbm>>
      %dma_start3A_122 = tpu.memref_squeeze %dma_start3A_121 : memref<1x80x128xi32, #tpu.memory_space<hbm>> -> memref<80x128xi32, #tpu.memory_space<hbm>>
      %dma_start3A_123 = arith.constant 40 : i32
      %dma_start3A_124 = arith.constant 0 : i32
      %dma_start3A_125 = tpu.memref_slice %dma_start3A_122[%dma_start3A_123, %dma_start3A_124] : memref<80x128xi32, #tpu.memory_space<hbm>> -> memref<40x128xi32, #tpu.memory_space<hbm>>
      tpu.enqueue_dma source(%dma_start3A_125 : memref<40x128xi32, #tpu.memory_space<hbm>>) target(%arg7 : memref<40x128xi32, #tpu.memory_space<vmem>>) target_semaphore(%run_scoped3A : memref<!tpu.dma_semaphore, #tpu.memory_space<semaphore_mem>>)
      %dma_wait3A_126 = arith.constant 0 : i32
      %dma_wait3A_127 = arith.constant 0 : i32
      %dma_wait3A_128 = tpu.memref_slice %arg3[%arg1, %dma_wait3A_126, %dma_wait3A_127] : memref<16x80x128xi32, #tpu.memory_space<hbm>> -> memref<1x80x128xi32, #tpu.memory_space<hbm>>
      %dma_wait3A_129 = tpu.memref_squeeze %dma_wait3A_128 : memref<1x80x128xi32, #tpu.memory_space<hbm>> -> memref<80x128xi32, #tpu.memory_space<hbm>>
      %dma_wait3A_130 = arith.constant 40 : i32
      %dma_wait3A_131 = arith.constant 0 : i32
      %dma_wait3A_132 = tpu.memref_slice %dma_wait3A_129[%dma_wait3A_130, %dma_wait3A_131] : memref<80x128xi32, #tpu.memory_space<hbm>> -> memref<40x128xi32, #tpu.memory_space<hbm>>
      %dma_wait3A_133 = arith.constant 0 : i32
      %dma_wait3A_134 = arith.constant 0 : i32
      %dma_wait3A_135 = tpu.memref_slice %arg3[%arg1, %dma_wait3A_133, %dma_wait3A_134] : memref<16x80x128xi32, #tpu.memory_space<hbm>> -> memref<1x80x128xi32, #tpu.memory_space<hbm>>
      %dma_wait3A_136 = tpu.memref_squeeze %dma_wait3A_135 : memref<1x80x128xi32, #tpu.memory_space<hbm>> -> memref<80x128xi32, #tpu.memory_space<hbm>>
      %dma_wait3A_137 = arith.constant 40 : i32
      %dma_wait3A_138 = arith.constant 0 : i32
      %dma_wait3A_139 = tpu.memref_slice %dma_wait3A_136[%dma_wait3A_137, %dma_wait3A_138] : memref<80x128xi32, #tpu.memory_space<hbm>> -> memref<40x128xi32, #tpu.memory_space<hbm>>
      tpu.wait_dma2 semaphore(%run_scoped3A : memref<!tpu.dma_semaphore, #tpu.memory_space<semaphore_mem>>) src(%dma_wait3A_139 : memref<40x128xi32, #tpu.memory_space<hbm>>) dst(%arg7 : memref<40x128xi32, #tpu.memory_space<vmem>>)
      tpu.yield
    }) : () -> ()
    "tpu.region"() ({
      %run_scoped3A = tpu.sem_alloc : memref<!tpu.dma_semaphore, #tpu.memory_space<semaphore_mem>>
      %dma_start3A_112 = arith.constant 0 : i32
      %dma_start3A_113 = arith.constant 0 : i32
      %dma_start3A_114 = tpu.memref_slice %arg4[%arg1, %dma_start3A_112, %dma_start3A_113] : memref<16x80x128xi32, #tpu.memory_space<hbm>> -> memref<1x80x128xi32, #tpu.memory_space<hbm>>
      %dma_start3A_115 = tpu.memref_squeeze %dma_start3A_114 : memref<1x80x128xi32, #tpu.memory_space<hbm>> -> memref<80x128xi32, #tpu.memory_space<hbm>>
      %dma_start3A_116 = arith.constant 40 : i32
      %dma_start3A_117 = arith.constant 0 : i32
      %dma_start3A_118 = tpu.memref_slice %dma_start3A_115[%dma_start3A_116, %dma_start3A_117] : memref<80x128xi32, #tpu.memory_space<hbm>> -> memref<40x128xi32, #tpu.memory_space<hbm>>
      %dma_start3A_119 = arith.constant 0 : i32
      %dma_start3A_120 = arith.constant 0 : i32
      %dma_start3A_121 = tpu.memref_slice %arg4[%arg1, %dma_start3A_119, %dma_start3A_120] : memref<16x80x128xi32, #tpu.memory_space<hbm>> -> memref<1x80x128xi32, #tpu.memory_space<hbm>>
      %dma_start3A_122 = tpu.memref_squeeze %dma_start3A_121 : memref<1x80x128xi32, #tpu.memory_space<hbm>> -> memref<80x128xi32, #tpu.memory_space<hbm>>
      %dma_start3A_123 = arith.constant 40 : i32
      %dma_start3A_124 = arith.constant 0 : i32
      %dma_start3A_125 = tpu.memref_slice %dma_start3A_122[%dma_start3A_123, %dma_start3A_124] : memref<80x128xi32, #tpu.memory_space<hbm>> -> memref<40x128xi32, #tpu.memory_space<hbm>>
      tpu.enqueue_dma source(%dma_start3A_125 : memref<40x128xi32, #tpu.memory_space<hbm>>) target(%arg8 : memref<40x128xi32, #tpu.memory_space<vmem>>) target_semaphore(%run_scoped3A : memref<!tpu.dma_semaphore, #tpu.memory_space<semaphore_mem>>)
      %dma_wait3A_126 = arith.constant 0 : i32
      %dma_wait3A_127 = arith.constant 0 : i32
      %dma_wait3A_128 = tpu.memref_slice %arg4[%arg1, %dma_wait3A_126, %dma_wait3A_127] : memref<16x80x128xi32, #tpu.memory_space<hbm>> -> memref<1x80x128xi32, #tpu.memory_space<hbm>>
      %dma_wait3A_129 = tpu.memref_squeeze %dma_wait3A_128 : memref<1x80x128xi32, #tpu.memory_space<hbm>> -> memref<80x128xi32, #tpu.memory_space<hbm>>
      %dma_wait3A_130 = arith.constant 40 : i32
      %dma_wait3A_131 = arith.constant 0 : i32
      %dma_wait3A_132 = tpu.memref_slice %dma_wait3A_129[%dma_wait3A_130, %dma_wait3A_131] : memref<80x128xi32, #tpu.memory_space<hbm>> -> memref<40x128xi32, #tpu.memory_space<hbm>>
      %dma_wait3A_133 = arith.constant 0 : i32
      %dma_wait3A_134 = arith.constant 0 : i32
      %dma_wait3A_135 = tpu.memref_slice %arg4[%arg1, %dma_wait3A_133, %dma_wait3A_134] : memref<16x80x128xi32, #tpu.memory_space<hbm>> -> memref<1x80x128xi32, #tpu.memory_space<hbm>>
      %dma_wait3A_136 = tpu.memref_squeeze %dma_wait3A_135 : memref<1x80x128xi32, #tpu.memory_space<hbm>> -> memref<80x128xi32, #tpu.memory_space<hbm>>
      %dma_wait3A_137 = arith.constant 40 : i32
      %dma_wait3A_138 = arith.constant 0 : i32
      %dma_wait3A_139 = tpu.memref_slice %dma_wait3A_136[%dma_wait3A_137, %dma_wait3A_138] : memref<80x128xi32, #tpu.memory_space<hbm>> -> memref<40x128xi32, #tpu.memory_space<hbm>>
      tpu.wait_dma2 semaphore(%run_scoped3A : memref<!tpu.dma_semaphore, #tpu.memory_space<semaphore_mem>>) src(%dma_wait3A_139 : memref<40x128xi32, #tpu.memory_space<hbm>>) dst(%arg8 : memref<40x128xi32, #tpu.memory_space<vmem>>)
      tpu.yield
    }) : () -> ()
    %dma_start3A_45 = arith.constant 0 : i32
    %dma_start3A_46 = arith.constant 0 : i32
    %dma_start3A_47 = arith.constant 0 : i32
    %dma_start3A_48 = tpu.memref_slice %arg9[%dma_start3A_46, %dma_start3A_47] : memref<256x128xf32, #tpu.memory_space<vmem>> -> memref<128x128xf32, #tpu.memory_space<vmem>>
    %dma_start3A_49 = arith.constant 0 : i32
    %dma_start3A_50 = tpu.memref_slice %arg7[%dma_start3A_45, %dma_start3A_49] : memref<40x128xi32, #tpu.memory_space<vmem>> -> memref<1x128xi32, #tpu.memory_space<vmem>>
    %dma_start3A_51 = tpu.memref_squeeze %dma_start3A_50 : memref<1x128xi32, #tpu.memory_space<vmem>> -> memref<128xi32, #tpu.memory_space<vmem>>
    %dma_start3A_52 = arith.constant 0 : i32
    %dma_start3A_53 = arith.constant 0 : i32
    %dma_start3A_54 = tpu.memref_slice %arg2[%arg0, %dma_start3A_52, %dma_start3A_53] : memref<2x10000x128xf32, #tpu.memory_space<hbm>> -> memref<1x10000x128xf32, #tpu.memory_space<hbm>>
    %dma_start3A_55 = tpu.memref_squeeze %dma_start3A_54 : memref<1x10000x128xf32, #tpu.memory_space<hbm>> -> memref<10000x128xf32, #tpu.memory_space<hbm>>
    %dma_start3A_56 = arith.constant 0 : i32
    %dma_start3A_57 = arith.constant 0 : i32
    %dma_start3A_58 = tpu.memref_slice %dma_start3A_55[%dma_start3A_56, %dma_start3A_57] : memref<10000x128xf32, #tpu.memory_space<hbm>> -> memref<10000x128xf32, #tpu.memory_space<hbm>>
    tpu.enqueue_indirect_dma source(%dma_start3A_58 : memref<10000x128xf32, #tpu.memory_space<hbm>>) target(%dma_start3A_48 : memref<128x128xf32, #tpu.memory_space<vmem>>) offsets(%dma_start3A_51 : memref<128xi32, #tpu.memory_space<vmem>>) semaphore(%arg11 : memref<!tpu.dma_semaphore, #tpu.memory_space<semaphore_mem>>)
    %scan3A_59 = arith.constant 0 : i32
    %scan3A_60 = arith.constant 0 : i32
    %scan3A_61 = arith.constant 20 : i32
    %scan3A_62 = arith.addi %scan3A_60, %scan3A_61 : i32
    %scan3A_63 = arith.constant 1 : i32
    scf.for %scan3A_112 = %scan3A_60 to %scan3A_62 step %scan3A_63  : i32 {
      %mul3A_113 = arith.constant 2 : i32
      %mul3A_114 = arith.muli %mul3A_113, %scan3A_112 : i32
      %dma_wait3A_115 = arith.constant 0 : i32
      %dma_wait3A_116 = arith.constant 0 : i32
      %dma_wait3A_117 = tpu.memref_slice %arg9[%dma_wait3A_115, %dma_wait3A_116] : memref<256x128xf32, #tpu.memory_space<vmem>> -> memref<128x128xf32, #tpu.memory_space<vmem>>
      %dma_wait3A_118 = arith.constant 0 : i32
      %dma_wait3A_119 = tpu.memref_slice %arg7[%mul3A_114, %dma_wait3A_118] : memref<40x128xi32, #tpu.memory_space<vmem>> -> memref<1x128xi32, #tpu.memory_space<vmem>>
      %dma_wait3A_120 = tpu.memref_squeeze %dma_wait3A_119 : memref<1x128xi32, #tpu.memory_space<vmem>> -> memref<128xi32, #tpu.memory_space<vmem>>
      %dma_wait3A_121 = arith.constant 0 : i32
      %dma_wait3A_122 = arith.constant 0 : i32
      %dma_wait3A_123 = tpu.memref_slice %arg2[%arg0, %dma_wait3A_121, %dma_wait3A_122] : memref<2x10000x128xf32, #tpu.memory_space<hbm>> -> memref<1x10000x128xf32, #tpu.memory_space<hbm>>
      %dma_wait3A_124 = tpu.memref_squeeze %dma_wait3A_123 : memref<1x10000x128xf32, #tpu.memory_space<hbm>> -> memref<10000x128xf32, #tpu.memory_space<hbm>>
      %dma_wait3A_125 = arith.constant 0 : i32
      %dma_wait3A_126 = arith.constant 0 : i32
      %dma_wait3A_127 = tpu.memref_slice %dma_wait3A_124[%dma_wait3A_125, %dma_wait3A_126] : memref<10000x128xf32, #tpu.memory_space<hbm>> -> memref<10000x128xf32, #tpu.memory_space<hbm>>
      tpu.wait_indirect_dma semaphore(%arg11 : memref<!tpu.dma_semaphore, #tpu.memory_space<semaphore_mem>>) src(%dma_wait3A_127 : memref<10000x128xf32, #tpu.memory_space<hbm>>) dst(%dma_wait3A_117 : memref<128x128xf32, #tpu.memory_space<vmem>>)
      %dma_start3A_128 = arith.constant 0 : i32
      %dma_start3A_129 = arith.constant 0 : i32
      %dma_start3A_130 = tpu.memref_slice %arg9[%dma_start3A_128, %dma_start3A_129] : memref<256x128xf32, #tpu.memory_space<vmem>> -> memref<128x128xf32, #tpu.memory_space<vmem>>
      %dma_start3A_131 = arith.constant 0 : i32
      %dma_start3A_132 = tpu.memref_slice %arg8[%mul3A_114, %dma_start3A_131] : memref<40x128xi32, #tpu.memory_space<vmem>> -> memref<1x128xi32, #tpu.memory_space<vmem>>
      %dma_start3A_133 = tpu.memref_squeeze %dma_start3A_132 : memref<1x128xi32, #tpu.memory_space<vmem>> -> memref<128xi32, #tpu.memory_space<vmem>>
      %dma_start3A_134 = arith.constant 0 : i32
      %dma_start3A_135 = arith.constant 0 : i32
      %dma_start3A_136 = tpu.memref_slice %arg10[%dma_start3A_134, %dma_start3A_135] : memref<10240x128xf32, #tpu.memory_space<vmem_shared>> -> memref<10240x128xf32, #tpu.memory_space<vmem_shared>>
      tpu.enqueue_indirect_dma source(%dma_start3A_130 : memref<128x128xf32, #tpu.memory_space<vmem>>) target(%dma_start3A_136 : memref<10240x128xf32, #tpu.memory_space<vmem_shared>>) offsets(%dma_start3A_133 : memref<128xi32, #tpu.memory_space<vmem>>) semaphore(%arg13 : memref<!tpu.dma_semaphore, #tpu.memory_space<semaphore_mem>>) {add = true}
      %gt3A = arith.constant 0 : i32
      %gt3A_137 = arith.cmpi sgt, %scan3A_112, %gt3A : i32
      %convert_element_type3A_138 = arith.extui %gt3A_137 : i1 to i32
      %cond3A_139 = arith.constant 0 : i32
      %cond3A_140 = arith.cmpi ne, %convert_element_type3A_138, %cond3A_139 : i32
      scf.if %cond3A_140 {
        %sub3A = arith.constant 1 : i32
        %sub3A_198 = arith.subi %mul3A_114, %sub3A : i32
        %dma_wait3A_199 = arith.constant 128 : i32
        %dma_wait3A_200 = arith.constant 0 : i32
        %dma_wait3A_201 = tpu.memref_slice %arg9[%dma_wait3A_199, %dma_wait3A_200] : memref<256x128xf32, #tpu.memory_space<vmem>> -> memref<128x128xf32, #tpu.memory_space<vmem>>
        %dma_wait3A_202 = arith.constant 0 : i32
        %dma_wait3A_203 = tpu.memref_slice %arg8[%sub3A_198, %dma_wait3A_202] : memref<40x128xi32, #tpu.memory_space<vmem>> -> memref<1x128xi32, #tpu.memory_space<vmem>>
        %dma_wait3A_204 = tpu.memref_squeeze %dma_wait3A_203 : memref<1x128xi32, #tpu.memory_space<vmem>> -> memref<128xi32, #tpu.memory_space<vmem>>
        %dma_wait3A_205 = arith.constant 0 : i32
        %dma_wait3A_206 = arith.constant 0 : i32
        %dma_wait3A_207 = tpu.memref_slice %arg10[%dma_wait3A_205, %dma_wait3A_206] : memref<10240x128xf32, #tpu.memory_space<vmem_shared>> -> memref<10240x128xf32, #tpu.memory_space<vmem_shared>>
        tpu.wait_indirect_dma semaphore(%arg14 : memref<!tpu.dma_semaphore, #tpu.memory_space<semaphore_mem>>) src(%dma_wait3A_201 : memref<128x128xf32, #tpu.memory_space<vmem>>) dst(%dma_wait3A_207 : memref<10240x128xf32, #tpu.memory_space<vmem_shared>>)
      } else {
      }
      %add3A_141 = arith.constant 1 : i32
      %add3A_142 = arith.addi %mul3A_114, %add3A_141 : i32
      %dma_start3A_143 = arith.constant 128 : i32
      %dma_start3A_144 = arith.constant 0 : i32
      %dma_start3A_145 = tpu.memref_slice %arg9[%dma_start3A_143, %dma_start3A_144] : memref<256x128xf32, #tpu.memory_space<vmem>> -> memref<128x128xf32, #tpu.memory_space<vmem>>
      %dma_start3A_146 = arith.constant 0 : i32
      %dma_start3A_147 = tpu.memref_slice %arg7[%add3A_142, %dma_start3A_146] : memref<40x128xi32, #tpu.memory_space<vmem>> -> memref<1x128xi32, #tpu.memory_space<vmem>>
      %dma_start3A_148 = tpu.memref_squeeze %dma_start3A_147 : memref<1x128xi32, #tpu.memory_space<vmem>> -> memref<128xi32, #tpu.memory_space<vmem>>
      %dma_start3A_149 = arith.constant 0 : i32
      %dma_start3A_150 = arith.constant 0 : i32
      %dma_start3A_151 = tpu.memref_slice %arg2[%arg0, %dma_start3A_149, %dma_start3A_150] : memref<2x10000x128xf32, #tpu.memory_space<hbm>> -> memref<1x10000x128xf32, #tpu.memory_space<hbm>>
      %dma_start3A_152 = tpu.memref_squeeze %dma_start3A_151 : memref<1x10000x128xf32, #tpu.memory_space<hbm>> -> memref<10000x128xf32, #tpu.memory_space<hbm>>
      %dma_start3A_153 = arith.constant 0 : i32
      %dma_start3A_154 = arith.constant 0 : i32
      %dma_start3A_155 = tpu.memref_slice %dma_start3A_152[%dma_start3A_153, %dma_start3A_154] : memref<10000x128xf32, #tpu.memory_space<hbm>> -> memref<10000x128xf32, #tpu.memory_space<hbm>>
      tpu.enqueue_indirect_dma source(%dma_start3A_155 : memref<10000x128xf32, #tpu.memory_space<hbm>>) target(%dma_start3A_145 : memref<128x128xf32, #tpu.memory_space<vmem>>) offsets(%dma_start3A_148 : memref<128xi32, #tpu.memory_space<vmem>>) semaphore(%arg12 : memref<!tpu.dma_semaphore, #tpu.memory_space<semaphore_mem>>)
      %add3A_156 = arith.constant 1 : i32
      %add3A_157 = arith.addi %mul3A_114, %add3A_156 : i32
      %dma_wait3A_158 = arith.constant 128 : i32
      %dma_wait3A_159 = arith.constant 0 : i32
      %dma_wait3A_160 = tpu.memref_slice %arg9[%dma_wait3A_158, %dma_wait3A_159] : memref<256x128xf32, #tpu.memory_space<vmem>> -> memref<128x128xf32, #tpu.memory_space<vmem>>
      %dma_wait3A_161 = arith.constant 0 : i32
      %dma_wait3A_162 = tpu.memref_slice %arg7[%add3A_157, %dma_wait3A_161] : memref<40x128xi32, #tpu.memory_space<vmem>> -> memref<1x128xi32, #tpu.memory_space<vmem>>
      %dma_wait3A_163 = tpu.memref_squeeze %dma_wait3A_162 : memref<1x128xi32, #tpu.memory_space<vmem>> -> memref<128xi32, #tpu.memory_space<vmem>>
      %dma_wait3A_164 = arith.constant 0 : i32
      %dma_wait3A_165 = arith.constant 0 : i32
      %dma_wait3A_166 = tpu.memref_slice %arg2[%arg0, %dma_wait3A_164, %dma_wait3A_165] : memref<2x10000x128xf32, #tpu.memory_space<hbm>> -> memref<1x10000x128xf32, #tpu.memory_space<hbm>>
      %dma_wait3A_167 = tpu.memref_squeeze %dma_wait3A_166 : memref<1x10000x128xf32, #tpu.memory_space<hbm>> -> memref<10000x128xf32, #tpu.memory_space<hbm>>
      %dma_wait3A_168 = arith.constant 0 : i32
      %dma_wait3A_169 = arith.constant 0 : i32
      %dma_wait3A_170 = tpu.memref_slice %dma_wait3A_167[%dma_wait3A_168, %dma_wait3A_169] : memref<10000x128xf32, #tpu.memory_space<hbm>> -> memref<10000x128xf32, #tpu.memory_space<hbm>>
      tpu.wait_indirect_dma semaphore(%arg12 : memref<!tpu.dma_semaphore, #tpu.memory_space<semaphore_mem>>) src(%dma_wait3A_170 : memref<10000x128xf32, #tpu.memory_space<hbm>>) dst(%dma_wait3A_160 : memref<128x128xf32, #tpu.memory_space<vmem>>)
      %add3A_171 = arith.constant 1 : i32
      %add3A_172 = arith.addi %mul3A_114, %add3A_171 : i32
      %dma_start3A_173 = arith.constant 128 : i32
      %dma_start3A_174 = arith.constant 0 : i32
      %dma_start3A_175 = tpu.memref_slice %arg9[%dma_start3A_173, %dma_start3A_174] : memref<256x128xf32, #tpu.memory_space<vmem>> -> memref<128x128xf32, #tpu.memory_space<vmem>>
      %dma_start3A_176 = arith.constant 0 : i32
      %dma_start3A_177 = tpu.memref_slice %arg8[%add3A_172, %dma_start3A_176] : memref<40x128xi32, #tpu.memory_space<vmem>> -> memref<1x128xi32, #tpu.memory_space<vmem>>
      %dma_start3A_178 = tpu.memref_squeeze %dma_start3A_177 : memref<1x128xi32, #tpu.memory_space<vmem>> -> memref<128xi32, #tpu.memory_space<vmem>>
      %dma_start3A_179 = arith.constant 0 : i32
      %dma_start3A_180 = arith.constant 0 : i32
      %dma_start3A_181 = tpu.memref_slice %arg10[%dma_start3A_179, %dma_start3A_180] : memref<10240x128xf32, #tpu.memory_space<vmem_shared>> -> memref<10240x128xf32, #tpu.memory_space<vmem_shared>>
      tpu.enqueue_indirect_dma source(%dma_start3A_175 : memref<128x128xf32, #tpu.memory_space<vmem>>) target(%dma_start3A_181 : memref<10240x128xf32, #tpu.memory_space<vmem_shared>>) offsets(%dma_start3A_178 : memref<128xi32, #tpu.memory_space<vmem>>) semaphore(%arg14 : memref<!tpu.dma_semaphore, #tpu.memory_space<semaphore_mem>>) {add = true}
      %dma_wait3A_182 = arith.constant 0 : i32
      %dma_wait3A_183 = arith.constant 0 : i32
      %dma_wait3A_184 = tpu.memref_slice %arg9[%dma_wait3A_182, %dma_wait3A_183] : memref<256x128xf32, #tpu.memory_space<vmem>> -> memref<128x128xf32, #tpu.memory_space<vmem>>
      %dma_wait3A_185 = arith.constant 0 : i32
      %dma_wait3A_186 = tpu.memref_slice %arg8[%mul3A_114, %dma_wait3A_185] : memref<40x128xi32, #tpu.memory_space<vmem>> -> memref<1x128xi32, #tpu.memory_space<vmem>>
      %dma_wait3A_187 = tpu.memref_squeeze %dma_wait3A_186 : memref<1x128xi32, #tpu.memory_space<vmem>> -> memref<128xi32, #tpu.memory_space<vmem>>
      %dma_wait3A_188 = arith.constant 0 : i32
      %dma_wait3A_189 = arith.constant 0 : i32
      %dma_wait3A_190 = tpu.memref_slice %arg10[%dma_wait3A_188, %dma_wait3A_189] : memref<10240x128xf32, #tpu.memory_space<vmem_shared>> -> memref<10240x128xf32, #tpu.memory_space<vmem_shared>>
      tpu.wait_indirect_dma semaphore(%arg13 : memref<!tpu.dma_semaphore, #tpu.memory_space<semaphore_mem>>) src(%dma_wait3A_184 : memref<128x128xf32, #tpu.memory_space<vmem>>) dst(%dma_wait3A_190 : memref<10240x128xf32, #tpu.memory_space<vmem_shared>>)
      %add3A_191 = arith.constant 1 : i32
      %add3A_192 = arith.addi %scan3A_112, %add3A_191 : i32
      %lt3A_193 = arith.constant 20 : i32
      %lt3A_194 = arith.cmpi slt, %add3A_192, %lt3A_193 : i32
      %convert_element_type3A_195 = arith.extui %lt3A_194 : i1 to i32
      %cond3A_196 = arith.constant 0 : i32
      %cond3A_197 = arith.cmpi ne, %convert_element_type3A_195, %cond3A_196 : i32
      scf.if %cond3A_197 {
        %add3A_198 = arith.constant 2 : i32
        %add3A_199 = arith.addi %mul3A_114, %add3A_198 : i32
        %dma_start3A_200 = arith.constant 0 : i32
        %dma_start3A_201 = arith.constant 0 : i32
        %dma_start3A_202 = tpu.memref_slice %arg9[%dma_start3A_200, %dma_start3A_201] : memref<256x128xf32, #tpu.memory_space<vmem>> -> memref<128x128xf32, #tpu.memory_space<vmem>>
        %dma_start3A_203 = arith.constant 0 : i32
        %dma_start3A_204 = tpu.memref_slice %arg7[%add3A_199, %dma_start3A_203] : memref<40x128xi32, #tpu.memory_space<vmem>> -> memref<1x128xi32, #tpu.memory_space<vmem>>
        %dma_start3A_205 = tpu.memref_squeeze %dma_start3A_204 : memref<1x128xi32, #tpu.memory_space<vmem>> -> memref<128xi32, #tpu.memory_space<vmem>>
        %dma_start3A_206 = arith.constant 0 : i32
        %dma_start3A_207 = arith.constant 0 : i32
        %dma_start3A_208 = tpu.memref_slice %arg2[%arg0, %dma_start3A_206, %dma_start3A_207] : memref<2x10000x128xf32, #tpu.memory_space<hbm>> -> memref<1x10000x128xf32, #tpu.memory_space<hbm>>
        %dma_start3A_209 = tpu.memref_squeeze %dma_start3A_208 : memref<1x10000x128xf32, #tpu.memory_space<hbm>> -> memref<10000x128xf32, #tpu.memory_space<hbm>>
        %dma_start3A_210 = arith.constant 0 : i32
        %dma_start3A_211 = arith.constant 0 : i32
        %dma_start3A_212 = tpu.memref_slice %dma_start3A_209[%dma_start3A_210, %dma_start3A_211] : memref<10000x128xf32, #tpu.memory_space<hbm>> -> memref<10000x128xf32, #tpu.memory_space<hbm>>
        tpu.enqueue_indirect_dma source(%dma_start3A_212 : memref<10000x128xf32, #tpu.memory_space<hbm>>) target(%dma_start3A_202 : memref<128x128xf32, #tpu.memory_space<vmem>>) offsets(%dma_start3A_205 : memref<128xi32, #tpu.memory_space<vmem>>) semaphore(%arg11 : memref<!tpu.dma_semaphore, #tpu.memory_space<semaphore_mem>>)
      } else {
      }
    }
    %scan3A_64 = arith.constant 20 : i32
    %dma_wait3A_65 = arith.constant 39 : i32
    %dma_wait3A_66 = arith.constant 128 : i32
    %dma_wait3A_67 = arith.constant 0 : i32
    %dma_wait3A_68 = tpu.memref_slice %arg9[%dma_wait3A_66, %dma_wait3A_67] : memref<256x128xf32, #tpu.memory_space<vmem>> -> memref<128x128xf32, #tpu.memory_space<vmem>>
    %dma_wait3A_69 = arith.constant 0 : i32
    %dma_wait3A_70 = tpu.memref_slice %arg8[%dma_wait3A_65, %dma_wait3A_69] : memref<40x128xi32, #tpu.memory_space<vmem>> -> memref<1x128xi32, #tpu.memory_space<vmem>>
    %dma_wait3A_71 = tpu.memref_squeeze %dma_wait3A_70 : memref<1x128xi32, #tpu.memory_space<vmem>> -> memref<128xi32, #tpu.memory_space<vmem>>
    %dma_wait3A_72 = arith.constant 0 : i32
    %dma_wait3A_73 = arith.constant 0 : i32
    %dma_wait3A_74 = tpu.memref_slice %arg10[%dma_wait3A_72, %dma_wait3A_73] : memref<10240x128xf32, #tpu.memory_space<vmem_shared>> -> memref<10240x128xf32, #tpu.memory_space<vmem_shared>>
    tpu.wait_indirect_dma semaphore(%arg14 : memref<!tpu.dma_semaphore, #tpu.memory_space<semaphore_mem>>) src(%dma_wait3A_68 : memref<128x128xf32, #tpu.memory_space<vmem>>) dst(%dma_wait3A_74 : memref<10240x128xf32, #tpu.memory_space<vmem_shared>>)
    %barrier3A_75 = arith.constant 0 : index
    tpu.barrier barrier_id(%barrier3A_75)
    %add3A_76 = arith.constant 0 : i32
    %add3A_77 = arith.addi %arg1, %add3A_76 : i32
    %lt3A = arith.constant 78 : i32
    %lt3A_78 = arith.cmpi slt, %add3A_77, %lt3A : i32
    %convert_element_type3A = arith.extui %lt3A_78 : i1 to i32
    %cond3A = arith.constant 0 : i32
    %cond3A_79 = arith.cmpi ne, %convert_element_type3A, %cond3A : i32
    scf.if %cond3A_79 {
      %mul3A_112 = arith.constant 128 : i32
      %mul3A_113 = arith.muli %add3A_77, %mul3A_112 : i32
      %multiple_of3A = tpu.assume_multiple %mul3A_113, 128 : i32
      "tpu.region"() ({
        %run_scoped3A = tpu.sem_alloc : memref<!tpu.dma_semaphore, #tpu.memory_space<semaphore_mem>>
        %dma_start3A_114 = arith.constant 0 : i32
        %dma_start3A_115 = arith.constant 0 : i32
        %dma_start3A_116 = tpu.memref_slice %arg9[%dma_start3A_114, %dma_start3A_115] : memref<256x128xf32, #tpu.memory_space<vmem>> -> memref<128x128xf32, #tpu.memory_space<vmem>>
        %dma_start3A_117 = arith.constant 0 : i32
        %dma_start3A_118 = tpu.memref_slice %arg10[%multiple_of3A, %dma_start3A_117] : memref<10240x128xf32, #tpu.memory_space<vmem_shared>> -> memref<128x128xf32, #tpu.memory_space<vmem_shared>>
        %dma_start3A_119 = arith.constant 0 : i32
        %dma_start3A_120 = arith.constant 0 : i32
        %dma_start3A_121 = tpu.memref_slice %arg9[%dma_start3A_119, %dma_start3A_120] : memref<256x128xf32, #tpu.memory_space<vmem>> -> memref<128x128xf32, #tpu.memory_space<vmem>>
        %dma_start3A_122 = arith.constant 0 : i32
        %dma_start3A_123 = tpu.memref_slice %arg10[%multiple_of3A, %dma_start3A_122] : memref<10240x128xf32, #tpu.memory_space<vmem_shared>> -> memref<128x128xf32, #tpu.memory_space<vmem_shared>>
        tpu.enqueue_dma source(%dma_start3A_123 : memref<128x128xf32, #tpu.memory_space<vmem_shared>>) target(%dma_start3A_121 : memref<128x128xf32, #tpu.memory_space<vmem>>) target_semaphore(%run_scoped3A : memref<!tpu.dma_semaphore, #tpu.memory_space<semaphore_mem>>)
        %dma_wait3A_124 = arith.constant 0 : i32
        %dma_wait3A_125 = arith.constant 0 : i32
        %dma_wait3A_126 = tpu.memref_slice %arg9[%dma_wait3A_124, %dma_wait3A_125] : memref<256x128xf32, #tpu.memory_space<vmem>> -> memref<128x128xf32, #tpu.memory_space<vmem>>
        %dma_wait3A_127 = arith.constant 0 : i32
        %dma_wait3A_128 = tpu.memref_slice %arg10[%multiple_of3A, %dma_wait3A_127] : memref<10240x128xf32, #tpu.memory_space<vmem_shared>> -> memref<128x128xf32, #tpu.memory_space<vmem_shared>>
        %dma_wait3A_129 = arith.constant 0 : i32
        %dma_wait3A_130 = arith.constant 0 : i32
        %dma_wait3A_131 = tpu.memref_slice %arg9[%dma_wait3A_129, %dma_wait3A_130] : memref<256x128xf32, #tpu.memory_space<vmem>> -> memref<128x128xf32, #tpu.memory_space<vmem>>
        %dma_wait3A_132 = arith.constant 0 : i32
        %dma_wait3A_133 = tpu.memref_slice %arg10[%multiple_of3A, %dma_wait3A_132] : memref<10240x128xf32, #tpu.memory_space<vmem_shared>> -> memref<128x128xf32, #tpu.memory_space<vmem_shared>>
        tpu.wait_dma2 semaphore(%run_scoped3A : memref<!tpu.dma_semaphore, #tpu.memory_space<semaphore_mem>>) src(%dma_wait3A_133 : memref<128x128xf32, #tpu.memory_space<vmem_shared>>) dst(%dma_wait3A_131 : memref<128x128xf32, #tpu.memory_space<vmem>>)
        tpu.yield
      }) : () -> ()
      "tpu.region"() ({
        %run_scoped3A = tpu.sem_alloc : memref<!tpu.dma_semaphore, #tpu.memory_space<semaphore_mem>>
        %dma_start3A_114 = arith.constant 0 : i32
        %dma_start3A_115 = arith.constant 0 : i32
        %dma_start3A_116 = tpu.memref_slice %arg9[%dma_start3A_114, %dma_start3A_115] : memref<256x128xf32, #tpu.memory_space<vmem>> -> memref<128x128xf32, #tpu.memory_space<vmem>>
        %dma_start3A_117 = arith.constant 0 : i32
        %dma_start3A_118 = arith.constant 0 : i32
        %dma_start3A_119 = tpu.memref_slice %arg6[%arg0, %dma_start3A_117, %dma_start3A_118] : memref<2x10000x128xf32, #tpu.memory_space<hbm>> -> memref<1x10000x128xf32, #tpu.memory_space<hbm>>
        %dma_start3A_120 = tpu.memref_squeeze %dma_start3A_119 : memref<1x10000x128xf32, #tpu.memory_space<hbm>> -> memref<10000x128xf32, #tpu.memory_space<hbm>>
        %dma_start3A_121 = arith.constant 0 : i32
        %dma_start3A_122 = tpu.memref_slice %dma_start3A_120[%multiple_of3A, %dma_start3A_121] : memref<10000x128xf32, #tpu.memory_space<hbm>> -> memref<128x128xf32, #tpu.memory_space<hbm>>
        %dma_start3A_123 = arith.constant 0 : i32
        %dma_start3A_124 = arith.constant 0 : i32
        %dma_start3A_125 = tpu.memref_slice %arg6[%arg0, %dma_start3A_123, %dma_start3A_124] : memref<2x10000x128xf32, #tpu.memory_space<hbm>> -> memref<1x10000x128xf32, #tpu.memory_space<hbm>>
        %dma_start3A_126 = tpu.memref_squeeze %dma_start3A_125 : memref<1x10000x128xf32, #tpu.memory_space<hbm>> -> memref<10000x128xf32, #tpu.memory_space<hbm>>
        %dma_start3A_127 = arith.constant 0 : i32
        %dma_start3A_128 = tpu.memref_slice %dma_start3A_126[%multiple_of3A, %dma_start3A_127] : memref<10000x128xf32, #tpu.memory_space<hbm>> -> memref<128x128xf32, #tpu.memory_space<hbm>>
        %dma_start3A_129 = arith.constant 0 : i32
        %dma_start3A_130 = arith.constant 0 : i32
        %dma_start3A_131 = tpu.memref_slice %arg9[%dma_start3A_129, %dma_start3A_130] : memref<256x128xf32, #tpu.memory_space<vmem>> -> memref<128x128xf32, #tpu.memory_space<vmem>>
        tpu.enqueue_dma source(%dma_start3A_131 : memref<128x128xf32, #tpu.memory_space<vmem>>) target(%dma_start3A_128 : memref<128x128xf32, #tpu.memory_space<hbm>>) target_semaphore(%run_scoped3A : memref<!tpu.dma_semaphore, #tpu.memory_space<semaphore_mem>>)
        %dma_wait3A_132 = arith.constant 0 : i32
        %dma_wait3A_133 = arith.constant 0 : i32
        %dma_wait3A_134 = tpu.memref_slice %arg9[%dma_wait3A_132, %dma_wait3A_133] : memref<256x128xf32, #tpu.memory_space<vmem>> -> memref<128x128xf32, #tpu.memory_space<vmem>>
        %dma_wait3A_135 = arith.constant 0 : i32
        %dma_wait3A_136 = arith.constant 0 : i32
        %dma_wait3A_137 = tpu.memref_slice %arg6[%arg0, %dma_wait3A_135, %dma_wait3A_136] : memref<2x10000x128xf32, #tpu.memory_space<hbm>> -> memref<1x10000x128xf32, #tpu.memory_space<hbm>>
        %dma_wait3A_138 = tpu.memref_squeeze %dma_wait3A_137 : memref<1x10000x128xf32, #tpu.memory_space<hbm>> -> memref<10000x128xf32, #tpu.memory_space<hbm>>
        %dma_wait3A_139 = arith.constant 0 : i32
        %dma_wait3A_140 = tpu.memref_slice %dma_wait3A_138[%multiple_of3A, %dma_wait3A_139] : memref<10000x128xf32, #tpu.memory_space<hbm>> -> memref<128x128xf32, #tpu.memory_space<hbm>>
        %dma_wait3A_141 = arith.constant 0 : i32
        %dma_wait3A_142 = arith.constant 0 : i32
        %dma_wait3A_143 = tpu.memref_slice %arg6[%arg0, %dma_wait3A_141, %dma_wait3A_142] : memref<2x10000x128xf32, #tpu.memory_space<hbm>> -> memref<1x10000x128xf32, #tpu.memory_space<hbm>>
        %dma_wait3A_144 = tpu.memref_squeeze %dma_wait3A_143 : memref<1x10000x128xf32, #tpu.memory_space<hbm>> -> memref<10000x128xf32, #tpu.memory_space<hbm>>
        %dma_wait3A_145 = arith.constant 0 : i32
        %dma_wait3A_146 = tpu.memref_slice %dma_wait3A_144[%multiple_of3A, %dma_wait3A_145] : memref<10000x128xf32, #tpu.memory_space<hbm>> -> memref<128x128xf32, #tpu.memory_space<hbm>>
        %dma_wait3A_147 = arith.constant 0 : i32
        %dma_wait3A_148 = arith.constant 0 : i32
        %dma_wait3A_149 = tpu.memref_slice %arg9[%dma_wait3A_147, %dma_wait3A_148] : memref<256x128xf32, #tpu.memory_space<vmem>> -> memref<128x128xf32, #tpu.memory_space<vmem>>
        tpu.wait_dma2 semaphore(%run_scoped3A : memref<!tpu.dma_semaphore, #tpu.memory_space<semaphore_mem>>) src(%dma_wait3A_149 : memref<128x128xf32, #tpu.memory_space<vmem>>) dst(%dma_wait3A_146 : memref<128x128xf32, #tpu.memory_space<hbm>>)
        tpu.yield
      }) : () -> ()
    } else {
    }
    %add3A_80 = arith.constant 16 : i32
    %add3A_81 = arith.addi %arg1, %add3A_80 : i32
    %lt3A_82 = arith.constant 78 : i32
    %lt3A_83 = arith.cmpi slt, %add3A_81, %lt3A_82 : i32
    %convert_element_type3A_84 = arith.extui %lt3A_83 : i1 to i32
    %cond3A_85 = arith.constant 0 : i32
    %cond3A_86 = arith.cmpi ne, %convert_element_type3A_84, %cond3A_85 : i32
    scf.if %cond3A_86 {
      %mul3A_112 = arith.constant 128 : i32
      %mul3A_113 = arith.muli %add3A_81, %mul3A_112 : i32
      %multiple_of3A = tpu.assume_multiple %mul3A_113, 128 : i32
      "tpu.region"() ({
        %run_scoped3A = tpu.sem_alloc : memref<!tpu.dma_semaphore, #tpu.memory_space<semaphore_mem>>
        %dma_start3A_114 = arith.constant 0 : i32
        %dma_start3A_115 = arith.constant 0 : i32
        %dma_start3A_116 = tpu.memref_slice %arg9[%dma_start3A_114, %dma_start3A_115] : memref<256x128xf32, #tpu.memory_space<vmem>> -> memref<128x128xf32, #tpu.memory_space<vmem>>
        %dma_start3A_117 = arith.constant 0 : i32
        %dma_start3A_118 = tpu.memref_slice %arg10[%multiple_of3A, %dma_start3A_117] : memref<10240x128xf32, #tpu.memory_space<vmem_shared>> -> memref<128x128xf32, #tpu.memory_space<vmem_shared>>
        %dma_start3A_119 = arith.constant 0 : i32
        %dma_start3A_120 = arith.constant 0 : i32
        %dma_start3A_121 = tpu.memref_slice %arg9[%dma_start3A_119, %dma_start3A_120] : memref<256x128xf32, #tpu.memory_space<vmem>> -> memref<128x128xf32, #tpu.memory_space<vmem>>
        %dma_start3A_122 = arith.constant 0 : i32
        %dma_start3A_123 = tpu.memref_slice %arg10[%multiple_of3A, %dma_start3A_122] : memref<10240x128xf32, #tpu.memory_space<vmem_shared>> -> memref<128x128xf32, #tpu.memory_space<vmem_shared>>
        tpu.enqueue_dma source(%dma_start3A_123 : memref<128x128xf32, #tpu.memory_space<vmem_shared>>) target(%dma_start3A_121 : memref<128x128xf32, #tpu.memory_space<vmem>>) target_semaphore(%run_scoped3A : memref<!tpu.dma_semaphore, #tpu.memory_space<semaphore_mem>>)
        %dma_wait3A_124 = arith.constant 0 : i32
        %dma_wait3A_125 = arith.constant 0 : i32
        %dma_wait3A_126 = tpu.memref_slice %arg9[%dma_wait3A_124, %dma_wait3A_125] : memref<256x128xf32, #tpu.memory_space<vmem>> -> memref<128x128xf32, #tpu.memory_space<vmem>>
        %dma_wait3A_127 = arith.constant 0 : i32
        %dma_wait3A_128 = tpu.memref_slice %arg10[%multiple_of3A, %dma_wait3A_127] : memref<10240x128xf32, #tpu.memory_space<vmem_shared>> -> memref<128x128xf32, #tpu.memory_space<vmem_shared>>
        %dma_wait3A_129 = arith.constant 0 : i32
        %dma_wait3A_130 = arith.constant 0 : i32
        %dma_wait3A_131 = tpu.memref_slice %arg9[%dma_wait3A_129, %dma_wait3A_130] : memref<256x128xf32, #tpu.memory_space<vmem>> -> memref<128x128xf32, #tpu.memory_space<vmem>>
        %dma_wait3A_132 = arith.constant 0 : i32
        %dma_wait3A_133 = tpu.memref_slice %arg10[%multiple_of3A, %dma_wait3A_132] : memref<10240x128xf32, #tpu.memory_space<vmem_shared>> -> memref<128x128xf32, #tpu.memory_space<vmem_shared>>
        tpu.wait_dma2 semaphore(%run_scoped3A : memref<!tpu.dma_semaphore, #tpu.memory_space<semaphore_mem>>) src(%dma_wait3A_133 : memref<128x128xf32, #tpu.memory_space<vmem_shared>>) dst(%dma_wait3A_131 : memref<128x128xf32, #tpu.memory_space<vmem>>)
        tpu.yield
      }) : () -> ()
      "tpu.region"() ({
        %run_scoped3A = tpu.sem_alloc : memref<!tpu.dma_semaphore, #tpu.memory_space<semaphore_mem>>
        %dma_start3A_114 = arith.constant 0 : i32
        %dma_start3A_115 = arith.constant 0 : i32
        %dma_start3A_116 = tpu.memref_slice %arg9[%dma_start3A_114, %dma_start3A_115] : memref<256x128xf32, #tpu.memory_space<vmem>> -> memref<128x128xf32, #tpu.memory_space<vmem>>
        %dma_start3A_117 = arith.constant 0 : i32
        %dma_start3A_118 = arith.constant 0 : i32
        %dma_start3A_119 = tpu.memref_slice %arg6[%arg0, %dma_start3A_117, %dma_start3A_118] : memref<2x10000x128xf32, #tpu.memory_space<hbm>> -> memref<1x10000x128xf32, #tpu.memory_space<hbm>>
        %dma_start3A_120 = tpu.memref_squeeze %dma_start3A_119 : memref<1x10000x128xf32, #tpu.memory_space<hbm>> -> memref<10000x128xf32, #tpu.memory_space<hbm>>
        %dma_start3A_121 = arith.constant 0 : i32
        %dma_start3A_122 = tpu.memref_slice %dma_start3A_120[%multiple_of3A, %dma_start3A_121] : memref<10000x128xf32, #tpu.memory_space<hbm>> -> memref<128x128xf32, #tpu.memory_space<hbm>>
        %dma_start3A_123 = arith.constant 0 : i32
        %dma_start3A_124 = arith.constant 0 : i32
        %dma_start3A_125 = tpu.memref_slice %arg6[%arg0, %dma_start3A_123, %dma_start3A_124] : memref<2x10000x128xf32, #tpu.memory_space<hbm>> -> memref<1x10000x128xf32, #tpu.memory_space<hbm>>
        %dma_start3A_126 = tpu.memref_squeeze %dma_start3A_125 : memref<1x10000x128xf32, #tpu.memory_space<hbm>> -> memref<10000x128xf32, #tpu.memory_space<hbm>>
        %dma_start3A_127 = arith.constant 0 : i32
        %dma_start3A_128 = tpu.memref_slice %dma_start3A_126[%multiple_of3A, %dma_start3A_127] : memref<10000x128xf32, #tpu.memory_space<hbm>> -> memref<128x128xf32, #tpu.memory_space<hbm>>
        %dma_start3A_129 = arith.constant 0 : i32
        %dma_start3A_130 = arith.constant 0 : i32
        %dma_start3A_131 = tpu.memref_slice %arg9[%dma_start3A_129, %dma_start3A_130] : memref<256x128xf32, #tpu.memory_space<vmem>> -> memref<128x128xf32, #tpu.memory_space<vmem>>
        tpu.enqueue_dma source(%dma_start3A_131 : memref<128x128xf32, #tpu.memory_space<vmem>>) target(%dma_start3A_128 : memref<128x128xf32, #tpu.memory_space<hbm>>) target_semaphore(%run_scoped3A : memref<!tpu.dma_semaphore, #tpu.memory_space<semaphore_mem>>)
        %dma_wait3A_132 = arith.constant 0 : i32
        %dma_wait3A_133 = arith.constant 0 : i32
        %dma_wait3A_134 = tpu.memref_slice %arg9[%dma_wait3A_132, %dma_wait3A_133] : memref<256x128xf32, #tpu.memory_space<vmem>> -> memref<128x128xf32, #tpu.memory_space<vmem>>
        %dma_wait3A_135 = arith.constant 0 : i32
        %dma_wait3A_136 = arith.constant 0 : i32
        %dma_wait3A_137 = tpu.memref_slice %arg6[%arg0, %dma_wait3A_135, %dma_wait3A_136] : memref<2x10000x128xf32, #tpu.memory_space<hbm>> -> memref<1x10000x128xf32, #tpu.memory_space<hbm>>
        %dma_wait3A_138 = tpu.memref_squeeze %dma_wait3A_137 : memref<1x10000x128xf32, #tpu.memory_space<hbm>> -> memref<10000x128xf32, #tpu.memory_space<hbm>>
        %dma_wait3A_139 = arith.constant 0 : i32
        %dma_wait3A_140 = tpu.memref_slice %dma_wait3A_138[%multiple_of3A, %dma_wait3A_139] : memref<10000x128xf32, #tpu.memory_space<hbm>> -> memref<128x128xf32, #tpu.memory_space<hbm>>
        %dma_wait3A_141 = arith.constant 0 : i32
        %dma_wait3A_142 = arith.constant 0 : i32
        %dma_wait3A_143 = tpu.memref_slice %arg6[%arg0, %dma_wait3A_141, %dma_wait3A_142] : memref<2x10000x128xf32, #tpu.memory_space<hbm>> -> memref<1x10000x128xf32, #tpu.memory_space<hbm>>
        %dma_wait3A_144 = tpu.memref_squeeze %dma_wait3A_143 : memref<1x10000x128xf32, #tpu.memory_space<hbm>> -> memref<10000x128xf32, #tpu.memory_space<hbm>>
        %dma_wait3A_145 = arith.constant 0 : i32
        %dma_wait3A_146 = tpu.memref_slice %dma_wait3A_144[%multiple_of3A, %dma_wait3A_145] : memref<10000x128xf32, #tpu.memory_space<hbm>> -> memref<128x128xf32, #tpu.memory_space<hbm>>
        %dma_wait3A_147 = arith.constant 0 : i32
        %dma_wait3A_148 = arith.constant 0 : i32
        %dma_wait3A_149 = tpu.memref_slice %arg9[%dma_wait3A_147, %dma_wait3A_148] : memref<256x128xf32, #tpu.memory_space<vmem>> -> memref<128x128xf32, #tpu.memory_space<vmem>>
        tpu.wait_dma2 semaphore(%run_scoped3A : memref<!tpu.dma_semaphore, #tpu.memory_space<semaphore_mem>>) src(%dma_wait3A_149 : memref<128x128xf32, #tpu.memory_space<vmem>>) dst(%dma_wait3A_146 : memref<128x128xf32, #tpu.memory_space<hbm>>)
        tpu.yield
      }) : () -> ()
    } else {
    }
    %add3A_87 = arith.constant 32 : i32
    %add3A_88 = arith.addi %arg1, %add3A_87 : i32
    %lt3A_89 = arith.constant 78 : i32
    %lt3A_90 = arith.cmpi slt, %add3A_88, %lt3A_89 : i32
    %convert_element_type3A_91 = arith.extui %lt3A_90 : i1 to i32
    %cond3A_92 = arith.constant 0 : i32
    %cond3A_93 = arith.cmpi ne, %convert_element_type3A_91, %cond3A_92 : i32
    scf.if %cond3A_93 {
      %mul3A_112 = arith.constant 128 : i32
      %mul3A_113 = arith.muli %add3A_88, %mul3A_112 : i32
      %multiple_of3A = tpu.assume_multiple %mul3A_113, 128 : i32
      "tpu.region"() ({
        %run_scoped3A = tpu.sem_alloc : memref<!tpu.dma_semaphore, #tpu.memory_space<semaphore_mem>>
        %dma_start3A_114 = arith.constant 0 : i32
        %dma_start3A_115 = arith.constant 0 : i32
        %dma_start3A_116 = tpu.memref_slice %arg9[%dma_start3A_114, %dma_start3A_115] : memref<256x128xf32, #tpu.memory_space<vmem>> -> memref<128x128xf32, #tpu.memory_space<vmem>>
        %dma_start3A_117 = arith.constant 0 : i32
        %dma_start3A_118 = tpu.memref_slice %arg10[%multiple_of3A, %dma_start3A_117] : memref<10240x128xf32, #tpu.memory_space<vmem_shared>> -> memref<128x128xf32, #tpu.memory_space<vmem_shared>>
        %dma_start3A_119 = arith.constant 0 : i32
        %dma_start3A_120 = arith.constant 0 : i32
        %dma_start3A_121 = tpu.memref_slice %arg9[%dma_start3A_119, %dma_start3A_120] : memref<256x128xf32, #tpu.memory_space<vmem>> -> memref<128x128xf32, #tpu.memory_space<vmem>>
        %dma_start3A_122 = arith.constant 0 : i32
        %dma_start3A_123 = tpu.memref_slice %arg10[%multiple_of3A, %dma_start3A_122] : memref<10240x128xf32, #tpu.memory_space<vmem_shared>> -> memref<128x128xf32, #tpu.memory_space<vmem_shared>>
        tpu.enqueue_dma source(%dma_start3A_123 : memref<128x128xf32, #tpu.memory_space<vmem_shared>>) target(%dma_start3A_121 : memref<128x128xf32, #tpu.memory_space<vmem>>) target_semaphore(%run_scoped3A : memref<!tpu.dma_semaphore, #tpu.memory_space<semaphore_mem>>)
        %dma_wait3A_124 = arith.constant 0 : i32
        %dma_wait3A_125 = arith.constant 0 : i32
        %dma_wait3A_126 = tpu.memref_slice %arg9[%dma_wait3A_124, %dma_wait3A_125] : memref<256x128xf32, #tpu.memory_space<vmem>> -> memref<128x128xf32, #tpu.memory_space<vmem>>
        %dma_wait3A_127 = arith.constant 0 : i32
        %dma_wait3A_128 = tpu.memref_slice %arg10[%multiple_of3A, %dma_wait3A_127] : memref<10240x128xf32, #tpu.memory_space<vmem_shared>> -> memref<128x128xf32, #tpu.memory_space<vmem_shared>>
        %dma_wait3A_129 = arith.constant 0 : i32
        %dma_wait3A_130 = arith.constant 0 : i32
        %dma_wait3A_131 = tpu.memref_slice %arg9[%dma_wait3A_129, %dma_wait3A_130] : memref<256x128xf32, #tpu.memory_space<vmem>> -> memref<128x128xf32, #tpu.memory_space<vmem>>
        %dma_wait3A_132 = arith.constant 0 : i32
        %dma_wait3A_133 = tpu.memref_slice %arg10[%multiple_of3A, %dma_wait3A_132] : memref<10240x128xf32, #tpu.memory_space<vmem_shared>> -> memref<128x128xf32, #tpu.memory_space<vmem_shared>>
        tpu.wait_dma2 semaphore(%run_scoped3A : memref<!tpu.dma_semaphore, #tpu.memory_space<semaphore_mem>>) src(%dma_wait3A_133 : memref<128x128xf32, #tpu.memory_space<vmem_shared>>) dst(%dma_wait3A_131 : memref<128x128xf32, #tpu.memory_space<vmem>>)
        tpu.yield
      }) : () -> ()
      "tpu.region"() ({
        %run_scoped3A = tpu.sem_alloc : memref<!tpu.dma_semaphore, #tpu.memory_space<semaphore_mem>>
        %dma_start3A_114 = arith.constant 0 : i32
        %dma_start3A_115 = arith.constant 0 : i32
        %dma_start3A_116 = tpu.memref_slice %arg9[%dma_start3A_114, %dma_start3A_115] : memref<256x128xf32, #tpu.memory_space<vmem>> -> memref<128x128xf32, #tpu.memory_space<vmem>>
        %dma_start3A_117 = arith.constant 0 : i32
        %dma_start3A_118 = arith.constant 0 : i32
        %dma_start3A_119 = tpu.memref_slice %arg6[%arg0, %dma_start3A_117, %dma_start3A_118] : memref<2x10000x128xf32, #tpu.memory_space<hbm>> -> memref<1x10000x128xf32, #tpu.memory_space<hbm>>
        %dma_start3A_120 = tpu.memref_squeeze %dma_start3A_119 : memref<1x10000x128xf32, #tpu.memory_space<hbm>> -> memref<10000x128xf32, #tpu.memory_space<hbm>>
        %dma_start3A_121 = arith.constant 0 : i32
        %dma_start3A_122 = tpu.memref_slice %dma_start3A_120[%multiple_of3A, %dma_start3A_121] : memref<10000x128xf32, #tpu.memory_space<hbm>> -> memref<128x128xf32, #tpu.memory_space<hbm>>
        %dma_start3A_123 = arith.constant 0 : i32
        %dma_start3A_124 = arith.constant 0 : i32
        %dma_start3A_125 = tpu.memref_slice %arg6[%arg0, %dma_start3A_123, %dma_start3A_124] : memref<2x10000x128xf32, #tpu.memory_space<hbm>> -> memref<1x10000x128xf32, #tpu.memory_space<hbm>>
        %dma_start3A_126 = tpu.memref_squeeze %dma_start3A_125 : memref<1x10000x128xf32, #tpu.memory_space<hbm>> -> memref<10000x128xf32, #tpu.memory_space<hbm>>
        %dma_start3A_127 = arith.constant 0 : i32
        %dma_start3A_128 = tpu.memref_slice %dma_start3A_126[%multiple_of3A, %dma_start3A_127] : memref<10000x128xf32, #tpu.memory_space<hbm>> -> memref<128x128xf32, #tpu.memory_space<hbm>>
        %dma_start3A_129 = arith.constant 0 : i32
        %dma_start3A_130 = arith.constant 0 : i32
        %dma_start3A_131 = tpu.memref_slice %arg9[%dma_start3A_129, %dma_start3A_130] : memref<256x128xf32, #tpu.memory_space<vmem>> -> memref<128x128xf32, #tpu.memory_space<vmem>>
        tpu.enqueue_dma source(%dma_start3A_131 : memref<128x128xf32, #tpu.memory_space<vmem>>) target(%dma_start3A_128 : memref<128x128xf32, #tpu.memory_space<hbm>>) target_semaphore(%run_scoped3A : memref<!tpu.dma_semaphore, #tpu.memory_space<semaphore_mem>>)
        %dma_wait3A_132 = arith.constant 0 : i32
        %dma_wait3A_133 = arith.constant 0 : i32
        %dma_wait3A_134 = tpu.memref_slice %arg9[%dma_wait3A_132, %dma_wait3A_133] : memref<256x128xf32, #tpu.memory_space<vmem>> -> memref<128x128xf32, #tpu.memory_space<vmem>>
        %dma_wait3A_135 = arith.constant 0 : i32
        %dma_wait3A_136 = arith.constant 0 : i32
        %dma_wait3A_137 = tpu.memref_slice %arg6[%arg0, %dma_wait3A_135, %dma_wait3A_136] : memref<2x10000x128xf32, #tpu.memory_space<hbm>> -> memref<1x10000x128xf32, #tpu.memory_space<hbm>>
        %dma_wait3A_138 = tpu.memref_squeeze %dma_wait3A_137 : memref<1x10000x128xf32, #tpu.memory_space<hbm>> -> memref<10000x128xf32, #tpu.memory_space<hbm>>
        %dma_wait3A_139 = arith.constant 0 : i32
        %dma_wait3A_140 = tpu.memref_slice %dma_wait3A_138[%multiple_of3A, %dma_wait3A_139] : memref<10000x128xf32, #tpu.memory_space<hbm>> -> memref<128x128xf32, #tpu.memory_space<hbm>>
        %dma_wait3A_141 = arith.constant 0 : i32
        %dma_wait3A_142 = arith.constant 0 : i32
        %dma_wait3A_143 = tpu.memref_slice %arg6[%arg0, %dma_wait3A_141, %dma_wait3A_142] : memref<2x10000x128xf32, #tpu.memory_space<hbm>> -> memref<1x10000x128xf32, #tpu.memory_space<hbm>>
        %dma_wait3A_144 = tpu.memref_squeeze %dma_wait3A_143 : memref<1x10000x128xf32, #tpu.memory_space<hbm>> -> memref<10000x128xf32, #tpu.memory_space<hbm>>
        %dma_wait3A_145 = arith.constant 0 : i32
        %dma_wait3A_146 = tpu.memref_slice %dma_wait3A_144[%multiple_of3A, %dma_wait3A_145] : memref<10000x128xf32, #tpu.memory_space<hbm>> -> memref<128x128xf32, #tpu.memory_space<hbm>>
        %dma_wait3A_147 = arith.constant 0 : i32
        %dma_wait3A_148 = arith.constant 0 : i32
        %dma_wait3A_149 = tpu.memref_slice %arg9[%dma_wait3A_147, %dma_wait3A_148] : memref<256x128xf32, #tpu.memory_space<vmem>> -> memref<128x128xf32, #tpu.memory_space<vmem>>
        tpu.wait_dma2 semaphore(%run_scoped3A : memref<!tpu.dma_semaphore, #tpu.memory_space<semaphore_mem>>) src(%dma_wait3A_149 : memref<128x128xf32, #tpu.memory_space<vmem>>) dst(%dma_wait3A_146 : memref<128x128xf32, #tpu.memory_space<hbm>>)
        tpu.yield
      }) : () -> ()
    } else {
    }
    %add3A_94 = arith.constant 48 : i32
    %add3A_95 = arith.addi %arg1, %add3A_94 : i32
    %lt3A_96 = arith.constant 78 : i32
    %lt3A_97 = arith.cmpi slt, %add3A_95, %lt3A_96 : i32
    %convert_element_type3A_98 = arith.extui %lt3A_97 : i1 to i32
    %cond3A_99 = arith.constant 0 : i32
    %cond3A_100 = arith.cmpi ne, %convert_element_type3A_98, %cond3A_99 : i32
    scf.if %cond3A_100 {
      %mul3A_112 = arith.constant 128 : i32
      %mul3A_113 = arith.muli %add3A_95, %mul3A_112 : i32
      %multiple_of3A = tpu.assume_multiple %mul3A_113, 128 : i32
      "tpu.region"() ({
        %run_scoped3A = tpu.sem_alloc : memref<!tpu.dma_semaphore, #tpu.memory_space<semaphore_mem>>
        %dma_start3A_114 = arith.constant 0 : i32
        %dma_start3A_115 = arith.constant 0 : i32
        %dma_start3A_116 = tpu.memref_slice %arg9[%dma_start3A_114, %dma_start3A_115] : memref<256x128xf32, #tpu.memory_space<vmem>> -> memref<128x128xf32, #tpu.memory_space<vmem>>
        %dma_start3A_117 = arith.constant 0 : i32
        %dma_start3A_118 = tpu.memref_slice %arg10[%multiple_of3A, %dma_start3A_117] : memref<10240x128xf32, #tpu.memory_space<vmem_shared>> -> memref<128x128xf32, #tpu.memory_space<vmem_shared>>
        %dma_start3A_119 = arith.constant 0 : i32
        %dma_start3A_120 = arith.constant 0 : i32
        %dma_start3A_121 = tpu.memref_slice %arg9[%dma_start3A_119, %dma_start3A_120] : memref<256x128xf32, #tpu.memory_space<vmem>> -> memref<128x128xf32, #tpu.memory_space<vmem>>
        %dma_start3A_122 = arith.constant 0 : i32
        %dma_start3A_123 = tpu.memref_slice %arg10[%multiple_of3A, %dma_start3A_122] : memref<10240x128xf32, #tpu.memory_space<vmem_shared>> -> memref<128x128xf32, #tpu.memory_space<vmem_shared>>
        tpu.enqueue_dma source(%dma_start3A_123 : memref<128x128xf32, #tpu.memory_space<vmem_shared>>) target(%dma_start3A_121 : memref<128x128xf32, #tpu.memory_space<vmem>>) target_semaphore(%run_scoped3A : memref<!tpu.dma_semaphore, #tpu.memory_space<semaphore_mem>>)
        %dma_wait3A_124 = arith.constant 0 : i32
        %dma_wait3A_125 = arith.constant 0 : i32
        %dma_wait3A_126 = tpu.memref_slice %arg9[%dma_wait3A_124, %dma_wait3A_125] : memref<256x128xf32, #tpu.memory_space<vmem>> -> memref<128x128xf32, #tpu.memory_space<vmem>>
        %dma_wait3A_127 = arith.constant 0 : i32
        %dma_wait3A_128 = tpu.memref_slice %arg10[%multiple_of3A, %dma_wait3A_127] : memref<10240x128xf32, #tpu.memory_space<vmem_shared>> -> memref<128x128xf32, #tpu.memory_space<vmem_shared>>
        %dma_wait3A_129 = arith.constant 0 : i32
        %dma_wait3A_130 = arith.constant 0 : i32
        %dma_wait3A_131 = tpu.memref_slice %arg9[%dma_wait3A_129, %dma_wait3A_130] : memref<256x128xf32, #tpu.memory_space<vmem>> -> memref<128x128xf32, #tpu.memory_space<vmem>>
        %dma_wait3A_132 = arith.constant 0 : i32
        %dma_wait3A_133 = tpu.memref_slice %arg10[%multiple_of3A, %dma_wait3A_132] : memref<10240x128xf32, #tpu.memory_space<vmem_shared>> -> memref<128x128xf32, #tpu.memory_space<vmem_shared>>
        tpu.wait_dma2 semaphore(%run_scoped3A : memref<!tpu.dma_semaphore, #tpu.memory_space<semaphore_mem>>) src(%dma_wait3A_133 : memref<128x128xf32, #tpu.memory_space<vmem_shared>>) dst(%dma_wait3A_131 : memref<128x128xf32, #tpu.memory_space<vmem>>)
        tpu.yield
      }) : () -> ()
      "tpu.region"() ({
        %run_scoped3A = tpu.sem_alloc : memref<!tpu.dma_semaphore, #tpu.memory_space<semaphore_mem>>
        %dma_start3A_114 = arith.constant 0 : i32
        %dma_start3A_115 = arith.constant 0 : i32
        %dma_start3A_116 = tpu.memref_slice %arg9[%dma_start3A_114, %dma_start3A_115] : memref<256x128xf32, #tpu.memory_space<vmem>> -> memref<128x128xf32, #tpu.memory_space<vmem>>
        %dma_start3A_117 = arith.constant 0 : i32
        %dma_start3A_118 = arith.constant 0 : i32
        %dma_start3A_119 = tpu.memref_slice %arg6[%arg0, %dma_start3A_117, %dma_start3A_118] : memref<2x10000x128xf32, #tpu.memory_space<hbm>> -> memref<1x10000x128xf32, #tpu.memory_space<hbm>>
        %dma_start3A_120 = tpu.memref_squeeze %dma_start3A_119 : memref<1x10000x128xf32, #tpu.memory_space<hbm>> -> memref<10000x128xf32, #tpu.memory_space<hbm>>
        %dma_start3A_121 = arith.constant 0 : i32
        %dma_start3A_122 = tpu.memref_slice %dma_start3A_120[%multiple_of3A, %dma_start3A_121] : memref<10000x128xf32, #tpu.memory_space<hbm>> -> memref<128x128xf32, #tpu.memory_space<hbm>>
        %dma_start3A_123 = arith.constant 0 : i32
        %dma_start3A_124 = arith.constant 0 : i32
        %dma_start3A_125 = tpu.memref_slice %arg6[%arg0, %dma_start3A_123, %dma_start3A_124] : memref<2x10000x128xf32, #tpu.memory_space<hbm>> -> memref<1x10000x128xf32, #tpu.memory_space<hbm>>
        %dma_start3A_126 = tpu.memref_squeeze %dma_start3A_125 : memref<1x10000x128xf32, #tpu.memory_space<hbm>> -> memref<10000x128xf32, #tpu.memory_space<hbm>>
        %dma_start3A_127 = arith.constant 0 : i32
        %dma_start3A_128 = tpu.memref_slice %dma_start3A_126[%multiple_of3A, %dma_start3A_127] : memref<10000x128xf32, #tpu.memory_space<hbm>> -> memref<128x128xf32, #tpu.memory_space<hbm>>
        %dma_start3A_129 = arith.constant 0 : i32
        %dma_start3A_130 = arith.constant 0 : i32
        %dma_start3A_131 = tpu.memref_slice %arg9[%dma_start3A_129, %dma_start3A_130] : memref<256x128xf32, #tpu.memory_space<vmem>> -> memref<128x128xf32, #tpu.memory_space<vmem>>
        tpu.enqueue_dma source(%dma_start3A_131 : memref<128x128xf32, #tpu.memory_space<vmem>>) target(%dma_start3A_128 : memref<128x128xf32, #tpu.memory_space<hbm>>) target_semaphore(%run_scoped3A : memref<!tpu.dma_semaphore, #tpu.memory_space<semaphore_mem>>)
        %dma_wait3A_132 = arith.constant 0 : i32
        %dma_wait3A_133 = arith.constant 0 : i32
        %dma_wait3A_134 = tpu.memref_slice %arg9[%dma_wait3A_132, %dma_wait3A_133] : memref<256x128xf32, #tpu.memory_space<vmem>> -> memref<128x128xf32, #tpu.memory_space<vmem>>
        %dma_wait3A_135 = arith.constant 0 : i32
        %dma_wait3A_136 = arith.constant 0 : i32
        %dma_wait3A_137 = tpu.memref_slice %arg6[%arg0, %dma_wait3A_135, %dma_wait3A_136] : memref<2x10000x128xf32, #tpu.memory_space<hbm>> -> memref<1x10000x128xf32, #tpu.memory_space<hbm>>
        %dma_wait3A_138 = tpu.memref_squeeze %dma_wait3A_137 : memref<1x10000x128xf32, #tpu.memory_space<hbm>> -> memref<10000x128xf32, #tpu.memory_space<hbm>>
        %dma_wait3A_139 = arith.constant 0 : i32
        %dma_wait3A_140 = tpu.memref_slice %dma_wait3A_138[%multiple_of3A, %dma_wait3A_139] : memref<10000x128xf32, #tpu.memory_space<hbm>> -> memref<128x128xf32, #tpu.memory_space<hbm>>
        %dma_wait3A_141 = arith.constant 0 : i32
        %dma_wait3A_142 = arith.constant 0 : i32
        %dma_wait3A_143 = tpu.memref_slice %arg6[%arg0, %dma_wait3A_141, %dma_wait3A_142] : memref<2x10000x128xf32, #tpu.memory_space<hbm>> -> memref<1x10000x128xf32, #tpu.memory_space<hbm>>
        %dma_wait3A_144 = tpu.memref_squeeze %dma_wait3A_143 : memref<1x10000x128xf32, #tpu.memory_space<hbm>> -> memref<10000x128xf32, #tpu.memory_space<hbm>>
        %dma_wait3A_145 = arith.constant 0 : i32
        %dma_wait3A_146 = tpu.memref_slice %dma_wait3A_144[%multiple_of3A, %dma_wait3A_145] : memref<10000x128xf32, #tpu.memory_space<hbm>> -> memref<128x128xf32, #tpu.memory_space<hbm>>
        %dma_wait3A_147 = arith.constant 0 : i32
        %dma_wait3A_148 = arith.constant 0 : i32
        %dma_wait3A_149 = tpu.memref_slice %arg9[%dma_wait3A_147, %dma_wait3A_148] : memref<256x128xf32, #tpu.memory_space<vmem>> -> memref<128x128xf32, #tpu.memory_space<vmem>>
        tpu.wait_dma2 semaphore(%run_scoped3A : memref<!tpu.dma_semaphore, #tpu.memory_space<semaphore_mem>>) src(%dma_wait3A_149 : memref<128x128xf32, #tpu.memory_space<vmem>>) dst(%dma_wait3A_146 : memref<128x128xf32, #tpu.memory_space<hbm>>)
        tpu.yield
      }) : () -> ()
    } else {
    }
    %add3A_101 = arith.constant 64 : i32
    %add3A_102 = arith.addi %arg1, %add3A_101 : i32
    %lt3A_103 = arith.constant 78 : i32
    %lt3A_104 = arith.cmpi slt, %add3A_102, %lt3A_103 : i32
    %convert_element_type3A_105 = arith.extui %lt3A_104 : i1 to i32
    %cond3A_106 = arith.constant 0 : i32
    %cond3A_107 = arith.cmpi ne, %convert_element_type3A_105, %cond3A_106 : i32
    scf.if %cond3A_107 {
      %mul3A_112 = arith.constant 128 : i32
      %mul3A_113 = arith.muli %add3A_102, %mul3A_112 : i32
      %multiple_of3A = tpu.assume_multiple %mul3A_113, 128 : i32
      "tpu.region"() ({
        %run_scoped3A = tpu.sem_alloc : memref<!tpu.dma_semaphore, #tpu.memory_space<semaphore_mem>>
        %dma_start3A_114 = arith.constant 0 : i32
        %dma_start3A_115 = arith.constant 0 : i32
        %dma_start3A_116 = tpu.memref_slice %arg9[%dma_start3A_114, %dma_start3A_115] : memref<256x128xf32, #tpu.memory_space<vmem>> -> memref<128x128xf32, #tpu.memory_space<vmem>>
        %dma_start3A_117 = arith.constant 0 : i32
        %dma_start3A_118 = tpu.memref_slice %arg10[%multiple_of3A, %dma_start3A_117] : memref<10240x128xf32, #tpu.memory_space<vmem_shared>> -> memref<128x128xf32, #tpu.memory_space<vmem_shared>>
        %dma_start3A_119 = arith.constant 0 : i32
        %dma_start3A_120 = arith.constant 0 : i32
        %dma_start3A_121 = tpu.memref_slice %arg9[%dma_start3A_119, %dma_start3A_120] : memref<256x128xf32, #tpu.memory_space<vmem>> -> memref<128x128xf32, #tpu.memory_space<vmem>>
        %dma_start3A_122 = arith.constant 0 : i32
        %dma_start3A_123 = tpu.memref_slice %arg10[%multiple_of3A, %dma_start3A_122] : memref<10240x128xf32, #tpu.memory_space<vmem_shared>> -> memref<128x128xf32, #tpu.memory_space<vmem_shared>>
        tpu.enqueue_dma source(%dma_start3A_123 : memref<128x128xf32, #tpu.memory_space<vmem_shared>>) target(%dma_start3A_121 : memref<128x128xf32, #tpu.memory_space<vmem>>) target_semaphore(%run_scoped3A : memref<!tpu.dma_semaphore, #tpu.memory_space<semaphore_mem>>)
        %dma_wait3A_124 = arith.constant 0 : i32
        %dma_wait3A_125 = arith.constant 0 : i32
        %dma_wait3A_126 = tpu.memref_slice %arg9[%dma_wait3A_124, %dma_wait3A_125] : memref<256x128xf32, #tpu.memory_space<vmem>> -> memref<128x128xf32, #tpu.memory_space<vmem>>
        %dma_wait3A_127 = arith.constant 0 : i32
        %dma_wait3A_128 = tpu.memref_slice %arg10[%multiple_of3A, %dma_wait3A_127] : memref<10240x128xf32, #tpu.memory_space<vmem_shared>> -> memref<128x128xf32, #tpu.memory_space<vmem_shared>>
        %dma_wait3A_129 = arith.constant 0 : i32
        %dma_wait3A_130 = arith.constant 0 : i32
        %dma_wait3A_131 = tpu.memref_slice %arg9[%dma_wait3A_129, %dma_wait3A_130] : memref<256x128xf32, #tpu.memory_space<vmem>> -> memref<128x128xf32, #tpu.memory_space<vmem>>
        %dma_wait3A_132 = arith.constant 0 : i32
        %dma_wait3A_133 = tpu.memref_slice %arg10[%multiple_of3A, %dma_wait3A_132] : memref<10240x128xf32, #tpu.memory_space<vmem_shared>> -> memref<128x128xf32, #tpu.memory_space<vmem_shared>>
        tpu.wait_dma2 semaphore(%run_scoped3A : memref<!tpu.dma_semaphore, #tpu.memory_space<semaphore_mem>>) src(%dma_wait3A_133 : memref<128x128xf32, #tpu.memory_space<vmem_shared>>) dst(%dma_wait3A_131 : memref<128x128xf32, #tpu.memory_space<vmem>>)
        tpu.yield
      }) : () -> ()
      "tpu.region"() ({
        %run_scoped3A = tpu.sem_alloc : memref<!tpu.dma_semaphore, #tpu.memory_space<semaphore_mem>>
        %dma_start3A_114 = arith.constant 0 : i32
        %dma_start3A_115 = arith.constant 0 : i32
        %dma_start3A_116 = tpu.memref_slice %arg9[%dma_start3A_114, %dma_start3A_115] : memref<256x128xf32, #tpu.memory_space<vmem>> -> memref<128x128xf32, #tpu.memory_space<vmem>>
        %dma_start3A_117 = arith.constant 0 : i32
        %dma_start3A_118 = arith.constant 0 : i32
        %dma_start3A_119 = tpu.memref_slice %arg6[%arg0, %dma_start3A_117, %dma_start3A_118] : memref<2x10000x128xf32, #tpu.memory_space<hbm>> -> memref<1x10000x128xf32, #tpu.memory_space<hbm>>
        %dma_start3A_120 = tpu.memref_squeeze %dma_start3A_119 : memref<1x10000x128xf32, #tpu.memory_space<hbm>> -> memref<10000x128xf32, #tpu.memory_space<hbm>>
        %dma_start3A_121 = arith.constant 0 : i32
        %dma_start3A_122 = tpu.memref_slice %dma_start3A_120[%multiple_of3A, %dma_start3A_121] : memref<10000x128xf32, #tpu.memory_space<hbm>> -> memref<128x128xf32, #tpu.memory_space<hbm>>
        %dma_start3A_123 = arith.constant 0 : i32
        %dma_start3A_124 = arith.constant 0 : i32
        %dma_start3A_125 = tpu.memref_slice %arg6[%arg0, %dma_start3A_123, %dma_start3A_124] : memref<2x10000x128xf32, #tpu.memory_space<hbm>> -> memref<1x10000x128xf32, #tpu.memory_space<hbm>>
        %dma_start3A_126 = tpu.memref_squeeze %dma_start3A_125 : memref<1x10000x128xf32, #tpu.memory_space<hbm>> -> memref<10000x128xf32, #tpu.memory_space<hbm>>
        %dma_start3A_127 = arith.constant 0 : i32
        %dma_start3A_128 = tpu.memref_slice %dma_start3A_126[%multiple_of3A, %dma_start3A_127] : memref<10000x128xf32, #tpu.memory_space<hbm>> -> memref<128x128xf32, #tpu.memory_space<hbm>>
        %dma_start3A_129 = arith.constant 0 : i32
        %dma_start3A_130 = arith.constant 0 : i32
        %dma_start3A_131 = tpu.memref_slice %arg9[%dma_start3A_129, %dma_start3A_130] : memref<256x128xf32, #tpu.memory_space<vmem>> -> memref<128x128xf32, #tpu.memory_space<vmem>>
        tpu.enqueue_dma source(%dma_start3A_131 : memref<128x128xf32, #tpu.memory_space<vmem>>) target(%dma_start3A_128 : memref<128x128xf32, #tpu.memory_space<hbm>>) target_semaphore(%run_scoped3A : memref<!tpu.dma_semaphore, #tpu.memory_space<semaphore_mem>>)
        %dma_wait3A_132 = arith.constant 0 : i32
        %dma_wait3A_133 = arith.constant 0 : i32
        %dma_wait3A_134 = tpu.memref_slice %arg9[%dma_wait3A_132, %dma_wait3A_133] : memref<256x128xf32, #tpu.memory_space<vmem>> -> memref<128x128xf32, #tpu.memory_space<vmem>>
        %dma_wait3A_135 = arith.constant 0 : i32
        %dma_wait3A_136 = arith.constant 0 : i32
        %dma_wait3A_137 = tpu.memref_slice %arg6[%arg0, %dma_wait3A_135, %dma_wait3A_136] : memref<2x10000x128xf32, #tpu.memory_space<hbm>> -> memref<1x10000x128xf32, #tpu.memory_space<hbm>>
        %dma_wait3A_138 = tpu.memref_squeeze %dma_wait3A_137 : memref<1x10000x128xf32, #tpu.memory_space<hbm>> -> memref<10000x128xf32, #tpu.memory_space<hbm>>
        %dma_wait3A_139 = arith.constant 0 : i32
        %dma_wait3A_140 = tpu.memref_slice %dma_wait3A_138[%multiple_of3A, %dma_wait3A_139] : memref<10000x128xf32, #tpu.memory_space<hbm>> -> memref<128x128xf32, #tpu.memory_space<hbm>>
        %dma_wait3A_141 = arith.constant 0 : i32
        %dma_wait3A_142 = arith.constant 0 : i32
        %dma_wait3A_143 = tpu.memref_slice %arg6[%arg0, %dma_wait3A_141, %dma_wait3A_142] : memref<2x10000x128xf32, #tpu.memory_space<hbm>> -> memref<1x10000x128xf32, #tpu.memory_space<hbm>>
        %dma_wait3A_144 = tpu.memref_squeeze %dma_wait3A_143 : memref<1x10000x128xf32, #tpu.memory_space<hbm>> -> memref<10000x128xf32, #tpu.memory_space<hbm>>
        %dma_wait3A_145 = arith.constant 0 : i32
        %dma_wait3A_146 = tpu.memref_slice %dma_wait3A_144[%multiple_of3A, %dma_wait3A_145] : memref<10000x128xf32, #tpu.memory_space<hbm>> -> memref<128x128xf32, #tpu.memory_space<hbm>>
        %dma_wait3A_147 = arith.constant 0 : i32
        %dma_wait3A_148 = arith.constant 0 : i32
        %dma_wait3A_149 = tpu.memref_slice %arg9[%dma_wait3A_147, %dma_wait3A_148] : memref<256x128xf32, #tpu.memory_space<vmem>> -> memref<128x128xf32, #tpu.memory_space<vmem>>
        tpu.wait_dma2 semaphore(%run_scoped3A : memref<!tpu.dma_semaphore, #tpu.memory_space<semaphore_mem>>) src(%dma_wait3A_149 : memref<128x128xf32, #tpu.memory_space<vmem>>) dst(%dma_wait3A_146 : memref<128x128xf32, #tpu.memory_space<hbm>>)
        tpu.yield
      }) : () -> ()
    } else {
    }
    %eq3A = arith.constant 15 : i32
    %eq3A_108 = arith.cmpi eq, %arg1, %eq3A : i32
    %convert_element_type3A_109 = arith.extui %eq3A_108 : i1 to i32
    %cond3A_110 = arith.constant 0 : i32
    %cond3A_111 = arith.cmpi ne, %convert_element_type3A_109, %cond3A_110 : i32
    scf.if %cond3A_111 {
      "tpu.region"() ({
        %run_scoped3A = tpu.sem_alloc : memref<!tpu.dma_semaphore, #tpu.memory_space<semaphore_mem>>
        %dma_start3A_112 = arith.constant 0 : i32
        %dma_start3A_113 = arith.constant 0 : i32
        %dma_start3A_114 = tpu.memref_slice %arg9[%dma_start3A_112, %dma_start3A_113] : memref<256x128xf32, #tpu.memory_space<vmem>> -> memref<128x128xf32, #tpu.memory_space<vmem>>
        %dma_start3A_115 = arith.constant 0 : i32
        %dma_start3A_116 = arith.constant 0 : i32
        %dma_start3A_117 = tpu.memref_slice %dma_start3A_114[%dma_start3A_115, %dma_start3A_116] : memref<128x128xf32, #tpu.memory_space<vmem>> -> memref<16x128xf32, #tpu.memory_space<vmem>>
        %dma_start3A_118 = arith.constant 9984 : i32
        %dma_start3A_119 = arith.constant 0 : i32
        %dma_start3A_120 = tpu.memref_slice %arg10[%dma_start3A_118, %dma_start3A_119] : memref<10240x128xf32, #tpu.memory_space<vmem_shared>> -> memref<16x128xf32, #tpu.memory_space<vmem_shared>>
        %dma_start3A_121 = arith.constant 0 : i32
        %dma_start3A_122 = arith.constant 0 : i32
        %dma_start3A_123 = tpu.memref_slice %arg9[%dma_start3A_121, %dma_start3A_122] : memref<256x128xf32, #tpu.memory_space<vmem>> -> memref<128x128xf32, #tpu.memory_space<vmem>>
        %dma_start3A_124 = arith.constant 0 : i32
        %dma_start3A_125 = arith.constant 0 : i32
        %dma_start3A_126 = tpu.memref_slice %dma_start3A_123[%dma_start3A_124, %dma_start3A_125] : memref<128x128xf32, #tpu.memory_space<vmem>> -> memref<16x128xf32, #tpu.memory_space<vmem>>
        %dma_start3A_127 = arith.constant 9984 : i32
        %dma_start3A_128 = arith.constant 0 : i32
        %dma_start3A_129 = tpu.memref_slice %arg10[%dma_start3A_127, %dma_start3A_128] : memref<10240x128xf32, #tpu.memory_space<vmem_shared>> -> memref<16x128xf32, #tpu.memory_space<vmem_shared>>
        tpu.enqueue_dma source(%dma_start3A_129 : memref<16x128xf32, #tpu.memory_space<vmem_shared>>) target(%dma_start3A_126 : memref<16x128xf32, #tpu.memory_space<vmem>>) target_semaphore(%run_scoped3A : memref<!tpu.dma_semaphore, #tpu.memory_space<semaphore_mem>>)
        %dma_wait3A_130 = arith.constant 0 : i32
        %dma_wait3A_131 = arith.constant 0 : i32
        %dma_wait3A_132 = tpu.memref_slice %arg9[%dma_wait3A_130, %dma_wait3A_131] : memref<256x128xf32, #tpu.memory_space<vmem>> -> memref<128x128xf32, #tpu.memory_space<vmem>>
        %dma_wait3A_133 = arith.constant 0 : i32
        %dma_wait3A_134 = arith.constant 0 : i32
        %dma_wait3A_135 = tpu.memref_slice %dma_wait3A_132[%dma_wait3A_133, %dma_wait3A_134] : memref<128x128xf32, #tpu.memory_space<vmem>> -> memref<16x128xf32, #tpu.memory_space<vmem>>
        %dma_wait3A_136 = arith.constant 9984 : i32
        %dma_wait3A_137 = arith.constant 0 : i32
        %dma_wait3A_138 = tpu.memref_slice %arg10[%dma_wait3A_136, %dma_wait3A_137] : memref<10240x128xf32, #tpu.memory_space<vmem_shared>> -> memref<16x128xf32, #tpu.memory_space<vmem_shared>>
        %dma_wait3A_139 = arith.constant 0 : i32
        %dma_wait3A_140 = arith.constant 0 : i32
        %dma_wait3A_141 = tpu.memref_slice %arg9[%dma_wait3A_139, %dma_wait3A_140] : memref<256x128xf32, #tpu.memory_space<vmem>> -> memref<128x128xf32, #tpu.memory_space<vmem>>
        %dma_wait3A_142 = arith.constant 0 : i32
        %dma_wait3A_143 = arith.constant 0 : i32
        %dma_wait3A_144 = tpu.memref_slice %dma_wait3A_141[%dma_wait3A_142, %dma_wait3A_143] : memref<128x128xf32, #tpu.memory_space<vmem>> -> memref<16x128xf32, #tpu.memory_space<vmem>>
        %dma_wait3A_145 = arith.constant 9984 : i32
        %dma_wait3A_146 = arith.constant 0 : i32
        %dma_wait3A_147 = tpu.memref_slice %arg10[%dma_wait3A_145, %dma_wait3A_146] : memref<10240x128xf32, #tpu.memory_space<vmem_shared>> -> memref<16x128xf32, #tpu.memory_space<vmem_shared>>
        tpu.wait_dma2 semaphore(%run_scoped3A : memref<!tpu.dma_semaphore, #tpu.memory_space<semaphore_mem>>) src(%dma_wait3A_147 : memref<16x128xf32, #tpu.memory_space<vmem_shared>>) dst(%dma_wait3A_144 : memref<16x128xf32, #tpu.memory_space<vmem>>)
        tpu.yield
      }) : () -> ()
      "tpu.region"() ({
        %run_scoped3A = tpu.sem_alloc : memref<!tpu.dma_semaphore, #tpu.memory_space<semaphore_mem>>
        %dma_start3A_112 = arith.constant 0 : i32
        %dma_start3A_113 = arith.constant 0 : i32
        %dma_start3A_114 = tpu.memref_slice %arg9[%dma_start3A_112, %dma_start3A_113] : memref<256x128xf32, #tpu.memory_space<vmem>> -> memref<128x128xf32, #tpu.memory_space<vmem>>
        %dma_start3A_115 = arith.constant 0 : i32
        %dma_start3A_116 = arith.constant 0 : i32
        %dma_start3A_117 = tpu.memref_slice %dma_start3A_114[%dma_start3A_115, %dma_start3A_116] : memref<128x128xf32, #tpu.memory_space<vmem>> -> memref<16x128xf32, #tpu.memory_space<vmem>>
        %dma_start3A_118 = arith.constant 0 : i32
        %dma_start3A_119 = arith.constant 0 : i32
        %dma_start3A_120 = tpu.memref_slice %arg6[%arg0, %dma_start3A_118, %dma_start3A_119] : memref<2x10000x128xf32, #tpu.memory_space<hbm>> -> memref<1x10000x128xf32, #tpu.memory_space<hbm>>
        %dma_start3A_121 = tpu.memref_squeeze %dma_start3A_120 : memref<1x10000x128xf32, #tpu.memory_space<hbm>> -> memref<10000x128xf32, #tpu.memory_space<hbm>>
        %dma_start3A_122 = arith.constant 9984 : i32
        %dma_start3A_123 = arith.constant 0 : i32
        %dma_start3A_124 = tpu.memref_slice %dma_start3A_121[%dma_start3A_122, %dma_start3A_123] : memref<10000x128xf32, #tpu.memory_space<hbm>> -> memref<16x128xf32, #tpu.memory_space<hbm>>
        %dma_start3A_125 = arith.constant 0 : i32
        %dma_start3A_126 = arith.constant 0 : i32
        %dma_start3A_127 = tpu.memref_slice %arg6[%arg0, %dma_start3A_125, %dma_start3A_126] : memref<2x10000x128xf32, #tpu.memory_space<hbm>> -> memref<1x10000x128xf32, #tpu.memory_space<hbm>>
        %dma_start3A_128 = tpu.memref_squeeze %dma_start3A_127 : memref<1x10000x128xf32, #tpu.memory_space<hbm>> -> memref<10000x128xf32, #tpu.memory_space<hbm>>
        %dma_start3A_129 = arith.constant 9984 : i32
        %dma_start3A_130 = arith.constant 0 : i32
        %dma_start3A_131 = tpu.memref_slice %dma_start3A_128[%dma_start3A_129, %dma_start3A_130] : memref<10000x128xf32, #tpu.memory_space<hbm>> -> memref<16x128xf32, #tpu.memory_space<hbm>>
        %dma_start3A_132 = arith.constant 0 : i32
        %dma_start3A_133 = arith.constant 0 : i32
        %dma_start3A_134 = tpu.memref_slice %arg9[%dma_start3A_132, %dma_start3A_133] : memref<256x128xf32, #tpu.memory_space<vmem>> -> memref<128x128xf32, #tpu.memory_space<vmem>>
        %dma_start3A_135 = arith.constant 0 : i32
        %dma_start3A_136 = arith.constant 0 : i32
        %dma_start3A_137 = tpu.memref_slice %dma_start3A_134[%dma_start3A_135, %dma_start3A_136] : memref<128x128xf32, #tpu.memory_space<vmem>> -> memref<16x128xf32, #tpu.memory_space<vmem>>
        tpu.enqueue_dma source(%dma_start3A_137 : memref<16x128xf32, #tpu.memory_space<vmem>>) target(%dma_start3A_131 : memref<16x128xf32, #tpu.memory_space<hbm>>) target_semaphore(%run_scoped3A : memref<!tpu.dma_semaphore, #tpu.memory_space<semaphore_mem>>)
        %dma_wait3A_138 = arith.constant 0 : i32
        %dma_wait3A_139 = arith.constant 0 : i32
        %dma_wait3A_140 = tpu.memref_slice %arg9[%dma_wait3A_138, %dma_wait3A_139] : memref<256x128xf32, #tpu.memory_space<vmem>> -> memref<128x128xf32, #tpu.memory_space<vmem>>
        %dma_wait3A_141 = arith.constant 0 : i32
        %dma_wait3A_142 = arith.constant 0 : i32
        %dma_wait3A_143 = tpu.memref_slice %dma_wait3A_140[%dma_wait3A_141, %dma_wait3A_142] : memref<128x128xf32, #tpu.memory_space<vmem>> -> memref<16x128xf32, #tpu.memory_space<vmem>>
        %dma_wait3A_144 = arith.constant 0 : i32
        %dma_wait3A_145 = arith.constant 0 : i32
        %dma_wait3A_146 = tpu.memref_slice %arg6[%arg0, %dma_wait3A_144, %dma_wait3A_145] : memref<2x10000x128xf32, #tpu.memory_space<hbm>> -> memref<1x10000x128xf32, #tpu.memory_space<hbm>>
        %dma_wait3A_147 = tpu.memref_squeeze %dma_wait3A_146 : memref<1x10000x128xf32, #tpu.memory_space<hbm>> -> memref<10000x128xf32, #tpu.memory_space<hbm>>
        %dma_wait3A_148 = arith.constant 9984 : i32
        %dma_wait3A_149 = arith.constant 0 : i32
        %dma_wait3A_150 = tpu.memref_slice %dma_wait3A_147[%dma_wait3A_148, %dma_wait3A_149] : memref<10000x128xf32, #tpu.memory_space<hbm>> -> memref<16x128xf32, #tpu.memory_space<hbm>>
        %dma_wait3A_151 = arith.constant 0 : i32
        %dma_wait3A_152 = arith.constant 0 : i32
        %dma_wait3A_153 = tpu.memref_slice %arg6[%arg0, %dma_wait3A_151, %dma_wait3A_152] : memref<2x10000x128xf32, #tpu.memory_space<hbm>> -> memref<1x10000x128xf32, #tpu.memory_space<hbm>>
        %dma_wait3A_154 = tpu.memref_squeeze %dma_wait3A_153 : memref<1x10000x128xf32, #tpu.memory_space<hbm>> -> memref<10000x128xf32, #tpu.memory_space<hbm>>
        %dma_wait3A_155 = arith.constant 9984 : i32
        %dma_wait3A_156 = arith.constant 0 : i32
        %dma_wait3A_157 = tpu.memref_slice %dma_wait3A_154[%dma_wait3A_155, %dma_wait3A_156] : memref<10000x128xf32, #tpu.memory_space<hbm>> -> memref<16x128xf32, #tpu.memory_space<hbm>>
        %dma_wait3A_158 = arith.constant 0 : i32
        %dma_wait3A_159 = arith.constant 0 : i32
        %dma_wait3A_160 = tpu.memref_slice %arg9[%dma_wait3A_158, %dma_wait3A_159] : memref<256x128xf32, #tpu.memory_space<vmem>> -> memref<128x128xf32, #tpu.memory_space<vmem>>
        %dma_wait3A_161 = arith.constant 0 : i32
        %dma_wait3A_162 = arith.constant 0 : i32
        %dma_wait3A_163 = tpu.memref_slice %dma_wait3A_160[%dma_wait3A_161, %dma_wait3A_162] : memref<128x128xf32, #tpu.memory_space<vmem>> -> memref<16x128xf32, #tpu.memory_space<vmem>>
        tpu.wait_dma2 semaphore(%run_scoped3A : memref<!tpu.dma_semaphore, #tpu.memory_space<semaphore_mem>>) src(%dma_wait3A_163 : memref<16x128xf32, #tpu.memory_space<vmem>>) dst(%dma_wait3A_157 : memref<16x128xf32, #tpu.memory_space<hbm>>)
        tpu.yield
      }) : () -> ()
    } else {
    }
    return
  }
}

module attributes {stable_mosaic.version = 14 : i64} {
  func.func @_mlp_body(%arg0: i32, %arg1: i32, %arg2: memref<2x1000x128xf32, #tpu.memory_space<vmem>>, %arg3: memref<2x1000x128xf32, #tpu.memory_space<vmem>>, %arg4: memref<256x256xf32, #tpu.memory_space<vmem>>, %arg5: memref<1x256xf32, #tpu.memory_space<vmem>>, %arg6: memref<1x256xf32, #tpu.memory_space<vmem>>, %arg7: memref<1x256xf32, #tpu.memory_space<vmem>>, %arg8: memref<256x256xf32, #tpu.memory_space<vmem>>, %arg9: memref<1x256xf32, #tpu.memory_space<vmem>>, %arg10: memref<2x1000x128xf32, #tpu.memory_space<vmem>>, %arg11: memref<10000x256xf32, #tpu.memory_space<vmem>>, %arg12: memref<1x256xf32, #tpu.memory_space<vmem>>, %arg13: memref<1x256xf32, #tpu.memory_space<vmem>>) attributes {dimension_semantics = [#tpu.dimension_semantics<arbitrary>, #tpu.dimension_semantics<arbitrary>], iteration_bounds = array<i64: 2, 10>, scalar_prefetch = 0 : i64, scratch_operands = 3 : i64, tpu.core_type = #tpu.core_type<tc>, window_params = [{transform_indices = @transform_0, window_bounds = array<i64: 2, 1000, 128>}, {transform_indices = @transform_1, window_bounds = array<i64: 2, 1000, 128>}, {pipeline_mode = #tpu.pipeline_mode<synchronous>, transform_indices = @transform_2, window_bounds = array<i64: 256, 256>}, {pipeline_mode = #tpu.pipeline_mode<synchronous>, transform_indices = @transform_3, window_bounds = array<i64: 1, 256>}, {pipeline_mode = #tpu.pipeline_mode<synchronous>, transform_indices = @transform_4, window_bounds = array<i64: 1, 256>}, {pipeline_mode = #tpu.pipeline_mode<synchronous>, transform_indices = @transform_5, window_bounds = array<i64: 1, 256>}, {pipeline_mode = #tpu.pipeline_mode<synchronous>, transform_indices = @transform_6, window_bounds = array<i64: 256, 256>}, {pipeline_mode = #tpu.pipeline_mode<synchronous>, transform_indices = @transform_7, window_bounds = array<i64: 1, 256>}, {transform_indices = @transform_8, window_bounds = array<i64: 2, 1000, 128>}]} {
    %eq3A = arith.constant 0 : i32
    %eq3A_0 = arith.cmpi eq, %arg0, %eq3A : i32
    %convert_element_type3A = arith.extui %eq3A_0 : i1 to i32
    %cond3A = arith.constant 0 : i32
    %cond3A_1 = arith.cmpi ne, %convert_element_type3A, %cond3A : i32
    scf.if %cond3A_1 {
      %get3A = arith.constant 0 : index
      %get3A_7 = arith.constant 0 : index
      %get3A_8 = arith.constant 0 : index
      %get3A_9 = vector.load %arg2[%get3A, %get3A_7, %get3A_8] : memref<2x1000x128xf32, #tpu.memory_space<vmem>>, vector<1x1000x128xf32>
      %get3A_10 = vector.shape_cast %get3A_9 : vector<1x1000x128xf32> to vector<1000x128xf32>
      %get3A_11 = arith.constant 0 : index
      %get3A_12 = arith.constant 0 : index
      %get3A_13 = arith.constant 0 : index
      %get3A_14 = vector.load %arg3[%get3A_11, %get3A_12, %get3A_13] : memref<2x1000x128xf32, #tpu.memory_space<vmem>>, vector<1x1000x128xf32>
      %get3A_15 = vector.shape_cast %get3A_14 : vector<1x1000x128xf32> to vector<1000x128xf32>
      %add3A = arith.addf %get3A_10, %get3A_15 : vector<1000x128xf32>
      %get3A_16 = arith.constant 1 : index
      %get3A_17 = arith.constant 0 : index
      %get3A_18 = arith.constant 0 : index
      %get3A_19 = vector.load %arg2[%get3A_16, %get3A_17, %get3A_18] : memref<2x1000x128xf32, #tpu.memory_space<vmem>>, vector<1x1000x128xf32>
      %get3A_20 = vector.shape_cast %get3A_19 : vector<1x1000x128xf32> to vector<1000x128xf32>
      %get3A_21 = arith.constant 1 : index
      %get3A_22 = arith.constant 0 : index
      %get3A_23 = arith.constant 0 : index
      %get3A_24 = vector.load %arg3[%get3A_21, %get3A_22, %get3A_23] : memref<2x1000x128xf32, #tpu.memory_space<vmem>>, vector<1x1000x128xf32>
      %get3A_25 = vector.shape_cast %get3A_24 : vector<1x1000x128xf32> to vector<1000x128xf32>
      %add3A_26 = arith.addf %get3A_20, %get3A_25 : vector<1000x128xf32>
      %concatenate3A = tpu.concatenate %add3A, %add3A_26 in 1 : vector<1000x128xf32>, vector<1000x128xf32> -> vector<1000x256xf32>
      %get3A_27 = arith.constant 0 : index
      %get3A_28 = arith.constant 0 : index
      %get3A_29 = vector.load %arg4[%get3A_27, %get3A_28] : memref<256x256xf32, #tpu.memory_space<vmem>>, vector<256x256xf32>
      %dot_general3A = arith.constant dense<0.000000e+00> : vector<1000x256xf32>
      %dot_general3A_30 = tpu.matmul %concatenate3A, %get3A_29, %dot_general3A {dimension_numbers = #tpu.dot_dimension_numbers<[1], [0], [0], [1], [0, 0, 1, 1], [], []>, transpose_lhs_hint = false} : vector<1000x256xf32>, vector<256x256xf32>, vector<1000x256xf32> -> vector<1000x256xf32>
      %get3A_31 = arith.constant 0 : index
      %get3A_32 = arith.constant 0 : index
      %get3A_33 = vector.load %arg5[%get3A_31, %get3A_32] : memref<1x256xf32, #tpu.memory_space<vmem>>, vector<1x256xf32>
      %add3A_34 = vector.broadcast %get3A_33 : vector<1x256xf32> to vector<1000x256xf32>
      %add3A_35 = arith.addf %dot_general3A_30, %add3A_34 : vector<1000x256xf32>
      %mul3A = arith.constant 1000 : i32
      %mul3A_36 = arith.muli %arg1, %mul3A : i32
      %swap3A = arith.index_cast %mul3A_36 : i32 to index
      %swap3A_37 = arith.constant 0 : index
      %swap3A_38 = vector.load %arg11[%swap3A, %swap3A_37] : memref<10000x256xf32, #tpu.memory_space<vmem>>, vector<1000x256xf32>
      tpu.vector_store %arg11[%swap3A, %swap3A_37], %add3A_35 {strides = array<i32>} : memref<10000x256xf32, #tpu.memory_space<vmem>>, vector<1000x256xf32>,
      %eq3A_39 = arith.constant 0 : i32
      %eq3A_40 = arith.cmpi eq, %arg1, %eq3A_39 : i32
      %convert_element_type3A_41 = arith.extui %eq3A_40 : i1 to i32
      %cond3A_42 = arith.constant 0 : i32
      %cond3A_43 = arith.cmpi ne, %convert_element_type3A_41, %cond3A_42 : i32
      scf.if %cond3A_43 {
        %broadcast_in_dim3A_63 = arith.constant 0.000000e+00 : f32
        %broadcast_in_dim3A_64 = vector.broadcast %broadcast_in_dim3A_63 : f32 to vector<1x256xf32>
        %swap3A_65 = arith.constant 0 : index
        %swap3A_66 = arith.constant 0 : index
        %swap3A_67 = vector.load %arg12[%swap3A_65, %swap3A_66] : memref<1x256xf32, #tpu.memory_space<vmem>>, vector<1x256xf32>
        tpu.vector_store %arg12[%swap3A_65, %swap3A_66], %broadcast_in_dim3A_64 {strides = array<i32>} : memref<1x256xf32, #tpu.memory_space<vmem>>, vector<1x256xf32>,
        %broadcast_in_dim3A_68 = arith.constant 0.000000e+00 : f32
        %broadcast_in_dim3A_69 = vector.broadcast %broadcast_in_dim3A_68 : f32 to vector<1x256xf32>
        %swap3A_70 = arith.constant 0 : index
        %swap3A_71 = arith.constant 0 : index
        %swap3A_72 = vector.load %arg13[%swap3A_70, %swap3A_71] : memref<1x256xf32, #tpu.memory_space<vmem>>, vector<1x256xf32>
        tpu.vector_store %arg13[%swap3A_70, %swap3A_71], %broadcast_in_dim3A_69 {strides = array<i32>} : memref<1x256xf32, #tpu.memory_space<vmem>>, vector<1x256xf32>,
      } else {
      }
      %get3A_44 = arith.constant 0 : index
      %get3A_45 = arith.constant 0 : index
      %get3A_46 = vector.load %arg12[%get3A_44, %get3A_45] : memref<1x256xf32, #tpu.memory_space<vmem>>, vector<1x256xf32>
      %reduce_sum3A = arith.constant dense<0.000000e+00> : vector<256xf32>
      %reduce_sum3A_47 = vector.multi_reduction <add>, %add3A_35, %reduce_sum3A [0] : vector<1000x256xf32> to vector<256xf32>
      %broadcast_in_dim3A = vector.shape_cast %reduce_sum3A_47 : vector<256xf32> to vector<1x256xf32>
      %add3A_48 = arith.addf %get3A_46, %broadcast_in_dim3A : vector<1x256xf32>
      %swap3A_49 = arith.constant 0 : index
      %swap3A_50 = arith.constant 0 : index
      %swap3A_51 = vector.load %arg12[%swap3A_49, %swap3A_50] : memref<1x256xf32, #tpu.memory_space<vmem>>, vector<1x256xf32>
      tpu.vector_store %arg12[%swap3A_49, %swap3A_50], %add3A_48 {strides = array<i32>} : memref<1x256xf32, #tpu.memory_space<vmem>>, vector<1x256xf32>,
      %get3A_52 = arith.constant 0 : index
      %get3A_53 = arith.constant 0 : index
      %get3A_54 = vector.load %arg13[%get3A_52, %get3A_53] : memref<1x256xf32, #tpu.memory_space<vmem>>, vector<1x256xf32>
      %mul3A_55 = arith.mulf %add3A_35, %add3A_35 : vector<1000x256xf32>
      %reduce_sum3A_56 = arith.constant dense<0.000000e+00> : vector<256xf32>
      %reduce_sum3A_57 = vector.multi_reduction <add>, %mul3A_55, %reduce_sum3A_56 [0] : vector<1000x256xf32> to vector<256xf32>
      %broadcast_in_dim3A_58 = vector.shape_cast %reduce_sum3A_57 : vector<256xf32> to vector<1x256xf32>
      %add3A_59 = arith.addf %get3A_54, %broadcast_in_dim3A_58 : vector<1x256xf32>
      %swap3A_60 = arith.constant 0 : index
      %swap3A_61 = arith.constant 0 : index
      %swap3A_62 = vector.load %arg13[%swap3A_60, %swap3A_61] : memref<1x256xf32, #tpu.memory_space<vmem>>, vector<1x256xf32>
      tpu.vector_store %arg13[%swap3A_60, %swap3A_61], %add3A_59 {strides = array<i32>} : memref<1x256xf32, #tpu.memory_space<vmem>>, vector<1x256xf32>,
    } else {
    }
    %eq3A_2 = arith.constant 1 : i32
    %eq3A_3 = arith.cmpi eq, %arg0, %eq3A_2 : i32
    %convert_element_type3A_4 = arith.extui %eq3A_3 : i1 to i32
    %cond3A_5 = arith.constant 0 : i32
    %cond3A_6 = arith.cmpi ne, %convert_element_type3A_4, %cond3A_5 : i32
    scf.if %cond3A_6 {
      %get3A = arith.constant 0 : index
      %get3A_7 = arith.constant 0 : index
      %get3A_8 = vector.load %arg12[%get3A, %get3A_7] : memref<1x256xf32, #tpu.memory_space<vmem>>, vector<1x256xf32>
      %mul3A = arith.constant 9.99999974E-5 : f32
      %mul3A_9 = vector.broadcast %mul3A : f32 to vector<1x256xf32>
      %mul3A_10 = arith.mulf %get3A_8, %mul3A_9 : vector<1x256xf32>
      %get3A_11 = arith.constant 0 : index
      %get3A_12 = arith.constant 0 : index
      %get3A_13 = vector.load %arg13[%get3A_11, %get3A_12] : memref<1x256xf32, #tpu.memory_space<vmem>>, vector<1x256xf32>
      %mul3A_14 = arith.constant 9.99999974E-5 : f32
      %mul3A_15 = vector.broadcast %mul3A_14 : f32 to vector<1x256xf32>
      %mul3A_16 = arith.mulf %get3A_13, %mul3A_15 : vector<1x256xf32>
      %mul3A_17 = arith.mulf %mul3A_10, %mul3A_10 : vector<1x256xf32>
      %sub3A = arith.subf %mul3A_16, %mul3A_17 : vector<1x256xf32>
      %get3A_18 = arith.constant 0 : index
      %get3A_19 = arith.constant 0 : index
      %get3A_20 = vector.load %arg6[%get3A_18, %get3A_19] : memref<1x256xf32, #tpu.memory_space<vmem>>, vector<1x256xf32>
      %add3A = arith.constant 9.99999974E-6 : f32
      %add3A_21 = vector.broadcast %add3A : f32 to vector<1x256xf32>
      %add3A_22 = arith.addf %sub3A, %add3A_21 : vector<1x256xf32>
      %rsqrt3A = math.rsqrt %add3A_22 : vector<1x256xf32>
      %mul3A_23 = arith.mulf %get3A_20, %rsqrt3A : vector<1x256xf32>
      %get3A_24 = arith.constant 0 : index
      %get3A_25 = arith.constant 0 : index
      %get3A_26 = vector.load %arg7[%get3A_24, %get3A_25] : memref<1x256xf32, #tpu.memory_space<vmem>>, vector<1x256xf32>
      %mul3A_27 = arith.mulf %mul3A_10, %mul3A_23 : vector<1x256xf32>
      %sub3A_28 = arith.subf %get3A_26, %mul3A_27 : vector<1x256xf32>
      %mul3A_29 = arith.constant 1000 : i32
      %mul3A_30 = arith.muli %arg1, %mul3A_29 : i32
      %get3A_31 = arith.index_cast %mul3A_30 : i32 to index
      %get3A_32 = arith.constant 0 : index
      %get3A_33 = vector.load %arg11[%get3A_31, %get3A_32] : memref<10000x256xf32, #tpu.memory_space<vmem>>, vector<1000x256xf32>
      %mul3A_34 = vector.broadcast %mul3A_23 : vector<1x256xf32> to vector<1000x256xf32>
      %mul3A_35 = arith.mulf %get3A_33, %mul3A_34 : vector<1000x256xf32>
      %add3A_36 = vector.broadcast %sub3A_28 : vector<1x256xf32> to vector<1000x256xf32>
      %add3A_37 = arith.addf %mul3A_35, %add3A_36 : vector<1000x256xf32>
      %max3A = arith.constant 0.000000e+00 : f32
      %max3A_38 = vector.broadcast %max3A : f32 to vector<1000x256xf32>
      %max3A_39 = arith.maximumf %add3A_37, %max3A_38 : vector<1000x256xf32>
      %get3A_40 = arith.constant 0 : index
      %get3A_41 = arith.constant 0 : index
      %get3A_42 = vector.load %arg8[%get3A_40, %get3A_41] : memref<256x256xf32, #tpu.memory_space<vmem>>, vector<256x256xf32>
      %dot_general3A = arith.constant dense<0.000000e+00> : vector<1000x256xf32>
      %dot_general3A_43 = tpu.matmul %max3A_39, %get3A_42, %dot_general3A {dimension_numbers = #tpu.dot_dimension_numbers<[1], [0], [0], [1], [0, 0, 1, 1], [], []>, transpose_lhs_hint = false} : vector<1000x256xf32>, vector<256x256xf32>, vector<1000x256xf32> -> vector<1000x256xf32>
      %get3A_44 = arith.constant 0 : index
      %get3A_45 = arith.constant 0 : index
      %get3A_46 = vector.load %arg9[%get3A_44, %get3A_45] : memref<1x256xf32, #tpu.memory_space<vmem>>, vector<1x256xf32>
      %add3A_47 = vector.broadcast %get3A_46 : vector<1x256xf32> to vector<1000x256xf32>
      %add3A_48 = arith.addf %dot_general3A_43, %add3A_47 : vector<1000x256xf32>
      %max3A_49 = arith.constant 0.000000e+00 : f32
      %max3A_50 = vector.broadcast %max3A_49 : f32 to vector<1000x256xf32>
      %max3A_51 = arith.maximumf %add3A_48, %max3A_50 : vector<1000x256xf32>
      %slice3A = vector.extract_strided_slice %max3A_51 {offsets = [0, 0], sizes = [1000, 128], strides = [1, 1]} : vector<1000x256xf32> to vector<1000x128xf32>
      %swap3A = arith.constant 0 : index
      %swap3A_52 = arith.constant 0 : index
      %swap3A_53 = arith.constant 0 : index
      %swap3A_54 = vector.load %arg10[%swap3A, %swap3A_52, %swap3A_53] : memref<2x1000x128xf32, #tpu.memory_space<vmem>>, vector<1x1000x128xf32>
      %swap3A_55 = vector.shape_cast %swap3A_54 : vector<1x1000x128xf32> to vector<1000x128xf32>
      %swap3A_56 = vector.shape_cast %slice3A : vector<1000x128xf32> to vector<1x1000x128xf32>
      tpu.vector_store %arg10[%swap3A, %swap3A_52, %swap3A_53], %swap3A_56 {strides = array<i32>} : memref<2x1000x128xf32, #tpu.memory_space<vmem>>, vector<1x1000x128xf32>,
      %slice3A_57 = vector.extract_strided_slice %max3A_51 {offsets = [0, 128], sizes = [1000, 128], strides = [1, 1]} : vector<1000x256xf32> to vector<1000x128xf32>
      %swap3A_58 = arith.constant 1 : index
      %swap3A_59 = arith.constant 0 : index
      %swap3A_60 = arith.constant 0 : index
      %swap3A_61 = vector.load %arg10[%swap3A_58, %swap3A_59, %swap3A_60] : memref<2x1000x128xf32, #tpu.memory_space<vmem>>, vector<1x1000x128xf32>
      %swap3A_62 = vector.shape_cast %swap3A_61 : vector<1x1000x128xf32> to vector<1000x128xf32>
      %swap3A_63 = vector.shape_cast %slice3A_57 : vector<1000x128xf32> to vector<1x1000x128xf32>
      tpu.vector_store %arg10[%swap3A_58, %swap3A_59, %swap3A_60], %swap3A_63 {strides = array<i32>} : memref<2x1000x128xf32, #tpu.memory_space<vmem>>, vector<1x1000x128xf32>,
    } else {
    }
    return
  }
  func.func @transform_0(%arg0: i32, %arg1: i32) -> (i32, i32, i32) {
    %sub3A = arith.constant 1 : i32
    %sub3A_0 = arith.subi %sub3A, %arg0 : i32
    %mul3A = arith.muli %arg1, %sub3A_0 : i32
    %c0_i32 = arith.constant 0 : i32
    %c0_i32_1 = arith.constant 0 : i32
    %c0_i32_2 = arith.constant 0 : i32
    return %c0_i32, %mul3A, %c0_i32_1 : i32, i32, i32
  }
  func.func @transform_1(%arg0: i32, %arg1: i32) -> (i32, i32, i32) {
    %sub3A = arith.constant 1 : i32
    %sub3A_0 = arith.subi %sub3A, %arg0 : i32
    %mul3A = arith.muli %arg1, %sub3A_0 : i32
    %c0_i32 = arith.constant 0 : i32
    %c0_i32_1 = arith.constant 0 : i32
    %c0_i32_2 = arith.constant 0 : i32
    return %c0_i32, %mul3A, %c0_i32_1 : i32, i32, i32
  }
  func.func @transform_2(%arg0: i32, %arg1: i32) -> (i32, i32) {
    %c0_i32 = arith.constant 0 : i32
    %c0_i32_0 = arith.constant 0 : i32
    %c0_i32_1 = arith.constant 0 : i32
    return %c0_i32, %c0_i32_0 : i32, i32
  }
  func.func @transform_3(%arg0: i32, %arg1: i32) -> (i32, i32) {
    %c0_i32 = arith.constant 0 : i32
    %c0_i32_0 = arith.constant 0 : i32
    %c0_i32_1 = arith.constant 0 : i32
    return %c0_i32, %c0_i32_0 : i32, i32
  }
  func.func @transform_4(%arg0: i32, %arg1: i32) -> (i32, i32) {
    %c0_i32 = arith.constant 0 : i32
    %c0_i32_0 = arith.constant 0 : i32
    %c0_i32_1 = arith.constant 0 : i32
    return %c0_i32, %c0_i32_0 : i32, i32
  }
  func.func @transform_5(%arg0: i32, %arg1: i32) -> (i32, i32) {
    %c0_i32 = arith.constant 0 : i32
    %c0_i32_0 = arith.constant 0 : i32
    %c0_i32_1 = arith.constant 0 : i32
    return %c0_i32, %c0_i32_0 : i32, i32
  }
  func.func @transform_6(%arg0: i32, %arg1: i32) -> (i32, i32) {
    %c0_i32 = arith.constant 0 : i32
    %c0_i32_0 = arith.constant 0 : i32
    %c0_i32_1 = arith.constant 0 : i32
    return %c0_i32, %c0_i32_0 : i32, i32
  }
  func.func @transform_7(%arg0: i32, %arg1: i32) -> (i32, i32) {
    %c0_i32 = arith.constant 0 : i32
    %c0_i32_0 = arith.constant 0 : i32
    %c0_i32_1 = arith.constant 0 : i32
    return %c0_i32, %c0_i32_0 : i32, i32
  }
  func.func @transform_8(%arg0: i32, %arg1: i32) -> (i32, i32, i32) {
    %mul3A = arith.muli %arg1, %arg0 : i32
    %c0_i32 = arith.constant 0 : i32
    %c0_i32_0 = arith.constant 0 : i32
    %c0_i32_1 = arith.constant 0 : i32
    return %c0_i32, %mul3A, %c0_i32_0 : i32, i32, i32
  }
}

module attributes {stable_mosaic.version = 14 : i64} {
  func.func @_mlp3_body(%arg0: i32, %arg1: i32, %arg2: memref<2x1000x128xf32, #tpu.memory_space<vmem>>, %arg3: memref<2x1000x128xf32, #tpu.memory_space<vmem>>, %arg4: memref<256x256xf32, #tpu.memory_space<vmem>>, %arg5: memref<1x256xf32, #tpu.memory_space<vmem>>, %arg6: memref<1x256xf32, #tpu.memory_space<vmem>>, %arg7: memref<1x256xf32, #tpu.memory_space<vmem>>, %arg8: memref<256x256xf32, #tpu.memory_space<vmem>>, %arg9: memref<1x256xf32, #tpu.memory_space<vmem>>, %arg10: memref<1000x1xi32, #tpu.memory_space<vmem>>, %arg11: memref<64x1xi32, #tpu.memory_space<vmem>>, %arg12: memref<256x4xf32, #tpu.memory_space<vmem>>, %arg13: memref<1x4xf32, #tpu.memory_space<vmem>>, %arg14: memref<1x64xf32, #tpu.memory_space<vmem>>, %arg15: memref<10000x256xf32, #tpu.memory_space<vmem>>, %arg16: memref<1x256xf32, #tpu.memory_space<vmem>>, %arg17: memref<1x256xf32, #tpu.memory_space<vmem>>, %arg18: memref<64x256xf32, #tpu.memory_space<vmem>>) attributes {dimension_semantics = [#tpu.dimension_semantics<arbitrary>, #tpu.dimension_semantics<arbitrary>], iteration_bounds = array<i64: 2, 10>, scalar_prefetch = 0 : i64, scratch_operands = 4 : i64, tpu.core_type = #tpu.core_type<tc>, window_params = [{transform_indices = @transform_0, window_bounds = array<i64: 2, 1000, 128>}, {transform_indices = @transform_1, window_bounds = array<i64: 2, 1000, 128>}, {pipeline_mode = #tpu.pipeline_mode<synchronous>, transform_indices = @transform_2, window_bounds = array<i64: 256, 256>}, {pipeline_mode = #tpu.pipeline_mode<synchronous>, transform_indices = @transform_3, window_bounds = array<i64: 1, 256>}, {pipeline_mode = #tpu.pipeline_mode<synchronous>, transform_indices = @transform_4, window_bounds = array<i64: 1, 256>}, {pipeline_mode = #tpu.pipeline_mode<synchronous>, transform_indices = @transform_5, window_bounds = array<i64: 1, 256>}, {pipeline_mode = #tpu.pipeline_mode<synchronous>, transform_indices = @transform_6, window_bounds = array<i64: 256, 256>}, {pipeline_mode = #tpu.pipeline_mode<synchronous>, transform_indices = @transform_7, window_bounds = array<i64: 1, 256>}, {transform_indices = @transform_8, window_bounds = array<i64: 1000, 1>}, {pipeline_mode = #tpu.pipeline_mode<synchronous>, transform_indices = @transform_9, window_bounds = array<i64: 64, 1>}, {pipeline_mode = #tpu.pipeline_mode<synchronous>, transform_indices = @transform_10, window_bounds = array<i64: 256, 4>}, {pipeline_mode = #tpu.pipeline_mode<synchronous>, transform_indices = @transform_11, window_bounds = array<i64: 1, 4>}, {pipeline_mode = #tpu.pipeline_mode<synchronous>, transform_indices = @transform_12, window_bounds = array<i64: 1, 64>}]} {
    %eq3A = arith.constant 0 : i32
    %eq3A_0 = arith.cmpi eq, %arg0, %eq3A : i32
    %convert_element_type3A = arith.extui %eq3A_0 : i1 to i32
    %cond3A = arith.constant 0 : i32
    %cond3A_1 = arith.cmpi ne, %convert_element_type3A, %cond3A : i32
    scf.if %cond3A_1 {
      %get3A = arith.constant 0 : index
      %get3A_7 = arith.constant 0 : index
      %get3A_8 = arith.constant 0 : index
      %get3A_9 = vector.load %arg2[%get3A, %get3A_7, %get3A_8] : memref<2x1000x128xf32, #tpu.memory_space<vmem>>, vector<1x1000x128xf32>
      %get3A_10 = vector.shape_cast %get3A_9 : vector<1x1000x128xf32> to vector<1000x128xf32>
      %get3A_11 = arith.constant 0 : index
      %get3A_12 = arith.constant 0 : index
      %get3A_13 = arith.constant 0 : index
      %get3A_14 = vector.load %arg3[%get3A_11, %get3A_12, %get3A_13] : memref<2x1000x128xf32, #tpu.memory_space<vmem>>, vector<1x1000x128xf32>
      %get3A_15 = vector.shape_cast %get3A_14 : vector<1x1000x128xf32> to vector<1000x128xf32>
      %add3A = arith.addf %get3A_10, %get3A_15 : vector<1000x128xf32>
      %get3A_16 = arith.constant 1 : index
      %get3A_17 = arith.constant 0 : index
      %get3A_18 = arith.constant 0 : index
      %get3A_19 = vector.load %arg2[%get3A_16, %get3A_17, %get3A_18] : memref<2x1000x128xf32, #tpu.memory_space<vmem>>, vector<1x1000x128xf32>
      %get3A_20 = vector.shape_cast %get3A_19 : vector<1x1000x128xf32> to vector<1000x128xf32>
      %get3A_21 = arith.constant 1 : index
      %get3A_22 = arith.constant 0 : index
      %get3A_23 = arith.constant 0 : index
      %get3A_24 = vector.load %arg3[%get3A_21, %get3A_22, %get3A_23] : memref<2x1000x128xf32, #tpu.memory_space<vmem>>, vector<1x1000x128xf32>
      %get3A_25 = vector.shape_cast %get3A_24 : vector<1x1000x128xf32> to vector<1000x128xf32>
      %add3A_26 = arith.addf %get3A_20, %get3A_25 : vector<1000x128xf32>
      %concatenate3A = tpu.concatenate %add3A, %add3A_26 in 1 : vector<1000x128xf32>, vector<1000x128xf32> -> vector<1000x256xf32>
      %get3A_27 = arith.constant 0 : index
      %get3A_28 = arith.constant 0 : index
      %get3A_29 = vector.load %arg4[%get3A_27, %get3A_28] : memref<256x256xf32, #tpu.memory_space<vmem>>, vector<256x256xf32>
      %dot_general3A = arith.constant dense<0.000000e+00> : vector<1000x256xf32>
      %dot_general3A_30 = tpu.matmul %concatenate3A, %get3A_29, %dot_general3A {dimension_numbers = #tpu.dot_dimension_numbers<[1], [0], [0], [1], [0, 0, 1, 1], [], []>, transpose_lhs_hint = false} : vector<1000x256xf32>, vector<256x256xf32>, vector<1000x256xf32> -> vector<1000x256xf32>
      %get3A_31 = arith.constant 0 : index
      %get3A_32 = arith.constant 0 : index
      %get3A_33 = vector.load %arg5[%get3A_31, %get3A_32] : memref<1x256xf32, #tpu.memory_space<vmem>>, vector<1x256xf32>
      %add3A_34 = vector.broadcast %get3A_33 : vector<1x256xf32> to vector<1000x256xf32>
      %add3A_35 = arith.addf %dot_general3A_30, %add3A_34 : vector<1000x256xf32>
      %mul3A = arith.constant 1000 : i32
      %mul3A_36 = arith.muli %arg1, %mul3A : i32
      %swap3A = arith.index_cast %mul3A_36 : i32 to index
      %swap3A_37 = arith.constant 0 : index
      %swap3A_38 = vector.load %arg15[%swap3A, %swap3A_37] : memref<10000x256xf32, #tpu.memory_space<vmem>>, vector<1000x256xf32>
      tpu.vector_store %arg15[%swap3A, %swap3A_37], %add3A_35 {strides = array<i32>} : memref<10000x256xf32, #tpu.memory_space<vmem>>, vector<1000x256xf32>,
      %eq3A_39 = arith.constant 0 : i32
      %eq3A_40 = arith.cmpi eq, %arg1, %eq3A_39 : i32
      %convert_element_type3A_41 = arith.extui %eq3A_40 : i1 to i32
      %cond3A_42 = arith.constant 0 : i32
      %cond3A_43 = arith.cmpi ne, %convert_element_type3A_41, %cond3A_42 : i32
      scf.if %cond3A_43 {
        %broadcast_in_dim3A_63 = arith.constant 0.000000e+00 : f32
        %broadcast_in_dim3A_64 = vector.broadcast %broadcast_in_dim3A_63 : f32 to vector<1x256xf32>
        %swap3A_65 = arith.constant 0 : index
        %swap3A_66 = arith.constant 0 : index
        %swap3A_67 = vector.load %arg16[%swap3A_65, %swap3A_66] : memref<1x256xf32, #tpu.memory_space<vmem>>, vector<1x256xf32>
        tpu.vector_store %arg16[%swap3A_65, %swap3A_66], %broadcast_in_dim3A_64 {strides = array<i32>} : memref<1x256xf32, #tpu.memory_space<vmem>>, vector<1x256xf32>,
        %broadcast_in_dim3A_68 = arith.constant 0.000000e+00 : f32
        %broadcast_in_dim3A_69 = vector.broadcast %broadcast_in_dim3A_68 : f32 to vector<1x256xf32>
        %swap3A_70 = arith.constant 0 : index
        %swap3A_71 = arith.constant 0 : index
        %swap3A_72 = vector.load %arg17[%swap3A_70, %swap3A_71] : memref<1x256xf32, #tpu.memory_space<vmem>>, vector<1x256xf32>
        tpu.vector_store %arg17[%swap3A_70, %swap3A_71], %broadcast_in_dim3A_69 {strides = array<i32>} : memref<1x256xf32, #tpu.memory_space<vmem>>, vector<1x256xf32>,
      } else {
      }
      %get3A_44 = arith.constant 0 : index
      %get3A_45 = arith.constant 0 : index
      %get3A_46 = vector.load %arg16[%get3A_44, %get3A_45] : memref<1x256xf32, #tpu.memory_space<vmem>>, vector<1x256xf32>
      %reduce_sum3A = arith.constant dense<0.000000e+00> : vector<256xf32>
      %reduce_sum3A_47 = vector.multi_reduction <add>, %add3A_35, %reduce_sum3A [0] : vector<1000x256xf32> to vector<256xf32>
      %broadcast_in_dim3A = vector.shape_cast %reduce_sum3A_47 : vector<256xf32> to vector<1x256xf32>
      %add3A_48 = arith.addf %get3A_46, %broadcast_in_dim3A : vector<1x256xf32>
      %swap3A_49 = arith.constant 0 : index
      %swap3A_50 = arith.constant 0 : index
      %swap3A_51 = vector.load %arg16[%swap3A_49, %swap3A_50] : memref<1x256xf32, #tpu.memory_space<vmem>>, vector<1x256xf32>
      tpu.vector_store %arg16[%swap3A_49, %swap3A_50], %add3A_48 {strides = array<i32>} : memref<1x256xf32, #tpu.memory_space<vmem>>, vector<1x256xf32>,
      %get3A_52 = arith.constant 0 : index
      %get3A_53 = arith.constant 0 : index
      %get3A_54 = vector.load %arg17[%get3A_52, %get3A_53] : memref<1x256xf32, #tpu.memory_space<vmem>>, vector<1x256xf32>
      %mul3A_55 = arith.mulf %add3A_35, %add3A_35 : vector<1000x256xf32>
      %reduce_sum3A_56 = arith.constant dense<0.000000e+00> : vector<256xf32>
      %reduce_sum3A_57 = vector.multi_reduction <add>, %mul3A_55, %reduce_sum3A_56 [0] : vector<1000x256xf32> to vector<256xf32>
      %broadcast_in_dim3A_58 = vector.shape_cast %reduce_sum3A_57 : vector<256xf32> to vector<1x256xf32>
      %add3A_59 = arith.addf %get3A_54, %broadcast_in_dim3A_58 : vector<1x256xf32>
      %swap3A_60 = arith.constant 0 : index
      %swap3A_61 = arith.constant 0 : index
      %swap3A_62 = vector.load %arg17[%swap3A_60, %swap3A_61] : memref<1x256xf32, #tpu.memory_space<vmem>>, vector<1x256xf32>
      tpu.vector_store %arg17[%swap3A_60, %swap3A_61], %add3A_59 {strides = array<i32>} : memref<1x256xf32, #tpu.memory_space<vmem>>, vector<1x256xf32>,
    } else {
    }
    %eq3A_2 = arith.constant 1 : i32
    %eq3A_3 = arith.cmpi eq, %arg0, %eq3A_2 : i32
    %convert_element_type3A_4 = arith.extui %eq3A_3 : i1 to i32
    %cond3A_5 = arith.constant 0 : i32
    %cond3A_6 = arith.cmpi ne, %convert_element_type3A_4, %cond3A_5 : i32
    scf.if %cond3A_6 {
      %get3A = arith.constant 0 : index
      %get3A_7 = arith.constant 0 : index
      %get3A_8 = vector.load %arg16[%get3A, %get3A_7] : memref<1x256xf32, #tpu.memory_space<vmem>>, vector<1x256xf32>
      %mul3A = arith.constant 9.99999974E-5 : f32
      %mul3A_9 = vector.broadcast %mul3A : f32 to vector<1x256xf32>
      %mul3A_10 = arith.mulf %get3A_8, %mul3A_9 : vector<1x256xf32>
      %get3A_11 = arith.constant 0 : index
      %get3A_12 = arith.constant 0 : index
      %get3A_13 = vector.load %arg17[%get3A_11, %get3A_12] : memref<1x256xf32, #tpu.memory_space<vmem>>, vector<1x256xf32>
      %mul3A_14 = arith.constant 9.99999974E-5 : f32
      %mul3A_15 = vector.broadcast %mul3A_14 : f32 to vector<1x256xf32>
      %mul3A_16 = arith.mulf %get3A_13, %mul3A_15 : vector<1x256xf32>
      %mul3A_17 = arith.mulf %mul3A_10, %mul3A_10 : vector<1x256xf32>
      %sub3A = arith.subf %mul3A_16, %mul3A_17 : vector<1x256xf32>
      %get3A_18 = arith.constant 0 : index
      %get3A_19 = arith.constant 0 : index
      %get3A_20 = vector.load %arg6[%get3A_18, %get3A_19] : memref<1x256xf32, #tpu.memory_space<vmem>>, vector<1x256xf32>
      %add3A = arith.constant 9.99999974E-6 : f32
      %add3A_21 = vector.broadcast %add3A : f32 to vector<1x256xf32>
      %add3A_22 = arith.addf %sub3A, %add3A_21 : vector<1x256xf32>
      %rsqrt3A = math.rsqrt %add3A_22 : vector<1x256xf32>
      %mul3A_23 = arith.mulf %get3A_20, %rsqrt3A : vector<1x256xf32>
      %get3A_24 = arith.constant 0 : index
      %get3A_25 = arith.constant 0 : index
      %get3A_26 = vector.load %arg7[%get3A_24, %get3A_25] : memref<1x256xf32, #tpu.memory_space<vmem>>, vector<1x256xf32>
      %mul3A_27 = arith.mulf %mul3A_10, %mul3A_23 : vector<1x256xf32>
      %sub3A_28 = arith.subf %get3A_26, %mul3A_27 : vector<1x256xf32>
      %mul3A_29 = arith.constant 1000 : i32
      %mul3A_30 = arith.muli %arg1, %mul3A_29 : i32
      %get3A_31 = arith.index_cast %mul3A_30 : i32 to index
      %get3A_32 = arith.constant 0 : index
      %get3A_33 = vector.load %arg15[%get3A_31, %get3A_32] : memref<10000x256xf32, #tpu.memory_space<vmem>>, vector<1000x256xf32>
      %mul3A_34 = vector.broadcast %mul3A_23 : vector<1x256xf32> to vector<1000x256xf32>
      %mul3A_35 = arith.mulf %get3A_33, %mul3A_34 : vector<1000x256xf32>
      %add3A_36 = vector.broadcast %sub3A_28 : vector<1x256xf32> to vector<1000x256xf32>
      %add3A_37 = arith.addf %mul3A_35, %add3A_36 : vector<1000x256xf32>
      %max3A = arith.constant 0.000000e+00 : f32
      %max3A_38 = vector.broadcast %max3A : f32 to vector<1000x256xf32>
      %max3A_39 = arith.maximumf %add3A_37, %max3A_38 : vector<1000x256xf32>
      %get3A_40 = arith.constant 0 : index
      %get3A_41 = arith.constant 0 : index
      %get3A_42 = vector.load %arg8[%get3A_40, %get3A_41] : memref<256x256xf32, #tpu.memory_space<vmem>>, vector<256x256xf32>
      %dot_general3A = arith.constant dense<0.000000e+00> : vector<1000x256xf32>
      %dot_general3A_43 = tpu.matmul %max3A_39, %get3A_42, %dot_general3A {dimension_numbers = #tpu.dot_dimension_numbers<[1], [0], [0], [1], [0, 0, 1, 1], [], []>, transpose_lhs_hint = false} : vector<1000x256xf32>, vector<256x256xf32>, vector<1000x256xf32> -> vector<1000x256xf32>
      %get3A_44 = arith.constant 0 : index
      %get3A_45 = arith.constant 0 : index
      %get3A_46 = vector.load %arg9[%get3A_44, %get3A_45] : memref<1x256xf32, #tpu.memory_space<vmem>>, vector<1x256xf32>
      %add3A_47 = vector.broadcast %get3A_46 : vector<1x256xf32> to vector<1000x256xf32>
      %add3A_48 = arith.addf %dot_general3A_43, %add3A_47 : vector<1000x256xf32>
      %max3A_49 = arith.constant 0.000000e+00 : f32
      %max3A_50 = vector.broadcast %max3A_49 : f32 to vector<1000x256xf32>
      %max3A_51 = arith.maximumf %add3A_48, %max3A_50 : vector<1000x256xf32>
      %eq3A_52 = arith.constant 0 : i32
      %eq3A_53 = arith.cmpi eq, %arg1, %eq3A_52 : i32
      %convert_element_type3A_54 = arith.extui %eq3A_53 : i1 to i32
      %cond3A_55 = arith.constant 0 : i32
      %cond3A_56 = arith.cmpi ne, %convert_element_type3A_54, %cond3A_55 : i32
      scf.if %cond3A_56 {
        %broadcast_in_dim3A = arith.constant 0.000000e+00 : f32
        %broadcast_in_dim3A_77 = vector.broadcast %broadcast_in_dim3A : f32 to vector<64x256xf32>
        %swap3A_78 = arith.constant 0 : index
        %swap3A_79 = arith.constant 0 : index
        %swap3A_80 = vector.load %arg18[%swap3A_78, %swap3A_79] : memref<64x256xf32, #tpu.memory_space<vmem>>, vector<64x256xf32>
        tpu.vector_store %arg18[%swap3A_78, %swap3A_79], %broadcast_in_dim3A_77 {strides = array<i32>} : memref<64x256xf32, #tpu.memory_space<vmem>>, vector<64x256xf32>,
      } else {
      }
      %get3A_57 = arith.constant 0 : index
      %get3A_58 = arith.constant 0 : index
      %get3A_59 = vector.load %arg10[%get3A_57, %get3A_58] : memref<1000x1xi32, #tpu.memory_space<vmem>>, vector<1000x1xi32>
      %iota3A = tpu.iota {dimensions = array<i32: 1>} : vector<1000x64xi32>
      %eq3A_60 = vector.broadcast %get3A_59 : vector<1000x1xi32> to vector<1000x64xi32>
      %eq3A_61 = arith.cmpi eq, %eq3A_60, %iota3A : vector<1000x64xi32>
      %convert_element_type3A_62 = arith.extui %eq3A_61 : vector<1000x64xi1> to vector<1000x64xi32>
      %convert_element_type3A_63 = arith.sitofp %convert_element_type3A_62 : vector<1000x64xi32> to vector<1000x64xf32>
      %get3A_64 = arith.constant 0 : index
      %get3A_65 = arith.constant 0 : index
      %get3A_66 = vector.load %arg18[%get3A_64, %get3A_65] : memref<64x256xf32, #tpu.memory_space<vmem>>, vector<64x256xf32>
      %dot_general3A_67 = arith.constant dense<0.000000e+00> : vector<64x256xf32>
      %dot_general3A_68 = tpu.matmul %convert_element_type3A_63, %max3A_51, %dot_general3A_67 {dimension_numbers = #tpu.dot_dimension_numbers<[0], [0], [1], [1], [0, 1, 1, 1], [], []>, transpose_lhs_hint = false} : vector<1000x64xf32>, vector<1000x256xf32>, vector<64x256xf32> -> vector<64x256xf32>
      %add3A_69 = arith.addf %get3A_66, %dot_general3A_68 : vector<64x256xf32>
      %swap3A = arith.constant 0 : index
      %swap3A_70 = arith.constant 0 : index
      %swap3A_71 = vector.load %arg18[%swap3A, %swap3A_70] : memref<64x256xf32, #tpu.memory_space<vmem>>, vector<64x256xf32>
      tpu.vector_store %arg18[%swap3A, %swap3A_70], %add3A_69 {strides = array<i32>} : memref<64x256xf32, #tpu.memory_space<vmem>>, vector<64x256xf32>,
      %eq3A_72 = arith.constant 9 : i32
      %eq3A_73 = arith.cmpi eq, %arg1, %eq3A_72 : i32
      %convert_element_type3A_74 = arith.extui %eq3A_73 : i1 to i32
      %cond3A_75 = arith.constant 0 : i32
      %cond3A_76 = arith.cmpi ne, %convert_element_type3A_74, %cond3A_75 : i32
      scf.if %cond3A_76 {
        %get3A_77 = arith.constant 0 : index
        %get3A_78 = arith.constant 0 : index
        %get3A_79 = vector.load %arg18[%get3A_77, %get3A_78] : memref<64x256xf32, #tpu.memory_space<vmem>>, vector<64x256xf32>
        %get3A_80 = arith.constant 0 : index
        %get3A_81 = arith.constant 0 : index
        %get3A_82 = vector.load %arg12[%get3A_80, %get3A_81] : memref<256x4xf32, #tpu.memory_space<vmem>>, vector<256x4xf32>
        %dot_general3A_83 = arith.constant dense<0.000000e+00> : vector<64x4xf32>
        %dot_general3A_84 = tpu.matmul %get3A_79, %get3A_82, %dot_general3A_83 {dimension_numbers = #tpu.dot_dimension_numbers<[1], [0], [0], [1], [0, 0, 1, 1], [], []>, transpose_lhs_hint = false} : vector<64x256xf32>, vector<256x4xf32>, vector<64x4xf32> -> vector<64x4xf32>
        %get3A_85 = arith.constant 0 : index
        %get3A_86 = arith.constant 0 : index
        %get3A_87 = vector.load %arg11[%get3A_85, %get3A_86] : memref<64x1xi32, #tpu.memory_space<vmem>>, vector<64x1xi32>
        %iota3A_88 = tpu.iota {dimensions = array<i32: 1>} : vector<64x4xi32>
        %eq3A_89 = vector.broadcast %get3A_87 : vector<64x1xi32> to vector<64x4xi32>
        %eq3A_90 = arith.cmpi eq, %eq3A_89, %iota3A_88 : vector<64x4xi32>
        %convert_element_type3A_91 = arith.extui %eq3A_90 : vector<64x4xi1> to vector<64x4xi32>
        %convert_element_type3A_92 = arith.sitofp %convert_element_type3A_91 : vector<64x4xi32> to vector<64x4xf32>
        %get3A_93 = arith.constant 0 : index
        %get3A_94 = arith.constant 0 : index
        %get3A_95 = vector.load %arg13[%get3A_93, %get3A_94] : memref<1x4xf32, #tpu.memory_space<vmem>>, vector<1x4xf32>
        %add3A_96 = vector.broadcast %get3A_95 : vector<1x4xf32> to vector<64x4xf32>
        %add3A_97 = arith.addf %dot_general3A_84, %add3A_96 : vector<64x4xf32>
        %mul3A_98 = arith.mulf %add3A_97, %convert_element_type3A_92 : vector<64x4xf32>
        %reduce_sum3A = arith.constant dense<0.000000e+00> : vector<64xf32>
        %reduce_sum3A_99 = vector.multi_reduction <add>, %mul3A_98, %reduce_sum3A [1] : vector<64x4xf32> to vector<64xf32>
        %broadcast_in_dim3A = vector.shape_cast %reduce_sum3A_99 : vector<64xf32> to vector<1x64xf32>
        %swap3A_100 = arith.constant 0 : index
        %swap3A_101 = arith.constant 0 : index
        %swap3A_102 = vector.load %arg14[%swap3A_100, %swap3A_101] : memref<1x64xf32, #tpu.memory_space<vmem>>, vector<1x64xf32>
        tpu.vector_store %arg14[%swap3A_100, %swap3A_101], %broadcast_in_dim3A {strides = array<i32>} : memref<1x64xf32, #tpu.memory_space<vmem>>, vector<1x64xf32>,
      } else {
      }
    } else {
    }
    return
  }
  func.func @transform_0(%arg0: i32, %arg1: i32) -> (i32, i32, i32) {
    %sub3A = arith.constant 1 : i32
    %sub3A_0 = arith.subi %sub3A, %arg0 : i32
    %mul3A = arith.muli %arg1, %sub3A_0 : i32
    %c0_i32 = arith.constant 0 : i32
    %c0_i32_1 = arith.constant 0 : i32
    %c0_i32_2 = arith.constant 0 : i32
    return %c0_i32, %mul3A, %c0_i32_1 : i32, i32, i32
  }
  func.func @transform_1(%arg0: i32, %arg1: i32) -> (i32, i32, i32) {
    %sub3A = arith.constant 1 : i32
    %sub3A_0 = arith.subi %sub3A, %arg0 : i32
    %mul3A = arith.muli %arg1, %sub3A_0 : i32
    %c0_i32 = arith.constant 0 : i32
    %c0_i32_1 = arith.constant 0 : i32
    %c0_i32_2 = arith.constant 0 : i32
    return %c0_i32, %mul3A, %c0_i32_1 : i32, i32, i32
  }
  func.func @transform_2(%arg0: i32, %arg1: i32) -> (i32, i32) {
    %c0_i32 = arith.constant 0 : i32
    %c0_i32_0 = arith.constant 0 : i32
    %c0_i32_1 = arith.constant 0 : i32
    return %c0_i32, %c0_i32_0 : i32, i32
  }
  func.func @transform_3(%arg0: i32, %arg1: i32) -> (i32, i32) {
    %c0_i32 = arith.constant 0 : i32
    %c0_i32_0 = arith.constant 0 : i32
    %c0_i32_1 = arith.constant 0 : i32
    return %c0_i32, %c0_i32_0 : i32, i32
  }
  func.func @transform_4(%arg0: i32, %arg1: i32) -> (i32, i32) {
    %c0_i32 = arith.constant 0 : i32
    %c0_i32_0 = arith.constant 0 : i32
    %c0_i32_1 = arith.constant 0 : i32
    return %c0_i32, %c0_i32_0 : i32, i32
  }
  func.func @transform_5(%arg0: i32, %arg1: i32) -> (i32, i32) {
    %c0_i32 = arith.constant 0 : i32
    %c0_i32_0 = arith.constant 0 : i32
    %c0_i32_1 = arith.constant 0 : i32
    return %c0_i32, %c0_i32_0 : i32, i32
  }
  func.func @transform_6(%arg0: i32, %arg1: i32) -> (i32, i32) {
    %c0_i32 = arith.constant 0 : i32
    %c0_i32_0 = arith.constant 0 : i32
    %c0_i32_1 = arith.constant 0 : i32
    return %c0_i32, %c0_i32_0 : i32, i32
  }
  func.func @transform_7(%arg0: i32, %arg1: i32) -> (i32, i32) {
    %c0_i32 = arith.constant 0 : i32
    %c0_i32_0 = arith.constant 0 : i32
    %c0_i32_1 = arith.constant 0 : i32
    return %c0_i32, %c0_i32_0 : i32, i32
  }
  func.func @transform_8(%arg0: i32, %arg1: i32) -> (i32, i32) {
    %mul3A = arith.muli %arg1, %arg0 : i32
    %c0_i32 = arith.constant 0 : i32
    %c0_i32_0 = arith.constant 0 : i32
    return %mul3A, %c0_i32 : i32, i32
  }
  func.func @transform_9(%arg0: i32, %arg1: i32) -> (i32, i32) {
    %c0_i32 = arith.constant 0 : i32
    %c0_i32_0 = arith.constant 0 : i32
    %c0_i32_1 = arith.constant 0 : i32
    return %c0_i32, %c0_i32_0 : i32, i32
  }
  func.func @transform_10(%arg0: i32, %arg1: i32) -> (i32, i32) {
    %c0_i32 = arith.constant 0 : i32
    %c0_i32_0 = arith.constant 0 : i32
    %c0_i32_1 = arith.constant 0 : i32
    return %c0_i32, %c0_i32_0 : i32, i32
  }
  func.func @transform_11(%arg0: i32, %arg1: i32) -> (i32, i32) {
    %c0_i32 = arith.constant 0 : i32
    %c0_i32_0 = arith.constant 0 : i32
    %c0_i32_1 = arith.constant 0 : i32
    return %c0_i32, %c0_i32_0 : i32, i32
  }
  func.func @transform_12(%arg0: i32, %arg1: i32) -> (i32, i32) {
    %c0_i32 = arith.constant 0 : i32
    %c0_i32_0 = arith.constant 0 : i32
    %c0_i32_1 = arith.constant 0 : i32
    return %c0_i32, %c0_i32_0 : i32, i32
  }
}

</mosaic_0001>

<sc_bundles>
// kernel: kernel.11.cloned.1.call-start
scs
__scs_entry_jumppad:
0x0: {  	(pc) =	sbr.rel $0x88, $3  }
0x1: {  	(tag) =	ssettag $0x0;
	lr =	simm.s32 $0x1  }
0x2: {  	[smem:$0x3F89] =	sst lr;
	_ =	strace $0xD0000000  }
0x3: {  	_ = 	snop  }
0x4: {  	_ = 	snop  }
0x5: {  	_ = 	snop  }
0x6: {  	_ = 	snop  }
0x7: {  	_ = 	snop  }
__scs_overlays_trampoline_lowered:
0x8: {  	[smem:$0x3F98] =	sst s0  }
0x9: {  	[smem:$0x3F99] =	sst s1  }
0xa: {  	[smem:$0x3F9A] =	sst s2  }
0xb: {  	[smem:$0x3F9B] =	sst s3  }
0xc: {  	[smem:$0x3F9C] =	sst s4  }
0xd: {  	[smem:$0x3F9D] =	sst s5  }
0xe: {  	[smem:$0x3F9E] =	sst s6  }
0xf: {  	[smem:$0x3F9F] =	sst s7  }
0x10: {  	[smem:$0x3FA0] =	sst s8  }
0x11: {  	[smem:$0x3FA1] =	sst s9;
	s0 =	simm.s32 @!p0 $0x0  }
0x12: {  	s1 =	sld [smem:$0x3F87];
	s0 =	simm.s32 @p0 $0x1  }
0x13: {  	[smem:$0x3FA2] =	sst s0;
	s0 =	simm.s32 @!p1 $0x0  }
0x14: {  	s2 =	sld [smem:$0x3F86];
	s0 =	simm.s32 @p1 $0x1  }
0x15: {  	[smem:$0x3FA3] =	sst s0;
	s0 =	simm.s32 @!p2 $0x0  }
0x16: {  	s3 =	sld [smem:$0x3FDB];
	s0 =	simm.s32 @p2 $0x1  }
0x17: {  	s4 =	simm.s32 $0x1BF5;
	[smem:$0x3FA5] =	sst s0  }
0x18: {  	s0 =	sld [smem:$0x3F88];
	_ =	swait.ge [sflag:s4], $0x0  }
0x19: {  	s7 =	sld [smem:$0x3F89]  }
0x1a: {  	s8 =	sadd.s32 $0xFFFFE003, lr  }
0x1b: {  	s9 =	sadd.s32 $0xFFFFFEF7, lr;
	s5 =	simm.s32 $0xFFFFFFFF;
	p2 =	slt.u32 s8, $0xFFFFF086  }
0x1c: {  	p1 =	slt.u32 s9, $0xF7A;
	s5 =	simm.s32 @!p2 $0x0  }
0x1d: {  	s5 =	simm.s32 @p1 $0x1;
	p0 =	seq.s32 s7, s2  }
0x1e: {  	s7 =	smul.u32 @!p0 $0xF7A, s2;
	p2 =	seq.s32 @!p0 s5, $0x0  }
0x1f: {  	s9 =	smul.u32 $0xF7A, s1;
	s8 =	simm.s32 @!p0 $0x1BF5;
	p2 =	por !p2, p0  }
0x20: {  	[sflag:s8] =	ssyncset.s32 @!p0 $0xFFFFF086;
	s6 =	sadd.s32 @!p0 s3, s7;
	s7 =	simm.s32 @!p0 $0x108  }
0x21: {  	s3 =	sadd.s32 s3, s9;
	s6 =	sadd.s32 @!p0 $0x88, s6;
	s7 =	simm.s32 @p2 $0x1082  }
0x22: {  	[simem:s7], [sflag:s8] =	dma.local @!p0 [hbm:s6], $0xF7A  }
0x23: {  	s9 =	sor.u32 $0xD0000000, s2;
	s6 =	simm.s32 $0x108;
	_ =	swait.ge @!p0 [sflag:s8], $0x0  }
0x24: {  	s3 =	sadd.s32 $0x88, s3;
	s6 =	simm.s32 @!p1 $0x1082;
	[sflag:s4] =	ssyncset.s32 $0xFFFFF086  }
0x25: {  	[simem:s6], [sflag:s4] =	dma.local [hbm:s3], $0xF7A  }
0x26: {  	[smem:$0x3F89] =	sst s1;
	(tag) =	ssettag s2;
	_ =	strace s9  }
0x27: {  	s1 =	sld [smem:$0x3F99]  }
0x28: {  	s2 =	sld [smem:$0x3F9A]  }
0x29: {  	s4 =	sld [smem:$0x3F9C]  }
0x2a: {  	p0 =	seq.s32 s5, $0x0;
	s5 =	sld [smem:$0x3F9D]  }
0x2b: {  	s6 =	sld [smem:$0x3F9E]  }
0x2c: {  	s7 =	sld [smem:$0x3F9F]  }
0x2d: {  	s3 =	simm.s32 $0x108;
	s8 =	sld [smem:$0x3FA0]  }
0x2e: {  	s3 =	simm.s32 @!p0 $0x1082;
	s9 =	sld [smem:$0x3FA1]  }
0x2f: {  	lr =	sadd.s32 s0, s3;
	s0 =	sld [smem:$0x3F98]  }
0x30: {  	s3 =	sld [smem:$0x3F9B]  }
0x31: {  	[smem:$0x3FA4] =	sst s10  }
0x32: {  	s10 =	sld [smem:$0x3FA2];
	_ =	sdelay $0x3  }
0x33: {  	p0 =	seq.s32 s10, $0x1;
	s10 =	sld [smem:$0x3FA4];
	_ =	sdelay $0x3  }
0x34: {  	[smem:$0x3FA4] =	sst s10  }
0x35: {  	s10 =	sld [smem:$0x3FA3];
	_ =	sdelay $0x3  }
0x36: {  	p1 =	seq.s32 s10, $0x1;
	s10 =	sld [smem:$0x3FA4];
	_ =	sdelay $0x3  }
0x37: {  	[smem:$0x3FA4] =	sst s10  }
0x38: {  	s10 =	sld [smem:$0x3FA5]  }
0x39: {  	_ = 	snop;
	(pc) =	sbr.ind lr, $3  }
0x3a: {  	_ = 	snop  }
0x3b: {  	_ = 	snop  }
0x3c: {  	p2 =	seq.s32 s10, $0x1;
	s10 =	sld [smem:$0x3FA4]  }
0x3d: {  	_ =	shalt  }
0x3e: {  	_ =	shalt  }
0x3f: {  	_ =	shalt  }
0x40: {  	_ =	shalt  }
0x41: {  	_ =	shalt  }
0x42: {  	_ =	shalt  }
0x43: {  	_ =	shalt  }
0x44: {  	_ =	shalt  }
0x45: {  	_ =	shalt  }
0x46: {  	_ =	shalt  }
0x47: {  	_ =	shalt  }
0x48: {  	_ =	shalt  }
0x49: {  	_ =	shalt  }
0x4a: {  	_ =	shalt  }
0x4b: {  	_ =	shalt  }
0x4c: {  	_ =	shalt  }
0x4d: {  	_ =	shalt  }
0x4e: {  	_ =	shalt  }
0x4f: {  	_ =	shalt  }
0x50: {  	_ =	shalt  }
0x51: {  	_ =	shalt  }
0x52: {  	_ =	shalt  }
0x53: {  	_ =	shalt  }
0x54: {  	_ =	shalt  }
0x55: {  	_ =	shalt  }
0x56: {  	_ =	shalt  }
0x57: {  	_ =	shalt  }
0x58: {  	_ =	shalt  }
0x59: {  	_ =	shalt  }
0x5a: {  	_ =	shalt  }
0x5b: {  	_ =	shalt  }
0x5c: {  	_ =	shalt  }
0x5d: {  	_ =	shalt  }
0x5e: {  	_ =	shalt  }
0x5f: {  	_ =	shalt  }
0x60: {  	_ =	shalt  }
0x61: {  	_ =	shalt  }
0x62: {  	_ =	shalt  }
0x63: {  	_ =	shalt  }
0x64: {  	_ =	shalt  }
0x65: {  	_ =	shalt  }
0x66: {  	_ =	shalt  }
0x67: {  	_ =	shalt  }
0x68: {  	_ =	shalt  }
0x69: {  	_ =	shalt  }
0x6a: {  	_ =	shalt  }
0x6b: {  	_ =	shalt  }
0x6c: {  	_ =	shalt  }
0x6d: {  	_ =	shalt  }
0x6e: {  	_ =	shalt  }
0x6f: {  	_ =	shalt  }
0x70: {  	_ =	shalt  }
0x71: {  	_ =	shalt  }
0x72: {  	_ =	shalt  }
0x73: {  	_ =	shalt  }
0x74: {  	_ =	shalt  }
0x75: {  	_ =	shalt  }
0x76: {  	_ =	shalt  }
0x77: {  	_ =	shalt  }
0x78: {  	_ =	shalt  }
0x79: {  	_ =	shalt  }
0x7a: {  	_ =	shalt  }
0x7b: {  	_ =	shalt  }
0x7c: {  	_ =	shalt  }
0x7d: {  	_ =	shalt  }
0x7e: {  	_ =	shalt  }
0x7f: {  	_ =	shalt  }
0x80: {  	_ =	shalt  }
0x81: {  	_ =	shalt  }
0x82: {  	_ =	shalt  }
0x83: {  	_ =	shalt  }
0x84: {  	_ =	shalt  }
0x85: {  	_ =	shalt  }
0x86: {  	_ =	shalt  }
0x87: {  	_ =	shalt  }
.Lfunc_end0:
.L_simem_size_0:
called_computation.1_lowered:
.L_overlay_start_0:
0x88: {  	s2 =	sld [smem:$0x3FD9]  }
0x89: {  	s3 =	sld [smem:$0x3FFE];
	_ =	sdelay $0x1  }
0x8a: {  	s1 =	srdreg.scid  }
0x8b: {  	s0 =	sand.u32 $0x1, s1  }
0x8c: {  	s16 =	sshll.u32 s0, $0xA;
	s2 =	sadd.s32 s3, s2  }
0x8d: {  	s2 =	sadd.s32 s2, s16  }
0x8e: {  	[smem:$0x3FB0] =	sst s2  }
0x8f: {  	_ = 	snop  }
0x90: {  	(tm) =	ssettm $0x1  }
0x91: {  	s17 =	sld [smem:$0x3FFB];
	_ =	sdelay $0x3  }
0x92: {  	_ =	strace s17  }
0x93: {  	s2 =	sld [smem:$0x3FFC];
	_ =	sdelay $0x3  }
0x94: {  	_ =	strace s2  }
0x95: {  	s2 =	sld [smem:$0x3FFD];
	_ =	sdelay $0x3  }
0x96: {  	_ =	strace s2  }
0x97: {  	_ =	strace $0x8FFFFFFF  }
0x98: {  	s18 =	sld [smem:$0x3FDB];
	_ =	sdelay $0x1  }
0x99: {  	s19 =	simm.s32 $_scs_section_size  }
0x9a: {  	s4 =	simm.s32 $_size__tile_overlayer_lowered;
	s5 =	simm.s32 $_tile_overlayer_lowered  }
0x9b: {  	s22 =	simm.s32 $0x1BFF;
	s21 =	sshll.u32 s5, $0x1;
	s2 =	sadd.s32 s19, s18  }
0x9c: {  	s6 =	simm.s32 $0x0;
	s20 =	sshll.u32 s4, $0x1;
	s4 =	sadd.s32 s21, s2  }
0x9d: {  	[timem:s6], [sflag:s22] =	dma.local [hbm:s4], s20  }
0x9e: {  	_ =	swait.ge [sflag:s22], s20  }
0x9f: {  	s3 =	ssub.s32 $0x0, s20;
	[sflag:s22] =	ssyncset.done $0x0  }
0xa0: {  	[sflag:s22] =	ssyncadd.s32 s3;
	_ =	sdelay $0x1  }
0xa1: {  	s23 =	simm.s32 $0x1B8B  }
0xa2: {  	_ =	swait.ge [sflag:s23], $0x1  }
0xa3: {  	[sflag:s23] =	ssyncset.done $0x0  }
0xa4: {  	s25 =	simm.s32 $0x1B8E;
	s24 =	sld [smem:$0x3FFE];
	[sflag:s23] =	ssyncadd.s32 $0xFFFFFFFF  }
0xa5: {  	s26 =	simm.s32 $execute0_lowered;
	[smem:$0x3FD2] =	sst s25  }
0xa6: {  	s4 =	sshll.u32 s26, $0x1;
	_ =	strace $0x80000049;
	[dreg:$0x1] =	wrdreg $0xFFFFFFFF  }
0xa7: {  	s28 =	simm.s32 $_size_execute0_lowered;
	s2 =	sadd.s32 s2, s4;
	[dreg:$0x0] =	wrdreg $0x0  }
0xa8: {  	s4 =	sshll.u32 s28, $0x1;
	[dreg:$0x2] =	wrdreg s2  }
0xa9: {  	[dreg:$0x3] =	wrdreg s4  }
0xaa: {  	[dreg:$0x4] =	wrdreg $0xC0  }
0xab: {  	_ =	task [dreg:s6], $0x5FFFF  }
0xac: {  	[dreg:$0x1] =	wrdreg $0xFFFFFFFF  }
0xad: {  	[dreg:$0x0] =	wrdreg $0x60  }
0xae: {  	[dreg:$0x2] =	wrdreg s24  }
0xaf: {  	[dreg:$0x3] =	wrdreg $0xA8000  }
0xb0: {  	[dreg:$0x4] =	wrdreg $0x9  }
0xb1: {  	_ =	task.clear_ibuf [dreg:s6], $0x5FFFF;
	_ =	strace $0x90000049  }
0xb2: {  	s29 =	simm.s32 $0x9;
	_ =	strace $0x8000004B  }
0xb3: {  	_ =	swait.ge [sflag:s29], $0x1  }
0xb4: {  	[sflag:s29] =	ssyncadd.s32 $0xFFFFFFFF  }
0xb5: {  	_ =	strace $0x9000004B  }
0xb6: {  	_ =	sfence  }
0xb7: {  	s30 =	sld [smem:$0x0];
	_ =	sdelay $0x2  }
0xb8: {  	s31 =	sshll.u32 s1, $0xD;
	s1 =	sshrl.u32 s1, $0x2  }
0xb9: {  	s3 =	sand.u32 $0x4000, s31;
	s1 =	sadd.s32 s1, s30  }
0xba: {  	s0 =	sor.u32 s3, s0;
	s1 =	sshll.u32 s1, $0x11  }
0xbb: {  	s0 =	sor.u32 s1, s0  }
0xbc: {  	s0 =	sadd.s32 $0x8F2B, s0  }
0xbd: {  	[sflag:s0] =	ssyncadd.remote.s32 $0x1  }
0xbe: {  	_ =	sfence.sel $0xFFFF  }
0xbf: {  	[dreg:$0x0] =	wrdreg $0xFFFFFFFF;
	(pc) =	sbr.abs _section_cstart, $3  }
0xc0: {  	[dreg:$0x1] =	wrdreg $0xFFFFFFFF  }
0xc1: {  	_ =	task.clear_ibuf [dreg:s6], $0x2FFFF;
	_ =	strace $0x9FFFFFFF  }
0xc2: {  	(tm) =	ssettm $0x7FFFFFFF  }
0xc3: {  	_ =	shalt  }
tec
execute0_lowered:
.L_overlay_start_1:
0x0: {  	(tag) =	ssettag $0x1  }
0x1: {  	s0 =	rddreg [dreg:$0x0]  }
0x2: {  	s2 =	rddreg [dreg:$0x1]  }
0x3: {  	s3 =	simm.s32 $0x0;
	s21 =	stileid.u32;
	s1 =	srdreg.scid  }
0x4: {  	s18 =	simm.s32 $0x1400;
	s19 =	simm.s32 $0x80;
	s20 =	simm.s32 $0x1  }
0x5: {  	s28 =	simm.s32 $0x2;
	s29 =	simm.s32 $0x1480;
	s30 =	simm.s32 $0x3  }
0x6: {  	s31 =	simm.s32 $0x100;
	[smem:$0x7FF] =	sst s3;
	s4 =	smul.u32 $0x500, s21  }
0x7: {  	s1 =	sand.u32 $0x1, s1;
	s6 =	sadd.s32 $0x5CA00, s0;
	s14 =	sor.u32 $0x10, s21  }
0x8: {  	s25 =	sshll.u32 s21, $0xE;
	s15 =	sor.u32 $0x20, s21;
	s16 =	sor.u32 $0x30, s21  }
0x9: {  	s17 =	sor.u32 $0x40, s21;
	p0 =	sgt.u32 s21, $0xD;
	_ =	strace $0x8000004A  }
0xa: {  	s5 =	smul.u32 $0x27100, s1;
	[dreg:$0x3] =	wrdreg s6;
	s1 =	ssub.s32 $0x2, s1  }
0xb: {  	s26 =	sshll.u32 s14, $0xE;
	s7 =	sshll.u32 s15, $0xE;
	s8 =	sshll.u32 s16, $0xE  }
0xc: {  	s9 =	sshll.u32 s17, $0xE;
	s22 =	sshll.u32 s14, $0xB;
	s23 =	sshll.u32 s15, $0xB  }
0xd: {  	p1 =	sne.s32 @p0 s21, $0xF;
	s4 =	sadd.s32 s4, s0;
	s24 =	sshrl.u32 s1, $0x1  }
0xe: {  	s6 =	sadd.s32 s26, s2;
	s7 =	sadd.s32 s7, s2;
	s8 =	sadd.s32 s8, s2  }
0xf: {  	s9 =	sadd.s32 s9, s2;
	s26 =	sadd.s32 $0x138000, s2;
	p1 =	por p1, !p0  }
0x10: {  	s0 =	sadd.s32 s5, s0;
	s1 =	ssub.s32 s1, s24;
	s5 =	sadd.s32 s25, s2  }
0x11: {  	s10 =	sadd.s32 $0x52A00, s4;
	s11 =	sadd.s32 $0x57A00, s4;
	s4 =	sshll.u32 s21, $0xB  }
0x12: {  	s24 =	sshll.u32 s16, $0xB;
	[dreg:$0x4] =	wrdreg s26;
	s25 =	sshll.u32 s17, $0xB  }
0x13: {  	s16 =	simm.s32 $0x2800;
	s17 =	simm.s32 $0x5;
	s26 =	simm.s32 $0x6800  }
0x14: {  	s12 =	sadd.s32 $0x4800, s0;
	s13 =	sadd.s32 $0x5D200, s0;
	s1 =	smax.u32 s1, $0x1  }
0x15: {  	[dreg:$0x5] =	wrdreg s1;
	s0 =	sadd.s32 s4, s13;
	s22 =	sadd.s32 s22, s13  }
0x16: {  	s23 =	sadd.s32 s23, s13;
	s24 =	sadd.s32 s24, s13;
	s25 =	sadd.s32 @!p0 s25, s13  }
0x17: {  	s1 =	simm.s32 $0x0;
	[dreg:$0x6] =	wrdreg s0;
	s0 =	simm.s32 $0x4  }
.LBB2_1:
0x18: {  	s4 =	rddreg [dreg:$0x3]  }
0x19: {  	[tilespmem:s16], [sflag:$0x5] =	stream.linear.gather [hbm4b:s4+s3], $0x4000, $0x38;
	[tilespmem:$0x1E800] =	vst v63  }
0x1a: {  	_ =	swait.ge [sflag:s17], $0x4000  }
0x1b: {  	[sflag:s17] =	ssyncset.done $0x0  }
0x1c: {  	[sflag:s17] =	ssyncadd.s32 $0xFFFFC000  }
0x1d: {  	[spmem:s5] =	stream.linear.scatter [tilespmem:s16], [sflag:$0x5], $0x4000, $0x38;
	[tilespmem:$0x1E800] =	vst v63  }
0x1e: {  	_ =	swait.ge [sflag:s17], $0x4000  }
0x1f: {  	[sflag:s17] =	ssyncset.done $0x0  }
0x20: {  	[sflag:s17] =	ssyncadd.s32 $0xFFFFC000  }
0x21: {  	[spmem:s6] =	stream.linear.scatter [tilespmem:s16], [sflag:$0x5], $0x4000, $0x38;
	[tilespmem:$0x1E800] =	vst v63  }
0x22: {  	_ =	swait.ge [sflag:s17], $0x4000  }
0x23: {  	[sflag:s17] =	ssyncset.done $0x0  }
0x24: {  	[sflag:s17] =	ssyncadd.s32 $0xFFFFC000  }
0x25: {  	[spmem:s7] =	stream.linear.scatter [tilespmem:s16], [sflag:$0x5], $0x4000, $0x38;
	[tilespmem:$0x1E800] =	vst v63  }
0x26: {  	_ =	swait.ge [sflag:s17], $0x4000  }
0x27: {  	[sflag:s17] =	ssyncset.done $0x0  }
0x28: {  	[sflag:s17] =	ssyncadd.s32 $0xFFFFC000  }
0x29: {  	[spmem:s8] =	stream.linear.scatter [tilespmem:s16], [sflag:$0x5], $0x4000, $0x38;
	[tilespmem:$0x1E800] =	vst v63  }
0x2a: {  	_ =	swait.ge [sflag:s17], $0x4000  }
0x2b: {  	[sflag:s17] =	ssyncset.done $0x0  }
0x2c: {  	[sflag:s17] =	ssyncadd.s32 $0xFFFFC000  }
0x2d: {  	[spmem:s9] =	stream.linear.scatter [tilespmem:s16], [sflag:$0x5], $0x4000, $0x38;
	[tilespmem:$0x1E800] =	vst v63  }
0x2e: {  	_ =	swait.ge [sflag:s17], $0x4000  }
0x2f: {  	[sflag:s17] =	ssyncset.done $0x0  }
0x30: {  	[sflag:s17] =	ssyncadd.s32 $0xFFFFC000  }
0x31: {  	[bflag:$0x0] =	sbarrier.arrive $0xFFFF  }
0x32: {  	[tilespmem:s3], [sflag:$0x5] =	stream.linear.gather [hbm4b:s10+s3], $0x1400, $0x38;
	[tilespmem:$0x1E800] =	vst v63  }
0x33: {  	_ =	swait.ge [sflag:s17], $0x1400  }
0x34: {  	[sflag:s17] =	ssyncset.done $0x0  }
0x35: {  	[sflag:s17] =	ssyncadd.s32 $0xFFFFEC00  }
0x36: {  	[tilespmem:s18], [sflag:$0x5] =	stream.linear.gather [hbm4b:s11+s3], $0x1400, $0x38;
	[tilespmem:$0x1E800] =	vst v63  }
0x37: {  	_ =	swait.ge [sflag:s17], $0x1400  }
0x38: {  	[sflag:s17] =	ssyncset.done $0x0  }
0x39: {  	[sflag:s17] =	ssyncadd.s32 $0xFFFFEC00  }
0x3a: {  	[tilespmem:s16], [sflag:$0x1] =	stream.indirect.gather [hbm4b:s12+s19], $0x80, s3, s19, $0xb8;
	[tilespmem:$0x1E800] =	vst v63  }
0x3b: {  	_ =	swait.ge [sflag:s20], $0x4000  }
0x3c: {  	[sflag:s20] =	ssyncset.done $0x0  }
0x3d: {  	[sflag:s20] =	ssyncadd.s32 $0xFFFFC000  }
0x3e: {  	[spmem:s2] =	stream.indirect.scatter.add.f32 [tilespmem:s16], [sflag:$0x3], $0x80, s18, s19, $0xb8;
	[tilespmem:$0x1E800] =	vst v63  }
0x3f: {  	_ = 	snop  }
0x40: {  	[tilespmem:s26], [sflag:$0x2] =	stream.indirect.gather [hbm4b:s12+s19], $0x80, s19, s19, $0xb8;
	[tilespmem:$0x1E800] =	vst v63  }
0x41: {  	_ =	swait.ge [sflag:s28], $0x4000  }
0x42: {  	[sflag:s28] =	ssyncset.done $0x0  }
0x43: {  	[sflag:s28] =	ssyncadd.s32 $0xFFFFC000  }
0x44: {  	[spmem:s2] =	stream.indirect.scatter.add.f32 [tilespmem:s26], [sflag:$0x4], $0x80, s29, s19, $0xb8;
	[tilespmem:$0x1E800] =	vst v63  }
0x45: {  	_ =	swait.ge [sflag:s30], $0x4000  }
0x46: {  	[sflag:s30] =	ssyncset.done $0x0  }
0x47: {  	s4 =	simm.s32 $0x0;
	[sflag:s30] =	ssyncadd.s32 $0xFFFFC000  }
0x48: {  	[tilespmem:s16], [sflag:$0x1] =	stream.indirect.gather [hbm4b:s12+s19], $0x80, s31, s19, $0xb8;
	[tilespmem:$0x1E800] =	vst v63  }
.LBB2_2:
0x49: {  	_ =	swait.ge [sflag:s20], $0x4000  }
0x4a: {  	s14 =	sshra.s32 s4, $0x2;
	[sflag:s20] =	ssyncset.done $0x0  }
0x4b: {  	s15 =	sadd.s32 $0x1500, s14;
	[sflag:s20] =	ssyncadd.s32 $0xFFFFC000  }
0x4c: {  	[spmem:s2] =	stream.indirect.scatter.add.f32 [tilespmem:s16], [sflag:$0x3], $0x80, s15, s19, $0xb8;
	[tilespmem:$0x1E800] =	vst v63  }
0x4d: {  	_ =	swait.ge [sflag:s0], $0x4000  }
0x4e: {  	[sflag:s0] =	ssyncset.done $0x0  }
0x4f: {  	s21 =	sadd.s32 $0x180, s14;
	[sflag:s0] =	ssyncadd.s32 $0xFFFFC000  }
0x50: {  	[tilespmem:s26], [sflag:$0x2] =	stream.indirect.gather [hbm4b:s12+s19], $0x80, s21, s19, $0xb8;
	[tilespmem:$0x1E800] =	vst v63  }
0x51: {  	_ =	swait.ge [sflag:s28], $0x4000  }
0x52: {  	[sflag:s28] =	ssyncset.done $0x0  }
0x53: {  	p2 =	seq.s32 s4, $0x4800;
	s14 =	sadd.s32 $0x1580, s14;
	[sflag:s28] =	ssyncadd.s32 $0xFFFFC000  }
0x54: {  	[spmem:s2] =	stream.indirect.scatter.add.f32 [tilespmem:s26], [sflag:$0x4], $0x80, s14, s19, $0xb8;
	[tilespmem:$0x1E800] =	vst v63  }
0x55: {  	s15 =	simm.s32 @!p2 $0x80;
	s21 =	simm.s32 @!p2 $0x2800;
	_ =	swait.ge [sflag:s30], $0x4000  }
0x56: {  	s14 =	sshra.s32 @!p2 s4, $0x2;
	s4 =	sadd.s32 @!p2 $0x400, s4;
	[sflag:s30] =	ssyncset.done $0x0  }
0x57: {  	s14 =	sadd.s32 @!p2 $0x200, s14;
	p3 =	sne.s32 @!p2 s4, $0x4C00;
	[sflag:s30] =	ssyncadd.s32 $0xFFFFC000  }
0x58: {  	[tilespmem:s21], [sflag:$0x1] =	stream.indirect.gather @!p2 [hbm4b:s12+s15], $0x80, s14, s15, $0xb8;
	[tilespmem:$0x1E800] =	vst v63  }
0x59: {  	p2 =	por p2, !p3  }
.Ltmp0:
0x5a: {  	_ = 	snop;
	(pc) =	sbr.rel @!p2 .LBB2_2-.Ltmp0, $1  }
0x5b: {  	_ =	sdelay $0x3  }
0x5c: {  	_ =	swait.ge [sflag:s0], $0x4000  }
0x5d: {  	[sflag:s0] =	ssyncset.done $0x0  }
0x5e: {  	s14 =	sadd.s32 $0x280, s10;
	s4 =	simm.s32 $0x0;
	[sflag:s0] =	ssyncadd.s32 $0xFFFFC000  }
0x5f: {  	[tilespmem:s4], [sflag:$0x5] =	stream.linear.gather [hbm4b:s14+s4], $0x1400, $0x38;
	[tilespmem:$0x1E800] =	vst v63  }
0x60: {  	_ =	swait.ge [sflag:s17], $0x1400  }
0x61: {  	[sflag:s17] =	ssyncset.done $0x0  }
0x62: {  	s21 =	sadd.s32 $0x280, s11;
	[sflag:s17] =	ssyncadd.s32 $0xFFFFEC00  }
0x63: {  	[tilespmem:s18], [sflag:$0x5] =	stream.linear.gather [hbm4b:s21+s4], $0x1400, $0x38;
	[tilespmem:$0x1E800] =	vst v63  }
0x64: {  	_ =	swait.ge [sflag:s17], $0x1400  }
0x65: {  	[sflag:s17] =	ssyncset.done $0x0  }
0x66: {  	[sflag:s17] =	ssyncadd.s32 $0xFFFFEC00  }
0x67: {  	[tilespmem:s16], [sflag:$0x1] =	stream.indirect.gather [hbm4b:s12+s19], $0x80, s4, s19, $0xb8;
	[tilespmem:$0x1E800] =	vst v63  }
0x68: {  	_ =	swait.ge [sflag:s20], $0x4000  }
0x69: {  	[sflag:s20] =	ssyncset.done $0x0  }
0x6a: {  	[sflag:s20] =	ssyncadd.s32 $0xFFFFC000  }
0x6b: {  	[spmem:s2] =	stream.indirect.scatter.add.f32 [tilespmem:s16], [sflag:$0x3], $0x80, s18, s19, $0xb8;
	[tilespmem:$0x1E800] =	vst v63  }
0x6c: {  	_ = 	snop  }
0x6d: {  	[tilespmem:s26], [sflag:$0x2] =	stream.indirect.gather [hbm4b:s12+s19], $0x80, s19, s19, $0xb8;
	[tilespmem:$0x1E800] =	vst v63  }
0x6e: {  	_ =	swait.ge [sflag:s28], $0x4000  }
0x6f: {  	[sflag:s28] =	ssyncset.done $0x0  }
0x70: {  	[sflag:s28] =	ssyncadd.s32 $0xFFFFC000  }
0x71: {  	[spmem:s2] =	stream.indirect.scatter.add.f32 [tilespmem:s26], [sflag:$0x4], $0x80, s29, s19, $0xb8;
	[tilespmem:$0x1E800] =	vst v63  }
0x72: {  	_ =	swait.ge [sflag:s30], $0x4000  }
0x73: {  	[sflag:s30] =	ssyncset.done $0x0  }
0x74: {  	[sflag:s30] =	ssyncadd.s32 $0xFFFFC000  }
0x75: {  	[tilespmem:s16], [sflag:$0x1] =	stream.indirect.gather [hbm4b:s12+s19], $0x80, s31, s19, $0xb8;
	[tilespmem:$0x1E800] =	vst v63  }
.LBB2_4:
0x76: {  	_ =	swait.ge [sflag:s20], $0x4000  }
0x77: {  	s14 =	sshra.s32 s4, $0x2;
	[sflag:s20] =	ssyncset.done $0x0  }
0x78: {  	s15 =	sadd.s32 $0x1500, s14;
	[sflag:s20] =	ssyncadd.s32 $0xFFFFC000  }
0x79: {  	[spmem:s2] =	stream.indirect.scatter.add.f32 [tilespmem:s16], [sflag:$0x3], $0x80, s15, s19, $0xb8;
	[tilespmem:$0x1E800] =	vst v63  }
0x7a: {  	_ =	swait.ge [sflag:s0], $0x4000  }
0x7b: {  	[sflag:s0] =	ssyncset.done $0x0  }
0x7c: {  	s21 =	sadd.s32 $0x180, s14;
	[sflag:s0] =	ssyncadd.s32 $0xFFFFC000  }
0x7d: {  	[tilespmem:s26], [sflag:$0x2] =	stream.indirect.gather [hbm4b:s12+s19], $0x80, s21, s19, $0xb8;
	[tilespmem:$0x1E800] =	vst v63  }
0x7e: {  	_ =	swait.ge [sflag:s28], $0x4000  }
0x7f: {  	[sflag:s28] =	ssyncset.done $0x0  }
0x80: {  	p2 =	seq.s32 s4, $0x4800;
	s14 =	sadd.s32 $0x1580, s14;
	[sflag:s28] =	ssyncadd.s32 $0xFFFFC000  }
0x81: {  	[spmem:s2] =	stream.indirect.scatter.add.f32 [tilespmem:s26], [sflag:$0x4], $0x80, s14, s19, $0xb8;
	[tilespmem:$0x1E800] =	vst v63  }
0x82: {  	s15 =	simm.s32 @!p2 $0x80;
	s21 =	simm.s32 @!p2 $0x2800;
	_ =	swait.ge [sflag:s30], $0x4000  }
0x83: {  	s14 =	sshra.s32 @!p2 s4, $0x2;
	s4 =	sadd.s32 @!p2 $0x400, s4;
	[sflag:s30] =	ssyncset.done $0x0  }
0x84: {  	s14 =	sadd.s32 @!p2 $0x200, s14;
	p3 =	sne.s32 @!p2 s4, $0x4C00;
	[sflag:s30] =	ssyncadd.s32 $0xFFFFC000  }
0x85: {  	[tilespmem:s21], [sflag:$0x1] =	stream.indirect.gather @!p2 [hbm4b:s12+s15], $0x80, s14, s15, $0xb8;
	[tilespmem:$0x1E800] =	vst v63  }
0x86: {  	p2 =	por p2, !p3  }
.Ltmp1:
0x87: {  	_ = 	snop;
	(pc) =	sbr.rel @!p2 .LBB2_4-.Ltmp1, $1  }
0x88: {  	_ =	sdelay $0x3  }
0x89: {  	_ =	swait.ge [sflag:s0], $0x4000  }
0x8a: {  	[sflag:s0] =	ssyncset.done $0x0  }
0x8b: {  	[sflag:s0] =	ssyncadd.s32 $0xFFFFC000  }
0x8c: {  	[bflag:$0x0] =	sbarrier.arrive $0xFFFF  }
0x8d: {  	[tilespmem:s16], [sflag:$0x5] =	stream.linear.gather [spmem:s5], $0x4000, $0x38;
	[tilespmem:$0x1E800] =	vst v63  }
0x8e: {  	_ =	swait.ge [sflag:s17], $0x4000  }
0x8f: {  	[sflag:s17] =	ssyncset.done $0x0  }
0x90: {  	s4 =	rddreg [dreg:$0x6];
	[sflag:s17] =	ssyncadd.s32 $0xFFFFC000  }
0x91: {  	[hbm4b:s4+s3] =	stream.linear.scatter [tilespmem:s16], [sflag:$0x5], $0x4000, $0x38;
	[tilespmem:$0x1E800] =	vst v63  }
0x92: {  	_ =	swait.ge [sflag:s17], $0x4000  }
0x93: {  	[sflag:s17] =	ssyncset.done $0x0  }
0x94: {  	[sflag:s17] =	ssyncadd.s32 $0xFFFFC000  }
0x95: {  	[tilespmem:s16], [sflag:$0x5] =	stream.linear.gather [spmem:s6], $0x4000, $0x38;
	[tilespmem:$0x1E800] =	vst v63  }
0x96: {  	_ =	swait.ge [sflag:s17], $0x4000  }
0x97: {  	[sflag:s17] =	ssyncset.done $0x0  }
0x98: {  	[sflag:s17] =	ssyncadd.s32 $0xFFFFC000  }
0x99: {  	[hbm4b:s22+s3] =	stream.linear.scatter [tilespmem:s16], [sflag:$0x5], $0x4000, $0x38;
	[tilespmem:$0x1E800] =	vst v63  }
0x9a: {  	_ =	swait.ge [sflag:s17], $0x4000  }
0x9b: {  	[sflag:s17] =	ssyncset.done $0x0  }
0x9c: {  	[sflag:s17] =	ssyncadd.s32 $0xFFFFC000  }
0x9d: {  	[tilespmem:s16], [sflag:$0x5] =	stream.linear.gather [spmem:s7], $0x4000, $0x38;
	[tilespmem:$0x1E800] =	vst v63  }
0x9e: {  	_ =	swait.ge [sflag:s17], $0x4000  }
0x9f: {  	[sflag:s17] =	ssyncset.done $0x0  }
0xa0: {  	[sflag:s17] =	ssyncadd.s32 $0xFFFFC000  }
0xa1: {  	[hbm4b:s23+s3] =	stream.linear.scatter [tilespmem:s16], [sflag:$0x5], $0x4000, $0x38;
	[tilespmem:$0x1E800] =	vst v63  }
0xa2: {  	_ =	swait.ge [sflag:s17], $0x4000  }
0xa3: {  	[sflag:s17] =	ssyncset.done $0x0  }
0xa4: {  	[sflag:s17] =	ssyncadd.s32 $0xFFFFC000  }
0xa5: {  	[tilespmem:s16], [sflag:$0x5] =	stream.linear.gather [spmem:s8], $0x4000, $0x38;
	[tilespmem:$0x1E800] =	vst v63  }
0xa6: {  	_ =	swait.ge [sflag:s17], $0x4000  }
0xa7: {  	[sflag:s17] =	ssyncset.done $0x0  }
0xa8: {  	[sflag:s17] =	ssyncadd.s32 $0xFFFFC000  }
0xa9: {  	[hbm4b:s24+s3] =	stream.linear.scatter [tilespmem:s16], [sflag:$0x5], $0x4000, $0x38;
	[tilespmem:$0x1E800] =	vst v63  }
0xaa: {  	_ =	swait.ge [sflag:s17], $0x4000  }
0xab: {  	[sflag:s17] =	ssyncset.done $0x0  }
0xac: {  	s4 =	simm.s32 @!p1 $0x2800;
	s14 =	rddreg [dreg:$0x4];
	[sflag:s17] =	ssyncadd.s32 $0xFFFFC000  }
0xad: {  	[tilespmem:s4], [sflag:$0x5] =	stream.linear.gather @!p1 [spmem:s14], $0x800, $0x38;
	[tilespmem:$0x1E800] =	vst v63  }
0xae: {  	s14 =	simm.s32 @!p1 $0x5  }
0xaf: {  	_ =	swait.ge @!p1 [sflag:s14], $0x800  }
0xb0: {  	[sflag:s14] =	ssyncset.done @!p1 $0x0  }
0xb1: {  	s15 =	sadd.s32 @!p1 $0x27000, s13;
	s21 =	simm.s32 @!p1 $0x0;
	[sflag:s14] =	ssyncadd.s32 @!p1 $0xFFFFF800  }
0xb2: {  	[hbm4b:s15+s21] =	stream.linear.scatter @!p1 [tilespmem:s4], [sflag:$0x5], $0x800, $0x38;
	[tilespmem:$0x1E800] =	vst v63  }
0xb3: {  	_ =	swait.ge @!p1 [sflag:s14], $0x800  }
0xb4: {  	[sflag:s14] =	ssyncset.done @!p1 $0x0  }
0xb5: {  	s4 =	simm.s32 @!p0 $0x2800;
	[sflag:s14] =	ssyncadd.s32 @!p1 $0xFFFFF800;
	s14 =	simm.s32 @!p0 $0x5  }
0xb6: {  	[tilespmem:s4], [sflag:$0x5] =	stream.linear.gather @!p0 [spmem:s9], $0x4000, $0x38;
	[tilespmem:$0x1E800] =	vst v63  }
0xb7: {  	_ =	swait.ge @!p0 [sflag:s14], $0x4000  }
0xb8: {  	[sflag:s14] =	ssyncset.done @!p0 $0x0  }
0xb9: {  	s15 =	simm.s32 @!p0 $0x0;
	[sflag:s14] =	ssyncadd.s32 @!p0 $0xFFFFC000  }
0xba: {  	[hbm4b:s25+s15] =	stream.linear.scatter @!p0 [tilespmem:s4], [sflag:$0x5], $0x4000, $0x38;
	[tilespmem:$0x1E800] =	vst v63  }
0xbb: {  	_ =	swait.ge @!p0 [sflag:s14], $0x4000  }
0xbc: {  	s1 =	sadd.s32 $0x1, s1;
	s21 =	rddreg [dreg:$0x5]  }
0xbd: {  	p2 =	sne.s32 s1, s21  }
.Ltmp2:
0xbe: {  	_ = 	snop;
	(pc) =	sbr.rel @p2 .LBB2_1-.Ltmp2, $3  }
0xbf: {  	_ =	sdelay $0x1  }
0xc0: {  	[sflag:s14] =	ssyncset.done @!p0 $0x0  }
0xc1: {  	[sflag:s14] =	ssyncadd.s32 @!p0 $0xFFFFC000  }
0xc2: {  	_ =	sfence.sel $0x180000  }
0xc3: {  	[bflag:$0x0] =	sbarrier.arrive $0xFFFF  }
0xc4: {  	_ =	strace $0x9000004A  }
0xc5: {  	s0 =	stileid.u32;
	[bflag:$0x2] =	sbarrier.arrive $0xFFFF  }
0xc6: {  	p0 =	sne.s32 s0, $0x0;
	s0 =	rddreg [dreg:$0x2]  }
0xc7: {  	s0 =	sadd.s32 @!p0 $0x100000, s0  }
0xc8: {  	[sflag:s0] =	ssyncadd.tile.s32 @!p0 $0x1;
	_ =	shalt  }
.Lfunc_end2:
_tile_overlayer_lowered:
.L_overlay_start_2:
0xc9: {  	(tag) =	ssettag $0x2  }
0xca: {  	s0 =	rddreg [dreg:$0x0];
	s2 =	stileid.u32  }
0xcb: {  	s1 =	rddreg [dreg:$0x1];
	p0 =	sne.s32 s2, $0x0  }
0xcc: {  	s3 =	rddreg [dreg:$0x2];
	[bflag:$0x3] =	sbarrier.arrive $0xFFFF;
	s2 =	simm.s32 @!p0 $0x1C05  }
0xcd: {  	[timem:s3], [sflag:s2] =	dma.local @!p0 [hbm:s0], s1  }
0xce: {  	s0 =	simm.s32 @!p0 $0x5  }
0xcf: {  	_ =	swait.ge @!p0 [sflag:s0], s1  }
0xd0: {  	s1 =	ssub.s32 @!p0 $0x0, s1;
	[sflag:s0] =	ssyncset.done @!p0 $0x0  }
0xd1: {  	[sflag:s0] =	ssyncadd.s32 @!p0 s1  }
0xd2: {  	[bflag:$0x3] =	sbarrier.arrive $0xFFFF  }
0xd3: {  	_ =	shalt  }

// kernel: kernel.14.cloned.1.call-start
scs
__scs_entry_jumppad:
0x0: {  	(pc) =	sbr.rel $0x88, $3  }
0x1: {  	(tag) =	ssettag $0x0;
	lr =	simm.s32 $0x1  }
0x2: {  	[smem:$0x3F89] =	sst lr;
	_ =	strace $0xD0000000  }
0x3: {  	_ = 	snop  }
0x4: {  	_ = 	snop  }
0x5: {  	_ = 	snop  }
0x6: {  	_ = 	snop  }
0x7: {  	_ = 	snop  }
__scs_overlays_trampoline_lowered:
0x8: {  	[smem:$0x3F98] =	sst s0  }
0x9: {  	[smem:$0x3F99] =	sst s1  }
0xa: {  	[smem:$0x3F9A] =	sst s2  }
0xb: {  	[smem:$0x3F9B] =	sst s3  }
0xc: {  	[smem:$0x3F9C] =	sst s4  }
0xd: {  	[smem:$0x3F9D] =	sst s5  }
0xe: {  	[smem:$0x3F9E] =	sst s6  }
0xf: {  	[smem:$0x3F9F] =	sst s7  }
0x10: {  	[smem:$0x3FA0] =	sst s8  }
0x11: {  	[smem:$0x3FA1] =	sst s9;
	s0 =	simm.s32 @!p0 $0x0  }
0x12: {  	s1 =	sld [smem:$0x3F87];
	s0 =	simm.s32 @p0 $0x1  }
0x13: {  	[smem:$0x3FA2] =	sst s0;
	s0 =	simm.s32 @!p1 $0x0  }
0x14: {  	s2 =	sld [smem:$0x3F86];
	s0 =	simm.s32 @p1 $0x1  }
0x15: {  	[smem:$0x3FA3] =	sst s0;
	s0 =	simm.s32 @!p2 $0x0  }
0x16: {  	s3 =	sld [smem:$0x3FDB];
	s0 =	simm.s32 @p2 $0x1  }
0x17: {  	s4 =	simm.s32 $0x1BF5;
	[smem:$0x3FA5] =	sst s0  }
0x18: {  	s0 =	sld [smem:$0x3F88];
	_ =	swait.ge [sflag:s4], $0x0  }
0x19: {  	s7 =	sld [smem:$0x3F89]  }
0x1a: {  	s8 =	sadd.s32 $0xFFFFE003, lr  }
0x1b: {  	s9 =	sadd.s32 $0xFFFFFEF7, lr;
	s5 =	simm.s32 $0xFFFFFFFF;
	p2 =	slt.u32 s8, $0xFFFFF086  }
0x1c: {  	p1 =	slt.u32 s9, $0xF7A;
	s5 =	simm.s32 @!p2 $0x0  }
0x1d: {  	s5 =	simm.s32 @p1 $0x1;
	p0 =	seq.s32 s7, s2  }
0x1e: {  	s7 =	smul.u32 @!p0 $0xF7A, s2;
	p2 =	seq.s32 @!p0 s5, $0x0  }
0x1f: {  	s9 =	smul.u32 $0xF7A, s1;
	s8 =	simm.s32 @!p0 $0x1BF5;
	p2 =	por !p2, p0  }
0x20: {  	[sflag:s8] =	ssyncset.s32 @!p0 $0xFFFFF086;
	s6 =	sadd.s32 @!p0 s3, s7;
	s7 =	simm.s32 @!p0 $0x108  }
0x21: {  	s3 =	sadd.s32 s3, s9;
	s6 =	sadd.s32 @!p0 $0x88, s6;
	s7 =	simm.s32 @p2 $0x1082  }
0x22: {  	[simem:s7], [sflag:s8] =	dma.local @!p0 [hbm:s6], $0xF7A  }
0x23: {  	s9 =	sor.u32 $0xD0000000, s2;
	s6 =	simm.s32 $0x108;
	_ =	swait.ge @!p0 [sflag:s8], $0x0  }
0x24: {  	s3 =	sadd.s32 $0x88, s3;
	s6 =	simm.s32 @!p1 $0x1082;
	[sflag:s4] =	ssyncset.s32 $0xFFFFF086  }
0x25: {  	[simem:s6], [sflag:s4] =	dma.local [hbm:s3], $0xF7A  }
0x26: {  	[smem:$0x3F89] =	sst s1;
	(tag) =	ssettag s2;
	_ =	strace s9  }
0x27: {  	s1 =	sld [smem:$0x3F99]  }
0x28: {  	s2 =	sld [smem:$0x3F9A]  }
0x29: {  	s4 =	sld [smem:$0x3F9C]  }
0x2a: {  	p0 =	seq.s32 s5, $0x0;
	s5 =	sld [smem:$0x3F9D]  }
0x2b: {  	s6 =	sld [smem:$0x3F9E]  }
0x2c: {  	s7 =	sld [smem:$0x3F9F]  }
0x2d: {  	s3 =	simm.s32 $0x108;
	s8 =	sld [smem:$0x3FA0]  }
0x2e: {  	s3 =	simm.s32 @!p0 $0x1082;
	s9 =	sld [smem:$0x3FA1]  }
0x2f: {  	lr =	sadd.s32 s0, s3;
	s0 =	sld [smem:$0x3F98]  }
0x30: {  	s3 =	sld [smem:$0x3F9B]  }
0x31: {  	[smem:$0x3FA4] =	sst s10  }
0x32: {  	s10 =	sld [smem:$0x3FA2];
	_ =	sdelay $0x3  }
0x33: {  	p0 =	seq.s32 s10, $0x1;
	s10 =	sld [smem:$0x3FA4];
	_ =	sdelay $0x3  }
0x34: {  	[smem:$0x3FA4] =	sst s10  }
0x35: {  	s10 =	sld [smem:$0x3FA3];
	_ =	sdelay $0x3  }
0x36: {  	p1 =	seq.s32 s10, $0x1;
	s10 =	sld [smem:$0x3FA4];
	_ =	sdelay $0x3  }
0x37: {  	[smem:$0x3FA4] =	sst s10  }
0x38: {  	s10 =	sld [smem:$0x3FA5]  }
0x39: {  	_ = 	snop;
	(pc) =	sbr.ind lr, $3  }
0x3a: {  	_ = 	snop  }
0x3b: {  	_ = 	snop  }
0x3c: {  	p2 =	seq.s32 s10, $0x1;
	s10 =	sld [smem:$0x3FA4]  }
0x3d: {  	_ =	shalt  }
0x3e: {  	_ =	shalt  }
0x3f: {  	_ =	shalt  }
0x40: {  	_ =	shalt  }
0x41: {  	_ =	shalt  }
0x42: {  	_ =	shalt  }
0x43: {  	_ =	shalt  }
0x44: {  	_ =	shalt  }
0x45: {  	_ =	shalt  }
0x46: {  	_ =	shalt  }
0x47: {  	_ =	shalt  }
0x48: {  	_ =	shalt  }
0x49: {  	_ =	shalt  }
0x4a: {  	_ =	shalt  }
0x4b: {  	_ =	shalt  }
0x4c: {  	_ =	shalt  }
0x4d: {  	_ =	shalt  }
0x4e: {  	_ =	shalt  }
0x4f: {  	_ =	shalt  }
0x50: {  	_ =	shalt  }
0x51: {  	_ =	shalt  }
0x52: {  	_ =	shalt  }
0x53: {  	_ =	shalt  }
0x54: {  	_ =	shalt  }
0x55: {  	_ =	shalt  }
0x56: {  	_ =	shalt  }
0x57: {  	_ =	shalt  }
0x58: {  	_ =	shalt  }
0x59: {  	_ =	shalt  }
0x5a: {  	_ =	shalt  }
0x5b: {  	_ =	shalt  }
0x5c: {  	_ =	shalt  }
0x5d: {  	_ =	shalt  }
0x5e: {  	_ =	shalt  }
0x5f: {  	_ =	shalt  }
0x60: {  	_ =	shalt  }
0x61: {  	_ =	shalt  }
0x62: {  	_ =	shalt  }
0x63: {  	_ =	shalt  }
0x64: {  	_ =	shalt  }
0x65: {  	_ =	shalt  }
0x66: {  	_ =	shalt  }
0x67: {  	_ =	shalt  }
0x68: {  	_ =	shalt  }
0x69: {  	_ =	shalt  }
0x6a: {  	_ =	shalt  }
0x6b: {  	_ =	shalt  }
0x6c: {  	_ =	shalt  }
0x6d: {  	_ =	shalt  }
0x6e: {  	_ =	shalt  }
0x6f: {  	_ =	shalt  }
0x70: {  	_ =	shalt  }
0x71: {  	_ =	shalt  }
0x72: {  	_ =	shalt  }
0x73: {  	_ =	shalt  }
0x74: {  	_ =	shalt  }
0x75: {  	_ =	shalt  }
0x76: {  	_ =	shalt  }
0x77: {  	_ =	shalt  }
0x78: {  	_ =	shalt  }
0x79: {  	_ =	shalt  }
0x7a: {  	_ =	shalt  }
0x7b: {  	_ =	shalt  }
0x7c: {  	_ =	shalt  }
0x7d: {  	_ =	shalt  }
0x7e: {  	_ =	shalt  }
0x7f: {  	_ =	shalt  }
0x80: {  	_ =	shalt  }
0x81: {  	_ =	shalt  }
0x82: {  	_ =	shalt  }
0x83: {  	_ =	shalt  }
0x84: {  	_ =	shalt  }
0x85: {  	_ =	shalt  }
0x86: {  	_ =	shalt  }
0x87: {  	_ =	shalt  }
.Lfunc_end0:
.L_simem_size_0:
called_computation.2_lowered:
.L_overlay_start_0:
0x88: {  	s2 =	sld [smem:$0x3FD9]  }
0x89: {  	s3 =	sld [smem:$0x3FFE];
	_ =	sdelay $0x1  }
0x8a: {  	s1 =	srdreg.scid  }
0x8b: {  	s0 =	sand.u32 $0x1, s1  }
0x8c: {  	s16 =	sshll.u32 s0, $0xA;
	s2 =	sadd.s32 s3, s2  }
0x8d: {  	s2 =	sadd.s32 s2, s16  }
0x8e: {  	[smem:$0x3FB0] =	sst s2  }
0x8f: {  	_ = 	snop  }
0x90: {  	(tm) =	ssettm $0x1  }
0x91: {  	s17 =	sld [smem:$0x3FFB];
	_ =	sdelay $0x3  }
0x92: {  	_ =	strace s17  }
0x93: {  	s2 =	sld [smem:$0x3FFC];
	_ =	sdelay $0x3  }
0x94: {  	_ =	strace s2  }
0x95: {  	s2 =	sld [smem:$0x3FFD];
	_ =	sdelay $0x3  }
0x96: {  	_ =	strace s2  }
0x97: {  	_ =	strace $0x8FFFFFFF  }
0x98: {  	s18 =	sld [smem:$0x3FDB];
	_ =	sdelay $0x1  }
0x99: {  	s19 =	simm.s32 $_scs_section_size  }
0x9a: {  	s4 =	simm.s32 $_size__tile_overlayer_lowered;
	s5 =	simm.s32 $_tile_overlayer_lowered  }
0x9b: {  	s22 =	simm.s32 $0x1BFF;
	s21 =	sshll.u32 s5, $0x1;
	s2 =	sadd.s32 s19, s18  }
0x9c: {  	s6 =	simm.s32 $0x0;
	s20 =	sshll.u32 s4, $0x1;
	s4 =	sadd.s32 s21, s2  }
0x9d: {  	[timem:s6], [sflag:s22] =	dma.local [hbm:s4], s20  }
0x9e: {  	_ =	swait.ge [sflag:s22], s20  }
0x9f: {  	s3 =	ssub.s32 $0x0, s20;
	[sflag:s22] =	ssyncset.done $0x0  }
0xa0: {  	[sflag:s22] =	ssyncadd.s32 s3;
	_ =	sdelay $0x1  }
0xa1: {  	s23 =	simm.s32 $0x1B8B  }
0xa2: {  	_ =	swait.ge [sflag:s23], $0x1  }
0xa3: {  	[sflag:s23] =	ssyncset.done $0x0  }
0xa4: {  	s25 =	simm.s32 $0x1B8E;
	s24 =	sld [smem:$0x3FFE];
	[sflag:s23] =	ssyncadd.s32 $0xFFFFFFFF  }
0xa5: {  	s26 =	simm.s32 $execute0_lowered;
	[smem:$0x3FD2] =	sst s25  }
0xa6: {  	s4 =	sshll.u32 s26, $0x1;
	_ =	strace $0x8000004C;
	[dreg:$0x1] =	wrdreg $0xFFFFFFFF  }
0xa7: {  	s28 =	simm.s32 $_size_execute0_lowered;
	s2 =	sadd.s32 s2, s4;
	[dreg:$0x0] =	wrdreg $0x0  }
0xa8: {  	s4 =	sshll.u32 s28, $0x1;
	[dreg:$0x2] =	wrdreg s2  }
0xa9: {  	[dreg:$0x3] =	wrdreg s4  }
0xaa: {  	[dreg:$0x4] =	wrdreg $0xC0  }
0xab: {  	_ =	task [dreg:s6], $0x5FFFF  }
0xac: {  	[dreg:$0x1] =	wrdreg $0xFFFFFFFF  }
0xad: {  	[dreg:$0x0] =	wrdreg $0x60  }
0xae: {  	[dreg:$0x2] =	wrdreg s24  }
0xaf: {  	[dreg:$0x3] =	wrdreg $0xA8000  }
0xb0: {  	[dreg:$0x4] =	wrdreg $0x9  }
0xb1: {  	_ =	task.clear_ibuf [dreg:s6], $0x5FFFF;
	_ =	strace $0x9000004C  }
0xb2: {  	s29 =	simm.s32 $0x9;
	_ =	strace $0x8000004E  }
0xb3: {  	_ =	swait.ge [sflag:s29], $0x1  }
0xb4: {  	[sflag:s29] =	ssyncadd.s32 $0xFFFFFFFF  }
0xb5: {  	_ =	strace $0x9000004E  }
0xb6: {  	_ =	sfence  }
0xb7: {  	s30 =	sld [smem:$0x0];
	_ =	sdelay $0x2  }
0xb8: {  	s31 =	sshll.u32 s1, $0xD;
	s1 =	sshrl.u32 s1, $0x2  }
0xb9: {  	s3 =	sand.u32 $0x4000, s31;
	s1 =	sadd.s32 s1, s30  }
0xba: {  	s0 =	sor.u32 s3, s0;
	s1 =	sshll.u32 s1, $0x11  }
0xbb: {  	s0 =	sor.u32 s1, s0  }
0xbc: {  	s0 =	sadd.s32 $0x8F2B, s0  }
0xbd: {  	[sflag:s0] =	ssyncadd.remote.s32 $0x1  }
0xbe: {  	_ =	sfence.sel $0xFFFF  }
0xbf: {  	[dreg:$0x0] =	wrdreg $0xFFFFFFFF;
	(pc) =	sbr.abs _section_cstart, $3  }
0xc0: {  	[dreg:$0x1] =	wrdreg $0xFFFFFFFF  }
0xc1: {  	_ =	task.clear_ibuf [dreg:s6], $0x2FFFF;
	_ =	strace $0x9FFFFFFF  }
0xc2: {  	(tm) =	ssettm $0x7FFFFFFF  }
0xc3: {  	_ =	shalt  }
tec
execute0_lowered:
.L_overlay_start_1:
0x0: {  	(tag) =	ssettag $0x1  }
0x1: {  	s0 =	rddreg [dreg:$0x0]  }
0x2: {  	s2 =	rddreg [dreg:$0x1]  }
0x3: {  	s3 =	simm.s32 $0x0;
	s21 =	stileid.u32;
	s1 =	srdreg.scid  }
0x4: {  	s18 =	simm.s32 $0x1400;
	s19 =	simm.s32 $0x80;
	s20 =	simm.s32 $0x1  }
0x5: {  	s28 =	simm.s32 $0x2;
	s29 =	simm.s32 $0x1480;
	s30 =	simm.s32 $0x3  }
0x6: {  	s31 =	simm.s32 $0x100;
	[smem:$0x7FF] =	sst s3;
	s4 =	smul.u32 $0x500, s21  }
0x7: {  	s1 =	sand.u32 $0x1, s1;
	s6 =	sadd.s32 $0x5CA00, s0;
	s14 =	sor.u32 $0x10, s21  }
0x8: {  	s25 =	sshll.u32 s21, $0xE;
	s15 =	sor.u32 $0x20, s21;
	s16 =	sor.u32 $0x30, s21  }
0x9: {  	s17 =	sor.u32 $0x40, s21;
	p0 =	sgt.u32 s21, $0xD;
	_ =	strace $0x8000004D  }
0xa: {  	s5 =	smul.u32 $0x27100, s1;
	[dreg:$0x3] =	wrdreg s6;
	s1 =	ssub.s32 $0x2, s1  }
0xb: {  	s26 =	sshll.u32 s14, $0xE;
	s7 =	sshll.u32 s15, $0xE;
	s8 =	sshll.u32 s16, $0xE  }
0xc: {  	s9 =	sshll.u32 s17, $0xE;
	s22 =	sshll.u32 s14, $0xB;
	s23 =	sshll.u32 s15, $0xB  }
0xd: {  	p1 =	sne.s32 @p0 s21, $0xF;
	s4 =	sadd.s32 s4, s0;
	s24 =	sshrl.u32 s1, $0x1  }
0xe: {  	s6 =	sadd.s32 s26, s2;
	s7 =	sadd.s32 s7, s2;
	s8 =	sadd.s32 s8, s2  }
0xf: {  	s9 =	sadd.s32 s9, s2;
	s26 =	sadd.s32 $0x138000, s2;
	p1 =	por p1, !p0  }
0x10: {  	s0 =	sadd.s32 s5, s0;
	s1 =	ssub.s32 s1, s24;
	s5 =	sadd.s32 s25, s2  }
0x11: {  	s10 =	sadd.s32 $0x52A00, s4;
	s11 =	sadd.s32 $0x57A00, s4;
	s4 =	sshll.u32 s21, $0xB  }
0x12: {  	s24 =	sshll.u32 s16, $0xB;
	[dreg:$0x4] =	wrdreg s26;
	s25 =	sshll.u32 s17, $0xB  }
0x13: {  	s16 =	simm.s32 $0x2800;
	s17 =	simm.s32 $0x5;
	s26 =	simm.s32 $0x6800  }
0x14: {  	s12 =	sadd.s32 $0x4800, s0;
	s13 =	sadd.s32 $0x5D200, s0;
	s1 =	smax.u32 s1, $0x1  }
0x15: {  	[dreg:$0x5] =	wrdreg s1;
	s0 =	sadd.s32 s4, s13;
	s22 =	sadd.s32 s22, s13  }
0x16: {  	s23 =	sadd.s32 s23, s13;
	s24 =	sadd.s32 s24, s13;
	s25 =	sadd.s32 @!p0 s25, s13  }
0x17: {  	s1 =	simm.s32 $0x0;
	[dreg:$0x6] =	wrdreg s0;
	s0 =	simm.s32 $0x4  }
.LBB2_1:
0x18: {  	s4 =	rddreg [dreg:$0x3]  }
0x19: {  	[tilespmem:s16], [sflag:$0x5] =	stream.linear.gather [hbm4b:s4+s3], $0x4000, $0x38;
	[tilespmem:$0x1E800] =	vst v63  }
0x1a: {  	_ =	swait.ge [sflag:s17], $0x4000  }
0x1b: {  	[sflag:s17] =	ssyncset.done $0x0  }
0x1c: {  	[sflag:s17] =	ssyncadd.s32 $0xFFFFC000  }
0x1d: {  	[spmem:s5] =	stream.linear.scatter [tilespmem:s16], [sflag:$0x5], $0x4000, $0x38;
	[tilespmem:$0x1E800] =	vst v63  }
0x1e: {  	_ =	swait.ge [sflag:s17], $0x4000  }
0x1f: {  	[sflag:s17] =	ssyncset.done $0x0  }
0x20: {  	[sflag:s17] =	ssyncadd.s32 $0xFFFFC000  }
0x21: {  	[spmem:s6] =	stream.linear.scatter [tilespmem:s16], [sflag:$0x5], $0x4000, $0x38;
	[tilespmem:$0x1E800] =	vst v63  }
0x22: {  	_ =	swait.ge [sflag:s17], $0x4000  }
0x23: {  	[sflag:s17] =	ssyncset.done $0x0  }
0x24: {  	[sflag:s17] =	ssyncadd.s32 $0xFFFFC000  }
0x25: {  	[spmem:s7] =	stream.linear.scatter [tilespmem:s16], [sflag:$0x5], $0x4000, $0x38;
	[tilespmem:$0x1E800] =	vst v63  }
0x26: {  	_ =	swait.ge [sflag:s17], $0x4000  }
0x27: {  	[sflag:s17] =	ssyncset.done $0x0  }
0x28: {  	[sflag:s17] =	ssyncadd.s32 $0xFFFFC000  }
0x29: {  	[spmem:s8] =	stream.linear.scatter [tilespmem:s16], [sflag:$0x5], $0x4000, $0x38;
	[tilespmem:$0x1E800] =	vst v63  }
0x2a: {  	_ =	swait.ge [sflag:s17], $0x4000  }
0x2b: {  	[sflag:s17] =	ssyncset.done $0x0  }
0x2c: {  	[sflag:s17] =	ssyncadd.s32 $0xFFFFC000  }
0x2d: {  	[spmem:s9] =	stream.linear.scatter [tilespmem:s16], [sflag:$0x5], $0x4000, $0x38;
	[tilespmem:$0x1E800] =	vst v63  }
0x2e: {  	_ =	swait.ge [sflag:s17], $0x4000  }
0x2f: {  	[sflag:s17] =	ssyncset.done $0x0  }
0x30: {  	[sflag:s17] =	ssyncadd.s32 $0xFFFFC000  }
0x31: {  	[bflag:$0x0] =	sbarrier.arrive $0xFFFF  }
0x32: {  	[tilespmem:s3], [sflag:$0x5] =	stream.linear.gather [hbm4b:s10+s3], $0x1400, $0x38;
	[tilespmem:$0x1E800] =	vst v63  }
0x33: {  	_ =	swait.ge [sflag:s17], $0x1400  }
0x34: {  	[sflag:s17] =	ssyncset.done $0x0  }
0x35: {  	[sflag:s17] =	ssyncadd.s32 $0xFFFFEC00  }
0x36: {  	[tilespmem:s18], [sflag:$0x5] =	stream.linear.gather [hbm4b:s11+s3], $0x1400, $0x38;
	[tilespmem:$0x1E800] =	vst v63  }
0x37: {  	_ =	swait.ge [sflag:s17], $0x1400  }
0x38: {  	[sflag:s17] =	ssyncset.done $0x0  }
0x39: {  	[sflag:s17] =	ssyncadd.s32 $0xFFFFEC00  }
0x3a: {  	[tilespmem:s16], [sflag:$0x1] =	stream.indirect.gather [hbm4b:s12+s19], $0x80, s3, s19, $0xb8;
	[tilespmem:$0x1E800] =	vst v63  }
0x3b: {  	_ =	swait.ge [sflag:s20], $0x4000  }
0x3c: {  	[sflag:s20] =	ssyncset.done $0x0  }
0x3d: {  	[sflag:s20] =	ssyncadd.s32 $0xFFFFC000  }
0x3e: {  	[spmem:s2] =	stream.indirect.scatter.add.f32 [tilespmem:s16], [sflag:$0x3], $0x80, s18, s19, $0xb8;
	[tilespmem:$0x1E800] =	vst v63  }
0x3f: {  	_ = 	snop  }
0x40: {  	[tilespmem:s26], [sflag:$0x2] =	stream.indirect.gather [hbm4b:s12+s19], $0x80, s19, s19, $0xb8;
	[tilespmem:$0x1E800] =	vst v63  }
0x41: {  	_ =	swait.ge [sflag:s28], $0x4000  }
0x42: {  	[sflag:s28] =	ssyncset.done $0x0  }
0x43: {  	[sflag:s28] =	ssyncadd.s32 $0xFFFFC000  }
0x44: {  	[spmem:s2] =	stream.indirect.scatter.add.f32 [tilespmem:s26], [sflag:$0x4], $0x80, s29, s19, $0xb8;
	[tilespmem:$0x1E800] =	vst v63  }
0x45: {  	_ =	swait.ge [sflag:s30], $0x4000  }
0x46: {  	[sflag:s30] =	ssyncset.done $0x0  }
0x47: {  	s4 =	simm.s32 $0x0;
	[sflag:s30] =	ssyncadd.s32 $0xFFFFC000  }
0x48: {  	[tilespmem:s16], [sflag:$0x1] =	stream.indirect.gather [hbm4b:s12+s19], $0x80, s31, s19, $0xb8;
	[tilespmem:$0x1E800] =	vst v63  }
.LBB2_2:
0x49: {  	_ =	swait.ge [sflag:s20], $0x4000  }
0x4a: {  	s14 =	sshra.s32 s4, $0x2;
	[sflag:s20] =	ssyncset.done $0x0  }
0x4b: {  	s15 =	sadd.s32 $0x1500, s14;
	[sflag:s20] =	ssyncadd.s32 $0xFFFFC000  }
0x4c: {  	[spmem:s2] =	stream.indirect.scatter.add.f32 [tilespmem:s16], [sflag:$0x3], $0x80, s15, s19, $0xb8;
	[tilespmem:$0x1E800] =	vst v63  }
0x4d: {  	_ =	swait.ge [sflag:s0], $0x4000  }
0x4e: {  	[sflag:s0] =	ssyncset.done $0x0  }
0x4f: {  	s21 =	sadd.s32 $0x180, s14;
	[sflag:s0] =	ssyncadd.s32 $0xFFFFC000  }
0x50: {  	[tilespmem:s26], [sflag:$0x2] =	stream.indirect.gather [hbm4b:s12+s19], $0x80, s21, s19, $0xb8;
	[tilespmem:$0x1E800] =	vst v63  }
0x51: {  	_ =	swait.ge [sflag:s28], $0x4000  }
0x52: {  	[sflag:s28] =	ssyncset.done $0x0  }
0x53: {  	p2 =	seq.s32 s4, $0x4800;
	s14 =	sadd.s32 $0x1580, s14;
	[sflag:s28] =	ssyncadd.s32 $0xFFFFC000  }
0x54: {  	[spmem:s2] =	stream.indirect.scatter.add.f32 [tilespmem:s26], [sflag:$0x4], $0x80, s14, s19, $0xb8;
	[tilespmem:$0x1E800] =	vst v63  }
0x55: {  	s15 =	simm.s32 @!p2 $0x80;
	s21 =	simm.s32 @!p2 $0x2800;
	_ =	swait.ge [sflag:s30], $0x4000  }
0x56: {  	s14 =	sshra.s32 @!p2 s4, $0x2;
	s4 =	sadd.s32 @!p2 $0x400, s4;
	[sflag:s30] =	ssyncset.done $0x0  }
0x57: {  	s14 =	sadd.s32 @!p2 $0x200, s14;
	p3 =	sne.s32 @!p2 s4, $0x4C00;
	[sflag:s30] =	ssyncadd.s32 $0xFFFFC000  }
0x58: {  	[tilespmem:s21], [sflag:$0x1] =	stream.indirect.gather @!p2 [hbm4b:s12+s15], $0x80, s14, s15, $0xb8;
	[tilespmem:$0x1E800] =	vst v63  }
0x59: {  	p2 =	por p2, !p3  }
.Ltmp0:
0x5a: {  	_ = 	snop;
	(pc) =	sbr.rel @!p2 .LBB2_2-.Ltmp0, $1  }
0x5b: {  	_ =	sdelay $0x3  }
0x5c: {  	_ =	swait.ge [sflag:s0], $0x4000  }
0x5d: {  	[sflag:s0] =	ssyncset.done $0x0  }
0x5e: {  	s14 =	sadd.s32 $0x280, s10;
	s4 =	simm.s32 $0x0;
	[sflag:s0] =	ssyncadd.s32 $0xFFFFC000  }
0x5f: {  	[tilespmem:s4], [sflag:$0x5] =	stream.linear.gather [hbm4b:s14+s4], $0x1400, $0x38;
	[tilespmem:$0x1E800] =	vst v63  }
0x60: {  	_ =	swait.ge [sflag:s17], $0x1400  }
0x61: {  	[sflag:s17] =	ssyncset.done $0x0  }
0x62: {  	s21 =	sadd.s32 $0x280, s11;
	[sflag:s17] =	ssyncadd.s32 $0xFFFFEC00  }
0x63: {  	[tilespmem:s18], [sflag:$0x5] =	stream.linear.gather [hbm4b:s21+s4], $0x1400, $0x38;
	[tilespmem:$0x1E800] =	vst v63  }
0x64: {  	_ =	swait.ge [sflag:s17], $0x1400  }
0x65: {  	[sflag:s17] =	ssyncset.done $0x0  }
0x66: {  	[sflag:s17] =	ssyncadd.s32 $0xFFFFEC00  }
0x67: {  	[tilespmem:s16], [sflag:$0x1] =	stream.indirect.gather [hbm4b:s12+s19], $0x80, s4, s19, $0xb8;
	[tilespmem:$0x1E800] =	vst v63  }
0x68: {  	_ =	swait.ge [sflag:s20], $0x4000  }
0x69: {  	[sflag:s20] =	ssyncset.done $0x0  }
0x6a: {  	[sflag:s20] =	ssyncadd.s32 $0xFFFFC000  }
0x6b: {  	[spmem:s2] =	stream.indirect.scatter.add.f32 [tilespmem:s16], [sflag:$0x3], $0x80, s18, s19, $0xb8;
	[tilespmem:$0x1E800] =	vst v63  }
0x6c: {  	_ = 	snop  }
0x6d: {  	[tilespmem:s26], [sflag:$0x2] =	stream.indirect.gather [hbm4b:s12+s19], $0x80, s19, s19, $0xb8;
	[tilespmem:$0x1E800] =	vst v63  }
0x6e: {  	_ =	swait.ge [sflag:s28], $0x4000  }
0x6f: {  	[sflag:s28] =	ssyncset.done $0x0  }
0x70: {  	[sflag:s28] =	ssyncadd.s32 $0xFFFFC000  }
0x71: {  	[spmem:s2] =	stream.indirect.scatter.add.f32 [tilespmem:s26], [sflag:$0x4], $0x80, s29, s19, $0xb8;
	[tilespmem:$0x1E800] =	vst v63  }
0x72: {  	_ =	swait.ge [sflag:s30], $0x4000  }
0x73: {  	[sflag:s30] =	ssyncset.done $0x0  }
0x74: {  	[sflag:s30] =	ssyncadd.s32 $0xFFFFC000  }
0x75: {  	[tilespmem:s16], [sflag:$0x1] =	stream.indirect.gather [hbm4b:s12+s19], $0x80, s31, s19, $0xb8;
	[tilespmem:$0x1E800] =	vst v63  }
.LBB2_4:
0x76: {  	_ =	swait.ge [sflag:s20], $0x4000  }
0x77: {  	s14 =	sshra.s32 s4, $0x2;
	[sflag:s20] =	ssyncset.done $0x0  }
0x78: {  	s15 =	sadd.s32 $0x1500, s14;
	[sflag:s20] =	ssyncadd.s32 $0xFFFFC000  }
0x79: {  	[spmem:s2] =	stream.indirect.scatter.add.f32 [tilespmem:s16], [sflag:$0x3], $0x80, s15, s19, $0xb8;
	[tilespmem:$0x1E800] =	vst v63  }
0x7a: {  	_ =	swait.ge [sflag:s0], $0x4000  }
0x7b: {  	[sflag:s0] =	ssyncset.done $0x0  }
0x7c: {  	s21 =	sadd.s32 $0x180, s14;
	[sflag:s0] =	ssyncadd.s32 $0xFFFFC000  }
0x7d: {  	[tilespmem:s26], [sflag:$0x2] =	stream.indirect.gather [hbm4b:s12+s19], $0x80, s21, s19, $0xb8;
	[tilespmem:$0x1E800] =	vst v63  }
0x7e: {  	_ =	swait.ge [sflag:s28], $0x4000  }
0x7f: {  	[sflag:s28] =	ssyncset.done $0x0  }
0x80: {  	p2 =	seq.s32 s4, $0x4800;
	s14 =	sadd.s32 $0x1580, s14;
	[sflag:s28] =	ssyncadd.s32 $0xFFFFC000  }
0x81: {  	[spmem:s2] =	stream.indirect.scatter.add.f32 [tilespmem:s26], [sflag:$0x4], $0x80, s14, s19, $0xb8;
	[tilespmem:$0x1E800] =	vst v63  }
0x82: {  	s15 =	simm.s32 @!p2 $0x80;
	s21 =	simm.s32 @!p2 $0x2800;
	_ =	swait.ge [sflag:s30], $0x4000  }
0x83: {  	s14 =	sshra.s32 @!p2 s4, $0x2;
	s4 =	sadd.s32 @!p2 $0x400, s4;
	[sflag:s30] =	ssyncset.done $0x0  }
0x84: {  	s14 =	sadd.s32 @!p2 $0x200, s14;
	p3 =	sne.s32 @!p2 s4, $0x4C00;
	[sflag:s30] =	ssyncadd.s32 $0xFFFFC000  }
0x85: {  	[tilespmem:s21], [sflag:$0x1] =	stream.indirect.gather @!p2 [hbm4b:s12+s15], $0x80, s14, s15, $0xb8;
	[tilespmem:$0x1E800] =	vst v63  }
0x86: {  	p2 =	por p2, !p3  }
.Ltmp1:
0x87: {  	_ = 	snop;
	(pc) =	sbr.rel @!p2 .LBB2_4-.Ltmp1, $1  }
0x88: {  	_ =	sdelay $0x3  }
0x89: {  	_ =	swait.ge [sflag:s0], $0x4000  }
0x8a: {  	[sflag:s0] =	ssyncset.done $0x0  }
0x8b: {  	[sflag:s0] =	ssyncadd.s32 $0xFFFFC000  }
0x8c: {  	[bflag:$0x0] =	sbarrier.arrive $0xFFFF  }
0x8d: {  	[tilespmem:s16], [sflag:$0x5] =	stream.linear.gather [spmem:s5], $0x4000, $0x38;
	[tilespmem:$0x1E800] =	vst v63  }
0x8e: {  	_ =	swait.ge [sflag:s17], $0x4000  }
0x8f: {  	[sflag:s17] =	ssyncset.done $0x0  }
0x90: {  	s4 =	rddreg [dreg:$0x6];
	[sflag:s17] =	ssyncadd.s32 $0xFFFFC000  }
0x91: {  	[hbm4b:s4+s3] =	stream.linear.scatter [tilespmem:s16], [sflag:$0x5], $0x4000, $0x38;
	[tilespmem:$0x1E800] =	vst v63  }
0x92: {  	_ =	swait.ge [sflag:s17], $0x4000  }
0x93: {  	[sflag:s17] =	ssyncset.done $0x0  }
0x94: {  	[sflag:s17] =	ssyncadd.s32 $0xFFFFC000  }
0x95: {  	[tilespmem:s16], [sflag:$0x5] =	stream.linear.gather [spmem:s6], $0x4000, $0x38;
	[tilespmem:$0x1E800] =	vst v63  }
0x96: {  	_ =	swait.ge [sflag:s17], $0x4000  }
0x97: {  	[sflag:s17] =	ssyncset.done $0x0  }
0x98: {  	[sflag:s17] =	ssyncadd.s32 $0xFFFFC000  }
0x99: {  	[hbm4b:s22+s3] =	stream.linear.scatter [tilespmem:s16], [sflag:$0x5], $0x4000, $0x38;
	[tilespmem:$0x1E800] =	vst v63  }
0x9a: {  	_ =	swait.ge [sflag:s17], $0x4000  }
0x9b: {  	[sflag:s17] =	ssyncset.done $0x0  }
0x9c: {  	[sflag:s17] =	ssyncadd.s32 $0xFFFFC000  }
0x9d: {  	[tilespmem:s16], [sflag:$0x5] =	stream.linear.gather [spmem:s7], $0x4000, $0x38;
	[tilespmem:$0x1E800] =	vst v63  }
0x9e: {  	_ =	swait.ge [sflag:s17], $0x4000  }
0x9f: {  	[sflag:s17] =	ssyncset.done $0x0  }
0xa0: {  	[sflag:s17] =	ssyncadd.s32 $0xFFFFC000  }
0xa1: {  	[hbm4b:s23+s3] =	stream.linear.scatter [tilespmem:s16], [sflag:$0x5], $0x4000, $0x38;
	[tilespmem:$0x1E800] =	vst v63  }
0xa2: {  	_ =	swait.ge [sflag:s17], $0x4000  }
0xa3: {  	[sflag:s17] =	ssyncset.done $0x0  }
0xa4: {  	[sflag:s17] =	ssyncadd.s32 $0xFFFFC000  }
0xa5: {  	[tilespmem:s16], [sflag:$0x5] =	stream.linear.gather [spmem:s8], $0x4000, $0x38;
	[tilespmem:$0x1E800] =	vst v63  }
0xa6: {  	_ =	swait.ge [sflag:s17], $0x4000  }
0xa7: {  	[sflag:s17] =	ssyncset.done $0x0  }
0xa8: {  	[sflag:s17] =	ssyncadd.s32 $0xFFFFC000  }
0xa9: {  	[hbm4b:s24+s3] =	stream.linear.scatter [tilespmem:s16], [sflag:$0x5], $0x4000, $0x38;
	[tilespmem:$0x1E800] =	vst v63  }
0xaa: {  	_ =	swait.ge [sflag:s17], $0x4000  }
0xab: {  	[sflag:s17] =	ssyncset.done $0x0  }
0xac: {  	s4 =	simm.s32 @!p1 $0x2800;
	s14 =	rddreg [dreg:$0x4];
	[sflag:s17] =	ssyncadd.s32 $0xFFFFC000  }
0xad: {  	[tilespmem:s4], [sflag:$0x5] =	stream.linear.gather @!p1 [spmem:s14], $0x800, $0x38;
	[tilespmem:$0x1E800] =	vst v63  }
0xae: {  	s14 =	simm.s32 @!p1 $0x5  }
0xaf: {  	_ =	swait.ge @!p1 [sflag:s14], $0x800  }
0xb0: {  	[sflag:s14] =	ssyncset.done @!p1 $0x0  }
0xb1: {  	s15 =	sadd.s32 @!p1 $0x27000, s13;
	s21 =	simm.s32 @!p1 $0x0;
	[sflag:s14] =	ssyncadd.s32 @!p1 $0xFFFFF800  }
0xb2: {  	[hbm4b:s15+s21] =	stream.linear.scatter @!p1 [tilespmem:s4], [sflag:$0x5], $0x800, $0x38;
	[tilespmem:$0x1E800] =	vst v63  }
0xb3: {  	_ =	swait.ge @!p1 [sflag:s14], $0x800  }
0xb4: {  	[sflag:s14] =	ssyncset.done @!p1 $0x0  }
0xb5: {  	s4 =	simm.s32 @!p0 $0x2800;
	[sflag:s14] =	ssyncadd.s32 @!p1 $0xFFFFF800;
	s14 =	simm.s32 @!p0 $0x5  }
0xb6: {  	[tilespmem:s4], [sflag:$0x5] =	stream.linear.gather @!p0 [spmem:s9], $0x4000, $0x38;
	[tilespmem:$0x1E800] =	vst v63  }
0xb7: {  	_ =	swait.ge @!p0 [sflag:s14], $0x4000  }
0xb8: {  	[sflag:s14] =	ssyncset.done @!p0 $0x0  }
0xb9: {  	s15 =	simm.s32 @!p0 $0x0;
	[sflag:s14] =	ssyncadd.s32 @!p0 $0xFFFFC000  }
0xba: {  	[hbm4b:s25+s15] =	stream.linear.scatter @!p0 [tilespmem:s4], [sflag:$0x5], $0x4000, $0x38;
	[tilespmem:$0x1E800] =	vst v63  }
0xbb: {  	_ =	swait.ge @!p0 [sflag:s14], $0x4000  }
0xbc: {  	s1 =	sadd.s32 $0x1, s1;
	s21 =	rddreg [dreg:$0x5]  }
0xbd: {  	p2 =	sne.s32 s1, s21  }
.Ltmp2:
0xbe: {  	_ = 	snop;
	(pc) =	sbr.rel @p2 .LBB2_1-.Ltmp2, $3  }
0xbf: {  	_ =	sdelay $0x1  }
0xc0: {  	[sflag:s14] =	ssyncset.done @!p0 $0x0  }
0xc1: {  	[sflag:s14] =	ssyncadd.s32 @!p0 $0xFFFFC000  }
0xc2: {  	_ =	sfence.sel $0x180000  }
0xc3: {  	[bflag:$0x0] =	sbarrier.arrive $0xFFFF  }
0xc4: {  	_ =	strace $0x9000004D  }
0xc5: {  	s0 =	stileid.u32;
	[bflag:$0x2] =	sbarrier.arrive $0xFFFF  }
0xc6: {  	p0 =	sne.s32 s0, $0x0;
	s0 =	rddreg [dreg:$0x2]  }
0xc7: {  	s0 =	sadd.s32 @!p0 $0x100000, s0  }
0xc8: {  	[sflag:s0] =	ssyncadd.tile.s32 @!p0 $0x1;
	_ =	shalt  }
.Lfunc_end2:
_tile_overlayer_lowered:
.L_overlay_start_2:
0xc9: {  	(tag) =	ssettag $0x2  }
0xca: {  	s0 =	rddreg [dreg:$0x0];
	s2 =	stileid.u32  }
0xcb: {  	s1 =	rddreg [dreg:$0x1];
	p0 =	sne.s32 s2, $0x0  }
0xcc: {  	s3 =	rddreg [dreg:$0x2];
	[bflag:$0x3] =	sbarrier.arrive $0xFFFF;
	s2 =	simm.s32 @!p0 $0x1C05  }
0xcd: {  	[timem:s3], [sflag:s2] =	dma.local @!p0 [hbm:s0], s1  }
0xce: {  	s0 =	simm.s32 @!p0 $0x5  }
0xcf: {  	_ =	swait.ge @!p0 [sflag:s0], s1  }
0xd0: {  	s1 =	ssub.s32 @!p0 $0x0, s1;
	[sflag:s0] =	ssyncset.done @!p0 $0x0  }
0xd1: {  	[sflag:s0] =	ssyncadd.s32 @!p0 s1  }
0xd2: {  	[bflag:$0x3] =	sbarrier.arrive $0xFFFF  }
0xd3: {  	_ =	shalt  }

// kernel: kernel.8.cloned.1.call-start
scs
__scs_entry_jumppad:
0x0: {  	(pc) =	sbr.rel $0x88, $3  }
0x1: {  	(tag) =	ssettag $0x0;
	lr =	simm.s32 $0x1  }
0x2: {  	[smem:$0x3F89] =	sst lr;
	_ =	strace $0xD0000000  }
0x3: {  	_ = 	snop  }
0x4: {  	_ = 	snop  }
0x5: {  	_ = 	snop  }
0x6: {  	_ = 	snop  }
0x7: {  	_ = 	snop  }
__scs_overlays_trampoline_lowered:
0x8: {  	[smem:$0x3F98] =	sst s0  }
0x9: {  	[smem:$0x3F99] =	sst s1  }
0xa: {  	[smem:$0x3F9A] =	sst s2  }
0xb: {  	[smem:$0x3F9B] =	sst s3  }
0xc: {  	[smem:$0x3F9C] =	sst s4  }
0xd: {  	[smem:$0x3F9D] =	sst s5  }
0xe: {  	[smem:$0x3F9E] =	sst s6  }
0xf: {  	[smem:$0x3F9F] =	sst s7  }
0x10: {  	[smem:$0x3FA0] =	sst s8  }
0x11: {  	[smem:$0x3FA1] =	sst s9;
	s0 =	simm.s32 @!p0 $0x0  }
0x12: {  	s1 =	sld [smem:$0x3F87];
	s0 =	simm.s32 @p0 $0x1  }
0x13: {  	[smem:$0x3FA2] =	sst s0;
	s0 =	simm.s32 @!p1 $0x0  }
0x14: {  	s2 =	sld [smem:$0x3F86];
	s0 =	simm.s32 @p1 $0x1  }
0x15: {  	[smem:$0x3FA3] =	sst s0;
	s0 =	simm.s32 @!p2 $0x0  }
0x16: {  	s3 =	sld [smem:$0x3FDB];
	s0 =	simm.s32 @p2 $0x1  }
0x17: {  	s4 =	simm.s32 $0x1BF5;
	[smem:$0x3FA5] =	sst s0  }
0x18: {  	s0 =	sld [smem:$0x3F88];
	_ =	swait.ge [sflag:s4], $0x0  }
0x19: {  	s7 =	sld [smem:$0x3F89]  }
0x1a: {  	s8 =	sadd.s32 $0xFFFFE003, lr  }
0x1b: {  	s9 =	sadd.s32 $0xFFFFFEF7, lr;
	s5 =	simm.s32 $0xFFFFFFFF;
	p2 =	slt.u32 s8, $0xFFFFF086  }
0x1c: {  	p1 =	slt.u32 s9, $0xF7A;
	s5 =	simm.s32 @!p2 $0x0  }
0x1d: {  	s5 =	simm.s32 @p1 $0x1;
	p0 =	seq.s32 s7, s2  }
0x1e: {  	s7 =	smul.u32 @!p0 $0xF7A, s2;
	p2 =	seq.s32 @!p0 s5, $0x0  }
0x1f: {  	s9 =	smul.u32 $0xF7A, s1;
	s8 =	simm.s32 @!p0 $0x1BF5;
	p2 =	por !p2, p0  }
0x20: {  	[sflag:s8] =	ssyncset.s32 @!p0 $0xFFFFF086;
	s6 =	sadd.s32 @!p0 s3, s7;
	s7 =	simm.s32 @!p0 $0x108  }
0x21: {  	s3 =	sadd.s32 s3, s9;
	s6 =	sadd.s32 @!p0 $0x88, s6;
	s7 =	simm.s32 @p2 $0x1082  }
0x22: {  	[simem:s7], [sflag:s8] =	dma.local @!p0 [hbm:s6], $0xF7A  }
0x23: {  	s9 =	sor.u32 $0xD0000000, s2;
	s6 =	simm.s32 $0x108;
	_ =	swait.ge @!p0 [sflag:s8], $0x0  }
0x24: {  	s3 =	sadd.s32 $0x88, s3;
	s6 =	simm.s32 @!p1 $0x1082;
	[sflag:s4] =	ssyncset.s32 $0xFFFFF086  }
0x25: {  	[simem:s6], [sflag:s4] =	dma.local [hbm:s3], $0xF7A  }
0x26: {  	[smem:$0x3F89] =	sst s1;
	(tag) =	ssettag s2;
	_ =	strace s9  }
0x27: {  	s1 =	sld [smem:$0x3F99]  }
0x28: {  	s2 =	sld [smem:$0x3F9A]  }
0x29: {  	s4 =	sld [smem:$0x3F9C]  }
0x2a: {  	p0 =	seq.s32 s5, $0x0;
	s5 =	sld [smem:$0x3F9D]  }
0x2b: {  	s6 =	sld [smem:$0x3F9E]  }
0x2c: {  	s7 =	sld [smem:$0x3F9F]  }
0x2d: {  	s3 =	simm.s32 $0x108;
	s8 =	sld [smem:$0x3FA0]  }
0x2e: {  	s3 =	simm.s32 @!p0 $0x1082;
	s9 =	sld [smem:$0x3FA1]  }
0x2f: {  	lr =	sadd.s32 s0, s3;
	s0 =	sld [smem:$0x3F98]  }
0x30: {  	s3 =	sld [smem:$0x3F9B]  }
0x31: {  	[smem:$0x3FA4] =	sst s10  }
0x32: {  	s10 =	sld [smem:$0x3FA2];
	_ =	sdelay $0x3  }
0x33: {  	p0 =	seq.s32 s10, $0x1;
	s10 =	sld [smem:$0x3FA4];
	_ =	sdelay $0x3  }
0x34: {  	[smem:$0x3FA4] =	sst s10  }
0x35: {  	s10 =	sld [smem:$0x3FA3];
	_ =	sdelay $0x3  }
0x36: {  	p1 =	seq.s32 s10, $0x1;
	s10 =	sld [smem:$0x3FA4];
	_ =	sdelay $0x3  }
0x37: {  	[smem:$0x3FA4] =	sst s10  }
0x38: {  	s10 =	sld [smem:$0x3FA5]  }
0x39: {  	_ = 	snop;
	(pc) =	sbr.ind lr, $3  }
0x3a: {  	_ = 	snop  }
0x3b: {  	_ = 	snop  }
0x3c: {  	p2 =	seq.s32 s10, $0x1;
	s10 =	sld [smem:$0x3FA4]  }
0x3d: {  	_ =	shalt  }
0x3e: {  	_ =	shalt  }
0x3f: {  	_ =	shalt  }
0x40: {  	_ =	shalt  }
0x41: {  	_ =	shalt  }
0x42: {  	_ =	shalt  }
0x43: {  	_ =	shalt  }
0x44: {  	_ =	shalt  }
0x45: {  	_ =	shalt  }
0x46: {  	_ =	shalt  }
0x47: {  	_ =	shalt  }
0x48: {  	_ =	shalt  }
0x49: {  	_ =	shalt  }
0x4a: {  	_ =	shalt  }
0x4b: {  	_ =	shalt  }
0x4c: {  	_ =	shalt  }
0x4d: {  	_ =	shalt  }
0x4e: {  	_ =	shalt  }
0x4f: {  	_ =	shalt  }
0x50: {  	_ =	shalt  }
0x51: {  	_ =	shalt  }
0x52: {  	_ =	shalt  }
0x53: {  	_ =	shalt  }
0x54: {  	_ =	shalt  }
0x55: {  	_ =	shalt  }
0x56: {  	_ =	shalt  }
0x57: {  	_ =	shalt  }
0x58: {  	_ =	shalt  }
0x59: {  	_ =	shalt  }
0x5a: {  	_ =	shalt  }
0x5b: {  	_ =	shalt  }
0x5c: {  	_ =	shalt  }
0x5d: {  	_ =	shalt  }
0x5e: {  	_ =	shalt  }
0x5f: {  	_ =	shalt  }
0x60: {  	_ =	shalt  }
0x61: {  	_ =	shalt  }
0x62: {  	_ =	shalt  }
0x63: {  	_ =	shalt  }
0x64: {  	_ =	shalt  }
0x65: {  	_ =	shalt  }
0x66: {  	_ =	shalt  }
0x67: {  	_ =	shalt  }
0x68: {  	_ =	shalt  }
0x69: {  	_ =	shalt  }
0x6a: {  	_ =	shalt  }
0x6b: {  	_ =	shalt  }
0x6c: {  	_ =	shalt  }
0x6d: {  	_ =	shalt  }
0x6e: {  	_ =	shalt  }
0x6f: {  	_ =	shalt  }
0x70: {  	_ =	shalt  }
0x71: {  	_ =	shalt  }
0x72: {  	_ =	shalt  }
0x73: {  	_ =	shalt  }
0x74: {  	_ =	shalt  }
0x75: {  	_ =	shalt  }
0x76: {  	_ =	shalt  }
0x77: {  	_ =	shalt  }
0x78: {  	_ =	shalt  }
0x79: {  	_ =	shalt  }
0x7a: {  	_ =	shalt  }
0x7b: {  	_ =	shalt  }
0x7c: {  	_ =	shalt  }
0x7d: {  	_ =	shalt  }
0x7e: {  	_ =	shalt  }
0x7f: {  	_ =	shalt  }
0x80: {  	_ =	shalt  }
0x81: {  	_ =	shalt  }
0x82: {  	_ =	shalt  }
0x83: {  	_ =	shalt  }
0x84: {  	_ =	shalt  }
0x85: {  	_ =	shalt  }
0x86: {  	_ =	shalt  }
0x87: {  	_ =	shalt  }
.Lfunc_end0:
.L_simem_size_0:
called_computation_lowered:
.L_overlay_start_0:
0x88: {  	s2 =	sld [smem:$0x3FD9]  }
0x89: {  	s3 =	sld [smem:$0x3FFE];
	_ =	sdelay $0x1  }
0x8a: {  	s1 =	srdreg.scid  }
0x8b: {  	s0 =	sand.u32 $0x1, s1  }
0x8c: {  	s16 =	sshll.u32 s0, $0xA;
	s2 =	sadd.s32 s3, s2  }
0x8d: {  	s2 =	sadd.s32 s2, s16  }
0x8e: {  	[smem:$0x3FB0] =	sst s2  }
0x8f: {  	_ = 	snop  }
0x90: {  	(tm) =	ssettm $0x1  }
0x91: {  	s17 =	sld [smem:$0x3FFB];
	_ =	sdelay $0x3  }
0x92: {  	_ =	strace s17  }
0x93: {  	s2 =	sld [smem:$0x3FFC];
	_ =	sdelay $0x3  }
0x94: {  	_ =	strace s2  }
0x95: {  	s2 =	sld [smem:$0x3FFD];
	_ =	sdelay $0x3  }
0x96: {  	_ =	strace s2  }
0x97: {  	_ =	strace $0x8FFFFFFF  }
0x98: {  	s18 =	sld [smem:$0x3FDB];
	_ =	sdelay $0x1  }
0x99: {  	s19 =	simm.s32 $_scs_section_size  }
0x9a: {  	s4 =	simm.s32 $_size__tile_overlayer_lowered;
	s5 =	simm.s32 $_tile_overlayer_lowered  }
0x9b: {  	s22 =	simm.s32 $0x1BFF;
	s21 =	sshll.u32 s5, $0x1;
	s2 =	sadd.s32 s19, s18  }
0x9c: {  	s6 =	simm.s32 $0x0;
	s20 =	sshll.u32 s4, $0x1;
	s4 =	sadd.s32 s21, s2  }
0x9d: {  	[timem:s6], [sflag:s22] =	dma.local [hbm:s4], s20  }
0x9e: {  	_ =	swait.ge [sflag:s22], s20  }
0x9f: {  	s3 =	ssub.s32 $0x0, s20;
	[sflag:s22] =	ssyncset.done $0x0  }
0xa0: {  	[sflag:s22] =	ssyncadd.s32 s3;
	_ =	sdelay $0x1  }
0xa1: {  	s23 =	simm.s32 $0x1B8B  }
0xa2: {  	_ =	swait.ge [sflag:s23], $0x1  }
0xa3: {  	[sflag:s23] =	ssyncset.done $0x0  }
0xa4: {  	s25 =	simm.s32 $0x1B8E;
	s24 =	sld [smem:$0x3FFE];
	[sflag:s23] =	ssyncadd.s32 $0xFFFFFFFF  }
0xa5: {  	s26 =	simm.s32 $execute0_lowered;
	[smem:$0x3FD2] =	sst s25  }
0xa6: {  	s4 =	sshll.u32 s26, $0x1;
	_ =	strace $0x80000046;
	[dreg:$0x1] =	wrdreg $0xFFFFFFFF  }
0xa7: {  	s28 =	simm.s32 $_size_execute0_lowered;
	s2 =	sadd.s32 s2, s4;
	[dreg:$0x0] =	wrdreg $0x0  }
0xa8: {  	s4 =	sshll.u32 s28, $0x1;
	[dreg:$0x2] =	wrdreg s2  }
0xa9: {  	[dreg:$0x3] =	wrdreg s4  }
0xaa: {  	[dreg:$0x4] =	wrdreg $0xC0  }
0xab: {  	_ =	task [dreg:s6], $0x5FFFF  }
0xac: {  	[dreg:$0x1] =	wrdreg $0xFFFFFFFF  }
0xad: {  	[dreg:$0x0] =	wrdreg $0x60  }
0xae: {  	[dreg:$0x2] =	wrdreg s24  }
0xaf: {  	[dreg:$0x3] =	wrdreg $0xA8000  }
0xb0: {  	[dreg:$0x4] =	wrdreg $0x9  }
0xb1: {  	_ =	task.clear_ibuf [dreg:s6], $0x5FFFF;
	_ =	strace $0x90000046  }
0xb2: {  	s29 =	simm.s32 $0x9;
	_ =	strace $0x80000048  }
0xb3: {  	_ =	swait.ge [sflag:s29], $0x1  }
0xb4: {  	[sflag:s29] =	ssyncadd.s32 $0xFFFFFFFF  }
0xb5: {  	_ =	strace $0x90000048  }
0xb6: {  	_ =	sfence  }
0xb7: {  	s30 =	sld [smem:$0x0];
	_ =	sdelay $0x2  }
0xb8: {  	s31 =	sshll.u32 s1, $0xD;
	s1 =	sshrl.u32 s1, $0x2  }
0xb9: {  	s3 =	sand.u32 $0x4000, s31;
	s1 =	sadd.s32 s1, s30  }
0xba: {  	s0 =	sor.u32 s3, s0;
	s1 =	sshll.u32 s1, $0x11  }
0xbb: {  	s0 =	sor.u32 s1, s0  }
0xbc: {  	s0 =	sadd.s32 $0x8F2B, s0  }
0xbd: {  	[sflag:s0] =	ssyncadd.remote.s32 $0x1  }
0xbe: {  	_ =	sfence.sel $0xFFFF  }
0xbf: {  	[dreg:$0x0] =	wrdreg $0xFFFFFFFF;
	(pc) =	sbr.abs _section_cstart, $3  }
0xc0: {  	[dreg:$0x1] =	wrdreg $0xFFFFFFFF  }
0xc1: {  	_ =	task.clear_ibuf [dreg:s6], $0x2FFFF;
	_ =	strace $0x9FFFFFFF  }
0xc2: {  	(tm) =	ssettm $0x7FFFFFFF  }
0xc3: {  	_ =	shalt  }
tec
execute0_lowered:
.L_overlay_start_1:
0x0: {  	(tag) =	ssettag $0x1  }
0x1: {  	s0 =	rddreg [dreg:$0x0]  }
0x2: {  	s2 =	rddreg [dreg:$0x1]  }
0x3: {  	s3 =	simm.s32 $0x0;
	s21 =	stileid.u32;
	s1 =	srdreg.scid  }
0x4: {  	s18 =	simm.s32 $0x1400;
	s19 =	simm.s32 $0x80;
	s20 =	simm.s32 $0x1  }
0x5: {  	s28 =	simm.s32 $0x2;
	s29 =	simm.s32 $0x1480;
	s30 =	simm.s32 $0x3  }
0x6: {  	s31 =	simm.s32 $0x100;
	[smem:$0x7FF] =	sst s3;
	s4 =	smul.u32 $0x500, s21  }
0x7: {  	s1 =	sand.u32 $0x1, s1;
	s6 =	sadd.s32 $0x5CA00, s0;
	s14 =	sor.u32 $0x10, s21  }
0x8: {  	s25 =	sshll.u32 s21, $0xE;
	s15 =	sor.u32 $0x20, s21;
	s16 =	sor.u32 $0x30, s21  }
0x9: {  	s17 =	sor.u32 $0x40, s21;
	p0 =	sgt.u32 s21, $0xD;
	_ =	strace $0x80000047  }
0xa: {  	s5 =	smul.u32 $0x27100, s1;
	[dreg:$0x3] =	wrdreg s6;
	s1 =	ssub.s32 $0x2, s1  }
0xb: {  	s26 =	sshll.u32 s14, $0xE;
	s7 =	sshll.u32 s15, $0xE;
	s8 =	sshll.u32 s16, $0xE  }
0xc: {  	s9 =	sshll.u32 s17, $0xE;
	s22 =	sshll.u32 s14, $0xB;
	s23 =	sshll.u32 s15, $0xB  }
0xd: {  	p1 =	sne.s32 @p0 s21, $0xF;
	s4 =	sadd.s32 s4, s0;
	s24 =	sshrl.u32 s1, $0x1  }
0xe: {  	s6 =	sadd.s32 s26, s2;
	s7 =	sadd.s32 s7, s2;
	s8 =	sadd.s32 s8, s2  }
0xf: {  	s9 =	sadd.s32 s9, s2;
	s26 =	sadd.s32 $0x138000, s2;
	p1 =	por p1, !p0  }
0x10: {  	s0 =	sadd.s32 s5, s0;
	s1 =	ssub.s32 s1, s24;
	s5 =	sadd.s32 s25, s2  }
0x11: {  	s10 =	sadd.s32 $0x52A00, s4;
	s11 =	sadd.s32 $0x57A00, s4;
	s4 =	sshll.u32 s21, $0xB  }
0x12: {  	s24 =	sshll.u32 s16, $0xB;
	[dreg:$0x4] =	wrdreg s26;
	s25 =	sshll.u32 s17, $0xB  }
0x13: {  	s16 =	simm.s32 $0x2800;
	s17 =	simm.s32 $0x5;
	s26 =	simm.s32 $0x6800  }
0x14: {  	s12 =	sadd.s32 $0x4800, s0;
	s13 =	sadd.s32 $0x5D200, s0;
	s1 =	smax.u32 s1, $0x1  }
0x15: {  	[dreg:$0x5] =	wrdreg s1;
	s0 =	sadd.s32 s4, s13;
	s22 =	sadd.s32 s22, s13  }
0x16: {  	s23 =	sadd.s32 s23, s13;
	s24 =	sadd.s32 s24, s13;
	s25 =	sadd.s32 @!p0 s25, s13  }
0x17: {  	s1 =	simm.s32 $0x0;
	[dreg:$0x6] =	wrdreg s0;
	s0 =	simm.s32 $0x4  }
.LBB2_1:
0x18: {  	s4 =	rddreg [dreg:$0x3]  }
0x19: {  	[tilespmem:s16], [sflag:$0x5] =	stream.linear.gather [hbm4b:s4+s3], $0x4000, $0x38;
	[tilespmem:$0x1E800] =	vst v63  }
0x1a: {  	_ =	swait.ge [sflag:s17], $0x4000  }
0x1b: {  	[sflag:s17] =	ssyncset.done $0x0  }
0x1c: {  	[sflag:s17] =	ssyncadd.s32 $0xFFFFC000  }
0x1d: {  	[spmem:s5] =	stream.linear.scatter [tilespmem:s16], [sflag:$0x5], $0x4000, $0x38;
	[tilespmem:$0x1E800] =	vst v63  }
0x1e: {  	_ =	swait.ge [sflag:s17], $0x4000  }
0x1f: {  	[sflag:s17] =	ssyncset.done $0x0  }
0x20: {  	[sflag:s17] =	ssyncadd.s32 $0xFFFFC000  }
0x21: {  	[spmem:s6] =	stream.linear.scatter [tilespmem:s16], [sflag:$0x5], $0x4000, $0x38;
	[tilespmem:$0x1E800] =	vst v63  }
0x22: {  	_ =	swait.ge [sflag:s17], $0x4000  }
0x23: {  	[sflag:s17] =	ssyncset.done $0x0  }
0x24: {  	[sflag:s17] =	ssyncadd.s32 $0xFFFFC000  }
0x25: {  	[spmem:s7] =	stream.linear.scatter [tilespmem:s16], [sflag:$0x5], $0x4000, $0x38;
	[tilespmem:$0x1E800] =	vst v63  }
0x26: {  	_ =	swait.ge [sflag:s17], $0x4000  }
0x27: {  	[sflag:s17] =	ssyncset.done $0x0  }
0x28: {  	[sflag:s17] =	ssyncadd.s32 $0xFFFFC000  }
0x29: {  	[spmem:s8] =	stream.linear.scatter [tilespmem:s16], [sflag:$0x5], $0x4000, $0x38;
	[tilespmem:$0x1E800] =	vst v63  }
0x2a: {  	_ =	swait.ge [sflag:s17], $0x4000  }
0x2b: {  	[sflag:s17] =	ssyncset.done $0x0  }
0x2c: {  	[sflag:s17] =	ssyncadd.s32 $0xFFFFC000  }
0x2d: {  	[spmem:s9] =	stream.linear.scatter [tilespmem:s16], [sflag:$0x5], $0x4000, $0x38;
	[tilespmem:$0x1E800] =	vst v63  }
0x2e: {  	_ =	swait.ge [sflag:s17], $0x4000  }
0x2f: {  	[sflag:s17] =	ssyncset.done $0x0  }
0x30: {  	[sflag:s17] =	ssyncadd.s32 $0xFFFFC000  }
0x31: {  	[bflag:$0x0] =	sbarrier.arrive $0xFFFF  }
0x32: {  	[tilespmem:s3], [sflag:$0x5] =	stream.linear.gather [hbm4b:s10+s3], $0x1400, $0x38;
	[tilespmem:$0x1E800] =	vst v63  }
0x33: {  	_ =	swait.ge [sflag:s17], $0x1400  }
0x34: {  	[sflag:s17] =	ssyncset.done $0x0  }
0x35: {  	[sflag:s17] =	ssyncadd.s32 $0xFFFFEC00  }
0x36: {  	[tilespmem:s18], [sflag:$0x5] =	stream.linear.gather [hbm4b:s11+s3], $0x1400, $0x38;
	[tilespmem:$0x1E800] =	vst v63  }
0x37: {  	_ =	swait.ge [sflag:s17], $0x1400  }
0x38: {  	[sflag:s17] =	ssyncset.done $0x0  }
0x39: {  	[sflag:s17] =	ssyncadd.s32 $0xFFFFEC00  }
0x3a: {  	[tilespmem:s16], [sflag:$0x1] =	stream.indirect.gather [hbm4b:s12+s19], $0x80, s3, s19, $0xb8;
	[tilespmem:$0x1E800] =	vst v63  }
0x3b: {  	_ =	swait.ge [sflag:s20], $0x4000  }
0x3c: {  	[sflag:s20] =	ssyncset.done $0x0  }
0x3d: {  	[sflag:s20] =	ssyncadd.s32 $0xFFFFC000  }
0x3e: {  	[spmem:s2] =	stream.indirect.scatter.add.f32 [tilespmem:s16], [sflag:$0x3], $0x80, s18, s19, $0xb8;
	[tilespmem:$0x1E800] =	vst v63  }
0x3f: {  	_ = 	snop  }
0x40: {  	[tilespmem:s26], [sflag:$0x2] =	stream.indirect.gather [hbm4b:s12+s19], $0x80, s19, s19, $0xb8;
	[tilespmem:$0x1E800] =	vst v63  }
0x41: {  	_ =	swait.ge [sflag:s28], $0x4000  }
0x42: {  	[sflag:s28] =	ssyncset.done $0x0  }
0x43: {  	[sflag:s28] =	ssyncadd.s32 $0xFFFFC000  }
0x44: {  	[spmem:s2] =	stream.indirect.scatter.add.f32 [tilespmem:s26], [sflag:$0x4], $0x80, s29, s19, $0xb8;
	[tilespmem:$0x1E800] =	vst v63  }
0x45: {  	_ =	swait.ge [sflag:s30], $0x4000  }
0x46: {  	[sflag:s30] =	ssyncset.done $0x0  }
0x47: {  	s4 =	simm.s32 $0x0;
	[sflag:s30] =	ssyncadd.s32 $0xFFFFC000  }
0x48: {  	[tilespmem:s16], [sflag:$0x1] =	stream.indirect.gather [hbm4b:s12+s19], $0x80, s31, s19, $0xb8;
	[tilespmem:$0x1E800] =	vst v63  }
.LBB2_2:
0x49: {  	_ =	swait.ge [sflag:s20], $0x4000  }
0x4a: {  	s14 =	sshra.s32 s4, $0x2;
	[sflag:s20] =	ssyncset.done $0x0  }
0x4b: {  	s15 =	sadd.s32 $0x1500, s14;
	[sflag:s20] =	ssyncadd.s32 $0xFFFFC000  }
0x4c: {  	[spmem:s2] =	stream.indirect.scatter.add.f32 [tilespmem:s16], [sflag:$0x3], $0x80, s15, s19, $0xb8;
	[tilespmem:$0x1E800] =	vst v63  }
0x4d: {  	_ =	swait.ge [sflag:s0], $0x4000  }
0x4e: {  	[sflag:s0] =	ssyncset.done $0x0  }
0x4f: {  	s21 =	sadd.s32 $0x180, s14;
	[sflag:s0] =	ssyncadd.s32 $0xFFFFC000  }
0x50: {  	[tilespmem:s26], [sflag:$0x2] =	stream.indirect.gather [hbm4b:s12+s19], $0x80, s21, s19, $0xb8;
	[tilespmem:$0x1E800] =	vst v63  }
0x51: {  	_ =	swait.ge [sflag:s28], $0x4000  }
0x52: {  	[sflag:s28] =	ssyncset.done $0x0  }
0x53: {  	p2 =	seq.s32 s4, $0x4800;
	s14 =	sadd.s32 $0x1580, s14;
	[sflag:s28] =	ssyncadd.s32 $0xFFFFC000  }
0x54: {  	[spmem:s2] =	stream.indirect.scatter.add.f32 [tilespmem:s26], [sflag:$0x4], $0x80, s14, s19, $0xb8;
	[tilespmem:$0x1E800] =	vst v63  }
0x55: {  	s15 =	simm.s32 @!p2 $0x80;
	s21 =	simm.s32 @!p2 $0x2800;
	_ =	swait.ge [sflag:s30], $0x4000  }
0x56: {  	s14 =	sshra.s32 @!p2 s4, $0x2;
	s4 =	sadd.s32 @!p2 $0x400, s4;
	[sflag:s30] =	ssyncset.done $0x0  }
0x57: {  	s14 =	sadd.s32 @!p2 $0x200, s14;
	p3 =	sne.s32 @!p2 s4, $0x4C00;
	[sflag:s30] =	ssyncadd.s32 $0xFFFFC000  }
0x58: {  	[tilespmem:s21], [sflag:$0x1] =	stream.indirect.gather @!p2 [hbm4b:s12+s15], $0x80, s14, s15, $0xb8;
	[tilespmem:$0x1E800] =	vst v63  }
0x59: {  	p2 =	por p2, !p3  }
.Ltmp0:
0x5a: {  	_ = 	snop;
	(pc) =	sbr.rel @!p2 .LBB2_2-.Ltmp0, $1  }
0x5b: {  	_ =	sdelay $0x3  }
0x5c: {  	_ =	swait.ge [sflag:s0], $0x4000  }
0x5d: {  	[sflag:s0] =	ssyncset.done $0x0  }
0x5e: {  	s14 =	sadd.s32 $0x280, s10;
	s4 =	simm.s32 $0x0;
	[sflag:s0] =	ssyncadd.s32 $0xFFFFC000  }
0x5f: {  	[tilespmem:s4], [sflag:$0x5] =	stream.linear.gather [hbm4b:s14+s4], $0x1400, $0x38;
	[tilespmem:$0x1E800] =	vst v63  }
0x60: {  	_ =	swait.ge [sflag:s17], $0x1400  }
0x61: {  	[sflag:s17] =	ssyncset.done $0x0  }
0x62: {  	s21 =	sadd.s32 $0x280, s11;
	[sflag:s17] =	ssyncadd.s32 $0xFFFFEC00  }
0x63: {  	[tilespmem:s18], [sflag:$0x5] =	stream.linear.gather [hbm4b:s21+s4], $0x1400, $0x38;
	[tilespmem:$0x1E800] =	vst v63  }
0x64: {  	_ =	swait.ge [sflag:s17], $0x1400  }
0x65: {  	[sflag:s17] =	ssyncset.done $0x0  }
0x66: {  	[sflag:s17] =	ssyncadd.s32 $0xFFFFEC00  }
0x67: {  	[tilespmem:s16], [sflag:$0x1] =	stream.indirect.gather [hbm4b:s12+s19], $0x80, s4, s19, $0xb8;
	[tilespmem:$0x1E800] =	vst v63  }
0x68: {  	_ =	swait.ge [sflag:s20], $0x4000  }
0x69: {  	[sflag:s20] =	ssyncset.done $0x0  }
0x6a: {  	[sflag:s20] =	ssyncadd.s32 $0xFFFFC000  }
0x6b: {  	[spmem:s2] =	stream.indirect.scatter.add.f32 [tilespmem:s16], [sflag:$0x3], $0x80, s18, s19, $0xb8;
	[tilespmem:$0x1E800] =	vst v63  }
0x6c: {  	_ = 	snop  }
0x6d: {  	[tilespmem:s26], [sflag:$0x2] =	stream.indirect.gather [hbm4b:s12+s19], $0x80, s19, s19, $0xb8;
	[tilespmem:$0x1E800] =	vst v63  }
0x6e: {  	_ =	swait.ge [sflag:s28], $0x4000  }
0x6f: {  	[sflag:s28] =	ssyncset.done $0x0  }
0x70: {  	[sflag:s28] =	ssyncadd.s32 $0xFFFFC000  }
0x71: {  	[spmem:s2] =	stream.indirect.scatter.add.f32 [tilespmem:s26], [sflag:$0x4], $0x80, s29, s19, $0xb8;
	[tilespmem:$0x1E800] =	vst v63  }
0x72: {  	_ =	swait.ge [sflag:s30], $0x4000  }
0x73: {  	[sflag:s30] =	ssyncset.done $0x0  }
0x74: {  	[sflag:s30] =	ssyncadd.s32 $0xFFFFC000  }
0x75: {  	[tilespmem:s16], [sflag:$0x1] =	stream.indirect.gather [hbm4b:s12+s19], $0x80, s31, s19, $0xb8;
	[tilespmem:$0x1E800] =	vst v63  }
.LBB2_4:
0x76: {  	_ =	swait.ge [sflag:s20], $0x4000  }
0x77: {  	s14 =	sshra.s32 s4, $0x2;
	[sflag:s20] =	ssyncset.done $0x0  }
0x78: {  	s15 =	sadd.s32 $0x1500, s14;
	[sflag:s20] =	ssyncadd.s32 $0xFFFFC000  }
0x79: {  	[spmem:s2] =	stream.indirect.scatter.add.f32 [tilespmem:s16], [sflag:$0x3], $0x80, s15, s19, $0xb8;
	[tilespmem:$0x1E800] =	vst v63  }
0x7a: {  	_ =	swait.ge [sflag:s0], $0x4000  }
0x7b: {  	[sflag:s0] =	ssyncset.done $0x0  }
0x7c: {  	s21 =	sadd.s32 $0x180, s14;
	[sflag:s0] =	ssyncadd.s32 $0xFFFFC000  }
0x7d: {  	[tilespmem:s26], [sflag:$0x2] =	stream.indirect.gather [hbm4b:s12+s19], $0x80, s21, s19, $0xb8;
	[tilespmem:$0x1E800] =	vst v63  }
0x7e: {  	_ =	swait.ge [sflag:s28], $0x4000  }
0x7f: {  	[sflag:s28] =	ssyncset.done $0x0  }
0x80: {  	p2 =	seq.s32 s4, $0x4800;
	s14 =	sadd.s32 $0x1580, s14;
	[sflag:s28] =	ssyncadd.s32 $0xFFFFC000  }
0x81: {  	[spmem:s2] =	stream.indirect.scatter.add.f32 [tilespmem:s26], [sflag:$0x4], $0x80, s14, s19, $0xb8;
	[tilespmem:$0x1E800] =	vst v63  }
0x82: {  	s15 =	simm.s32 @!p2 $0x80;
	s21 =	simm.s32 @!p2 $0x2800;
	_ =	swait.ge [sflag:s30], $0x4000  }
0x83: {  	s14 =	sshra.s32 @!p2 s4, $0x2;
	s4 =	sadd.s32 @!p2 $0x400, s4;
	[sflag:s30] =	ssyncset.done $0x0  }
0x84: {  	s14 =	sadd.s32 @!p2 $0x200, s14;
	p3 =	sne.s32 @!p2 s4, $0x4C00;
	[sflag:s30] =	ssyncadd.s32 $0xFFFFC000  }
0x85: {  	[tilespmem:s21], [sflag:$0x1] =	stream.indirect.gather @!p2 [hbm4b:s12+s15], $0x80, s14, s15, $0xb8;
	[tilespmem:$0x1E800] =	vst v63  }
0x86: {  	p2 =	por p2, !p3  }
.Ltmp1:
0x87: {  	_ = 	snop;
	(pc) =	sbr.rel @!p2 .LBB2_4-.Ltmp1, $1  }
0x88: {  	_ =	sdelay $0x3  }
0x89: {  	_ =	swait.ge [sflag:s0], $0x4000  }
0x8a: {  	[sflag:s0] =	ssyncset.done $0x0  }
0x8b: {  	[sflag:s0] =	ssyncadd.s32 $0xFFFFC000  }
0x8c: {  	[bflag:$0x0] =	sbarrier.arrive $0xFFFF  }
0x8d: {  	[tilespmem:s16], [sflag:$0x5] =	stream.linear.gather [spmem:s5], $0x4000, $0x38;
	[tilespmem:$0x1E800] =	vst v63  }
0x8e: {  	_ =	swait.ge [sflag:s17], $0x4000  }
0x8f: {  	[sflag:s17] =	ssyncset.done $0x0  }
0x90: {  	s4 =	rddreg [dreg:$0x6];
	[sflag:s17] =	ssyncadd.s32 $0xFFFFC000  }
0x91: {  	[hbm4b:s4+s3] =	stream.linear.scatter [tilespmem:s16], [sflag:$0x5], $0x4000, $0x38;
	[tilespmem:$0x1E800] =	vst v63  }
0x92: {  	_ =	swait.ge [sflag:s17], $0x4000  }
0x93: {  	[sflag:s17] =	ssyncset.done $0x0  }
0x94: {  	[sflag:s17] =	ssyncadd.s32 $0xFFFFC000  }
0x95: {  	[tilespmem:s16], [sflag:$0x5] =	stream.linear.gather [spmem:s6], $0x4000, $0x38;
	[tilespmem:$0x1E800] =	vst v63  }
0x96: {  	_ =	swait.ge [sflag:s17], $0x4000  }
0x97: {  	[sflag:s17] =	ssyncset.done $0x0  }
0x98: {  	[sflag:s17] =	ssyncadd.s32 $0xFFFFC000  }
0x99: {  	[hbm4b:s22+s3] =	stream.linear.scatter [tilespmem:s16], [sflag:$0x5], $0x4000, $0x38;
	[tilespmem:$0x1E800] =	vst v63  }
0x9a: {  	_ =	swait.ge [sflag:s17], $0x4000  }
0x9b: {  	[sflag:s17] =	ssyncset.done $0x0  }
0x9c: {  	[sflag:s17] =	ssyncadd.s32 $0xFFFFC000  }
0x9d: {  	[tilespmem:s16], [sflag:$0x5] =	stream.linear.gather [spmem:s7], $0x4000, $0x38;
	[tilespmem:$0x1E800] =	vst v63  }
0x9e: {  	_ =	swait.ge [sflag:s17], $0x4000  }
0x9f: {  	[sflag:s17] =	ssyncset.done $0x0  }
0xa0: {  	[sflag:s17] =	ssyncadd.s32 $0xFFFFC000  }
0xa1: {  	[hbm4b:s23+s3] =	stream.linear.scatter [tilespmem:s16], [sflag:$0x5], $0x4000, $0x38;
	[tilespmem:$0x1E800] =	vst v63  }
0xa2: {  	_ =	swait.ge [sflag:s17], $0x4000  }
0xa3: {  	[sflag:s17] =	ssyncset.done $0x0  }
0xa4: {  	[sflag:s17] =	ssyncadd.s32 $0xFFFFC000  }
0xa5: {  	[tilespmem:s16], [sflag:$0x5] =	stream.linear.gather [spmem:s8], $0x4000, $0x38;
	[tilespmem:$0x1E800] =	vst v63  }
0xa6: {  	_ =	swait.ge [sflag:s17], $0x4000  }
0xa7: {  	[sflag:s17] =	ssyncset.done $0x0  }
0xa8: {  	[sflag:s17] =	ssyncadd.s32 $0xFFFFC000  }
0xa9: {  	[hbm4b:s24+s3] =	stream.linear.scatter [tilespmem:s16], [sflag:$0x5], $0x4000, $0x38;
	[tilespmem:$0x1E800] =	vst v63  }
0xaa: {  	_ =	swait.ge [sflag:s17], $0x4000  }
0xab: {  	[sflag:s17] =	ssyncset.done $0x0  }
0xac: {  	s4 =	simm.s32 @!p1 $0x2800;
	s14 =	rddreg [dreg:$0x4];
	[sflag:s17] =	ssyncadd.s32 $0xFFFFC000  }
0xad: {  	[tilespmem:s4], [sflag:$0x5] =	stream.linear.gather @!p1 [spmem:s14], $0x800, $0x38;
	[tilespmem:$0x1E800] =	vst v63  }
0xae: {  	s14 =	simm.s32 @!p1 $0x5  }
0xaf: {  	_ =	swait.ge @!p1 [sflag:s14], $0x800  }
0xb0: {  	[sflag:s14] =	ssyncset.done @!p1 $0x0  }
0xb1: {  	s15 =	sadd.s32 @!p1 $0x27000, s13;
	s21 =	simm.s32 @!p1 $0x0;
	[sflag:s14] =	ssyncadd.s32 @!p1 $0xFFFFF800  }
0xb2: {  	[hbm4b:s15+s21] =	stream.linear.scatter @!p1 [tilespmem:s4], [sflag:$0x5], $0x800, $0x38;
	[tilespmem:$0x1E800] =	vst v63  }
0xb3: {  	_ =	swait.ge @!p1 [sflag:s14], $0x800  }
0xb4: {  	[sflag:s14] =	ssyncset.done @!p1 $0x0  }
0xb5: {  	s4 =	simm.s32 @!p0 $0x2800;
	[sflag:s14] =	ssyncadd.s32 @!p1 $0xFFFFF800;
	s14 =	simm.s32 @!p0 $0x5  }
0xb6: {  	[tilespmem:s4], [sflag:$0x5] =	stream.linear.gather @!p0 [spmem:s9], $0x4000, $0x38;
	[tilespmem:$0x1E800] =	vst v63  }
0xb7: {  	_ =	swait.ge @!p0 [sflag:s14], $0x4000  }
0xb8: {  	[sflag:s14] =	ssyncset.done @!p0 $0x0  }
0xb9: {  	s15 =	simm.s32 @!p0 $0x0;
	[sflag:s14] =	ssyncadd.s32 @!p0 $0xFFFFC000  }
0xba: {  	[hbm4b:s25+s15] =	stream.linear.scatter @!p0 [tilespmem:s4], [sflag:$0x5], $0x4000, $0x38;
	[tilespmem:$0x1E800] =	vst v63  }
0xbb: {  	_ =	swait.ge @!p0 [sflag:s14], $0x4000  }
0xbc: {  	s1 =	sadd.s32 $0x1, s1;
	s21 =	rddreg [dreg:$0x5]  }
0xbd: {  	p2 =	sne.s32 s1, s21  }
.Ltmp2:
0xbe: {  	_ = 	snop;
	(pc) =	sbr.rel @p2 .LBB2_1-.Ltmp2, $3  }
0xbf: {  	_ =	sdelay $0x1  }
0xc0: {  	[sflag:s14] =	ssyncset.done @!p0 $0x0  }
0xc1: {  	[sflag:s14] =	ssyncadd.s32 @!p0 $0xFFFFC000  }
0xc2: {  	_ =	sfence.sel $0x180000  }
0xc3: {  	[bflag:$0x0] =	sbarrier.arrive $0xFFFF  }
0xc4: {  	_ =	strace $0x90000047  }
0xc5: {  	s0 =	stileid.u32;
	[bflag:$0x2] =	sbarrier.arrive $0xFFFF  }
0xc6: {  	p0 =	sne.s32 s0, $0x0;
	s0 =	rddreg [dreg:$0x2]  }
0xc7: {  	s0 =	sadd.s32 @!p0 $0x100000, s0  }
0xc8: {  	[sflag:s0] =	ssyncadd.tile.s32 @!p0 $0x1;
	_ =	shalt  }
.Lfunc_end2:
_tile_overlayer_lowered:
.L_overlay_start_2:
0xc9: {  	(tag) =	ssettag $0x2  }
0xca: {  	s0 =	rddreg [dreg:$0x0];
	s2 =	stileid.u32  }
0xcb: {  	s1 =	rddreg [dreg:$0x1];
	p0 =	sne.s32 s2, $0x0  }
0xcc: {  	s3 =	rddreg [dreg:$0x2];
	[bflag:$0x3] =	sbarrier.arrive $0xFFFF;
	s2 =	simm.s32 @!p0 $0x1C05  }
0xcd: {  	[timem:s3], [sflag:s2] =	dma.local @!p0 [hbm:s0], s1  }
0xce: {  	s0 =	simm.s32 @!p0 $0x5  }
0xcf: {  	_ =	swait.ge @!p0 [sflag:s0], s1  }
0xd0: {  	s1 =	ssub.s32 @!p0 $0x0, s1;
	[sflag:s0] =	ssyncset.done @!p0 $0x0  }
0xd1: {  	[sflag:s0] =	ssyncadd.s32 @!p0 s1  }
0xd2: {  	[bflag:$0x3] =	sbarrier.arrive $0xFFFF  }
0xd3: {  	_ =	shalt  }

</sc_bundles>
